<compile_context>
chip_gen: v7x
topology: tpu7x:2x2x1
jax: 0.10.2.dev20260603
libtpu: 0.0.44.dev20260713+nightly
codegen_flags: <defaults>
</compile_context>

<pallas_src>
import functools
import math

import numpy as np
import jax
import jax.numpy as jnp
from jax import lax
from jax.experimental import pallas as pl
from jax.experimental.pallas import tpu as pltpu
from jax.experimental.pallas import tpu_sc as plsc

_R_CUT = 5.0
_GRID = 128
_MODES = 64
_C = 16
_NC, _NS, _L = 2, 16, 16
_NW = _NC * _NS

_H = np.float32(_R_CUT / (_GRID - 1))
_INV_H = np.float32(1.0) / _H
_INV_HEPS = np.float32(1.0 / (float(_H) + 1e-12))
_RMAX = np.float32(np.float32(_R_CUT) - 1e-12)


def _basis_env_np():
    r_grid = np.linspace(0.0, _R_CUT, _GRID).astype(np.float32)
    n = np.arange(_GRID, dtype=np.float64)[:, None] + 0.5
    k = np.arange(_MODES, dtype=np.float64)[None, :]
    B = np.cos(math.pi / _GRID * (n * k))
    s = np.ones((_MODES,))
    s[0] = 1.0 / math.sqrt(2.0)
    x = np.clip(r_grid / _R_CUT, 0.0, 1.0)
    env = 0.5 * (np.cos(math.pi * x) + 1.0)
    bt_env = (B * s).T * env[None, :]
    return bt_env.astype(np.float32)


_BT_ENV = _basis_env_np()


def _table_body(bt_ref, spec_ref, w_ref, out_ref):
    sb = jnp.dot(spec_ref[...], bt_ref[...], preferred_element_type=jnp.float32)
    out_ref[...] = jnp.dot(w_ref[...], sb, preferred_element_type=jnp.float32)


def _build_table(spec, w_mix, interpret=False):
    return pl.pallas_call(
        _table_body,
        out_shape=jax.ShapeDtypeStruct((_C, _GRID), jnp.float32),
        interpret=interpret,
    )(jnp.asarray(_BT_ENV), spec, w_mix)


def _make_interp(E, interpret=False):
    CHE = 1280
    NCH = E // CHE
    assert E % CHE == 0
    NBUF = 3
    NJ = NBUF * (-(-NCH // (_NW * NBUF)))
    NGRP = CHE // _L
    _UNROLL = 8 if NGRP % 8 == 0 else 1
    assert NCH >= NBUF * _NW

    mesh = plsc.VectorSubcoreMesh(core_axis_name="c", subcore_axis_name="s",
                                  num_cores=_NC, num_subcores=_NS)

    @functools.partial(
        pl.kernel,
        out_type=jax.ShapeDtypeStruct((_C, E), jnp.float32),
        mesh=mesh,
        scratch_types=[
            pltpu.VMEM((_C * _GRID,), jnp.float32),
            pltpu.VMEM((NBUF * CHE,), jnp.float32),
            pltpu.VMEM((NBUF, _C, CHE), jnp.float32),
            pltpu.SemaphoreType.DMA((NBUF,)),
            pltpu.SemaphoreType.DMA((NBUF,)),
        ],
        compiler_params=pltpu.CompilerParams(needs_layout_passes=False),
        interpret=interpret,
    )
    def k(tab_hbm, dist_hbm, out_hbm, tab_v, dist_v, out_v, dsem, osem):
        wid = lax.axis_index("s") * _NC + lax.axis_index("c")
        pltpu.sync_copy(tab_hbm, tab_v)

        def dist_copy(j, b):
            cid = wid + _NW * j
            return pltpu.make_async_copy(
                dist_hbm.at[pl.ds(cid * CHE, CHE)],
                dist_v.at[pl.ds(b * CHE, CHE)], dsem.at[b])

        def out_copy(j, b):
            cid = wid + _NW * j
            return pltpu.make_async_copy(
                out_v.at[b], out_hbm.at[:, pl.ds(cid * CHE, CHE)], osem.at[b])

        dist_copy(0, 0).start()

        @pl.when(wid + _NW < NCH)
        def _():
            dist_copy(1, 1).start()

        def chunk(j, b):
            cid = wid + _NW * j

            @pl.when(cid < NCH)
            def _():
                dist_copy(j, b).wait()

                @pl.when(cid + 2 * _NW < NCH)
                def _():
                    dist_copy(j + 2, (b + 2) % NBUF).start()

                @pl.when(j >= NBUF)
                def _():
                    out_copy(j, b).wait()

                def group_body(g):
                    d = dist_v[pl.ds(b * CHE + g * _L, _L)]
                    dq = jnp.minimum(jnp.maximum(d, 0.0), _RMAX)
                    i0 = (dq * _INV_H).astype(jnp.int32)
                    i0 = jnp.minimum(jnp.maximum(i0, 0), _GRID - 2)
                    t = (d - i0.astype(jnp.float32) * _H) * _INV_HEPS
                    for c in range(_C):
                        idx0 = i0 + (c * _GRID)
                        g0 = plsc.load_gather(tab_v, [idx0])
                        g1 = plsc.load_gather(tab_v, [idx0 + 1])
                        out_v[b, c, pl.ds(g * _L, _L)] = g0 + t * (g1 - g0)

                plsc.parallel_loop(0, NGRP, 1, unroll=_UNROLL)(group_body)
                out_copy(j, b).start()

        @pl.loop(0, NJ, step=NBUF)
        def _(j0):
            for b in range(NBUF):
                chunk(j0 + b, b)

        for b in range(NBUF):
            out_copy(0, b).wait()

    return k


def kernel(dist, spec, W_mix):
    gt = _build_table(spec, W_mix)
    interp = _make_interp(dist.shape[0])
    out_t = interp(gt.reshape(_C * _GRID), dist)
    return out_t.T

# --- scband reference (transcript-rebuilt; emitter-appended) ---
"""Pipeline reference for scband-chebyshev-radial-operator-4114578669760 (READ-ONLY COPY).

The authoritative reference and input builder live on the scoring server;
editing this copy changes nothing except your own understanding.
"""

import math
import jax, jax.numpy as jnp
import numpy as np

R_CUT = 5.0
GRID = 128
MODES = 64
C = 16
E = 4000000

def setup_inputs(seed: int = 0) -> dict:
    key = jax.random.key(seed)
    k1, k2, k3 = jax.random.split(key, 3)
    dist = jax.random.uniform(k1, (E,), dtype=jnp.float32)  # fill=rand, values in [0,1) which is within [0, r_cut]
    spec = jax.random.normal(k2, (C, MODES), dtype=jnp.float32) * 0.02  # nn.Parameter init normal std=0.02
    lim = 1.0 / math.sqrt(C)
    W_mix = jax.random.uniform(k3, (C, C), dtype=jnp.float32, minval=-lim, maxval=lim)  # Linear(C,C,bias=False)
    return {"dist": dist, "spec": spec, "W_mix": W_mix}

def _build_basis():
    r_grid = jnp.linspace(0.0, R_CUT, GRID)
    n = jnp.arange(GRID, dtype=jnp.float32)[:, None] + 0.5
    k = jnp.arange(MODES, dtype=jnp.float32)[None, :]
    B = jnp.cos(math.pi / GRID * (n @ k))
    s = jnp.ones((MODES,), dtype=jnp.float32).at[0].set(1.0 / math.sqrt(2.0))
    return r_grid, B * s

def reference(dist, spec, W_mix):
    r_grid, B = _build_basis()
    G = B @ spec.T                      # [N, C]
    G = G @ W_mix.T                     # channel mix (Linear, no bias)
    x = jnp.clip(r_grid / R_CUT, 0.0, 1.0)
    env = 0.5 * (jnp.cos(math.pi * x) + 1.0)
    G = G * env[:, None]
    # linear interpolation at query distances
    dq = jnp.clip(dist, 0.0, r_grid[-1] - 1e-12)
    idx = jnp.searchsorted(r_grid, dq)  # side='left', matches torch right=False
    idx1 = jnp.maximum(idx, 1)
    idx0 = idx1 - 1
    r0 = r_grid[idx0]
    r1 = r_grid[idx1]
    t = ((dist - r0) / (r1 - r0 + 1e-12))[:, None]
    f0 = G[idx0]
    f1 = G[idx1]
    Phi = f0 + t * (f1 - f0)
    return Phi

if __name__ == "__main__":
    import jax
    _d = setup_inputs()
    print(jax.jit(kernel)(*tuple(_d.values())))

</pallas_src>

<mosaic_0001>
#map = affine_map<(d0, d1) -> (0)>
#map1 = affine_map<(d0, d1) -> (0, 0)>
module attributes {stable_mosaic.version = 14 : i64} {
  func.func @k(%arg0: i32, %arg1: i32, %arg2: memref<2048xf32, #tpu.memory_space<hbm>>, %arg3: memref<4000000xf32, #tpu.memory_space<hbm>>, %arg4: memref<16x4000000xf32, #tpu.memory_space<hbm>>, %arg5: memref<2048xf32, #tpu.memory_space<vmem>>, %arg6: memref<3840xf32, #tpu.memory_space<vmem>>, %arg7: memref<3x16x1280xf32, #tpu.memory_space<vmem>>, %arg8: memref<3x!tpu.dma_semaphore, #tpu.memory_space<semaphore_mem>>, %arg9: memref<3x!tpu.dma_semaphore, #tpu.memory_space<semaphore_mem>>) attributes {dimension_semantics = [#tpu.dimension_semantics<core_parallel>, #tpu.dimension_semantics<subcore_parallel>], iteration_bounds = array<i64: 2, 16>, scalar_prefetch = 0 : i64, scratch_operands = 5 : i64, tpu.core_type = #tpu.core_type<sc_vector_subcore>, window_params = [{transform_indices = #map}, {transform_indices = #map}, {transform_indices = #map1}]} {
    %mul3A = arith.constant 2 : i32
    %mul3A_0 = arith.muli %arg1, %mul3A : i32
    %add3A = arith.addi %mul3A_0, %arg0 : i32
    "tpu.region"() ({
      %run_scoped3A = tpu.sem_alloc : memref<!tpu.dma_semaphore, #tpu.memory_space<semaphore_mem>>
      tpu.enqueue_dma source(%arg2 : memref<2048xf32, #tpu.memory_space<hbm>>) target(%arg5 : memref<2048xf32, #tpu.memory_space<vmem>>) target_semaphore(%run_scoped3A : memref<!tpu.dma_semaphore, #tpu.memory_space<semaphore_mem>>)
      tpu.wait_dma2 semaphore(%run_scoped3A : memref<!tpu.dma_semaphore, #tpu.memory_space<semaphore_mem>>) src(%arg2 : memref<2048xf32, #tpu.memory_space<hbm>>) dst(%arg5 : memref<2048xf32, #tpu.memory_space<vmem>>)
      tpu.yield
    }) : () -> ()
    %add3A_1 = arith.constant 0 : i32
    %add3A_2 = arith.addi %add3A, %add3A_1 : i32
    %mul3A_3 = arith.constant 1280 : i32
    %mul3A_4 = arith.muli %add3A_2, %mul3A_3 : i32
    %dma_start3A = arith.constant 0 : i32
    %dma_start3A_5 = arith.constant 0 : i32
    %dma_start3A_6 = tpu.memref_slice %arg6[%dma_start3A_5] : memref<3840xf32, #tpu.memory_space<vmem>> -> memref<1280xf32, #tpu.memory_space<vmem>>
    %dma_start3A_7 = tpu.memref_slice %arg3[%mul3A_4] : memref<4000000xf32, #tpu.memory_space<hbm>> -> memref<1280xf32, #tpu.memory_space<hbm>>
    %dma_start3A_8 = tpu.memref_slice %arg8[%dma_start3A] : memref<3x!tpu.dma_semaphore, #tpu.memory_space<semaphore_mem>> -> memref<1x!tpu.dma_semaphore, #tpu.memory_space<semaphore_mem>>
    %dma_start3A_9 = tpu.memref_squeeze %dma_start3A_8 : memref<1x!tpu.dma_semaphore, #tpu.memory_space<semaphore_mem>> -> memref<!tpu.dma_semaphore, #tpu.memory_space<semaphore_mem>>
    %dma_start3A_10 = arith.constant 0 : i32
    %dma_start3A_11 = tpu.memref_slice %arg6[%dma_start3A_10] : memref<3840xf32, #tpu.memory_space<vmem>> -> memref<1280xf32, #tpu.memory_space<vmem>>
    %dma_start3A_12 = tpu.memref_slice %arg3[%mul3A_4] : memref<4000000xf32, #tpu.memory_space<hbm>> -> memref<1280xf32, #tpu.memory_space<hbm>>
    tpu.enqueue_dma source(%dma_start3A_12 : memref<1280xf32, #tpu.memory_space<hbm>>) target(%dma_start3A_11 : memref<1280xf32, #tpu.memory_space<vmem>>) target_semaphore(%dma_start3A_9 : memref<!tpu.dma_semaphore, #tpu.memory_space<semaphore_mem>>)
    %add3A_13 = arith.constant 32 : i32
    %add3A_14 = arith.addi %add3A, %add3A_13 : i32
    %lt3A = arith.constant 3125 : i32
    %lt3A_15 = arith.cmpi slt, %add3A_14, %lt3A : i32
    %convert_element_type3A = arith.extui %lt3A_15 : i1 to i32
    %cond3A = arith.constant 0 : i32
    %cond3A_16 = arith.cmpi ne, %convert_element_type3A, %cond3A : i32
    scf.if %cond3A_16 {
      %add3A_80 = arith.constant 32 : i32
      %add3A_81 = arith.addi %add3A, %add3A_80 : i32
      %mul3A_82 = arith.constant 1280 : i32
      %mul3A_83 = arith.muli %add3A_81, %mul3A_82 : i32
      %dma_start3A_84 = arith.constant 1 : i32
      %dma_start3A_85 = arith.constant 1280 : i32
      %dma_start3A_86 = tpu.memref_slice %arg6[%dma_start3A_85] : memref<3840xf32, #tpu.memory_space<vmem>> -> memref<1280xf32, #tpu.memory_space<vmem>>
      %dma_start3A_87 = tpu.memref_slice %arg3[%mul3A_83] : memref<4000000xf32, #tpu.memory_space<hbm>> -> memref<1280xf32, #tpu.memory_space<hbm>>
      %dma_start3A_88 = tpu.memref_slice %arg8[%dma_start3A_84] : memref<3x!tpu.dma_semaphore, #tpu.memory_space<semaphore_mem>> -> memref<1x!tpu.dma_semaphore, #tpu.memory_space<semaphore_mem>>
      %dma_start3A_89 = tpu.memref_squeeze %dma_start3A_88 : memref<1x!tpu.dma_semaphore, #tpu.memory_space<semaphore_mem>> -> memref<!tpu.dma_semaphore, #tpu.memory_space<semaphore_mem>>
      %dma_start3A_90 = arith.constant 1280 : i32
      %dma_start3A_91 = tpu.memref_slice %arg6[%dma_start3A_90] : memref<3840xf32, #tpu.memory_space<vmem>> -> memref<1280xf32, #tpu.memory_space<vmem>>
      %dma_start3A_92 = tpu.memref_slice %arg3[%mul3A_83] : memref<4000000xf32, #tpu.memory_space<hbm>> -> memref<1280xf32, #tpu.memory_space<hbm>>
      tpu.enqueue_dma source(%dma_start3A_92 : memref<1280xf32, #tpu.memory_space<hbm>>) target(%dma_start3A_91 : memref<1280xf32, #tpu.memory_space<vmem>>) target_semaphore(%dma_start3A_89 : memref<!tpu.dma_semaphore, #tpu.memory_space<semaphore_mem>>)
    } else {
    }
    %scan3A = arith.constant 0 : i32
    %scan3A_17 = arith.constant 33 : i32
    %scan3A_18 = arith.addi %scan3A, %scan3A_17 : i32
    %scan3A_19 = arith.constant 1 : i32
    scf.for %scan3A_80 = %scan3A to %scan3A_18 step %scan3A_19  : i32 {
      %mul3A_81 = arith.constant 3 : i32
      %mul3A_82 = arith.muli %scan3A_80, %mul3A_81 : i32
      %add3A_83 = arith.constant 0 : i32
      %add3A_84 = arith.addi %add3A_83, %mul3A_82 : i32
      %add3A_85 = arith.constant 0 : i32
      %add3A_86 = arith.addi %add3A_84, %add3A_85 : i32
      %mul3A_87 = arith.constant 32 : i32
      %mul3A_88 = arith.muli %mul3A_87, %add3A_86 : i32
      %add3A_89 = arith.addi %add3A, %mul3A_88 : i32
      %lt3A_90 = arith.constant 3125 : i32
      %lt3A_91 = arith.cmpi slt, %add3A_89, %lt3A_90 : i32
      %convert_element_type3A_92 = arith.extui %lt3A_91 : i1 to i32
      %cond3A_93 = arith.constant 0 : i32
      %cond3A_94 = arith.cmpi ne, %convert_element_type3A_92, %cond3A_93 : i32
      scf.if %cond3A_94 {
        %mul3A_115 = arith.constant 32 : i32
        %mul3A_116 = arith.muli %mul3A_115, %add3A_86 : i32
        %add3A_117 = arith.addi %add3A, %mul3A_116 : i32
        %mul3A_118 = arith.constant 1280 : i32
        %mul3A_119 = arith.muli %add3A_117, %mul3A_118 : i32
        %dma_wait3A_120 = arith.constant 0 : i32
        %dma_wait3A_121 = arith.constant 0 : i32
        %dma_wait3A_122 = tpu.memref_slice %arg6[%dma_wait3A_121] : memref<3840xf32, #tpu.memory_space<vmem>> -> memref<1280xf32, #tpu.memory_space<vmem>>
        %dma_wait3A_123 = tpu.memref_slice %arg3[%mul3A_119] : memref<4000000xf32, #tpu.memory_space<hbm>> -> memref<1280xf32, #tpu.memory_space<hbm>>
        %dma_wait3A_124 = tpu.memref_slice %arg8[%dma_wait3A_120] : memref<3x!tpu.dma_semaphore, #tpu.memory_space<semaphore_mem>> -> memref<1x!tpu.dma_semaphore, #tpu.memory_space<semaphore_mem>>
        %dma_wait3A_125 = tpu.memref_squeeze %dma_wait3A_124 : memref<1x!tpu.dma_semaphore, #tpu.memory_space<semaphore_mem>> -> memref<!tpu.dma_semaphore, #tpu.memory_space<semaphore_mem>>
        %dma_wait3A_126 = arith.constant 0 : i32
        %dma_wait3A_127 = tpu.memref_slice %arg6[%dma_wait3A_126] : memref<3840xf32, #tpu.memory_space<vmem>> -> memref<1280xf32, #tpu.memory_space<vmem>>
        %dma_wait3A_128 = tpu.memref_slice %arg3[%mul3A_119] : memref<4000000xf32, #tpu.memory_space<hbm>> -> memref<1280xf32, #tpu.memory_space<hbm>>
        tpu.wait_dma2 semaphore(%dma_wait3A_125 : memref<!tpu.dma_semaphore, #tpu.memory_space<semaphore_mem>>) src(%dma_wait3A_128 : memref<1280xf32, #tpu.memory_space<hbm>>) dst(%dma_wait3A_127 : memref<1280xf32, #tpu.memory_space<vmem>>)
        %add3A_129 = arith.constant 64 : i32
        %add3A_130 = arith.addi %add3A_89, %add3A_129 : i32
        %lt3A_131 = arith.constant 3125 : i32
        %lt3A_132 = arith.cmpi slt, %add3A_130, %lt3A_131 : i32
        %convert_element_type3A_133 = arith.extui %lt3A_132 : i1 to i32
        %cond3A_134 = arith.constant 0 : i32
        %cond3A_135 = arith.cmpi ne, %convert_element_type3A_133, %cond3A_134 : i32
        scf.if %cond3A_135 {
          %add3A_163 = arith.constant 2 : i32
          %add3A_164 = arith.addi %add3A_86, %add3A_163 : i32
          %mul3A_165 = arith.constant 32 : i32
          %mul3A_166 = arith.muli %mul3A_165, %add3A_164 : i32
          %add3A_167 = arith.addi %add3A, %mul3A_166 : i32
          %mul3A_168 = arith.constant 1280 : i32
          %mul3A_169 = arith.muli %add3A_167, %mul3A_168 : i32
          %dma_start3A_170 = arith.constant 2 : i32
          %dma_start3A_171 = arith.constant 2560 : i32
          %dma_start3A_172 = tpu.memref_slice %arg6[%dma_start3A_171] : memref<3840xf32, #tpu.memory_space<vmem>> -> memref<1280xf32, #tpu.memory_space<vmem>>
          %dma_start3A_173 = tpu.memref_slice %arg3[%mul3A_169] : memref<4000000xf32, #tpu.memory_space<hbm>> -> memref<1280xf32, #tpu.memory_space<hbm>>
          %dma_start3A_174 = tpu.memref_slice %arg8[%dma_start3A_170] : memref<3x!tpu.dma_semaphore, #tpu.memory_space<semaphore_mem>> -> memref<1x!tpu.dma_semaphore, #tpu.memory_space<semaphore_mem>>
          %dma_start3A_175 = tpu.memref_squeeze %dma_start3A_174 : memref<1x!tpu.dma_semaphore, #tpu.memory_space<semaphore_mem>> -> memref<!tpu.dma_semaphore, #tpu.memory_space<semaphore_mem>>
          %dma_start3A_176 = arith.constant 2560 : i32
          %dma_start3A_177 = tpu.memref_slice %arg6[%dma_start3A_176] : memref<3840xf32, #tpu.memory_space<vmem>> -> memref<1280xf32, #tpu.memory_space<vmem>>
          %dma_start3A_178 = tpu.memref_slice %arg3[%mul3A_169] : memref<4000000xf32, #tpu.memory_space<hbm>> -> memref<1280xf32, #tpu.memory_space<hbm>>
          tpu.enqueue_dma source(%dma_start3A_178 : memref<1280xf32, #tpu.memory_space<hbm>>) target(%dma_start3A_177 : memref<1280xf32, #tpu.memory_space<vmem>>) target_semaphore(%dma_start3A_175 : memref<!tpu.dma_semaphore, #tpu.memory_space<semaphore_mem>>)
        } else {
        }
        %ge3A = arith.constant 3 : i32
        %ge3A_136 = arith.cmpi sge, %add3A_86, %ge3A : i32
        %convert_element_type3A_137 = arith.extui %ge3A_136 : i1 to i32
        %cond3A_138 = arith.constant 0 : i32
        %cond3A_139 = arith.cmpi ne, %convert_element_type3A_137, %cond3A_138 : i32
        scf.if %cond3A_139 {
          %mul3A_163 = arith.constant 32 : i32
          %mul3A_164 = arith.muli %mul3A_163, %add3A_86 : i32
          %add3A_165 = arith.addi %add3A, %mul3A_164 : i32
          %mul3A_166 = arith.constant 1280 : i32
          %mul3A_167 = arith.muli %add3A_165, %mul3A_166 : i32
          %dma_wait3A_168 = arith.constant 0 : i32
          %dma_wait3A_169 = arith.constant 0 : i32
          %dma_wait3A_170 = arith.constant 0 : i32
          %dma_wait3A_171 = arith.constant 0 : i32
          %dma_wait3A_172 = tpu.memref_slice %arg7[%dma_wait3A_168, %dma_wait3A_170, %dma_wait3A_171] : memref<3x16x1280xf32, #tpu.memory_space<vmem>> -> memref<1x16x1280xf32, #tpu.memory_space<vmem>>
          %dma_wait3A_173 = tpu.memref_squeeze %dma_wait3A_172 : memref<1x16x1280xf32, #tpu.memory_space<vmem>> -> memref<16x1280xf32, #tpu.memory_space<vmem>>
          %dma_wait3A_174 = arith.constant 0 : i32
          %dma_wait3A_175 = tpu.memref_slice %arg4[%dma_wait3A_174, %mul3A_167] : memref<16x4000000xf32, #tpu.memory_space<hbm>> -> memref<16x1280xf32, #tpu.memory_space<hbm>>
          %dma_wait3A_176 = tpu.memref_slice %arg9[%dma_wait3A_169] : memref<3x!tpu.dma_semaphore, #tpu.memory_space<semaphore_mem>> -> memref<1x!tpu.dma_semaphore, #tpu.memory_space<semaphore_mem>>
          %dma_wait3A_177 = tpu.memref_squeeze %dma_wait3A_176 : memref<1x!tpu.dma_semaphore, #tpu.memory_space<semaphore_mem>> -> memref<!tpu.dma_semaphore, #tpu.memory_space<semaphore_mem>>
          %dma_wait3A_178 = arith.constant 0 : i32
          %dma_wait3A_179 = tpu.memref_slice %arg4[%dma_wait3A_178, %mul3A_167] : memref<16x4000000xf32, #tpu.memory_space<hbm>> -> memref<16x1280xf32, #tpu.memory_space<hbm>>
          %dma_wait3A_180 = arith.constant 0 : i32
          %dma_wait3A_181 = arith.constant 0 : i32
          %dma_wait3A_182 = tpu.memref_slice %arg7[%dma_wait3A_168, %dma_wait3A_180, %dma_wait3A_181] : memref<3x16x1280xf32, #tpu.memory_space<vmem>> -> memref<1x16x1280xf32, #tpu.memory_space<vmem>>
          %dma_wait3A_183 = tpu.memref_squeeze %dma_wait3A_182 : memref<1x16x1280xf32, #tpu.memory_space<vmem>> -> memref<16x1280xf32, #tpu.memory_space<vmem>>
          tpu.wait_dma2 semaphore(%dma_wait3A_177 : memref<!tpu.dma_semaphore, #tpu.memory_space<semaphore_mem>>) src(%dma_wait3A_183 : memref<16x1280xf32, #tpu.memory_space<vmem>>) dst(%dma_wait3A_179 : memref<16x1280xf32, #tpu.memory_space<hbm>>)
        } else {
        }
        %parallel_loop3A = arith.constant 0 : i32
        %parallel_loop3A_140 = arith.constant 80 : i32
        %parallel_loop3A_141 = arith.constant 1 : i32
        scf.for %parallel_loop3A_163 = %parallel_loop3A to %parallel_loop3A_140 step %parallel_loop3A_141  : i32 {
          %parallel_loop3A_164 = arith.constant 16 : i32
          %parallel_loop3A_165 = arith.muli %parallel_loop3A_163, %parallel_loop3A_164 : i32
          %parallel_loop3A_166 = arith.constant 0 : i32
          %parallel_loop3A_167 = arith.addi %parallel_loop3A_166, %parallel_loop3A_165 : i32
          %parallel_loop3A_168 = arith.index_cast %parallel_loop3A_167 : i32 to index
          %parallel_loop3A_169 = tpu.vector_load %arg6[%parallel_loop3A_168] {strides = array<i32>} : memref<3840xf32, #tpu.memory_space<vmem>>, vector<16xf32>,
          %parallel_loop3A_170 = arith.constant 0.000000e+00 : f32
          %parallel_loop3A_171 = vector.broadcast %parallel_loop3A_170 : f32 to vector<16xf32>
          %parallel_loop3A_172 = arith.maximumf %parallel_loop3A_169, %parallel_loop3A_171 : vector<16xf32>
          %parallel_loop3A_173 = arith.constant 5.000000e+00 : f32
          %parallel_loop3A_174 = vector.broadcast %parallel_loop3A_173 : f32 to vector<16xf32>
          %parallel_loop3A_175 = arith.minimumf %parallel_loop3A_172, %parallel_loop3A_174 : vector<16xf32>
          %parallel_loop3A_176 = arith.constant 2.540000e+01 : f32
          %parallel_loop3A_177 = vector.broadcast %parallel_loop3A_176 : f32 to vector<16xf32>
          %parallel_loop3A_178 = arith.mulf %parallel_loop3A_175, %parallel_loop3A_177 : vector<16xf32>
          %parallel_loop3A_179 = arith.fptosi %parallel_loop3A_178 : vector<16xf32> to vector<16xi32>
          %parallel_loop3A_180 = arith.constant 0 : i32
          %parallel_loop3A_181 = vector.broadcast %parallel_loop3A_180 : i32 to vector<16xi32>
          %parallel_loop3A_182 = arith.maxsi %parallel_loop3A_179, %parallel_loop3A_181 : vector<16xi32>
          %parallel_loop3A_183 = arith.constant 126 : i32
          %parallel_loop3A_184 = vector.broadcast %parallel_loop3A_183 : i32 to vector<16xi32>
          %parallel_loop3A_185 = arith.minsi %parallel_loop3A_182, %parallel_loop3A_184 : vector<16xi32>
          %parallel_loop3A_186 = arith.sitofp %parallel_loop3A_185 : vector<16xi32> to vector<16xf32>
          %parallel_loop3A_187 = arith.constant 0.0393700786 : f32
          %parallel_loop3A_188 = vector.broadcast %parallel_loop3A_187 : f32 to vector<16xf32>
          %parallel_loop3A_189 = arith.mulf %parallel_loop3A_186, %parallel_loop3A_188 : vector<16xf32>
          %parallel_loop3A_190 = arith.subf %parallel_loop3A_169, %parallel_loop3A_189 : vector<16xf32>
          %parallel_loop3A_191 = arith.constant 2.540000e+01 : f32
          %parallel_loop3A_192 = vector.broadcast %parallel_loop3A_191 : f32 to vector<16xf32>
          %parallel_loop3A_193 = arith.mulf %parallel_loop3A_190, %parallel_loop3A_192 : vector<16xf32>
          %parallel_loop3A_194 = arith.constant 0 : i32
          %parallel_loop3A_195 = vector.broadcast %parallel_loop3A_194 : i32 to vector<16xi32>
          %parallel_loop3A_196 = arith.addi %parallel_loop3A_185, %parallel_loop3A_195 : vector<16xi32>
          %parallel_loop3A_197 = tpu.vector_load_idx %arg5[%parallel_loop3A_196] : memref<2048xf32, #tpu.memory_space<vmem>>[vector<16xi32>], vector<16xf32>,
          %parallel_loop3A_198 = arith.constant 1 : i32
          %parallel_loop3A_199 = vector.broadcast %parallel_loop3A_198 : i32 to vector<16xi32>
          %parallel_loop3A_200 = arith.addi %parallel_loop3A_196, %parallel_loop3A_199 : vector<16xi32>
          %parallel_loop3A_201 = tpu.vector_load_idx %arg5[%parallel_loop3A_200] : memref<2048xf32, #tpu.memory_space<vmem>>[vector<16xi32>], vector<16xf32>,
          %parallel_loop3A_202 = arith.subf %parallel_loop3A_201, %parallel_loop3A_197 : vector<16xf32>
          %parallel_loop3A_203 = arith.mulf %parallel_loop3A_193, %parallel_loop3A_202 : vector<16xf32>
          %parallel_loop3A_204 = arith.addf %parallel_loop3A_197, %parallel_loop3A_203 : vector<16xf32>
          %parallel_loop3A_205 = arith.constant 16 : i32
          %parallel_loop3A_206 = arith.muli %parallel_loop3A_163, %parallel_loop3A_205 : i32
          %parallel_loop3A_207 = arith.constant 0 : i32
          %parallel_loop3A_208 = arith.constant 0 : i32
          %parallel_loop3A_209 = arith.index_cast %parallel_loop3A_207 : i32 to index
          %parallel_loop3A_210 = arith.index_cast %parallel_loop3A_208 : i32 to index
          %parallel_loop3A_211 = arith.index_cast %parallel_loop3A_206 : i32 to index
          %parallel_loop3A_212 = tpu.vector_load %arg7[%parallel_loop3A_209, %parallel_loop3A_210, %parallel_loop3A_211] {strides = array<i32>} : memref<3x16x1280xf32, #tpu.memory_space<vmem>>, vector<16xf32>,
          tpu.vector_store %arg7[%parallel_loop3A_209, %parallel_loop3A_210, %parallel_loop3A_211], %parallel_loop3A_204 {strides = array<i32>} : memref<3x16x1280xf32, #tpu.memory_space<vmem>>, vector<16xf32>,
          %parallel_loop3A_213 = arith.constant 128 : i32
          %parallel_loop3A_214 = vector.broadcast %parallel_loop3A_213 : i32 to vector<16xi32>
          %parallel_loop3A_215 = arith.addi %parallel_loop3A_185, %parallel_loop3A_214 : vector<16xi32>
          %parallel_loop3A_216 = tpu.vector_load_idx %arg5[%parallel_loop3A_215] : memref<2048xf32, #tpu.memory_space<vmem>>[vector<16xi32>], vector<16xf32>,
          %parallel_loop3A_217 = arith.constant 1 : i32
          %parallel_loop3A_218 = vector.broadcast %parallel_loop3A_217 : i32 to vector<16xi32>
          %parallel_loop3A_219 = arith.addi %parallel_loop3A_215, %parallel_loop3A_218 : vector<16xi32>
          %parallel_loop3A_220 = tpu.vector_load_idx %arg5[%parallel_loop3A_219] : memref<2048xf32, #tpu.memory_space<vmem>>[vector<16xi32>], vector<16xf32>,
          %parallel_loop3A_221 = arith.subf %parallel_loop3A_220, %parallel_loop3A_216 : vector<16xf32>
          %parallel_loop3A_222 = arith.mulf %parallel_loop3A_193, %parallel_loop3A_221 : vector<16xf32>
          %parallel_loop3A_223 = arith.addf %parallel_loop3A_216, %parallel_loop3A_222 : vector<16xf32>
          %parallel_loop3A_224 = arith.constant 16 : i32
          %parallel_loop3A_225 = arith.muli %parallel_loop3A_163, %parallel_loop3A_224 : i32
          %parallel_loop3A_226 = arith.constant 0 : i32
          %parallel_loop3A_227 = arith.constant 1 : i32
          %parallel_loop3A_228 = arith.index_cast %parallel_loop3A_226 : i32 to index
          %parallel_loop3A_229 = arith.index_cast %parallel_loop3A_227 : i32 to index
          %parallel_loop3A_230 = arith.index_cast %parallel_loop3A_225 : i32 to index
          %parallel_loop3A_231 = tpu.vector_load %arg7[%parallel_loop3A_228, %parallel_loop3A_229, %parallel_loop3A_230] {strides = array<i32>} : memref<3x16x1280xf32, #tpu.memory_space<vmem>>, vector<16xf32>,
          tpu.vector_store %arg7[%parallel_loop3A_228, %parallel_loop3A_229, %parallel_loop3A_230], %parallel_loop3A_223 {strides = array<i32>} : memref<3x16x1280xf32, #tpu.memory_space<vmem>>, vector<16xf32>,
          %parallel_loop3A_232 = arith.constant 256 : i32
          %parallel_loop3A_233 = vector.broadcast %parallel_loop3A_232 : i32 to vector<16xi32>
          %parallel_loop3A_234 = arith.addi %parallel_loop3A_185, %parallel_loop3A_233 : vector<16xi32>
          %parallel_loop3A_235 = tpu.vector_load_idx %arg5[%parallel_loop3A_234] : memref<2048xf32, #tpu.memory_space<vmem>>[vector<16xi32>], vector<16xf32>,
          %parallel_loop3A_236 = arith.constant 1 : i32
          %parallel_loop3A_237 = vector.broadcast %parallel_loop3A_236 : i32 to vector<16xi32>
          %parallel_loop3A_238 = arith.addi %parallel_loop3A_234, %parallel_loop3A_237 : vector<16xi32>
          %parallel_loop3A_239 = tpu.vector_load_idx %arg5[%parallel_loop3A_238] : memref<2048xf32, #tpu.memory_space<vmem>>[vector<16xi32>], vector<16xf32>,
          %parallel_loop3A_240 = arith.subf %parallel_loop3A_239, %parallel_loop3A_235 : vector<16xf32>
          %parallel_loop3A_241 = arith.mulf %parallel_loop3A_193, %parallel_loop3A_240 : vector<16xf32>
          %parallel_loop3A_242 = arith.addf %parallel_loop3A_235, %parallel_loop3A_241 : vector<16xf32>
          %parallel_loop3A_243 = arith.constant 16 : i32
          %parallel_loop3A_244 = arith.muli %parallel_loop3A_163, %parallel_loop3A_243 : i32
          %parallel_loop3A_245 = arith.constant 0 : i32
          %parallel_loop3A_246 = arith.constant 2 : i32
          %parallel_loop3A_247 = arith.index_cast %parallel_loop3A_245 : i32 to index
          %parallel_loop3A_248 = arith.index_cast %parallel_loop3A_246 : i32 to index
          %parallel_loop3A_249 = arith.index_cast %parallel_loop3A_244 : i32 to index
          %parallel_loop3A_250 = tpu.vector_load %arg7[%parallel_loop3A_247, %parallel_loop3A_248, %parallel_loop3A_249] {strides = array<i32>} : memref<3x16x1280xf32, #tpu.memory_space<vmem>>, vector<16xf32>,
          tpu.vector_store %arg7[%parallel_loop3A_247, %parallel_loop3A_248, %parallel_loop3A_249], %parallel_loop3A_242 {strides = array<i32>} : memref<3x16x1280xf32, #tpu.memory_space<vmem>>, vector<16xf32>,
          %parallel_loop3A_251 = arith.constant 384 : i32
          %parallel_loop3A_252 = vector.broadcast %parallel_loop3A_251 : i32 to vector<16xi32>
          %parallel_loop3A_253 = arith.addi %parallel_loop3A_185, %parallel_loop3A_252 : vector<16xi32>
          %parallel_loop3A_254 = tpu.vector_load_idx %arg5[%parallel_loop3A_253] : memref<2048xf32, #tpu.memory_space<vmem>>[vector<16xi32>], vector<16xf32>,
          %parallel_loop3A_255 = arith.constant 1 : i32
          %parallel_loop3A_256 = vector.broadcast %parallel_loop3A_255 : i32 to vector<16xi32>
          %parallel_loop3A_257 = arith.addi %parallel_loop3A_253, %parallel_loop3A_256 : vector<16xi32>
          %parallel_loop3A_258 = tpu.vector_load_idx %arg5[%parallel_loop3A_257] : memref<2048xf32, #tpu.memory_space<vmem>>[vector<16xi32>], vector<16xf32>,
          %parallel_loop3A_259 = arith.subf %parallel_loop3A_258, %parallel_loop3A_254 : vector<16xf32>
          %parallel_loop3A_260 = arith.mulf %parallel_loop3A_193, %parallel_loop3A_259 : vector<16xf32>
          %parallel_loop3A_261 = arith.addf %parallel_loop3A_254, %parallel_loop3A_260 : vector<16xf32>
          %parallel_loop3A_262 = arith.constant 16 : i32
          %parallel_loop3A_263 = arith.muli %parallel_loop3A_163, %parallel_loop3A_262 : i32
          %parallel_loop3A_264 = arith.constant 0 : i32
          %parallel_loop3A_265 = arith.constant 3 : i32
          %parallel_loop3A_266 = arith.index_cast %parallel_loop3A_264 : i32 to index
          %parallel_loop3A_267 = arith.index_cast %parallel_loop3A_265 : i32 to index
          %parallel_loop3A_268 = arith.index_cast %parallel_loop3A_263 : i32 to index
          %parallel_loop3A_269 = tpu.vector_load %arg7[%parallel_loop3A_266, %parallel_loop3A_267, %parallel_loop3A_268] {strides = array<i32>} : memref<3x16x1280xf32, #tpu.memory_space<vmem>>, vector<16xf32>,
          tpu.vector_store %arg7[%parallel_loop3A_266, %parallel_loop3A_267, %parallel_loop3A_268], %parallel_loop3A_261 {strides = array<i32>} : memref<3x16x1280xf32, #tpu.memory_space<vmem>>, vector<16xf32>,
          %parallel_loop3A_270 = arith.constant 512 : i32
          %parallel_loop3A_271 = vector.broadcast %parallel_loop3A_270 : i32 to vector<16xi32>
          %parallel_loop3A_272 = arith.addi %parallel_loop3A_185, %parallel_loop3A_271 : vector<16xi32>
          %parallel_loop3A_273 = tpu.vector_load_idx %arg5[%parallel_loop3A_272] : memref<2048xf32, #tpu.memory_space<vmem>>[vector<16xi32>], vector<16xf32>,
          %parallel_loop3A_274 = arith.constant 1 : i32
          %parallel_loop3A_275 = vector.broadcast %parallel_loop3A_274 : i32 to vector<16xi32>
          %parallel_loop3A_276 = arith.addi %parallel_loop3A_272, %parallel_loop3A_275 : vector<16xi32>
          %parallel_loop3A_277 = tpu.vector_load_idx %arg5[%parallel_loop3A_276] : memref<2048xf32, #tpu.memory_space<vmem>>[vector<16xi32>], vector<16xf32>,
          %parallel_loop3A_278 = arith.subf %parallel_loop3A_277, %parallel_loop3A_273 : vector<16xf32>
          %parallel_loop3A_279 = arith.mulf %parallel_loop3A_193, %parallel_loop3A_278 : vector<16xf32>
          %parallel_loop3A_280 = arith.addf %parallel_loop3A_273, %parallel_loop3A_279 : vector<16xf32>
          %parallel_loop3A_281 = arith.constant 16 : i32
          %parallel_loop3A_282 = arith.muli %parallel_loop3A_163, %parallel_loop3A_281 : i32
          %parallel_loop3A_283 = arith.constant 0 : i32
          %parallel_loop3A_284 = arith.constant 4 : i32
          %parallel_loop3A_285 = arith.index_cast %parallel_loop3A_283 : i32 to index
          %parallel_loop3A_286 = arith.index_cast %parallel_loop3A_284 : i32 to index
          %parallel_loop3A_287 = arith.index_cast %parallel_loop3A_282 : i32 to index
          %parallel_loop3A_288 = tpu.vector_load %arg7[%parallel_loop3A_285, %parallel_loop3A_286, %parallel_loop3A_287] {strides = array<i32>} : memref<3x16x1280xf32, #tpu.memory_space<vmem>>, vector<16xf32>,
          tpu.vector_store %arg7[%parallel_loop3A_285, %parallel_loop3A_286, %parallel_loop3A_287], %parallel_loop3A_280 {strides = array<i32>} : memref<3x16x1280xf32, #tpu.memory_space<vmem>>, vector<16xf32>,
          %parallel_loop3A_289 = arith.constant 640 : i32
          %parallel_loop3A_290 = vector.broadcast %parallel_loop3A_289 : i32 to vector<16xi32>
          %parallel_loop3A_291 = arith.addi %parallel_loop3A_185, %parallel_loop3A_290 : vector<16xi32>
          %parallel_loop3A_292 = tpu.vector_load_idx %arg5[%parallel_loop3A_291] : memref<2048xf32, #tpu.memory_space<vmem>>[vector<16xi32>], vector<16xf32>,
          %parallel_loop3A_293 = arith.constant 1 : i32
          %parallel_loop3A_294 = vector.broadcast %parallel_loop3A_293 : i32 to vector<16xi32>
          %parallel_loop3A_295 = arith.addi %parallel_loop3A_291, %parallel_loop3A_294 : vector<16xi32>
          %parallel_loop3A_296 = tpu.vector_load_idx %arg5[%parallel_loop3A_295] : memref<2048xf32, #tpu.memory_space<vmem>>[vector<16xi32>], vector<16xf32>,
          %parallel_loop3A_297 = arith.subf %parallel_loop3A_296, %parallel_loop3A_292 : vector<16xf32>
          %parallel_loop3A_298 = arith.mulf %parallel_loop3A_193, %parallel_loop3A_297 : vector<16xf32>
          %parallel_loop3A_299 = arith.addf %parallel_loop3A_292, %parallel_loop3A_298 : vector<16xf32>
          %parallel_loop3A_300 = arith.constant 16 : i32
          %parallel_loop3A_301 = arith.muli %parallel_loop3A_163, %parallel_loop3A_300 : i32
          %parallel_loop3A_302 = arith.constant 0 : i32
          %parallel_loop3A_303 = arith.constant 5 : i32
          %parallel_loop3A_304 = arith.index_cast %parallel_loop3A_302 : i32 to index
          %parallel_loop3A_305 = arith.index_cast %parallel_loop3A_303 : i32 to index
          %parallel_loop3A_306 = arith.index_cast %parallel_loop3A_301 : i32 to index
          %parallel_loop3A_307 = tpu.vector_load %arg7[%parallel_loop3A_304, %parallel_loop3A_305, %parallel_loop3A_306] {strides = array<i32>} : memref<3x16x1280xf32, #tpu.memory_space<vmem>>, vector<16xf32>,
          tpu.vector_store %arg7[%parallel_loop3A_304, %parallel_loop3A_305, %parallel_loop3A_306], %parallel_loop3A_299 {strides = array<i32>} : memref<3x16x1280xf32, #tpu.memory_space<vmem>>, vector<16xf32>,
          %parallel_loop3A_308 = arith.constant 768 : i32
          %parallel_loop3A_309 = vector.broadcast %parallel_loop3A_308 : i32 to vector<16xi32>
          %parallel_loop3A_310 = arith.addi %parallel_loop3A_185, %parallel_loop3A_309 : vector<16xi32>
          %parallel_loop3A_311 = tpu.vector_load_idx %arg5[%parallel_loop3A_310] : memref<2048xf32, #tpu.memory_space<vmem>>[vector<16xi32>], vector<16xf32>,
          %parallel_loop3A_312 = arith.constant 1 : i32
          %parallel_loop3A_313 = vector.broadcast %parallel_loop3A_312 : i32 to vector<16xi32>
          %parallel_loop3A_314 = arith.addi %parallel_loop3A_310, %parallel_loop3A_313 : vector<16xi32>
          %parallel_loop3A_315 = tpu.vector_load_idx %arg5[%parallel_loop3A_314] : memref<2048xf32, #tpu.memory_space<vmem>>[vector<16xi32>], vector<16xf32>,
          %parallel_loop3A_316 = arith.subf %parallel_loop3A_315, %parallel_loop3A_311 : vector<16xf32>
          %parallel_loop3A_317 = arith.mulf %parallel_loop3A_193, %parallel_loop3A_316 : vector<16xf32>
          %parallel_loop3A_318 = arith.addf %parallel_loop3A_311, %parallel_loop3A_317 : vector<16xf32>
          %parallel_loop3A_319 = arith.constant 16 : i32
          %parallel_loop3A_320 = arith.muli %parallel_loop3A_163, %parallel_loop3A_319 : i32
          %parallel_loop3A_321 = arith.constant 0 : i32
          %parallel_loop3A_322 = arith.constant 6 : i32
          %parallel_loop3A_323 = arith.index_cast %parallel_loop3A_321 : i32 to index
          %parallel_loop3A_324 = arith.index_cast %parallel_loop3A_322 : i32 to index
          %parallel_loop3A_325 = arith.index_cast %parallel_loop3A_320 : i32 to index
          %parallel_loop3A_326 = tpu.vector_load %arg7[%parallel_loop3A_323, %parallel_loop3A_324, %parallel_loop3A_325] {strides = array<i32>} : memref<3x16x1280xf32, #tpu.memory_space<vmem>>, vector<16xf32>,
          tpu.vector_store %arg7[%parallel_loop3A_323, %parallel_loop3A_324, %parallel_loop3A_325], %parallel_loop3A_318 {strides = array<i32>} : memref<3x16x1280xf32, #tpu.memory_space<vmem>>, vector<16xf32>,
          %parallel_loop3A_327 = arith.constant 896 : i32
          %parallel_loop3A_328 = vector.broadcast %parallel_loop3A_327 : i32 to vector<16xi32>
          %parallel_loop3A_329 = arith.addi %parallel_loop3A_185, %parallel_loop3A_328 : vector<16xi32>
          %parallel_loop3A_330 = tpu.vector_load_idx %arg5[%parallel_loop3A_329] : memref<2048xf32, #tpu.memory_space<vmem>>[vector<16xi32>], vector<16xf32>,
          %parallel_loop3A_331 = arith.constant 1 : i32
          %parallel_loop3A_332 = vector.broadcast %parallel_loop3A_331 : i32 to vector<16xi32>
          %parallel_loop3A_333 = arith.addi %parallel_loop3A_329, %parallel_loop3A_332 : vector<16xi32>
          %parallel_loop3A_334 = tpu.vector_load_idx %arg5[%parallel_loop3A_333] : memref<2048xf32, #tpu.memory_space<vmem>>[vector<16xi32>], vector<16xf32>,
          %parallel_loop3A_335 = arith.subf %parallel_loop3A_334, %parallel_loop3A_330 : vector<16xf32>
          %parallel_loop3A_336 = arith.mulf %parallel_loop3A_193, %parallel_loop3A_335 : vector<16xf32>
          %parallel_loop3A_337 = arith.addf %parallel_loop3A_330, %parallel_loop3A_336 : vector<16xf32>
          %parallel_loop3A_338 = arith.constant 16 : i32
          %parallel_loop3A_339 = arith.muli %parallel_loop3A_163, %parallel_loop3A_338 : i32
          %parallel_loop3A_340 = arith.constant 0 : i32
          %parallel_loop3A_341 = arith.constant 7 : i32
          %parallel_loop3A_342 = arith.index_cast %parallel_loop3A_340 : i32 to index
          %parallel_loop3A_343 = arith.index_cast %parallel_loop3A_341 : i32 to index
          %parallel_loop3A_344 = arith.index_cast %parallel_loop3A_339 : i32 to index
          %parallel_loop3A_345 = tpu.vector_load %arg7[%parallel_loop3A_342, %parallel_loop3A_343, %parallel_loop3A_344] {strides = array<i32>} : memref<3x16x1280xf32, #tpu.memory_space<vmem>>, vector<16xf32>,
          tpu.vector_store %arg7[%parallel_loop3A_342, %parallel_loop3A_343, %parallel_loop3A_344], %parallel_loop3A_337 {strides = array<i32>} : memref<3x16x1280xf32, #tpu.memory_space<vmem>>, vector<16xf32>,
          %parallel_loop3A_346 = arith.constant 1024 : i32
          %parallel_loop3A_347 = vector.broadcast %parallel_loop3A_346 : i32 to vector<16xi32>
          %parallel_loop3A_348 = arith.addi %parallel_loop3A_185, %parallel_loop3A_347 : vector<16xi32>
          %parallel_loop3A_349 = tpu.vector_load_idx %arg5[%parallel_loop3A_348] : memref<2048xf32, #tpu.memory_space<vmem>>[vector<16xi32>], vector<16xf32>,
          %parallel_loop3A_350 = arith.constant 1 : i32
          %parallel_loop3A_351 = vector.broadcast %parallel_loop3A_350 : i32 to vector<16xi32>
          %parallel_loop3A_352 = arith.addi %parallel_loop3A_348, %parallel_loop3A_351 : vector<16xi32>
          %parallel_loop3A_353 = tpu.vector_load_idx %arg5[%parallel_loop3A_352] : memref<2048xf32, #tpu.memory_space<vmem>>[vector<16xi32>], vector<16xf32>,
          %parallel_loop3A_354 = arith.subf %parallel_loop3A_353, %parallel_loop3A_349 : vector<16xf32>
          %parallel_loop3A_355 = arith.mulf %parallel_loop3A_193, %parallel_loop3A_354 : vector<16xf32>
          %parallel_loop3A_356 = arith.addf %parallel_loop3A_349, %parallel_loop3A_355 : vector<16xf32>
          %parallel_loop3A_357 = arith.constant 16 : i32
          %parallel_loop3A_358 = arith.muli %parallel_loop3A_163, %parallel_loop3A_357 : i32
          %parallel_loop3A_359 = arith.constant 0 : i32
          %parallel_loop3A_360 = arith.constant 8 : i32
          %parallel_loop3A_361 = arith.index_cast %parallel_loop3A_359 : i32 to index
          %parallel_loop3A_362 = arith.index_cast %parallel_loop3A_360 : i32 to index
          %parallel_loop3A_363 = arith.index_cast %parallel_loop3A_358 : i32 to index
          %parallel_loop3A_364 = tpu.vector_load %arg7[%parallel_loop3A_361, %parallel_loop3A_362, %parallel_loop3A_363] {strides = array<i32>} : memref<3x16x1280xf32, #tpu.memory_space<vmem>>, vector<16xf32>,
          tpu.vector_store %arg7[%parallel_loop3A_361, %parallel_loop3A_362, %parallel_loop3A_363], %parallel_loop3A_356 {strides = array<i32>} : memref<3x16x1280xf32, #tpu.memory_space<vmem>>, vector<16xf32>,
          %parallel_loop3A_365 = arith.constant 1152 : i32
          %parallel_loop3A_366 = vector.broadcast %parallel_loop3A_365 : i32 to vector<16xi32>
          %parallel_loop3A_367 = arith.addi %parallel_loop3A_185, %parallel_loop3A_366 : vector<16xi32>
          %parallel_loop3A_368 = tpu.vector_load_idx %arg5[%parallel_loop3A_367] : memref<2048xf32, #tpu.memory_space<vmem>>[vector<16xi32>], vector<16xf32>,
          %parallel_loop3A_369 = arith.constant 1 : i32
          %parallel_loop3A_370 = vector.broadcast %parallel_loop3A_369 : i32 to vector<16xi32>
          %parallel_loop3A_371 = arith.addi %parallel_loop3A_367, %parallel_loop3A_370 : vector<16xi32>
          %parallel_loop3A_372 = tpu.vector_load_idx %arg5[%parallel_loop3A_371] : memref<2048xf32, #tpu.memory_space<vmem>>[vector<16xi32>], vector<16xf32>,
          %parallel_loop3A_373 = arith.subf %parallel_loop3A_372, %parallel_loop3A_368 : vector<16xf32>
          %parallel_loop3A_374 = arith.mulf %parallel_loop3A_193, %parallel_loop3A_373 : vector<16xf32>
          %parallel_loop3A_375 = arith.addf %parallel_loop3A_368, %parallel_loop3A_374 : vector<16xf32>
          %parallel_loop3A_376 = arith.constant 16 : i32
          %parallel_loop3A_377 = arith.muli %parallel_loop3A_163, %parallel_loop3A_376 : i32
          %parallel_loop3A_378 = arith.constant 0 : i32
          %parallel_loop3A_379 = arith.constant 9 : i32
          %parallel_loop3A_380 = arith.index_cast %parallel_loop3A_378 : i32 to index
          %parallel_loop3A_381 = arith.index_cast %parallel_loop3A_379 : i32 to index
          %parallel_loop3A_382 = arith.index_cast %parallel_loop3A_377 : i32 to index
          %parallel_loop3A_383 = tpu.vector_load %arg7[%parallel_loop3A_380, %parallel_loop3A_381, %parallel_loop3A_382] {strides = array<i32>} : memref<3x16x1280xf32, #tpu.memory_space<vmem>>, vector<16xf32>,
          tpu.vector_store %arg7[%parallel_loop3A_380, %parallel_loop3A_381, %parallel_loop3A_382], %parallel_loop3A_375 {strides = array<i32>} : memref<3x16x1280xf32, #tpu.memory_space<vmem>>, vector<16xf32>,
          %parallel_loop3A_384 = arith.constant 1280 : i32
          %parallel_loop3A_385 = vector.broadcast %parallel_loop3A_384 : i32 to vector<16xi32>
          %parallel_loop3A_386 = arith.addi %parallel_loop3A_185, %parallel_loop3A_385 : vector<16xi32>
          %parallel_loop3A_387 = tpu.vector_load_idx %arg5[%parallel_loop3A_386] : memref<2048xf32, #tpu.memory_space<vmem>>[vector<16xi32>], vector<16xf32>,
          %parallel_loop3A_388 = arith.constant 1 : i32
          %parallel_loop3A_389 = vector.broadcast %parallel_loop3A_388 : i32 to vector<16xi32>
          %parallel_loop3A_390 = arith.addi %parallel_loop3A_386, %parallel_loop3A_389 : vector<16xi32>
          %parallel_loop3A_391 = tpu.vector_load_idx %arg5[%parallel_loop3A_390] : memref<2048xf32, #tpu.memory_space<vmem>>[vector<16xi32>], vector<16xf32>,
          %parallel_loop3A_392 = arith.subf %parallel_loop3A_391, %parallel_loop3A_387 : vector<16xf32>
          %parallel_loop3A_393 = arith.mulf %parallel_loop3A_193, %parallel_loop3A_392 : vector<16xf32>
          %parallel_loop3A_394 = arith.addf %parallel_loop3A_387, %parallel_loop3A_393 : vector<16xf32>
          %parallel_loop3A_395 = arith.constant 16 : i32
          %parallel_loop3A_396 = arith.muli %parallel_loop3A_163, %parallel_loop3A_395 : i32
          %parallel_loop3A_397 = arith.constant 0 : i32
          %parallel_loop3A_398 = arith.constant 10 : i32
          %parallel_loop3A_399 = arith.index_cast %parallel_loop3A_397 : i32 to index
          %parallel_loop3A_400 = arith.index_cast %parallel_loop3A_398 : i32 to index
          %parallel_loop3A_401 = arith.index_cast %parallel_loop3A_396 : i32 to index
          %parallel_loop3A_402 = tpu.vector_load %arg7[%parallel_loop3A_399, %parallel_loop3A_400, %parallel_loop3A_401] {strides = array<i32>} : memref<3x16x1280xf32, #tpu.memory_space<vmem>>, vector<16xf32>,
          tpu.vector_store %arg7[%parallel_loop3A_399, %parallel_loop3A_400, %parallel_loop3A_401], %parallel_loop3A_394 {strides = array<i32>} : memref<3x16x1280xf32, #tpu.memory_space<vmem>>, vector<16xf32>,
          %parallel_loop3A_403 = arith.constant 1408 : i32
          %parallel_loop3A_404 = vector.broadcast %parallel_loop3A_403 : i32 to vector<16xi32>
          %parallel_loop3A_405 = arith.addi %parallel_loop3A_185, %parallel_loop3A_404 : vector<16xi32>
          %parallel_loop3A_406 = tpu.vector_load_idx %arg5[%parallel_loop3A_405] : memref<2048xf32, #tpu.memory_space<vmem>>[vector<16xi32>], vector<16xf32>,
          %parallel_loop3A_407 = arith.constant 1 : i32
          %parallel_loop3A_408 = vector.broadcast %parallel_loop3A_407 : i32 to vector<16xi32>
          %parallel_loop3A_409 = arith.addi %parallel_loop3A_405, %parallel_loop3A_408 : vector<16xi32>
          %parallel_loop3A_410 = tpu.vector_load_idx %arg5[%parallel_loop3A_409] : memref<2048xf32, #tpu.memory_space<vmem>>[vector<16xi32>], vector<16xf32>,
          %parallel_loop3A_411 = arith.subf %parallel_loop3A_410, %parallel_loop3A_406 : vector<16xf32>
          %parallel_loop3A_412 = arith.mulf %parallel_loop3A_193, %parallel_loop3A_411 : vector<16xf32>
          %parallel_loop3A_413 = arith.addf %parallel_loop3A_406, %parallel_loop3A_412 : vector<16xf32>
          %parallel_loop3A_414 = arith.constant 16 : i32
          %parallel_loop3A_415 = arith.muli %parallel_loop3A_163, %parallel_loop3A_414 : i32
          %parallel_loop3A_416 = arith.constant 0 : i32
          %parallel_loop3A_417 = arith.constant 11 : i32
          %parallel_loop3A_418 = arith.index_cast %parallel_loop3A_416 : i32 to index
          %parallel_loop3A_419 = arith.index_cast %parallel_loop3A_417 : i32 to index
          %parallel_loop3A_420 = arith.index_cast %parallel_loop3A_415 : i32 to index
          %parallel_loop3A_421 = tpu.vector_load %arg7[%parallel_loop3A_418, %parallel_loop3A_419, %parallel_loop3A_420] {strides = array<i32>} : memref<3x16x1280xf32, #tpu.memory_space<vmem>>, vector<16xf32>,
          tpu.vector_store %arg7[%parallel_loop3A_418, %parallel_loop3A_419, %parallel_loop3A_420], %parallel_loop3A_413 {strides = array<i32>} : memref<3x16x1280xf32, #tpu.memory_space<vmem>>, vector<16xf32>,
          %parallel_loop3A_422 = arith.constant 1536 : i32
          %parallel_loop3A_423 = vector.broadcast %parallel_loop3A_422 : i32 to vector<16xi32>
          %parallel_loop3A_424 = arith.addi %parallel_loop3A_185, %parallel_loop3A_423 : vector<16xi32>
          %parallel_loop3A_425 = tpu.vector_load_idx %arg5[%parallel_loop3A_424] : memref<2048xf32, #tpu.memory_space<vmem>>[vector<16xi32>], vector<16xf32>,
          %parallel_loop3A_426 = arith.constant 1 : i32
          %parallel_loop3A_427 = vector.broadcast %parallel_loop3A_426 : i32 to vector<16xi32>
          %parallel_loop3A_428 = arith.addi %parallel_loop3A_424, %parallel_loop3A_427 : vector<16xi32>
          %parallel_loop3A_429 = tpu.vector_load_idx %arg5[%parallel_loop3A_428] : memref<2048xf32, #tpu.memory_space<vmem>>[vector<16xi32>], vector<16xf32>,
          %parallel_loop3A_430 = arith.subf %parallel_loop3A_429, %parallel_loop3A_425 : vector<16xf32>
          %parallel_loop3A_431 = arith.mulf %parallel_loop3A_193, %parallel_loop3A_430 : vector<16xf32>
          %parallel_loop3A_432 = arith.addf %parallel_loop3A_425, %parallel_loop3A_431 : vector<16xf32>
          %parallel_loop3A_433 = arith.constant 16 : i32
          %parallel_loop3A_434 = arith.muli %parallel_loop3A_163, %parallel_loop3A_433 : i32
          %parallel_loop3A_435 = arith.constant 0 : i32
          %parallel_loop3A_436 = arith.constant 12 : i32
          %parallel_loop3A_437 = arith.index_cast %parallel_loop3A_435 : i32 to index
          %parallel_loop3A_438 = arith.index_cast %parallel_loop3A_436 : i32 to index
          %parallel_loop3A_439 = arith.index_cast %parallel_loop3A_434 : i32 to index
          %parallel_loop3A_440 = tpu.vector_load %arg7[%parallel_loop3A_437, %parallel_loop3A_438, %parallel_loop3A_439] {strides = array<i32>} : memref<3x16x1280xf32, #tpu.memory_space<vmem>>, vector<16xf32>,
          tpu.vector_store %arg7[%parallel_loop3A_437, %parallel_loop3A_438, %parallel_loop3A_439], %parallel_loop3A_432 {strides = array<i32>} : memref<3x16x1280xf32, #tpu.memory_space<vmem>>, vector<16xf32>,
          %parallel_loop3A_441 = arith.constant 1664 : i32
          %parallel_loop3A_442 = vector.broadcast %parallel_loop3A_441 : i32 to vector<16xi32>
          %parallel_loop3A_443 = arith.addi %parallel_loop3A_185, %parallel_loop3A_442 : vector<16xi32>
          %parallel_loop3A_444 = tpu.vector_load_idx %arg5[%parallel_loop3A_443] : memref<2048xf32, #tpu.memory_space<vmem>>[vector<16xi32>], vector<16xf32>,
          %parallel_loop3A_445 = arith.constant 1 : i32
          %parallel_loop3A_446 = vector.broadcast %parallel_loop3A_445 : i32 to vector<16xi32>
          %parallel_loop3A_447 = arith.addi %parallel_loop3A_443, %parallel_loop3A_446 : vector<16xi32>
          %parallel_loop3A_448 = tpu.vector_load_idx %arg5[%parallel_loop3A_447] : memref<2048xf32, #tpu.memory_space<vmem>>[vector<16xi32>], vector<16xf32>,
          %parallel_loop3A_449 = arith.subf %parallel_loop3A_448, %parallel_loop3A_444 : vector<16xf32>
          %parallel_loop3A_450 = arith.mulf %parallel_loop3A_193, %parallel_loop3A_449 : vector<16xf32>
          %parallel_loop3A_451 = arith.addf %parallel_loop3A_444, %parallel_loop3A_450 : vector<16xf32>
          %parallel_loop3A_452 = arith.constant 16 : i32
          %parallel_loop3A_453 = arith.muli %parallel_loop3A_163, %parallel_loop3A_452 : i32
          %parallel_loop3A_454 = arith.constant 0 : i32
          %parallel_loop3A_455 = arith.constant 13 : i32
          %parallel_loop3A_456 = arith.index_cast %parallel_loop3A_454 : i32 to index
          %parallel_loop3A_457 = arith.index_cast %parallel_loop3A_455 : i32 to index
          %parallel_loop3A_458 = arith.index_cast %parallel_loop3A_453 : i32 to index
          %parallel_loop3A_459 = tpu.vector_load %arg7[%parallel_loop3A_456, %parallel_loop3A_457, %parallel_loop3A_458] {strides = array<i32>} : memref<3x16x1280xf32, #tpu.memory_space<vmem>>, vector<16xf32>,
          tpu.vector_store %arg7[%parallel_loop3A_456, %parallel_loop3A_457, %parallel_loop3A_458], %parallel_loop3A_451 {strides = array<i32>} : memref<3x16x1280xf32, #tpu.memory_space<vmem>>, vector<16xf32>,
          %parallel_loop3A_460 = arith.constant 1792 : i32
          %parallel_loop3A_461 = vector.broadcast %parallel_loop3A_460 : i32 to vector<16xi32>
          %parallel_loop3A_462 = arith.addi %parallel_loop3A_185, %parallel_loop3A_461 : vector<16xi32>
          %parallel_loop3A_463 = tpu.vector_load_idx %arg5[%parallel_loop3A_462] : memref<2048xf32, #tpu.memory_space<vmem>>[vector<16xi32>], vector<16xf32>,
          %parallel_loop3A_464 = arith.constant 1 : i32
          %parallel_loop3A_465 = vector.broadcast %parallel_loop3A_464 : i32 to vector<16xi32>
          %parallel_loop3A_466 = arith.addi %parallel_loop3A_462, %parallel_loop3A_465 : vector<16xi32>
          %parallel_loop3A_467 = tpu.vector_load_idx %arg5[%parallel_loop3A_466] : memref<2048xf32, #tpu.memory_space<vmem>>[vector<16xi32>], vector<16xf32>,
          %parallel_loop3A_468 = arith.subf %parallel_loop3A_467, %parallel_loop3A_463 : vector<16xf32>
          %parallel_loop3A_469 = arith.mulf %parallel_loop3A_193, %parallel_loop3A_468 : vector<16xf32>
          %parallel_loop3A_470 = arith.addf %parallel_loop3A_463, %parallel_loop3A_469 : vector<16xf32>
          %parallel_loop3A_471 = arith.constant 16 : i32
          %parallel_loop3A_472 = arith.muli %parallel_loop3A_163, %parallel_loop3A_471 : i32
          %parallel_loop3A_473 = arith.constant 0 : i32
          %parallel_loop3A_474 = arith.constant 14 : i32
          %parallel_loop3A_475 = arith.index_cast %parallel_loop3A_473 : i32 to index
          %parallel_loop3A_476 = arith.index_cast %parallel_loop3A_474 : i32 to index
          %parallel_loop3A_477 = arith.index_cast %parallel_loop3A_472 : i32 to index
          %parallel_loop3A_478 = tpu.vector_load %arg7[%parallel_loop3A_475, %parallel_loop3A_476, %parallel_loop3A_477] {strides = array<i32>} : memref<3x16x1280xf32, #tpu.memory_space<vmem>>, vector<16xf32>,
          tpu.vector_store %arg7[%parallel_loop3A_475, %parallel_loop3A_476, %parallel_loop3A_477], %parallel_loop3A_470 {strides = array<i32>} : memref<3x16x1280xf32, #tpu.memory_space<vmem>>, vector<16xf32>,
          %parallel_loop3A_479 = arith.constant 1920 : i32
          %parallel_loop3A_480 = vector.broadcast %parallel_loop3A_479 : i32 to vector<16xi32>
          %parallel_loop3A_481 = arith.addi %parallel_loop3A_185, %parallel_loop3A_480 : vector<16xi32>
          %parallel_loop3A_482 = tpu.vector_load_idx %arg5[%parallel_loop3A_481] : memref<2048xf32, #tpu.memory_space<vmem>>[vector<16xi32>], vector<16xf32>,
          %parallel_loop3A_483 = arith.constant 1 : i32
          %parallel_loop3A_484 = vector.broadcast %parallel_loop3A_483 : i32 to vector<16xi32>
          %parallel_loop3A_485 = arith.addi %parallel_loop3A_481, %parallel_loop3A_484 : vector<16xi32>
          %parallel_loop3A_486 = tpu.vector_load_idx %arg5[%parallel_loop3A_485] : memref<2048xf32, #tpu.memory_space<vmem>>[vector<16xi32>], vector<16xf32>,
          %parallel_loop3A_487 = arith.subf %parallel_loop3A_486, %parallel_loop3A_482 : vector<16xf32>
          %parallel_loop3A_488 = arith.mulf %parallel_loop3A_193, %parallel_loop3A_487 : vector<16xf32>
          %parallel_loop3A_489 = arith.addf %parallel_loop3A_482, %parallel_loop3A_488 : vector<16xf32>
          %parallel_loop3A_490 = arith.constant 16 : i32
          %parallel_loop3A_491 = arith.muli %parallel_loop3A_163, %parallel_loop3A_490 : i32
          %parallel_loop3A_492 = arith.constant 0 : i32
          %parallel_loop3A_493 = arith.constant 15 : i32
          %parallel_loop3A_494 = arith.index_cast %parallel_loop3A_492 : i32 to index
          %parallel_loop3A_495 = arith.index_cast %parallel_loop3A_493 : i32 to index
          %parallel_loop3A_496 = arith.index_cast %parallel_loop3A_491 : i32 to index
          %parallel_loop3A_497 = tpu.vector_load %arg7[%parallel_loop3A_494, %parallel_loop3A_495, %parallel_loop3A_496] {strides = array<i32>} : memref<3x16x1280xf32, #tpu.memory_space<vmem>>, vector<16xf32>,
          tpu.vector_store %arg7[%parallel_loop3A_494, %parallel_loop3A_495, %parallel_loop3A_496], %parallel_loop3A_489 {strides = array<i32>} : memref<3x16x1280xf32, #tpu.memory_space<vmem>>, vector<16xf32>,
        } {sc.loop_unroll_factor = 8 : i64, sc.parallel_access}
        %mul3A_142 = arith.constant 32 : i32
        %mul3A_143 = arith.muli %mul3A_142, %add3A_86 : i32
        %add3A_144 = arith.addi %add3A, %mul3A_143 : i32
        %mul3A_145 = arith.constant 1280 : i32
        %mul3A_146 = arith.muli %add3A_144, %mul3A_145 : i32
        %dma_start3A_147 = arith.constant 0 : i32
        %dma_start3A_148 = arith.constant 0 : i32
        %dma_start3A_149 = arith.constant 0 : i32
        %dma_start3A_150 = arith.constant 0 : i32
        %dma_start3A_151 = tpu.memref_slice %arg7[%dma_start3A_147, %dma_start3A_149, %dma_start3A_150] : memref<3x16x1280xf32, #tpu.memory_space<vmem>> -> memref<1x16x1280xf32, #tpu.memory_space<vmem>>
        %dma_start3A_152 = tpu.memref_squeeze %dma_start3A_151 : memref<1x16x1280xf32, #tpu.memory_space<vmem>> -> memref<16x1280xf32, #tpu.memory_space<vmem>>
        %dma_start3A_153 = arith.constant 0 : i32
        %dma_start3A_154 = tpu.memref_slice %arg4[%dma_start3A_153, %mul3A_146] : memref<16x4000000xf32, #tpu.memory_space<hbm>> -> memref<16x1280xf32, #tpu.memory_space<hbm>>
        %dma_start3A_155 = tpu.memref_slice %arg9[%dma_start3A_148] : memref<3x!tpu.dma_semaphore, #tpu.memory_space<semaphore_mem>> -> memref<1x!tpu.dma_semaphore, #tpu.memory_space<semaphore_mem>>
        %dma_start3A_156 = tpu.memref_squeeze %dma_start3A_155 : memref<1x!tpu.dma_semaphore, #tpu.memory_space<semaphore_mem>> -> memref<!tpu.dma_semaphore, #tpu.memory_space<semaphore_mem>>
        %dma_start3A_157 = arith.constant 0 : i32
        %dma_start3A_158 = tpu.memref_slice %arg4[%dma_start3A_157, %mul3A_146] : memref<16x4000000xf32, #tpu.memory_space<hbm>> -> memref<16x1280xf32, #tpu.memory_space<hbm>>
        %dma_start3A_159 = arith.constant 0 : i32
        %dma_start3A_160 = arith.constant 0 : i32
        %dma_start3A_161 = tpu.memref_slice %arg7[%dma_start3A_147, %dma_start3A_159, %dma_start3A_160] : memref<3x16x1280xf32, #tpu.memory_space<vmem>> -> memref<1x16x1280xf32, #tpu.memory_space<vmem>>
        %dma_start3A_162 = tpu.memref_squeeze %dma_start3A_161 : memref<1x16x1280xf32, #tpu.memory_space<vmem>> -> memref<16x1280xf32, #tpu.memory_space<vmem>>
        tpu.enqueue_dma source(%dma_start3A_162 : memref<16x1280xf32, #tpu.memory_space<vmem>>) target(%dma_start3A_158 : memref<16x1280xf32, #tpu.memory_space<hbm>>) target_semaphore(%dma_start3A_156 : memref<!tpu.dma_semaphore, #tpu.memory_space<semaphore_mem>>)
      } else {
      }
      %add3A_95 = arith.constant 1 : i32
      %add3A_96 = arith.addi %add3A_84, %add3A_95 : i32
      %mul3A_97 = arith.constant 32 : i32
      %mul3A_98 = arith.muli %mul3A_97, %add3A_96 : i32
      %add3A_99 = arith.addi %add3A, %mul3A_98 : i32
      %lt3A_100 = arith.constant 3125 : i32
      %lt3A_101 = arith.cmpi slt, %add3A_99, %lt3A_100 : i32
      %convert_element_type3A_102 = arith.extui %lt3A_101 : i1 to i32
      %cond3A_103 = arith.constant 0 : i32
      %cond3A_104 = arith.cmpi ne, %convert_element_type3A_102, %cond3A_103 : i32
      scf.if %cond3A_104 {
        %mul3A_115 = arith.constant 32 : i32
        %mul3A_116 = arith.muli %mul3A_115, %add3A_96 : i32
        %add3A_117 = arith.addi %add3A, %mul3A_116 : i32
        %mul3A_118 = arith.constant 1280 : i32
        %mul3A_119 = arith.muli %add3A_117, %mul3A_118 : i32
        %dma_wait3A_120 = arith.constant 1 : i32
        %dma_wait3A_121 = arith.constant 1280 : i32
        %dma_wait3A_122 = tpu.memref_slice %arg6[%dma_wait3A_121] : memref<3840xf32, #tpu.memory_space<vmem>> -> memref<1280xf32, #tpu.memory_space<vmem>>
        %dma_wait3A_123 = tpu.memref_slice %arg3[%mul3A_119] : memref<4000000xf32, #tpu.memory_space<hbm>> -> memref<1280xf32, #tpu.memory_space<hbm>>
        %dma_wait3A_124 = tpu.memref_slice %arg8[%dma_wait3A_120] : memref<3x!tpu.dma_semaphore, #tpu.memory_space<semaphore_mem>> -> memref<1x!tpu.dma_semaphore, #tpu.memory_space<semaphore_mem>>
        %dma_wait3A_125 = tpu.memref_squeeze %dma_wait3A_124 : memref<1x!tpu.dma_semaphore, #tpu.memory_space<semaphore_mem>> -> memref<!tpu.dma_semaphore, #tpu.memory_space<semaphore_mem>>
        %dma_wait3A_126 = arith.constant 1280 : i32
        %dma_wait3A_127 = tpu.memref_slice %arg6[%dma_wait3A_126] : memref<3840xf32, #tpu.memory_space<vmem>> -> memref<1280xf32, #tpu.memory_space<vmem>>
        %dma_wait3A_128 = tpu.memref_slice %arg3[%mul3A_119] : memref<4000000xf32, #tpu.memory_space<hbm>> -> memref<1280xf32, #tpu.memory_space<hbm>>
        tpu.wait_dma2 semaphore(%dma_wait3A_125 : memref<!tpu.dma_semaphore, #tpu.memory_space<semaphore_mem>>) src(%dma_wait3A_128 : memref<1280xf32, #tpu.memory_space<hbm>>) dst(%dma_wait3A_127 : memref<1280xf32, #tpu.memory_space<vmem>>)
        %add3A_129 = arith.constant 64 : i32
        %add3A_130 = arith.addi %add3A_99, %add3A_129 : i32
        %lt3A_131 = arith.constant 3125 : i32
        %lt3A_132 = arith.cmpi slt, %add3A_130, %lt3A_131 : i32
        %convert_element_type3A_133 = arith.extui %lt3A_132 : i1 to i32
        %cond3A_134 = arith.constant 0 : i32
        %cond3A_135 = arith.cmpi ne, %convert_element_type3A_133, %cond3A_134 : i32
        scf.if %cond3A_135 {
          %add3A_163 = arith.constant 2 : i32
          %add3A_164 = arith.addi %add3A_96, %add3A_163 : i32
          %mul3A_165 = arith.constant 32 : i32
          %mul3A_166 = arith.muli %mul3A_165, %add3A_164 : i32
          %add3A_167 = arith.addi %add3A, %mul3A_166 : i32
          %mul3A_168 = arith.constant 1280 : i32
          %mul3A_169 = arith.muli %add3A_167, %mul3A_168 : i32
          %dma_start3A_170 = arith.constant 0 : i32
          %dma_start3A_171 = arith.constant 0 : i32
          %dma_start3A_172 = tpu.memref_slice %arg6[%dma_start3A_171] : memref<3840xf32, #tpu.memory_space<vmem>> -> memref<1280xf32, #tpu.memory_space<vmem>>
          %dma_start3A_173 = tpu.memref_slice %arg3[%mul3A_169] : memref<4000000xf32, #tpu.memory_space<hbm>> -> memref<1280xf32, #tpu.memory_space<hbm>>
          %dma_start3A_174 = tpu.memref_slice %arg8[%dma_start3A_170] : memref<3x!tpu.dma_semaphore, #tpu.memory_space<semaphore_mem>> -> memref<1x!tpu.dma_semaphore, #tpu.memory_space<semaphore_mem>>
          %dma_start3A_175 = tpu.memref_squeeze %dma_start3A_174 : memref<1x!tpu.dma_semaphore, #tpu.memory_space<semaphore_mem>> -> memref<!tpu.dma_semaphore, #tpu.memory_space<semaphore_mem>>
          %dma_start3A_176 = arith.constant 0 : i32
          %dma_start3A_177 = tpu.memref_slice %arg6[%dma_start3A_176] : memref<3840xf32, #tpu.memory_space<vmem>> -> memref<1280xf32, #tpu.memory_space<vmem>>
          %dma_start3A_178 = tpu.memref_slice %arg3[%mul3A_169] : memref<4000000xf32, #tpu.memory_space<hbm>> -> memref<1280xf32, #tpu.memory_space<hbm>>
          tpu.enqueue_dma source(%dma_start3A_178 : memref<1280xf32, #tpu.memory_space<hbm>>) target(%dma_start3A_177 : memref<1280xf32, #tpu.memory_space<vmem>>) target_semaphore(%dma_start3A_175 : memref<!tpu.dma_semaphore, #tpu.memory_space<semaphore_mem>>)
        } else {
        }
        %ge3A = arith.constant 3 : i32
        %ge3A_136 = arith.cmpi sge, %add3A_96, %ge3A : i32
        %convert_element_type3A_137 = arith.extui %ge3A_136 : i1 to i32
        %cond3A_138 = arith.constant 0 : i32
        %cond3A_139 = arith.cmpi ne, %convert_element_type3A_137, %cond3A_138 : i32
        scf.if %cond3A_139 {
          %mul3A_163 = arith.constant 32 : i32
          %mul3A_164 = arith.muli %mul3A_163, %add3A_96 : i32
          %add3A_165 = arith.addi %add3A, %mul3A_164 : i32
          %mul3A_166 = arith.constant 1280 : i32
          %mul3A_167 = arith.muli %add3A_165, %mul3A_166 : i32
          %dma_wait3A_168 = arith.constant 1 : i32
          %dma_wait3A_169 = arith.constant 1 : i32
          %dma_wait3A_170 = arith.constant 0 : i32
          %dma_wait3A_171 = arith.constant 0 : i32
          %dma_wait3A_172 = tpu.memref_slice %arg7[%dma_wait3A_168, %dma_wait3A_170, %dma_wait3A_171] : memref<3x16x1280xf32, #tpu.memory_space<vmem>> -> memref<1x16x1280xf32, #tpu.memory_space<vmem>>
          %dma_wait3A_173 = tpu.memref_squeeze %dma_wait3A_172 : memref<1x16x1280xf32, #tpu.memory_space<vmem>> -> memref<16x1280xf32, #tpu.memory_space<vmem>>
          %dma_wait3A_174 = arith.constant 0 : i32
          %dma_wait3A_175 = tpu.memref_slice %arg4[%dma_wait3A_174, %mul3A_167] : memref<16x4000000xf32, #tpu.memory_space<hbm>> -> memref<16x1280xf32, #tpu.memory_space<hbm>>
          %dma_wait3A_176 = tpu.memref_slice %arg9[%dma_wait3A_169] : memref<3x!tpu.dma_semaphore, #tpu.memory_space<semaphore_mem>> -> memref<1x!tpu.dma_semaphore, #tpu.memory_space<semaphore_mem>>
          %dma_wait3A_177 = tpu.memref_squeeze %dma_wait3A_176 : memref<1x!tpu.dma_semaphore, #tpu.memory_space<semaphore_mem>> -> memref<!tpu.dma_semaphore, #tpu.memory_space<semaphore_mem>>
          %dma_wait3A_178 = arith.constant 0 : i32
          %dma_wait3A_179 = tpu.memref_slice %arg4[%dma_wait3A_178, %mul3A_167] : memref<16x4000000xf32, #tpu.memory_space<hbm>> -> memref<16x1280xf32, #tpu.memory_space<hbm>>
          %dma_wait3A_180 = arith.constant 0 : i32
          %dma_wait3A_181 = arith.constant 0 : i32
          %dma_wait3A_182 = tpu.memref_slice %arg7[%dma_wait3A_168, %dma_wait3A_180, %dma_wait3A_181] : memref<3x16x1280xf32, #tpu.memory_space<vmem>> -> memref<1x16x1280xf32, #tpu.memory_space<vmem>>
          %dma_wait3A_183 = tpu.memref_squeeze %dma_wait3A_182 : memref<1x16x1280xf32, #tpu.memory_space<vmem>> -> memref<16x1280xf32, #tpu.memory_space<vmem>>
          tpu.wait_dma2 semaphore(%dma_wait3A_177 : memref<!tpu.dma_semaphore, #tpu.memory_space<semaphore_mem>>) src(%dma_wait3A_183 : memref<16x1280xf32, #tpu.memory_space<vmem>>) dst(%dma_wait3A_179 : memref<16x1280xf32, #tpu.memory_space<hbm>>)
        } else {
        }
        %parallel_loop3A = arith.constant 0 : i32
        %parallel_loop3A_140 = arith.constant 80 : i32
        %parallel_loop3A_141 = arith.constant 1 : i32
        scf.for %parallel_loop3A_163 = %parallel_loop3A to %parallel_loop3A_140 step %parallel_loop3A_141  : i32 {
          %parallel_loop3A_164 = arith.constant 16 : i32
          %parallel_loop3A_165 = arith.muli %parallel_loop3A_163, %parallel_loop3A_164 : i32
          %parallel_loop3A_166 = arith.constant 1280 : i32
          %parallel_loop3A_167 = arith.addi %parallel_loop3A_166, %parallel_loop3A_165 : i32
          %parallel_loop3A_168 = arith.index_cast %parallel_loop3A_167 : i32 to index
          %parallel_loop3A_169 = tpu.vector_load %arg6[%parallel_loop3A_168] {strides = array<i32>} : memref<3840xf32, #tpu.memory_space<vmem>>, vector<16xf32>,
          %parallel_loop3A_170 = arith.constant 0.000000e+00 : f32
          %parallel_loop3A_171 = vector.broadcast %parallel_loop3A_170 : f32 to vector<16xf32>
          %parallel_loop3A_172 = arith.maximumf %parallel_loop3A_169, %parallel_loop3A_171 : vector<16xf32>
          %parallel_loop3A_173 = arith.constant 5.000000e+00 : f32
          %parallel_loop3A_174 = vector.broadcast %parallel_loop3A_173 : f32 to vector<16xf32>
          %parallel_loop3A_175 = arith.minimumf %parallel_loop3A_172, %parallel_loop3A_174 : vector<16xf32>
          %parallel_loop3A_176 = arith.constant 2.540000e+01 : f32
          %parallel_loop3A_177 = vector.broadcast %parallel_loop3A_176 : f32 to vector<16xf32>
          %parallel_loop3A_178 = arith.mulf %parallel_loop3A_175, %parallel_loop3A_177 : vector<16xf32>
          %parallel_loop3A_179 = arith.fptosi %parallel_loop3A_178 : vector<16xf32> to vector<16xi32>
          %parallel_loop3A_180 = arith.constant 0 : i32
          %parallel_loop3A_181 = vector.broadcast %parallel_loop3A_180 : i32 to vector<16xi32>
          %parallel_loop3A_182 = arith.maxsi %parallel_loop3A_179, %parallel_loop3A_181 : vector<16xi32>
          %parallel_loop3A_183 = arith.constant 126 : i32
          %parallel_loop3A_184 = vector.broadcast %parallel_loop3A_183 : i32 to vector<16xi32>
          %parallel_loop3A_185 = arith.minsi %parallel_loop3A_182, %parallel_loop3A_184 : vector<16xi32>
          %parallel_loop3A_186 = arith.sitofp %parallel_loop3A_185 : vector<16xi32> to vector<16xf32>
          %parallel_loop3A_187 = arith.constant 0.0393700786 : f32
          %parallel_loop3A_188 = vector.broadcast %parallel_loop3A_187 : f32 to vector<16xf32>
          %parallel_loop3A_189 = arith.mulf %parallel_loop3A_186, %parallel_loop3A_188 : vector<16xf32>
          %parallel_loop3A_190 = arith.subf %parallel_loop3A_169, %parallel_loop3A_189 : vector<16xf32>
          %parallel_loop3A_191 = arith.constant 2.540000e+01 : f32
          %parallel_loop3A_192 = vector.broadcast %parallel_loop3A_191 : f32 to vector<16xf32>
          %parallel_loop3A_193 = arith.mulf %parallel_loop3A_190, %parallel_loop3A_192 : vector<16xf32>
          %parallel_loop3A_194 = arith.constant 0 : i32
          %parallel_loop3A_195 = vector.broadcast %parallel_loop3A_194 : i32 to vector<16xi32>
          %parallel_loop3A_196 = arith.addi %parallel_loop3A_185, %parallel_loop3A_195 : vector<16xi32>
          %parallel_loop3A_197 = tpu.vector_load_idx %arg5[%parallel_loop3A_196] : memref<2048xf32, #tpu.memory_space<vmem>>[vector<16xi32>], vector<16xf32>,
          %parallel_loop3A_198 = arith.constant 1 : i32
          %parallel_loop3A_199 = vector.broadcast %parallel_loop3A_198 : i32 to vector<16xi32>
          %parallel_loop3A_200 = arith.addi %parallel_loop3A_196, %parallel_loop3A_199 : vector<16xi32>
          %parallel_loop3A_201 = tpu.vector_load_idx %arg5[%parallel_loop3A_200] : memref<2048xf32, #tpu.memory_space<vmem>>[vector<16xi32>], vector<16xf32>,
          %parallel_loop3A_202 = arith.subf %parallel_loop3A_201, %parallel_loop3A_197 : vector<16xf32>
          %parallel_loop3A_203 = arith.mulf %parallel_loop3A_193, %parallel_loop3A_202 : vector<16xf32>
          %parallel_loop3A_204 = arith.addf %parallel_loop3A_197, %parallel_loop3A_203 : vector<16xf32>
          %parallel_loop3A_205 = arith.constant 16 : i32
          %parallel_loop3A_206 = arith.muli %parallel_loop3A_163, %parallel_loop3A_205 : i32
          %parallel_loop3A_207 = arith.constant 1 : i32
          %parallel_loop3A_208 = arith.constant 0 : i32
          %parallel_loop3A_209 = arith.index_cast %parallel_loop3A_207 : i32 to index
          %parallel_loop3A_210 = arith.index_cast %parallel_loop3A_208 : i32 to index
          %parallel_loop3A_211 = arith.index_cast %parallel_loop3A_206 : i32 to index
          %parallel_loop3A_212 = tpu.vector_load %arg7[%parallel_loop3A_209, %parallel_loop3A_210, %parallel_loop3A_211] {strides = array<i32>} : memref<3x16x1280xf32, #tpu.memory_space<vmem>>, vector<16xf32>,
          tpu.vector_store %arg7[%parallel_loop3A_209, %parallel_loop3A_210, %parallel_loop3A_211], %parallel_loop3A_204 {strides = array<i32>} : memref<3x16x1280xf32, #tpu.memory_space<vmem>>, vector<16xf32>,
          %parallel_loop3A_213 = arith.constant 128 : i32
          %parallel_loop3A_214 = vector.broadcast %parallel_loop3A_213 : i32 to vector<16xi32>
          %parallel_loop3A_215 = arith.addi %parallel_loop3A_185, %parallel_loop3A_214 : vector<16xi32>
          %parallel_loop3A_216 = tpu.vector_load_idx %arg5[%parallel_loop3A_215] : memref<2048xf32, #tpu.memory_space<vmem>>[vector<16xi32>], vector<16xf32>,
          %parallel_loop3A_217 = arith.constant 1 : i32
          %parallel_loop3A_218 = vector.broadcast %parallel_loop3A_217 : i32 to vector<16xi32>
          %parallel_loop3A_219 = arith.addi %parallel_loop3A_215, %parallel_loop3A_218 : vector<16xi32>
          %parallel_loop3A_220 = tpu.vector_load_idx %arg5[%parallel_loop3A_219] : memref<2048xf32, #tpu.memory_space<vmem>>[vector<16xi32>], vector<16xf32>,
          %parallel_loop3A_221 = arith.subf %parallel_loop3A_220, %parallel_loop3A_216 : vector<16xf32>
          %parallel_loop3A_222 = arith.mulf %parallel_loop3A_193, %parallel_loop3A_221 : vector<16xf32>
          %parallel_loop3A_223 = arith.addf %parallel_loop3A_216, %parallel_loop3A_222 : vector<16xf32>
          %parallel_loop3A_224 = arith.constant 16 : i32
          %parallel_loop3A_225 = arith.muli %parallel_loop3A_163, %parallel_loop3A_224 : i32
          %parallel_loop3A_226 = arith.constant 1 : i32
          %parallel_loop3A_227 = arith.constant 1 : i32
          %parallel_loop3A_228 = arith.index_cast %parallel_loop3A_226 : i32 to index
          %parallel_loop3A_229 = arith.index_cast %parallel_loop3A_227 : i32 to index
          %parallel_loop3A_230 = arith.index_cast %parallel_loop3A_225 : i32 to index
          %parallel_loop3A_231 = tpu.vector_load %arg7[%parallel_loop3A_228, %parallel_loop3A_229, %parallel_loop3A_230] {strides = array<i32>} : memref<3x16x1280xf32, #tpu.memory_space<vmem>>, vector<16xf32>,
          tpu.vector_store %arg7[%parallel_loop3A_228, %parallel_loop3A_229, %parallel_loop3A_230], %parallel_loop3A_223 {strides = array<i32>} : memref<3x16x1280xf32, #tpu.memory_space<vmem>>, vector<16xf32>,
          %parallel_loop3A_232 = arith.constant 256 : i32
          %parallel_loop3A_233 = vector.broadcast %parallel_loop3A_232 : i32 to vector<16xi32>
          %parallel_loop3A_234 = arith.addi %parallel_loop3A_185, %parallel_loop3A_233 : vector<16xi32>
          %parallel_loop3A_235 = tpu.vector_load_idx %arg5[%parallel_loop3A_234] : memref<2048xf32, #tpu.memory_space<vmem>>[vector<16xi32>], vector<16xf32>,
          %parallel_loop3A_236 = arith.constant 1 : i32
          %parallel_loop3A_237 = vector.broadcast %parallel_loop3A_236 : i32 to vector<16xi32>
          %parallel_loop3A_238 = arith.addi %parallel_loop3A_234, %parallel_loop3A_237 : vector<16xi32>
          %parallel_loop3A_239 = tpu.vector_load_idx %arg5[%parallel_loop3A_238] : memref<2048xf32, #tpu.memory_space<vmem>>[vector<16xi32>], vector<16xf32>,
          %parallel_loop3A_240 = arith.subf %parallel_loop3A_239, %parallel_loop3A_235 : vector<16xf32>
          %parallel_loop3A_241 = arith.mulf %parallel_loop3A_193, %parallel_loop3A_240 : vector<16xf32>
          %parallel_loop3A_242 = arith.addf %parallel_loop3A_235, %parallel_loop3A_241 : vector<16xf32>
          %parallel_loop3A_243 = arith.constant 16 : i32
          %parallel_loop3A_244 = arith.muli %parallel_loop3A_163, %parallel_loop3A_243 : i32
          %parallel_loop3A_245 = arith.constant 1 : i32
          %parallel_loop3A_246 = arith.constant 2 : i32
          %parallel_loop3A_247 = arith.index_cast %parallel_loop3A_245 : i32 to index
          %parallel_loop3A_248 = arith.index_cast %parallel_loop3A_246 : i32 to index
          %parallel_loop3A_249 = arith.index_cast %parallel_loop3A_244 : i32 to index
          %parallel_loop3A_250 = tpu.vector_load %arg7[%parallel_loop3A_247, %parallel_loop3A_248, %parallel_loop3A_249] {strides = array<i32>} : memref<3x16x1280xf32, #tpu.memory_space<vmem>>, vector<16xf32>,
          tpu.vector_store %arg7[%parallel_loop3A_247, %parallel_loop3A_248, %parallel_loop3A_249], %parallel_loop3A_242 {strides = array<i32>} : memref<3x16x1280xf32, #tpu.memory_space<vmem>>, vector<16xf32>,
          %parallel_loop3A_251 = arith.constant 384 : i32
          %parallel_loop3A_252 = vector.broadcast %parallel_loop3A_251 : i32 to vector<16xi32>
          %parallel_loop3A_253 = arith.addi %parallel_loop3A_185, %parallel_loop3A_252 : vector<16xi32>
          %parallel_loop3A_254 = tpu.vector_load_idx %arg5[%parallel_loop3A_253] : memref<2048xf32, #tpu.memory_space<vmem>>[vector<16xi32>], vector<16xf32>,
          %parallel_loop3A_255 = arith.constant 1 : i32
          %parallel_loop3A_256 = vector.broadcast %parallel_loop3A_255 : i32 to vector<16xi32>
          %parallel_loop3A_257 = arith.addi %parallel_loop3A_253, %parallel_loop3A_256 : vector<16xi32>
          %parallel_loop3A_258 = tpu.vector_load_idx %arg5[%parallel_loop3A_257] : memref<2048xf32, #tpu.memory_space<vmem>>[vector<16xi32>], vector<16xf32>,
          %parallel_loop3A_259 = arith.subf %parallel_loop3A_258, %parallel_loop3A_254 : vector<16xf32>
          %parallel_loop3A_260 = arith.mulf %parallel_loop3A_193, %parallel_loop3A_259 : vector<16xf32>
          %parallel_loop3A_261 = arith.addf %parallel_loop3A_254, %parallel_loop3A_260 : vector<16xf32>
          %parallel_loop3A_262 = arith.constant 16 : i32
          %parallel_loop3A_263 = arith.muli %parallel_loop3A_163, %parallel_loop3A_262 : i32
          %parallel_loop3A_264 = arith.constant 1 : i32
          %parallel_loop3A_265 = arith.constant 3 : i32
          %parallel_loop3A_266 = arith.index_cast %parallel_loop3A_264 : i32 to index
          %parallel_loop3A_267 = arith.index_cast %parallel_loop3A_265 : i32 to index
          %parallel_loop3A_268 = arith.index_cast %parallel_loop3A_263 : i32 to index
          %parallel_loop3A_269 = tpu.vector_load %arg7[%parallel_loop3A_266, %parallel_loop3A_267, %parallel_loop3A_268] {strides = array<i32>} : memref<3x16x1280xf32, #tpu.memory_space<vmem>>, vector<16xf32>,
          tpu.vector_store %arg7[%parallel_loop3A_266, %parallel_loop3A_267, %parallel_loop3A_268], %parallel_loop3A_261 {strides = array<i32>} : memref<3x16x1280xf32, #tpu.memory_space<vmem>>, vector<16xf32>,
          %parallel_loop3A_270 = arith.constant 512 : i32
          %parallel_loop3A_271 = vector.broadcast %parallel_loop3A_270 : i32 to vector<16xi32>
          %parallel_loop3A_272 = arith.addi %parallel_loop3A_185, %parallel_loop3A_271 : vector<16xi32>
          %parallel_loop3A_273 = tpu.vector_load_idx %arg5[%parallel_loop3A_272] : memref<2048xf32, #tpu.memory_space<vmem>>[vector<16xi32>], vector<16xf32>,
          %parallel_loop3A_274 = arith.constant 1 : i32
          %parallel_loop3A_275 = vector.broadcast %parallel_loop3A_274 : i32 to vector<16xi32>
          %parallel_loop3A_276 = arith.addi %parallel_loop3A_272, %parallel_loop3A_275 : vector<16xi32>
          %parallel_loop3A_277 = tpu.vector_load_idx %arg5[%parallel_loop3A_276] : memref<2048xf32, #tpu.memory_space<vmem>>[vector<16xi32>], vector<16xf32>,
          %parallel_loop3A_278 = arith.subf %parallel_loop3A_277, %parallel_loop3A_273 : vector<16xf32>
          %parallel_loop3A_279 = arith.mulf %parallel_loop3A_193, %parallel_loop3A_278 : vector<16xf32>
          %parallel_loop3A_280 = arith.addf %parallel_loop3A_273, %parallel_loop3A_279 : vector<16xf32>
          %parallel_loop3A_281 = arith.constant 16 : i32
          %parallel_loop3A_282 = arith.muli %parallel_loop3A_163, %parallel_loop3A_281 : i32
          %parallel_loop3A_283 = arith.constant 1 : i32
          %parallel_loop3A_284 = arith.constant 4 : i32
          %parallel_loop3A_285 = arith.index_cast %parallel_loop3A_283 : i32 to index
          %parallel_loop3A_286 = arith.index_cast %parallel_loop3A_284 : i32 to index
          %parallel_loop3A_287 = arith.index_cast %parallel_loop3A_282 : i32 to index
          %parallel_loop3A_288 = tpu.vector_load %arg7[%parallel_loop3A_285, %parallel_loop3A_286, %parallel_loop3A_287] {strides = array<i32>} : memref<3x16x1280xf32, #tpu.memory_space<vmem>>, vector<16xf32>,
          tpu.vector_store %arg7[%parallel_loop3A_285, %parallel_loop3A_286, %parallel_loop3A_287], %parallel_loop3A_280 {strides = array<i32>} : memref<3x16x1280xf32, #tpu.memory_space<vmem>>, vector<16xf32>,
          %parallel_loop3A_289 = arith.constant 640 : i32
          %parallel_loop3A_290 = vector.broadcast %parallel_loop3A_289 : i32 to vector<16xi32>
          %parallel_loop3A_291 = arith.addi %parallel_loop3A_185, %parallel_loop3A_290 : vector<16xi32>
          %parallel_loop3A_292 = tpu.vector_load_idx %arg5[%parallel_loop3A_291] : memref<2048xf32, #tpu.memory_space<vmem>>[vector<16xi32>], vector<16xf32>,
          %parallel_loop3A_293 = arith.constant 1 : i32
          %parallel_loop3A_294 = vector.broadcast %parallel_loop3A_293 : i32 to vector<16xi32>
          %parallel_loop3A_295 = arith.addi %parallel_loop3A_291, %parallel_loop3A_294 : vector<16xi32>
          %parallel_loop3A_296 = tpu.vector_load_idx %arg5[%parallel_loop3A_295] : memref<2048xf32, #tpu.memory_space<vmem>>[vector<16xi32>], vector<16xf32>,
          %parallel_loop3A_297 = arith.subf %parallel_loop3A_296, %parallel_loop3A_292 : vector<16xf32>
          %parallel_loop3A_298 = arith.mulf %parallel_loop3A_193, %parallel_loop3A_297 : vector<16xf32>
          %parallel_loop3A_299 = arith.addf %parallel_loop3A_292, %parallel_loop3A_298 : vector<16xf32>
          %parallel_loop3A_300 = arith.constant 16 : i32
          %parallel_loop3A_301 = arith.muli %parallel_loop3A_163, %parallel_loop3A_300 : i32
          %parallel_loop3A_302 = arith.constant 1 : i32
          %parallel_loop3A_303 = arith.constant 5 : i32
          %parallel_loop3A_304 = arith.index_cast %parallel_loop3A_302 : i32 to index
          %parallel_loop3A_305 = arith.index_cast %parallel_loop3A_303 : i32 to index
          %parallel_loop3A_306 = arith.index_cast %parallel_loop3A_301 : i32 to index
          %parallel_loop3A_307 = tpu.vector_load %arg7[%parallel_loop3A_304, %parallel_loop3A_305, %parallel_loop3A_306] {strides = array<i32>} : memref<3x16x1280xf32, #tpu.memory_space<vmem>>, vector<16xf32>,
          tpu.vector_store %arg7[%parallel_loop3A_304, %parallel_loop3A_305, %parallel_loop3A_306], %parallel_loop3A_299 {strides = array<i32>} : memref<3x16x1280xf32, #tpu.memory_space<vmem>>, vector<16xf32>,
          %parallel_loop3A_308 = arith.constant 768 : i32
          %parallel_loop3A_309 = vector.broadcast %parallel_loop3A_308 : i32 to vector<16xi32>
          %parallel_loop3A_310 = arith.addi %parallel_loop3A_185, %parallel_loop3A_309 : vector<16xi32>
          %parallel_loop3A_311 = tpu.vector_load_idx %arg5[%parallel_loop3A_310] : memref<2048xf32, #tpu.memory_space<vmem>>[vector<16xi32>], vector<16xf32>,
          %parallel_loop3A_312 = arith.constant 1 : i32
          %parallel_loop3A_313 = vector.broadcast %parallel_loop3A_312 : i32 to vector<16xi32>
          %parallel_loop3A_314 = arith.addi %parallel_loop3A_310, %parallel_loop3A_313 : vector<16xi32>
          %parallel_loop3A_315 = tpu.vector_load_idx %arg5[%parallel_loop3A_314] : memref<2048xf32, #tpu.memory_space<vmem>>[vector<16xi32>], vector<16xf32>,
          %parallel_loop3A_316 = arith.subf %parallel_loop3A_315, %parallel_loop3A_311 : vector<16xf32>
          %parallel_loop3A_317 = arith.mulf %parallel_loop3A_193, %parallel_loop3A_316 : vector<16xf32>
          %parallel_loop3A_318 = arith.addf %parallel_loop3A_311, %parallel_loop3A_317 : vector<16xf32>
          %parallel_loop3A_319 = arith.constant 16 : i32
          %parallel_loop3A_320 = arith.muli %parallel_loop3A_163, %parallel_loop3A_319 : i32
          %parallel_loop3A_321 = arith.constant 1 : i32
          %parallel_loop3A_322 = arith.constant 6 : i32
          %parallel_loop3A_323 = arith.index_cast %parallel_loop3A_321 : i32 to index
          %parallel_loop3A_324 = arith.index_cast %parallel_loop3A_322 : i32 to index
          %parallel_loop3A_325 = arith.index_cast %parallel_loop3A_320 : i32 to index
          %parallel_loop3A_326 = tpu.vector_load %arg7[%parallel_loop3A_323, %parallel_loop3A_324, %parallel_loop3A_325] {strides = array<i32>} : memref<3x16x1280xf32, #tpu.memory_space<vmem>>, vector<16xf32>,
          tpu.vector_store %arg7[%parallel_loop3A_323, %parallel_loop3A_324, %parallel_loop3A_325], %parallel_loop3A_318 {strides = array<i32>} : memref<3x16x1280xf32, #tpu.memory_space<vmem>>, vector<16xf32>,
          %parallel_loop3A_327 = arith.constant 896 : i32
          %parallel_loop3A_328 = vector.broadcast %parallel_loop3A_327 : i32 to vector<16xi32>
          %parallel_loop3A_329 = arith.addi %parallel_loop3A_185, %parallel_loop3A_328 : vector<16xi32>
          %parallel_loop3A_330 = tpu.vector_load_idx %arg5[%parallel_loop3A_329] : memref<2048xf32, #tpu.memory_space<vmem>>[vector<16xi32>], vector<16xf32>,
          %parallel_loop3A_331 = arith.constant 1 : i32
          %parallel_loop3A_332 = vector.broadcast %parallel_loop3A_331 : i32 to vector<16xi32>
          %parallel_loop3A_333 = arith.addi %parallel_loop3A_329, %parallel_loop3A_332 : vector<16xi32>
          %parallel_loop3A_334 = tpu.vector_load_idx %arg5[%parallel_loop3A_333] : memref<2048xf32, #tpu.memory_space<vmem>>[vector<16xi32>], vector<16xf32>,
          %parallel_loop3A_335 = arith.subf %parallel_loop3A_334, %parallel_loop3A_330 : vector<16xf32>
          %parallel_loop3A_336 = arith.mulf %parallel_loop3A_193, %parallel_loop3A_335 : vector<16xf32>
          %parallel_loop3A_337 = arith.addf %parallel_loop3A_330, %parallel_loop3A_336 : vector<16xf32>
          %parallel_loop3A_338 = arith.constant 16 : i32
          %parallel_loop3A_339 = arith.muli %parallel_loop3A_163, %parallel_loop3A_338 : i32
          %parallel_loop3A_340 = arith.constant 1 : i32
          %parallel_loop3A_341 = arith.constant 7 : i32
          %parallel_loop3A_342 = arith.index_cast %parallel_loop3A_340 : i32 to index
          %parallel_loop3A_343 = arith.index_cast %parallel_loop3A_341 : i32 to index
          %parallel_loop3A_344 = arith.index_cast %parallel_loop3A_339 : i32 to index
          %parallel_loop3A_345 = tpu.vector_load %arg7[%parallel_loop3A_342, %parallel_loop3A_343, %parallel_loop3A_344] {strides = array<i32>} : memref<3x16x1280xf32, #tpu.memory_space<vmem>>, vector<16xf32>,
          tpu.vector_store %arg7[%parallel_loop3A_342, %parallel_loop3A_343, %parallel_loop3A_344], %parallel_loop3A_337 {strides = array<i32>} : memref<3x16x1280xf32, #tpu.memory_space<vmem>>, vector<16xf32>,
          %parallel_loop3A_346 = arith.constant 1024 : i32
          %parallel_loop3A_347 = vector.broadcast %parallel_loop3A_346 : i32 to vector<16xi32>
          %parallel_loop3A_348 = arith.addi %parallel_loop3A_185, %parallel_loop3A_347 : vector<16xi32>
          %parallel_loop3A_349 = tpu.vector_load_idx %arg5[%parallel_loop3A_348] : memref<2048xf32, #tpu.memory_space<vmem>>[vector<16xi32>], vector<16xf32>,
          %parallel_loop3A_350 = arith.constant 1 : i32
          %parallel_loop3A_351 = vector.broadcast %parallel_loop3A_350 : i32 to vector<16xi32>
          %parallel_loop3A_352 = arith.addi %parallel_loop3A_348, %parallel_loop3A_351 : vector<16xi32>
          %parallel_loop3A_353 = tpu.vector_load_idx %arg5[%parallel_loop3A_352] : memref<2048xf32, #tpu.memory_space<vmem>>[vector<16xi32>], vector<16xf32>,
          %parallel_loop3A_354 = arith.subf %parallel_loop3A_353, %parallel_loop3A_349 : vector<16xf32>
          %parallel_loop3A_355 = arith.mulf %parallel_loop3A_193, %parallel_loop3A_354 : vector<16xf32>
          %parallel_loop3A_356 = arith.addf %parallel_loop3A_349, %parallel_loop3A_355 : vector<16xf32>
          %parallel_loop3A_357 = arith.constant 16 : i32
          %parallel_loop3A_358 = arith.muli %parallel_loop3A_163, %parallel_loop3A_357 : i32
          %parallel_loop3A_359 = arith.constant 1 : i32
          %parallel_loop3A_360 = arith.constant 8 : i32
          %parallel_loop3A_361 = arith.index_cast %parallel_loop3A_359 : i32 to index
          %parallel_loop3A_362 = arith.index_cast %parallel_loop3A_360 : i32 to index
          %parallel_loop3A_363 = arith.index_cast %parallel_loop3A_358 : i32 to index
          %parallel_loop3A_364 = tpu.vector_load %arg7[%parallel_loop3A_361, %parallel_loop3A_362, %parallel_loop3A_363] {strides = array<i32>} : memref<3x16x1280xf32, #tpu.memory_space<vmem>>, vector<16xf32>,
          tpu.vector_store %arg7[%parallel_loop3A_361, %parallel_loop3A_362, %parallel_loop3A_363], %parallel_loop3A_356 {strides = array<i32>} : memref<3x16x1280xf32, #tpu.memory_space<vmem>>, vector<16xf32>,
          %parallel_loop3A_365 = arith.constant 1152 : i32
          %parallel_loop3A_366 = vector.broadcast %parallel_loop3A_365 : i32 to vector<16xi32>
          %parallel_loop3A_367 = arith.addi %parallel_loop3A_185, %parallel_loop3A_366 : vector<16xi32>
          %parallel_loop3A_368 = tpu.vector_load_idx %arg5[%parallel_loop3A_367] : memref<2048xf32, #tpu.memory_space<vmem>>[vector<16xi32>], vector<16xf32>,
          %parallel_loop3A_369 = arith.constant 1 : i32
          %parallel_loop3A_370 = vector.broadcast %parallel_loop3A_369 : i32 to vector<16xi32>
          %parallel_loop3A_371 = arith.addi %parallel_loop3A_367, %parallel_loop3A_370 : vector<16xi32>
          %parallel_loop3A_372 = tpu.vector_load_idx %arg5[%parallel_loop3A_371] : memref<2048xf32, #tpu.memory_space<vmem>>[vector<16xi32>], vector<16xf32>,
          %parallel_loop3A_373 = arith.subf %parallel_loop3A_372, %parallel_loop3A_368 : vector<16xf32>
          %parallel_loop3A_374 = arith.mulf %parallel_loop3A_193, %parallel_loop3A_373 : vector<16xf32>
          %parallel_loop3A_375 = arith.addf %parallel_loop3A_368, %parallel_loop3A_374 : vector<16xf32>
          %parallel_loop3A_376 = arith.constant 16 : i32
          %parallel_loop3A_377 = arith.muli %parallel_loop3A_163, %parallel_loop3A_376 : i32
          %parallel_loop3A_378 = arith.constant 1 : i32
          %parallel_loop3A_379 = arith.constant 9 : i32
          %parallel_loop3A_380 = arith.index_cast %parallel_loop3A_378 : i32 to index
          %parallel_loop3A_381 = arith.index_cast %parallel_loop3A_379 : i32 to index
          %parallel_loop3A_382 = arith.index_cast %parallel_loop3A_377 : i32 to index
          %parallel_loop3A_383 = tpu.vector_load %arg7[%parallel_loop3A_380, %parallel_loop3A_381, %parallel_loop3A_382] {strides = array<i32>} : memref<3x16x1280xf32, #tpu.memory_space<vmem>>, vector<16xf32>,
          tpu.vector_store %arg7[%parallel_loop3A_380, %parallel_loop3A_381, %parallel_loop3A_382], %parallel_loop3A_375 {strides = array<i32>} : memref<3x16x1280xf32, #tpu.memory_space<vmem>>, vector<16xf32>,
          %parallel_loop3A_384 = arith.constant 1280 : i32
          %parallel_loop3A_385 = vector.broadcast %parallel_loop3A_384 : i32 to vector<16xi32>
          %parallel_loop3A_386 = arith.addi %parallel_loop3A_185, %parallel_loop3A_385 : vector<16xi32>
          %parallel_loop3A_387 = tpu.vector_load_idx %arg5[%parallel_loop3A_386] : memref<2048xf32, #tpu.memory_space<vmem>>[vector<16xi32>], vector<16xf32>,
          %parallel_loop3A_388 = arith.constant 1 : i32
          %parallel_loop3A_389 = vector.broadcast %parallel_loop3A_388 : i32 to vector<16xi32>
          %parallel_loop3A_390 = arith.addi %parallel_loop3A_386, %parallel_loop3A_389 : vector<16xi32>
          %parallel_loop3A_391 = tpu.vector_load_idx %arg5[%parallel_loop3A_390] : memref<2048xf32, #tpu.memory_space<vmem>>[vector<16xi32>], vector<16xf32>,
          %parallel_loop3A_392 = arith.subf %parallel_loop3A_391, %parallel_loop3A_387 : vector<16xf32>
          %parallel_loop3A_393 = arith.mulf %parallel_loop3A_193, %parallel_loop3A_392 : vector<16xf32>
          %parallel_loop3A_394 = arith.addf %parallel_loop3A_387, %parallel_loop3A_393 : vector<16xf32>
          %parallel_loop3A_395 = arith.constant 16 : i32
          %parallel_loop3A_396 = arith.muli %parallel_loop3A_163, %parallel_loop3A_395 : i32
          %parallel_loop3A_397 = arith.constant 1 : i32
          %parallel_loop3A_398 = arith.constant 10 : i32
          %parallel_loop3A_399 = arith.index_cast %parallel_loop3A_397 : i32 to index
          %parallel_loop3A_400 = arith.index_cast %parallel_loop3A_398 : i32 to index
          %parallel_loop3A_401 = arith.index_cast %parallel_loop3A_396 : i32 to index
          %parallel_loop3A_402 = tpu.vector_load %arg7[%parallel_loop3A_399, %parallel_loop3A_400, %parallel_loop3A_401] {strides = array<i32>} : memref<3x16x1280xf32, #tpu.memory_space<vmem>>, vector<16xf32>,
          tpu.vector_store %arg7[%parallel_loop3A_399, %parallel_loop3A_400, %parallel_loop3A_401], %parallel_loop3A_394 {strides = array<i32>} : memref<3x16x1280xf32, #tpu.memory_space<vmem>>, vector<16xf32>,
          %parallel_loop3A_403 = arith.constant 1408 : i32
          %parallel_loop3A_404 = vector.broadcast %parallel_loop3A_403 : i32 to vector<16xi32>
          %parallel_loop3A_405 = arith.addi %parallel_loop3A_185, %parallel_loop3A_404 : vector<16xi32>
          %parallel_loop3A_406 = tpu.vector_load_idx %arg5[%parallel_loop3A_405] : memref<2048xf32, #tpu.memory_space<vmem>>[vector<16xi32>], vector<16xf32>,
          %parallel_loop3A_407 = arith.constant 1 : i32
          %parallel_loop3A_408 = vector.broadcast %parallel_loop3A_407 : i32 to vector<16xi32>
          %parallel_loop3A_409 = arith.addi %parallel_loop3A_405, %parallel_loop3A_408 : vector<16xi32>
          %parallel_loop3A_410 = tpu.vector_load_idx %arg5[%parallel_loop3A_409] : memref<2048xf32, #tpu.memory_space<vmem>>[vector<16xi32>], vector<16xf32>,
          %parallel_loop3A_411 = arith.subf %parallel_loop3A_410, %parallel_loop3A_406 : vector<16xf32>
          %parallel_loop3A_412 = arith.mulf %parallel_loop3A_193, %parallel_loop3A_411 : vector<16xf32>
          %parallel_loop3A_413 = arith.addf %parallel_loop3A_406, %parallel_loop3A_412 : vector<16xf32>
          %parallel_loop3A_414 = arith.constant 16 : i32
          %parallel_loop3A_415 = arith.muli %parallel_loop3A_163, %parallel_loop3A_414 : i32
          %parallel_loop3A_416 = arith.constant 1 : i32
          %parallel_loop3A_417 = arith.constant 11 : i32
          %parallel_loop3A_418 = arith.index_cast %parallel_loop3A_416 : i32 to index
          %parallel_loop3A_419 = arith.index_cast %parallel_loop3A_417 : i32 to index
          %parallel_loop3A_420 = arith.index_cast %parallel_loop3A_415 : i32 to index
          %parallel_loop3A_421 = tpu.vector_load %arg7[%parallel_loop3A_418, %parallel_loop3A_419, %parallel_loop3A_420] {strides = array<i32>} : memref<3x16x1280xf32, #tpu.memory_space<vmem>>, vector<16xf32>,
          tpu.vector_store %arg7[%parallel_loop3A_418, %parallel_loop3A_419, %parallel_loop3A_420], %parallel_loop3A_413 {strides = array<i32>} : memref<3x16x1280xf32, #tpu.memory_space<vmem>>, vector<16xf32>,
          %parallel_loop3A_422 = arith.constant 1536 : i32
          %parallel_loop3A_423 = vector.broadcast %parallel_loop3A_422 : i32 to vector<16xi32>
          %parallel_loop3A_424 = arith.addi %parallel_loop3A_185, %parallel_loop3A_423 : vector<16xi32>
          %parallel_loop3A_425 = tpu.vector_load_idx %arg5[%parallel_loop3A_424] : memref<2048xf32, #tpu.memory_space<vmem>>[vector<16xi32>], vector<16xf32>,
          %parallel_loop3A_426 = arith.constant 1 : i32
          %parallel_loop3A_427 = vector.broadcast %parallel_loop3A_426 : i32 to vector<16xi32>
          %parallel_loop3A_428 = arith.addi %parallel_loop3A_424, %parallel_loop3A_427 : vector<16xi32>
          %parallel_loop3A_429 = tpu.vector_load_idx %arg5[%parallel_loop3A_428] : memref<2048xf32, #tpu.memory_space<vmem>>[vector<16xi32>], vector<16xf32>,
          %parallel_loop3A_430 = arith.subf %parallel_loop3A_429, %parallel_loop3A_425 : vector<16xf32>
          %parallel_loop3A_431 = arith.mulf %parallel_loop3A_193, %parallel_loop3A_430 : vector<16xf32>
          %parallel_loop3A_432 = arith.addf %parallel_loop3A_425, %parallel_loop3A_431 : vector<16xf32>
          %parallel_loop3A_433 = arith.constant 16 : i32
          %parallel_loop3A_434 = arith.muli %parallel_loop3A_163, %parallel_loop3A_433 : i32
          %parallel_loop3A_435 = arith.constant 1 : i32
          %parallel_loop3A_436 = arith.constant 12 : i32
          %parallel_loop3A_437 = arith.index_cast %parallel_loop3A_435 : i32 to index
          %parallel_loop3A_438 = arith.index_cast %parallel_loop3A_436 : i32 to index
          %parallel_loop3A_439 = arith.index_cast %parallel_loop3A_434 : i32 to index
          %parallel_loop3A_440 = tpu.vector_load %arg7[%parallel_loop3A_437, %parallel_loop3A_438, %parallel_loop3A_439] {strides = array<i32>} : memref<3x16x1280xf32, #tpu.memory_space<vmem>>, vector<16xf32>,
          tpu.vector_store %arg7[%parallel_loop3A_437, %parallel_loop3A_438, %parallel_loop3A_439], %parallel_loop3A_432 {strides = array<i32>} : memref<3x16x1280xf32, #tpu.memory_space<vmem>>, vector<16xf32>,
          %parallel_loop3A_441 = arith.constant 1664 : i32
          %parallel_loop3A_442 = vector.broadcast %parallel_loop3A_441 : i32 to vector<16xi32>
          %parallel_loop3A_443 = arith.addi %parallel_loop3A_185, %parallel_loop3A_442 : vector<16xi32>
          %parallel_loop3A_444 = tpu.vector_load_idx %arg5[%parallel_loop3A_443] : memref<2048xf32, #tpu.memory_space<vmem>>[vector<16xi32>], vector<16xf32>,
          %parallel_loop3A_445 = arith.constant 1 : i32
          %parallel_loop3A_446 = vector.broadcast %parallel_loop3A_445 : i32 to vector<16xi32>
          %parallel_loop3A_447 = arith.addi %parallel_loop3A_443, %parallel_loop3A_446 : vector<16xi32>
          %parallel_loop3A_448 = tpu.vector_load_idx %arg5[%parallel_loop3A_447] : memref<2048xf32, #tpu.memory_space<vmem>>[vector<16xi32>], vector<16xf32>,
          %parallel_loop3A_449 = arith.subf %parallel_loop3A_448, %parallel_loop3A_444 : vector<16xf32>
          %parallel_loop3A_450 = arith.mulf %parallel_loop3A_193, %parallel_loop3A_449 : vector<16xf32>
          %parallel_loop3A_451 = arith.addf %parallel_loop3A_444, %parallel_loop3A_450 : vector<16xf32>
          %parallel_loop3A_452 = arith.constant 16 : i32
          %parallel_loop3A_453 = arith.muli %parallel_loop3A_163, %parallel_loop3A_452 : i32
          %parallel_loop3A_454 = arith.constant 1 : i32
          %parallel_loop3A_455 = arith.constant 13 : i32
          %parallel_loop3A_456 = arith.index_cast %parallel_loop3A_454 : i32 to index
          %parallel_loop3A_457 = arith.index_cast %parallel_loop3A_455 : i32 to index
          %parallel_loop3A_458 = arith.index_cast %parallel_loop3A_453 : i32 to index
          %parallel_loop3A_459 = tpu.vector_load %arg7[%parallel_loop3A_456, %parallel_loop3A_457, %parallel_loop3A_458] {strides = array<i32>} : memref<3x16x1280xf32, #tpu.memory_space<vmem>>, vector<16xf32>,
          tpu.vector_store %arg7[%parallel_loop3A_456, %parallel_loop3A_457, %parallel_loop3A_458], %parallel_loop3A_451 {strides = array<i32>} : memref<3x16x1280xf32, #tpu.memory_space<vmem>>, vector<16xf32>,
          %parallel_loop3A_460 = arith.constant 1792 : i32
          %parallel_loop3A_461 = vector.broadcast %parallel_loop3A_460 : i32 to vector<16xi32>
          %parallel_loop3A_462 = arith.addi %parallel_loop3A_185, %parallel_loop3A_461 : vector<16xi32>
          %parallel_loop3A_463 = tpu.vector_load_idx %arg5[%parallel_loop3A_462] : memref<2048xf32, #tpu.memory_space<vmem>>[vector<16xi32>], vector<16xf32>,
          %parallel_loop3A_464 = arith.constant 1 : i32
          %parallel_loop3A_465 = vector.broadcast %parallel_loop3A_464 : i32 to vector<16xi32>
          %parallel_loop3A_466 = arith.addi %parallel_loop3A_462, %parallel_loop3A_465 : vector<16xi32>
          %parallel_loop3A_467 = tpu.vector_load_idx %arg5[%parallel_loop3A_466] : memref<2048xf32, #tpu.memory_space<vmem>>[vector<16xi32>], vector<16xf32>,
          %parallel_loop3A_468 = arith.subf %parallel_loop3A_467, %parallel_loop3A_463 : vector<16xf32>
          %parallel_loop3A_469 = arith.mulf %parallel_loop3A_193, %parallel_loop3A_468 : vector<16xf32>
          %parallel_loop3A_470 = arith.addf %parallel_loop3A_463, %parallel_loop3A_469 : vector<16xf32>
          %parallel_loop3A_471 = arith.constant 16 : i32
          %parallel_loop3A_472 = arith.muli %parallel_loop3A_163, %parallel_loop3A_471 : i32
          %parallel_loop3A_473 = arith.constant 1 : i32
          %parallel_loop3A_474 = arith.constant 14 : i32
          %parallel_loop3A_475 = arith.index_cast %parallel_loop3A_473 : i32 to index
          %parallel_loop3A_476 = arith.index_cast %parallel_loop3A_474 : i32 to index
          %parallel_loop3A_477 = arith.index_cast %parallel_loop3A_472 : i32 to index
          %parallel_loop3A_478 = tpu.vector_load %arg7[%parallel_loop3A_475, %parallel_loop3A_476, %parallel_loop3A_477] {strides = array<i32>} : memref<3x16x1280xf32, #tpu.memory_space<vmem>>, vector<16xf32>,
          tpu.vector_store %arg7[%parallel_loop3A_475, %parallel_loop3A_476, %parallel_loop3A_477], %parallel_loop3A_470 {strides = array<i32>} : memref<3x16x1280xf32, #tpu.memory_space<vmem>>, vector<16xf32>,
          %parallel_loop3A_479 = arith.constant 1920 : i32
          %parallel_loop3A_480 = vector.broadcast %parallel_loop3A_479 : i32 to vector<16xi32>
          %parallel_loop3A_481 = arith.addi %parallel_loop3A_185, %parallel_loop3A_480 : vector<16xi32>
          %parallel_loop3A_482 = tpu.vector_load_idx %arg5[%parallel_loop3A_481] : memref<2048xf32, #tpu.memory_space<vmem>>[vector<16xi32>], vector<16xf32>,
          %parallel_loop3A_483 = arith.constant 1 : i32
          %parallel_loop3A_484 = vector.broadcast %parallel_loop3A_483 : i32 to vector<16xi32>
          %parallel_loop3A_485 = arith.addi %parallel_loop3A_481, %parallel_loop3A_484 : vector<16xi32>
          %parallel_loop3A_486 = tpu.vector_load_idx %arg5[%parallel_loop3A_485] : memref<2048xf32, #tpu.memory_space<vmem>>[vector<16xi32>], vector<16xf32>,
          %parallel_loop3A_487 = arith.subf %parallel_loop3A_486, %parallel_loop3A_482 : vector<16xf32>
          %parallel_loop3A_488 = arith.mulf %parallel_loop3A_193, %parallel_loop3A_487 : vector<16xf32>
          %parallel_loop3A_489 = arith.addf %parallel_loop3A_482, %parallel_loop3A_488 : vector<16xf32>
          %parallel_loop3A_490 = arith.constant 16 : i32
          %parallel_loop3A_491 = arith.muli %parallel_loop3A_163, %parallel_loop3A_490 : i32
          %parallel_loop3A_492 = arith.constant 1 : i32
          %parallel_loop3A_493 = arith.constant 15 : i32
          %parallel_loop3A_494 = arith.index_cast %parallel_loop3A_492 : i32 to index
          %parallel_loop3A_495 = arith.index_cast %parallel_loop3A_493 : i32 to index
          %parallel_loop3A_496 = arith.index_cast %parallel_loop3A_491 : i32 to index
          %parallel_loop3A_497 = tpu.vector_load %arg7[%parallel_loop3A_494, %parallel_loop3A_495, %parallel_loop3A_496] {strides = array<i32>} : memref<3x16x1280xf32, #tpu.memory_space<vmem>>, vector<16xf32>,
          tpu.vector_store %arg7[%parallel_loop3A_494, %parallel_loop3A_495, %parallel_loop3A_496], %parallel_loop3A_489 {strides = array<i32>} : memref<3x16x1280xf32, #tpu.memory_space<vmem>>, vector<16xf32>,
        } {sc.loop_unroll_factor = 8 : i64, sc.parallel_access}
        %mul3A_142 = arith.constant 32 : i32
        %mul3A_143 = arith.muli %mul3A_142, %add3A_96 : i32
        %add3A_144 = arith.addi %add3A, %mul3A_143 : i32
        %mul3A_145 = arith.constant 1280 : i32
        %mul3A_146 = arith.muli %add3A_144, %mul3A_145 : i32
        %dma_start3A_147 = arith.constant 1 : i32
        %dma_start3A_148 = arith.constant 1 : i32
        %dma_start3A_149 = arith.constant 0 : i32
        %dma_start3A_150 = arith.constant 0 : i32
        %dma_start3A_151 = tpu.memref_slice %arg7[%dma_start3A_147, %dma_start3A_149, %dma_start3A_150] : memref<3x16x1280xf32, #tpu.memory_space<vmem>> -> memref<1x16x1280xf32, #tpu.memory_space<vmem>>
        %dma_start3A_152 = tpu.memref_squeeze %dma_start3A_151 : memref<1x16x1280xf32, #tpu.memory_space<vmem>> -> memref<16x1280xf32, #tpu.memory_space<vmem>>
        %dma_start3A_153 = arith.constant 0 : i32
        %dma_start3A_154 = tpu.memref_slice %arg4[%dma_start3A_153, %mul3A_146] : memref<16x4000000xf32, #tpu.memory_space<hbm>> -> memref<16x1280xf32, #tpu.memory_space<hbm>>
        %dma_start3A_155 = tpu.memref_slice %arg9[%dma_start3A_148] : memref<3x!tpu.dma_semaphore, #tpu.memory_space<semaphore_mem>> -> memref<1x!tpu.dma_semaphore, #tpu.memory_space<semaphore_mem>>
        %dma_start3A_156 = tpu.memref_squeeze %dma_start3A_155 : memref<1x!tpu.dma_semaphore, #tpu.memory_space<semaphore_mem>> -> memref<!tpu.dma_semaphore, #tpu.memory_space<semaphore_mem>>
        %dma_start3A_157 = arith.constant 0 : i32
        %dma_start3A_158 = tpu.memref_slice %arg4[%dma_start3A_157, %mul3A_146] : memref<16x4000000xf32, #tpu.memory_space<hbm>> -> memref<16x1280xf32, #tpu.memory_space<hbm>>
        %dma_start3A_159 = arith.constant 0 : i32
        %dma_start3A_160 = arith.constant 0 : i32
        %dma_start3A_161 = tpu.memref_slice %arg7[%dma_start3A_147, %dma_start3A_159, %dma_start3A_160] : memref<3x16x1280xf32, #tpu.memory_space<vmem>> -> memref<1x16x1280xf32, #tpu.memory_space<vmem>>
        %dma_start3A_162 = tpu.memref_squeeze %dma_start3A_161 : memref<1x16x1280xf32, #tpu.memory_space<vmem>> -> memref<16x1280xf32, #tpu.memory_space<vmem>>
        tpu.enqueue_dma source(%dma_start3A_162 : memref<16x1280xf32, #tpu.memory_space<vmem>>) target(%dma_start3A_158 : memref<16x1280xf32, #tpu.memory_space<hbm>>) target_semaphore(%dma_start3A_156 : memref<!tpu.dma_semaphore, #tpu.memory_space<semaphore_mem>>)
      } else {
      }
      %add3A_105 = arith.constant 2 : i32
      %add3A_106 = arith.addi %add3A_84, %add3A_105 : i32
      %mul3A_107 = arith.constant 32 : i32
      %mul3A_108 = arith.muli %mul3A_107, %add3A_106 : i32
      %add3A_109 = arith.addi %add3A, %mul3A_108 : i32
      %lt3A_110 = arith.constant 3125 : i32
      %lt3A_111 = arith.cmpi slt, %add3A_109, %lt3A_110 : i32
      %convert_element_type3A_112 = arith.extui %lt3A_111 : i1 to i32
      %cond3A_113 = arith.constant 0 : i32
      %cond3A_114 = arith.cmpi ne, %convert_element_type3A_112, %cond3A_113 : i32
      scf.if %cond3A_114 {
        %mul3A_115 = arith.constant 32 : i32
        %mul3A_116 = arith.muli %mul3A_115, %add3A_106 : i32
        %add3A_117 = arith.addi %add3A, %mul3A_116 : i32
        %mul3A_118 = arith.constant 1280 : i32
        %mul3A_119 = arith.muli %add3A_117, %mul3A_118 : i32
        %dma_wait3A_120 = arith.constant 2 : i32
        %dma_wait3A_121 = arith.constant 2560 : i32
        %dma_wait3A_122 = tpu.memref_slice %arg6[%dma_wait3A_121] : memref<3840xf32, #tpu.memory_space<vmem>> -> memref<1280xf32, #tpu.memory_space<vmem>>
        %dma_wait3A_123 = tpu.memref_slice %arg3[%mul3A_119] : memref<4000000xf32, #tpu.memory_space<hbm>> -> memref<1280xf32, #tpu.memory_space<hbm>>
        %dma_wait3A_124 = tpu.memref_slice %arg8[%dma_wait3A_120] : memref<3x!tpu.dma_semaphore, #tpu.memory_space<semaphore_mem>> -> memref<1x!tpu.dma_semaphore, #tpu.memory_space<semaphore_mem>>
        %dma_wait3A_125 = tpu.memref_squeeze %dma_wait3A_124 : memref<1x!tpu.dma_semaphore, #tpu.memory_space<semaphore_mem>> -> memref<!tpu.dma_semaphore, #tpu.memory_space<semaphore_mem>>
        %dma_wait3A_126 = arith.constant 2560 : i32
        %dma_wait3A_127 = tpu.memref_slice %arg6[%dma_wait3A_126] : memref<3840xf32, #tpu.memory_space<vmem>> -> memref<1280xf32, #tpu.memory_space<vmem>>
        %dma_wait3A_128 = tpu.memref_slice %arg3[%mul3A_119] : memref<4000000xf32, #tpu.memory_space<hbm>> -> memref<1280xf32, #tpu.memory_space<hbm>>
        tpu.wait_dma2 semaphore(%dma_wait3A_125 : memref<!tpu.dma_semaphore, #tpu.memory_space<semaphore_mem>>) src(%dma_wait3A_128 : memref<1280xf32, #tpu.memory_space<hbm>>) dst(%dma_wait3A_127 : memref<1280xf32, #tpu.memory_space<vmem>>)
        %add3A_129 = arith.constant 64 : i32
        %add3A_130 = arith.addi %add3A_109, %add3A_129 : i32
        %lt3A_131 = arith.constant 3125 : i32
        %lt3A_132 = arith.cmpi slt, %add3A_130, %lt3A_131 : i32
        %convert_element_type3A_133 = arith.extui %lt3A_132 : i1 to i32
        %cond3A_134 = arith.constant 0 : i32
        %cond3A_135 = arith.cmpi ne, %convert_element_type3A_133, %cond3A_134 : i32
        scf.if %cond3A_135 {
          %add3A_163 = arith.constant 2 : i32
          %add3A_164 = arith.addi %add3A_106, %add3A_163 : i32
          %mul3A_165 = arith.constant 32 : i32
          %mul3A_166 = arith.muli %mul3A_165, %add3A_164 : i32
          %add3A_167 = arith.addi %add3A, %mul3A_166 : i32
          %mul3A_168 = arith.constant 1280 : i32
          %mul3A_169 = arith.muli %add3A_167, %mul3A_168 : i32
          %dma_start3A_170 = arith.constant 1 : i32
          %dma_start3A_171 = arith.constant 1280 : i32
          %dma_start3A_172 = tpu.memref_slice %arg6[%dma_start3A_171] : memref<3840xf32, #tpu.memory_space<vmem>> -> memref<1280xf32, #tpu.memory_space<vmem>>
          %dma_start3A_173 = tpu.memref_slice %arg3[%mul3A_169] : memref<4000000xf32, #tpu.memory_space<hbm>> -> memref<1280xf32, #tpu.memory_space<hbm>>
          %dma_start3A_174 = tpu.memref_slice %arg8[%dma_start3A_170] : memref<3x!tpu.dma_semaphore, #tpu.memory_space<semaphore_mem>> -> memref<1x!tpu.dma_semaphore, #tpu.memory_space<semaphore_mem>>
          %dma_start3A_175 = tpu.memref_squeeze %dma_start3A_174 : memref<1x!tpu.dma_semaphore, #tpu.memory_space<semaphore_mem>> -> memref<!tpu.dma_semaphore, #tpu.memory_space<semaphore_mem>>
          %dma_start3A_176 = arith.constant 1280 : i32
          %dma_start3A_177 = tpu.memref_slice %arg6[%dma_start3A_176] : memref<3840xf32, #tpu.memory_space<vmem>> -> memref<1280xf32, #tpu.memory_space<vmem>>
          %dma_start3A_178 = tpu.memref_slice %arg3[%mul3A_169] : memref<4000000xf32, #tpu.memory_space<hbm>> -> memref<1280xf32, #tpu.memory_space<hbm>>
          tpu.enqueue_dma source(%dma_start3A_178 : memref<1280xf32, #tpu.memory_space<hbm>>) target(%dma_start3A_177 : memref<1280xf32, #tpu.memory_space<vmem>>) target_semaphore(%dma_start3A_175 : memref<!tpu.dma_semaphore, #tpu.memory_space<semaphore_mem>>)
        } else {
        }
        %ge3A = arith.constant 3 : i32
        %ge3A_136 = arith.cmpi sge, %add3A_106, %ge3A : i32
        %convert_element_type3A_137 = arith.extui %ge3A_136 : i1 to i32
        %cond3A_138 = arith.constant 0 : i32
        %cond3A_139 = arith.cmpi ne, %convert_element_type3A_137, %cond3A_138 : i32
        scf.if %cond3A_139 {
          %mul3A_163 = arith.constant 32 : i32
          %mul3A_164 = arith.muli %mul3A_163, %add3A_106 : i32
          %add3A_165 = arith.addi %add3A, %mul3A_164 : i32
          %mul3A_166 = arith.constant 1280 : i32
          %mul3A_167 = arith.muli %add3A_165, %mul3A_166 : i32
          %dma_wait3A_168 = arith.constant 2 : i32
          %dma_wait3A_169 = arith.constant 2 : i32
          %dma_wait3A_170 = arith.constant 0 : i32
          %dma_wait3A_171 = arith.constant 0 : i32
          %dma_wait3A_172 = tpu.memref_slice %arg7[%dma_wait3A_168, %dma_wait3A_170, %dma_wait3A_171] : memref<3x16x1280xf32, #tpu.memory_space<vmem>> -> memref<1x16x1280xf32, #tpu.memory_space<vmem>>
          %dma_wait3A_173 = tpu.memref_squeeze %dma_wait3A_172 : memref<1x16x1280xf32, #tpu.memory_space<vmem>> -> memref<16x1280xf32, #tpu.memory_space<vmem>>
          %dma_wait3A_174 = arith.constant 0 : i32
          %dma_wait3A_175 = tpu.memref_slice %arg4[%dma_wait3A_174, %mul3A_167] : memref<16x4000000xf32, #tpu.memory_space<hbm>> -> memref<16x1280xf32, #tpu.memory_space<hbm>>
          %dma_wait3A_176 = tpu.memref_slice %arg9[%dma_wait3A_169] : memref<3x!tpu.dma_semaphore, #tpu.memory_space<semaphore_mem>> -> memref<1x!tpu.dma_semaphore, #tpu.memory_space<semaphore_mem>>
          %dma_wait3A_177 = tpu.memref_squeeze %dma_wait3A_176 : memref<1x!tpu.dma_semaphore, #tpu.memory_space<semaphore_mem>> -> memref<!tpu.dma_semaphore, #tpu.memory_space<semaphore_mem>>
          %dma_wait3A_178 = arith.constant 0 : i32
          %dma_wait3A_179 = tpu.memref_slice %arg4[%dma_wait3A_178, %mul3A_167] : memref<16x4000000xf32, #tpu.memory_space<hbm>> -> memref<16x1280xf32, #tpu.memory_space<hbm>>
          %dma_wait3A_180 = arith.constant 0 : i32
          %dma_wait3A_181 = arith.constant 0 : i32
          %dma_wait3A_182 = tpu.memref_slice %arg7[%dma_wait3A_168, %dma_wait3A_180, %dma_wait3A_181] : memref<3x16x1280xf32, #tpu.memory_space<vmem>> -> memref<1x16x1280xf32, #tpu.memory_space<vmem>>
          %dma_wait3A_183 = tpu.memref_squeeze %dma_wait3A_182 : memref<1x16x1280xf32, #tpu.memory_space<vmem>> -> memref<16x1280xf32, #tpu.memory_space<vmem>>
          tpu.wait_dma2 semaphore(%dma_wait3A_177 : memref<!tpu.dma_semaphore, #tpu.memory_space<semaphore_mem>>) src(%dma_wait3A_183 : memref<16x1280xf32, #tpu.memory_space<vmem>>) dst(%dma_wait3A_179 : memref<16x1280xf32, #tpu.memory_space<hbm>>)
        } else {
        }
        %parallel_loop3A = arith.constant 0 : i32
        %parallel_loop3A_140 = arith.constant 80 : i32
        %parallel_loop3A_141 = arith.constant 1 : i32
        scf.for %parallel_loop3A_163 = %parallel_loop3A to %parallel_loop3A_140 step %parallel_loop3A_141  : i32 {
          %parallel_loop3A_164 = arith.constant 16 : i32
          %parallel_loop3A_165 = arith.muli %parallel_loop3A_163, %parallel_loop3A_164 : i32
          %parallel_loop3A_166 = arith.constant 2560 : i32
          %parallel_loop3A_167 = arith.addi %parallel_loop3A_166, %parallel_loop3A_165 : i32
          %parallel_loop3A_168 = arith.index_cast %parallel_loop3A_167 : i32 to index
          %parallel_loop3A_169 = tpu.vector_load %arg6[%parallel_loop3A_168] {strides = array<i32>} : memref<3840xf32, #tpu.memory_space<vmem>>, vector<16xf32>,
          %parallel_loop3A_170 = arith.constant 0.000000e+00 : f32
          %parallel_loop3A_171 = vector.broadcast %parallel_loop3A_170 : f32 to vector<16xf32>
          %parallel_loop3A_172 = arith.maximumf %parallel_loop3A_169, %parallel_loop3A_171 : vector<16xf32>
          %parallel_loop3A_173 = arith.constant 5.000000e+00 : f32
          %parallel_loop3A_174 = vector.broadcast %parallel_loop3A_173 : f32 to vector<16xf32>
          %parallel_loop3A_175 = arith.minimumf %parallel_loop3A_172, %parallel_loop3A_174 : vector<16xf32>
          %parallel_loop3A_176 = arith.constant 2.540000e+01 : f32
          %parallel_loop3A_177 = vector.broadcast %parallel_loop3A_176 : f32 to vector<16xf32>
          %parallel_loop3A_178 = arith.mulf %parallel_loop3A_175, %parallel_loop3A_177 : vector<16xf32>
          %parallel_loop3A_179 = arith.fptosi %parallel_loop3A_178 : vector<16xf32> to vector<16xi32>
          %parallel_loop3A_180 = arith.constant 0 : i32
          %parallel_loop3A_181 = vector.broadcast %parallel_loop3A_180 : i32 to vector<16xi32>
          %parallel_loop3A_182 = arith.maxsi %parallel_loop3A_179, %parallel_loop3A_181 : vector<16xi32>
          %parallel_loop3A_183 = arith.constant 126 : i32
          %parallel_loop3A_184 = vector.broadcast %parallel_loop3A_183 : i32 to vector<16xi32>
          %parallel_loop3A_185 = arith.minsi %parallel_loop3A_182, %parallel_loop3A_184 : vector<16xi32>
          %parallel_loop3A_186 = arith.sitofp %parallel_loop3A_185 : vector<16xi32> to vector<16xf32>
          %parallel_loop3A_187 = arith.constant 0.0393700786 : f32
          %parallel_loop3A_188 = vector.broadcast %parallel_loop3A_187 : f32 to vector<16xf32>
          %parallel_loop3A_189 = arith.mulf %parallel_loop3A_186, %parallel_loop3A_188 : vector<16xf32>
          %parallel_loop3A_190 = arith.subf %parallel_loop3A_169, %parallel_loop3A_189 : vector<16xf32>
          %parallel_loop3A_191 = arith.constant 2.540000e+01 : f32
          %parallel_loop3A_192 = vector.broadcast %parallel_loop3A_191 : f32 to vector<16xf32>
          %parallel_loop3A_193 = arith.mulf %parallel_loop3A_190, %parallel_loop3A_192 : vector<16xf32>
          %parallel_loop3A_194 = arith.constant 0 : i32
          %parallel_loop3A_195 = vector.broadcast %parallel_loop3A_194 : i32 to vector<16xi32>
          %parallel_loop3A_196 = arith.addi %parallel_loop3A_185, %parallel_loop3A_195 : vector<16xi32>
          %parallel_loop3A_197 = tpu.vector_load_idx %arg5[%parallel_loop3A_196] : memref<2048xf32, #tpu.memory_space<vmem>>[vector<16xi32>], vector<16xf32>,
          %parallel_loop3A_198 = arith.constant 1 : i32
          %parallel_loop3A_199 = vector.broadcast %parallel_loop3A_198 : i32 to vector<16xi32>
          %parallel_loop3A_200 = arith.addi %parallel_loop3A_196, %parallel_loop3A_199 : vector<16xi32>
          %parallel_loop3A_201 = tpu.vector_load_idx %arg5[%parallel_loop3A_200] : memref<2048xf32, #tpu.memory_space<vmem>>[vector<16xi32>], vector<16xf32>,
          %parallel_loop3A_202 = arith.subf %parallel_loop3A_201, %parallel_loop3A_197 : vector<16xf32>
          %parallel_loop3A_203 = arith.mulf %parallel_loop3A_193, %parallel_loop3A_202 : vector<16xf32>
          %parallel_loop3A_204 = arith.addf %parallel_loop3A_197, %parallel_loop3A_203 : vector<16xf32>
          %parallel_loop3A_205 = arith.constant 16 : i32
          %parallel_loop3A_206 = arith.muli %parallel_loop3A_163, %parallel_loop3A_205 : i32
          %parallel_loop3A_207 = arith.constant 2 : i32
          %parallel_loop3A_208 = arith.constant 0 : i32
          %parallel_loop3A_209 = arith.index_cast %parallel_loop3A_207 : i32 to index
          %parallel_loop3A_210 = arith.index_cast %parallel_loop3A_208 : i32 to index
          %parallel_loop3A_211 = arith.index_cast %parallel_loop3A_206 : i32 to index
          %parallel_loop3A_212 = tpu.vector_load %arg7[%parallel_loop3A_209, %parallel_loop3A_210, %parallel_loop3A_211] {strides = array<i32>} : memref<3x16x1280xf32, #tpu.memory_space<vmem>>, vector<16xf32>,
          tpu.vector_store %arg7[%parallel_loop3A_209, %parallel_loop3A_210, %parallel_loop3A_211], %parallel_loop3A_204 {strides = array<i32>} : memref<3x16x1280xf32, #tpu.memory_space<vmem>>, vector<16xf32>,
          %parallel_loop3A_213 = arith.constant 128 : i32
          %parallel_loop3A_214 = vector.broadcast %parallel_loop3A_213 : i32 to vector<16xi32>
          %parallel_loop3A_215 = arith.addi %parallel_loop3A_185, %parallel_loop3A_214 : vector<16xi32>
          %parallel_loop3A_216 = tpu.vector_load_idx %arg5[%parallel_loop3A_215] : memref<2048xf32, #tpu.memory_space<vmem>>[vector<16xi32>], vector<16xf32>,
          %parallel_loop3A_217 = arith.constant 1 : i32
          %parallel_loop3A_218 = vector.broadcast %parallel_loop3A_217 : i32 to vector<16xi32>
          %parallel_loop3A_219 = arith.addi %parallel_loop3A_215, %parallel_loop3A_218 : vector<16xi32>
          %parallel_loop3A_220 = tpu.vector_load_idx %arg5[%parallel_loop3A_219] : memref<2048xf32, #tpu.memory_space<vmem>>[vector<16xi32>], vector<16xf32>,
          %parallel_loop3A_221 = arith.subf %parallel_loop3A_220, %parallel_loop3A_216 : vector<16xf32>
          %parallel_loop3A_222 = arith.mulf %parallel_loop3A_193, %parallel_loop3A_221 : vector<16xf32>
          %parallel_loop3A_223 = arith.addf %parallel_loop3A_216, %parallel_loop3A_222 : vector<16xf32>
          %parallel_loop3A_224 = arith.constant 16 : i32
          %parallel_loop3A_225 = arith.muli %parallel_loop3A_163, %parallel_loop3A_224 : i32
          %parallel_loop3A_226 = arith.constant 2 : i32
          %parallel_loop3A_227 = arith.constant 1 : i32
          %parallel_loop3A_228 = arith.index_cast %parallel_loop3A_226 : i32 to index
          %parallel_loop3A_229 = arith.index_cast %parallel_loop3A_227 : i32 to index
          %parallel_loop3A_230 = arith.index_cast %parallel_loop3A_225 : i32 to index
          %parallel_loop3A_231 = tpu.vector_load %arg7[%parallel_loop3A_228, %parallel_loop3A_229, %parallel_loop3A_230] {strides = array<i32>} : memref<3x16x1280xf32, #tpu.memory_space<vmem>>, vector<16xf32>,
          tpu.vector_store %arg7[%parallel_loop3A_228, %parallel_loop3A_229, %parallel_loop3A_230], %parallel_loop3A_223 {strides = array<i32>} : memref<3x16x1280xf32, #tpu.memory_space<vmem>>, vector<16xf32>,
          %parallel_loop3A_232 = arith.constant 256 : i32
          %parallel_loop3A_233 = vector.broadcast %parallel_loop3A_232 : i32 to vector<16xi32>
          %parallel_loop3A_234 = arith.addi %parallel_loop3A_185, %parallel_loop3A_233 : vector<16xi32>
          %parallel_loop3A_235 = tpu.vector_load_idx %arg5[%parallel_loop3A_234] : memref<2048xf32, #tpu.memory_space<vmem>>[vector<16xi32>], vector<16xf32>,
          %parallel_loop3A_236 = arith.constant 1 : i32
          %parallel_loop3A_237 = vector.broadcast %parallel_loop3A_236 : i32 to vector<16xi32>
          %parallel_loop3A_238 = arith.addi %parallel_loop3A_234, %parallel_loop3A_237 : vector<16xi32>
          %parallel_loop3A_239 = tpu.vector_load_idx %arg5[%parallel_loop3A_238] : memref<2048xf32, #tpu.memory_space<vmem>>[vector<16xi32>], vector<16xf32>,
          %parallel_loop3A_240 = arith.subf %parallel_loop3A_239, %parallel_loop3A_235 : vector<16xf32>
          %parallel_loop3A_241 = arith.mulf %parallel_loop3A_193, %parallel_loop3A_240 : vector<16xf32>
          %parallel_loop3A_242 = arith.addf %parallel_loop3A_235, %parallel_loop3A_241 : vector<16xf32>
          %parallel_loop3A_243 = arith.constant 16 : i32
          %parallel_loop3A_244 = arith.muli %parallel_loop3A_163, %parallel_loop3A_243 : i32
          %parallel_loop3A_245 = arith.constant 2 : i32
          %parallel_loop3A_246 = arith.constant 2 : i32
          %parallel_loop3A_247 = arith.index_cast %parallel_loop3A_245 : i32 to index
          %parallel_loop3A_248 = arith.index_cast %parallel_loop3A_246 : i32 to index
          %parallel_loop3A_249 = arith.index_cast %parallel_loop3A_244 : i32 to index
          %parallel_loop3A_250 = tpu.vector_load %arg7[%parallel_loop3A_247, %parallel_loop3A_248, %parallel_loop3A_249] {strides = array<i32>} : memref<3x16x1280xf32, #tpu.memory_space<vmem>>, vector<16xf32>,
          tpu.vector_store %arg7[%parallel_loop3A_247, %parallel_loop3A_248, %parallel_loop3A_249], %parallel_loop3A_242 {strides = array<i32>} : memref<3x16x1280xf32, #tpu.memory_space<vmem>>, vector<16xf32>,
          %parallel_loop3A_251 = arith.constant 384 : i32
          %parallel_loop3A_252 = vector.broadcast %parallel_loop3A_251 : i32 to vector<16xi32>
          %parallel_loop3A_253 = arith.addi %parallel_loop3A_185, %parallel_loop3A_252 : vector<16xi32>
          %parallel_loop3A_254 = tpu.vector_load_idx %arg5[%parallel_loop3A_253] : memref<2048xf32, #tpu.memory_space<vmem>>[vector<16xi32>], vector<16xf32>,
          %parallel_loop3A_255 = arith.constant 1 : i32
          %parallel_loop3A_256 = vector.broadcast %parallel_loop3A_255 : i32 to vector<16xi32>
          %parallel_loop3A_257 = arith.addi %parallel_loop3A_253, %parallel_loop3A_256 : vector<16xi32>
          %parallel_loop3A_258 = tpu.vector_load_idx %arg5[%parallel_loop3A_257] : memref<2048xf32, #tpu.memory_space<vmem>>[vector<16xi32>], vector<16xf32>,
          %parallel_loop3A_259 = arith.subf %parallel_loop3A_258, %parallel_loop3A_254 : vector<16xf32>
          %parallel_loop3A_260 = arith.mulf %parallel_loop3A_193, %parallel_loop3A_259 : vector<16xf32>
          %parallel_loop3A_261 = arith.addf %parallel_loop3A_254, %parallel_loop3A_260 : vector<16xf32>
          %parallel_loop3A_262 = arith.constant 16 : i32
          %parallel_loop3A_263 = arith.muli %parallel_loop3A_163, %parallel_loop3A_262 : i32
          %parallel_loop3A_264 = arith.constant 2 : i32
          %parallel_loop3A_265 = arith.constant 3 : i32
          %parallel_loop3A_266 = arith.index_cast %parallel_loop3A_264 : i32 to index
          %parallel_loop3A_267 = arith.index_cast %parallel_loop3A_265 : i32 to index
          %parallel_loop3A_268 = arith.index_cast %parallel_loop3A_263 : i32 to index
          %parallel_loop3A_269 = tpu.vector_load %arg7[%parallel_loop3A_266, %parallel_loop3A_267, %parallel_loop3A_268] {strides = array<i32>} : memref<3x16x1280xf32, #tpu.memory_space<vmem>>, vector<16xf32>,
          tpu.vector_store %arg7[%parallel_loop3A_266, %parallel_loop3A_267, %parallel_loop3A_268], %parallel_loop3A_261 {strides = array<i32>} : memref<3x16x1280xf32, #tpu.memory_space<vmem>>, vector<16xf32>,
          %parallel_loop3A_270 = arith.constant 512 : i32
          %parallel_loop3A_271 = vector.broadcast %parallel_loop3A_270 : i32 to vector<16xi32>
          %parallel_loop3A_272 = arith.addi %parallel_loop3A_185, %parallel_loop3A_271 : vector<16xi32>
          %parallel_loop3A_273 = tpu.vector_load_idx %arg5[%parallel_loop3A_272] : memref<2048xf32, #tpu.memory_space<vmem>>[vector<16xi32>], vector<16xf32>,
          %parallel_loop3A_274 = arith.constant 1 : i32
          %parallel_loop3A_275 = vector.broadcast %parallel_loop3A_274 : i32 to vector<16xi32>
          %parallel_loop3A_276 = arith.addi %parallel_loop3A_272, %parallel_loop3A_275 : vector<16xi32>
          %parallel_loop3A_277 = tpu.vector_load_idx %arg5[%parallel_loop3A_276] : memref<2048xf32, #tpu.memory_space<vmem>>[vector<16xi32>], vector<16xf32>,
          %parallel_loop3A_278 = arith.subf %parallel_loop3A_277, %parallel_loop3A_273 : vector<16xf32>
          %parallel_loop3A_279 = arith.mulf %parallel_loop3A_193, %parallel_loop3A_278 : vector<16xf32>
          %parallel_loop3A_280 = arith.addf %parallel_loop3A_273, %parallel_loop3A_279 : vector<16xf32>
          %parallel_loop3A_281 = arith.constant 16 : i32
          %parallel_loop3A_282 = arith.muli %parallel_loop3A_163, %parallel_loop3A_281 : i32
          %parallel_loop3A_283 = arith.constant 2 : i32
          %parallel_loop3A_284 = arith.constant 4 : i32
          %parallel_loop3A_285 = arith.index_cast %parallel_loop3A_283 : i32 to index
          %parallel_loop3A_286 = arith.index_cast %parallel_loop3A_284 : i32 to index
          %parallel_loop3A_287 = arith.index_cast %parallel_loop3A_282 : i32 to index
          %parallel_loop3A_288 = tpu.vector_load %arg7[%parallel_loop3A_285, %parallel_loop3A_286, %parallel_loop3A_287] {strides = array<i32>} : memref<3x16x1280xf32, #tpu.memory_space<vmem>>, vector<16xf32>,
          tpu.vector_store %arg7[%parallel_loop3A_285, %parallel_loop3A_286, %parallel_loop3A_287], %parallel_loop3A_280 {strides = array<i32>} : memref<3x16x1280xf32, #tpu.memory_space<vmem>>, vector<16xf32>,
          %parallel_loop3A_289 = arith.constant 640 : i32
          %parallel_loop3A_290 = vector.broadcast %parallel_loop3A_289 : i32 to vector<16xi32>
          %parallel_loop3A_291 = arith.addi %parallel_loop3A_185, %parallel_loop3A_290 : vector<16xi32>
          %parallel_loop3A_292 = tpu.vector_load_idx %arg5[%parallel_loop3A_291] : memref<2048xf32, #tpu.memory_space<vmem>>[vector<16xi32>], vector<16xf32>,
          %parallel_loop3A_293 = arith.constant 1 : i32
          %parallel_loop3A_294 = vector.broadcast %parallel_loop3A_293 : i32 to vector<16xi32>
          %parallel_loop3A_295 = arith.addi %parallel_loop3A_291, %parallel_loop3A_294 : vector<16xi32>
          %parallel_loop3A_296 = tpu.vector_load_idx %arg5[%parallel_loop3A_295] : memref<2048xf32, #tpu.memory_space<vmem>>[vector<16xi32>], vector<16xf32>,
          %parallel_loop3A_297 = arith.subf %parallel_loop3A_296, %parallel_loop3A_292 : vector<16xf32>
          %parallel_loop3A_298 = arith.mulf %parallel_loop3A_193, %parallel_loop3A_297 : vector<16xf32>
          %parallel_loop3A_299 = arith.addf %parallel_loop3A_292, %parallel_loop3A_298 : vector<16xf32>
          %parallel_loop3A_300 = arith.constant 16 : i32
          %parallel_loop3A_301 = arith.muli %parallel_loop3A_163, %parallel_loop3A_300 : i32
          %parallel_loop3A_302 = arith.constant 2 : i32
          %parallel_loop3A_303 = arith.constant 5 : i32
          %parallel_loop3A_304 = arith.index_cast %parallel_loop3A_302 : i32 to index
          %parallel_loop3A_305 = arith.index_cast %parallel_loop3A_303 : i32 to index
          %parallel_loop3A_306 = arith.index_cast %parallel_loop3A_301 : i32 to index
          %parallel_loop3A_307 = tpu.vector_load %arg7[%parallel_loop3A_304, %parallel_loop3A_305, %parallel_loop3A_306] {strides = array<i32>} : memref<3x16x1280xf32, #tpu.memory_space<vmem>>, vector<16xf32>,
          tpu.vector_store %arg7[%parallel_loop3A_304, %parallel_loop3A_305, %parallel_loop3A_306], %parallel_loop3A_299 {strides = array<i32>} : memref<3x16x1280xf32, #tpu.memory_space<vmem>>, vector<16xf32>,
          %parallel_loop3A_308 = arith.constant 768 : i32
          %parallel_loop3A_309 = vector.broadcast %parallel_loop3A_308 : i32 to vector<16xi32>
          %parallel_loop3A_310 = arith.addi %parallel_loop3A_185, %parallel_loop3A_309 : vector<16xi32>
          %parallel_loop3A_311 = tpu.vector_load_idx %arg5[%parallel_loop3A_310] : memref<2048xf32, #tpu.memory_space<vmem>>[vector<16xi32>], vector<16xf32>,
          %parallel_loop3A_312 = arith.constant 1 : i32
          %parallel_loop3A_313 = vector.broadcast %parallel_loop3A_312 : i32 to vector<16xi32>
          %parallel_loop3A_314 = arith.addi %parallel_loop3A_310, %parallel_loop3A_313 : vector<16xi32>
          %parallel_loop3A_315 = tpu.vector_load_idx %arg5[%parallel_loop3A_314] : memref<2048xf32, #tpu.memory_space<vmem>>[vector<16xi32>], vector<16xf32>,
          %parallel_loop3A_316 = arith.subf %parallel_loop3A_315, %parallel_loop3A_311 : vector<16xf32>
          %parallel_loop3A_317 = arith.mulf %parallel_loop3A_193, %parallel_loop3A_316 : vector<16xf32>
          %parallel_loop3A_318 = arith.addf %parallel_loop3A_311, %parallel_loop3A_317 : vector<16xf32>
          %parallel_loop3A_319 = arith.constant 16 : i32
          %parallel_loop3A_320 = arith.muli %parallel_loop3A_163, %parallel_loop3A_319 : i32
          %parallel_loop3A_321 = arith.constant 2 : i32
          %parallel_loop3A_322 = arith.constant 6 : i32
          %parallel_loop3A_323 = arith.index_cast %parallel_loop3A_321 : i32 to index
          %parallel_loop3A_324 = arith.index_cast %parallel_loop3A_322 : i32 to index
          %parallel_loop3A_325 = arith.index_cast %parallel_loop3A_320 : i32 to index
          %parallel_loop3A_326 = tpu.vector_load %arg7[%parallel_loop3A_323, %parallel_loop3A_324, %parallel_loop3A_325] {strides = array<i32>} : memref<3x16x1280xf32, #tpu.memory_space<vmem>>, vector<16xf32>,
          tpu.vector_store %arg7[%parallel_loop3A_323, %parallel_loop3A_324, %parallel_loop3A_325], %parallel_loop3A_318 {strides = array<i32>} : memref<3x16x1280xf32, #tpu.memory_space<vmem>>, vector<16xf32>,
          %parallel_loop3A_327 = arith.constant 896 : i32
          %parallel_loop3A_328 = vector.broadcast %parallel_loop3A_327 : i32 to vector<16xi32>
          %parallel_loop3A_329 = arith.addi %parallel_loop3A_185, %parallel_loop3A_328 : vector<16xi32>
          %parallel_loop3A_330 = tpu.vector_load_idx %arg5[%parallel_loop3A_329] : memref<2048xf32, #tpu.memory_space<vmem>>[vector<16xi32>], vector<16xf32>,
          %parallel_loop3A_331 = arith.constant 1 : i32
          %parallel_loop3A_332 = vector.broadcast %parallel_loop3A_331 : i32 to vector<16xi32>
          %parallel_loop3A_333 = arith.addi %parallel_loop3A_329, %parallel_loop3A_332 : vector<16xi32>
          %parallel_loop3A_334 = tpu.vector_load_idx %arg5[%parallel_loop3A_333] : memref<2048xf32, #tpu.memory_space<vmem>>[vector<16xi32>], vector<16xf32>,
          %parallel_loop3A_335 = arith.subf %parallel_loop3A_334, %parallel_loop3A_330 : vector<16xf32>
          %parallel_loop3A_336 = arith.mulf %parallel_loop3A_193, %parallel_loop3A_335 : vector<16xf32>
          %parallel_loop3A_337 = arith.addf %parallel_loop3A_330, %parallel_loop3A_336 : vector<16xf32>
          %parallel_loop3A_338 = arith.constant 16 : i32
          %parallel_loop3A_339 = arith.muli %parallel_loop3A_163, %parallel_loop3A_338 : i32
          %parallel_loop3A_340 = arith.constant 2 : i32
          %parallel_loop3A_341 = arith.constant 7 : i32
          %parallel_loop3A_342 = arith.index_cast %parallel_loop3A_340 : i32 to index
          %parallel_loop3A_343 = arith.index_cast %parallel_loop3A_341 : i32 to index
          %parallel_loop3A_344 = arith.index_cast %parallel_loop3A_339 : i32 to index
          %parallel_loop3A_345 = tpu.vector_load %arg7[%parallel_loop3A_342, %parallel_loop3A_343, %parallel_loop3A_344] {strides = array<i32>} : memref<3x16x1280xf32, #tpu.memory_space<vmem>>, vector<16xf32>,
          tpu.vector_store %arg7[%parallel_loop3A_342, %parallel_loop3A_343, %parallel_loop3A_344], %parallel_loop3A_337 {strides = array<i32>} : memref<3x16x1280xf32, #tpu.memory_space<vmem>>, vector<16xf32>,
          %parallel_loop3A_346 = arith.constant 1024 : i32
          %parallel_loop3A_347 = vector.broadcast %parallel_loop3A_346 : i32 to vector<16xi32>
          %parallel_loop3A_348 = arith.addi %parallel_loop3A_185, %parallel_loop3A_347 : vector<16xi32>
          %parallel_loop3A_349 = tpu.vector_load_idx %arg5[%parallel_loop3A_348] : memref<2048xf32, #tpu.memory_space<vmem>>[vector<16xi32>], vector<16xf32>,
          %parallel_loop3A_350 = arith.constant 1 : i32
          %parallel_loop3A_351 = vector.broadcast %parallel_loop3A_350 : i32 to vector<16xi32>
          %parallel_loop3A_352 = arith.addi %parallel_loop3A_348, %parallel_loop3A_351 : vector<16xi32>
          %parallel_loop3A_353 = tpu.vector_load_idx %arg5[%parallel_loop3A_352] : memref<2048xf32, #tpu.memory_space<vmem>>[vector<16xi32>], vector<16xf32>,
          %parallel_loop3A_354 = arith.subf %parallel_loop3A_353, %parallel_loop3A_349 : vector<16xf32>
          %parallel_loop3A_355 = arith.mulf %parallel_loop3A_193, %parallel_loop3A_354 : vector<16xf32>
          %parallel_loop3A_356 = arith.addf %parallel_loop3A_349, %parallel_loop3A_355 : vector<16xf32>
          %parallel_loop3A_357 = arith.constant 16 : i32
          %parallel_loop3A_358 = arith.muli %parallel_loop3A_163, %parallel_loop3A_357 : i32
          %parallel_loop3A_359 = arith.constant 2 : i32
          %parallel_loop3A_360 = arith.constant 8 : i32
          %parallel_loop3A_361 = arith.index_cast %parallel_loop3A_359 : i32 to index
          %parallel_loop3A_362 = arith.index_cast %parallel_loop3A_360 : i32 to index
          %parallel_loop3A_363 = arith.index_cast %parallel_loop3A_358 : i32 to index
          %parallel_loop3A_364 = tpu.vector_load %arg7[%parallel_loop3A_361, %parallel_loop3A_362, %parallel_loop3A_363] {strides = array<i32>} : memref<3x16x1280xf32, #tpu.memory_space<vmem>>, vector<16xf32>,
          tpu.vector_store %arg7[%parallel_loop3A_361, %parallel_loop3A_362, %parallel_loop3A_363], %parallel_loop3A_356 {strides = array<i32>} : memref<3x16x1280xf32, #tpu.memory_space<vmem>>, vector<16xf32>,
          %parallel_loop3A_365 = arith.constant 1152 : i32
          %parallel_loop3A_366 = vector.broadcast %parallel_loop3A_365 : i32 to vector<16xi32>
          %parallel_loop3A_367 = arith.addi %parallel_loop3A_185, %parallel_loop3A_366 : vector<16xi32>
          %parallel_loop3A_368 = tpu.vector_load_idx %arg5[%parallel_loop3A_367] : memref<2048xf32, #tpu.memory_space<vmem>>[vector<16xi32>], vector<16xf32>,
          %parallel_loop3A_369 = arith.constant 1 : i32
          %parallel_loop3A_370 = vector.broadcast %parallel_loop3A_369 : i32 to vector<16xi32>
          %parallel_loop3A_371 = arith.addi %parallel_loop3A_367, %parallel_loop3A_370 : vector<16xi32>
          %parallel_loop3A_372 = tpu.vector_load_idx %arg5[%parallel_loop3A_371] : memref<2048xf32, #tpu.memory_space<vmem>>[vector<16xi32>], vector<16xf32>,
          %parallel_loop3A_373 = arith.subf %parallel_loop3A_372, %parallel_loop3A_368 : vector<16xf32>
          %parallel_loop3A_374 = arith.mulf %parallel_loop3A_193, %parallel_loop3A_373 : vector<16xf32>
          %parallel_loop3A_375 = arith.addf %parallel_loop3A_368, %parallel_loop3A_374 : vector<16xf32>
          %parallel_loop3A_376 = arith.constant 16 : i32
          %parallel_loop3A_377 = arith.muli %parallel_loop3A_163, %parallel_loop3A_376 : i32
          %parallel_loop3A_378 = arith.constant 2 : i32
          %parallel_loop3A_379 = arith.constant 9 : i32
          %parallel_loop3A_380 = arith.index_cast %parallel_loop3A_378 : i32 to index
          %parallel_loop3A_381 = arith.index_cast %parallel_loop3A_379 : i32 to index
          %parallel_loop3A_382 = arith.index_cast %parallel_loop3A_377 : i32 to index
          %parallel_loop3A_383 = tpu.vector_load %arg7[%parallel_loop3A_380, %parallel_loop3A_381, %parallel_loop3A_382] {strides = array<i32>} : memref<3x16x1280xf32, #tpu.memory_space<vmem>>, vector<16xf32>,
          tpu.vector_store %arg7[%parallel_loop3A_380, %parallel_loop3A_381, %parallel_loop3A_382], %parallel_loop3A_375 {strides = array<i32>} : memref<3x16x1280xf32, #tpu.memory_space<vmem>>, vector<16xf32>,
          %parallel_loop3A_384 = arith.constant 1280 : i32
          %parallel_loop3A_385 = vector.broadcast %parallel_loop3A_384 : i32 to vector<16xi32>
          %parallel_loop3A_386 = arith.addi %parallel_loop3A_185, %parallel_loop3A_385 : vector<16xi32>
          %parallel_loop3A_387 = tpu.vector_load_idx %arg5[%parallel_loop3A_386] : memref<2048xf32, #tpu.memory_space<vmem>>[vector<16xi32>], vector<16xf32>,
          %parallel_loop3A_388 = arith.constant 1 : i32
          %parallel_loop3A_389 = vector.broadcast %parallel_loop3A_388 : i32 to vector<16xi32>
          %parallel_loop3A_390 = arith.addi %parallel_loop3A_386, %parallel_loop3A_389 : vector<16xi32>
          %parallel_loop3A_391 = tpu.vector_load_idx %arg5[%parallel_loop3A_390] : memref<2048xf32, #tpu.memory_space<vmem>>[vector<16xi32>], vector<16xf32>,
          %parallel_loop3A_392 = arith.subf %parallel_loop3A_391, %parallel_loop3A_387 : vector<16xf32>
          %parallel_loop3A_393 = arith.mulf %parallel_loop3A_193, %parallel_loop3A_392 : vector<16xf32>
          %parallel_loop3A_394 = arith.addf %parallel_loop3A_387, %parallel_loop3A_393 : vector<16xf32>
          %parallel_loop3A_395 = arith.constant 16 : i32
          %parallel_loop3A_396 = arith.muli %parallel_loop3A_163, %parallel_loop3A_395 : i32
          %parallel_loop3A_397 = arith.constant 2 : i32
          %parallel_loop3A_398 = arith.constant 10 : i32
          %parallel_loop3A_399 = arith.index_cast %parallel_loop3A_397 : i32 to index
          %parallel_loop3A_400 = arith.index_cast %parallel_loop3A_398 : i32 to index
          %parallel_loop3A_401 = arith.index_cast %parallel_loop3A_396 : i32 to index
          %parallel_loop3A_402 = tpu.vector_load %arg7[%parallel_loop3A_399, %parallel_loop3A_400, %parallel_loop3A_401] {strides = array<i32>} : memref<3x16x1280xf32, #tpu.memory_space<vmem>>, vector<16xf32>,
          tpu.vector_store %arg7[%parallel_loop3A_399, %parallel_loop3A_400, %parallel_loop3A_401], %parallel_loop3A_394 {strides = array<i32>} : memref<3x16x1280xf32, #tpu.memory_space<vmem>>, vector<16xf32>,
          %parallel_loop3A_403 = arith.constant 1408 : i32
          %parallel_loop3A_404 = vector.broadcast %parallel_loop3A_403 : i32 to vector<16xi32>
          %parallel_loop3A_405 = arith.addi %parallel_loop3A_185, %parallel_loop3A_404 : vector<16xi32>
          %parallel_loop3A_406 = tpu.vector_load_idx %arg5[%parallel_loop3A_405] : memref<2048xf32, #tpu.memory_space<vmem>>[vector<16xi32>], vector<16xf32>,
          %parallel_loop3A_407 = arith.constant 1 : i32
          %parallel_loop3A_408 = vector.broadcast %parallel_loop3A_407 : i32 to vector<16xi32>
          %parallel_loop3A_409 = arith.addi %parallel_loop3A_405, %parallel_loop3A_408 : vector<16xi32>
          %parallel_loop3A_410 = tpu.vector_load_idx %arg5[%parallel_loop3A_409] : memref<2048xf32, #tpu.memory_space<vmem>>[vector<16xi32>], vector<16xf32>,
          %parallel_loop3A_411 = arith.subf %parallel_loop3A_410, %parallel_loop3A_406 : vector<16xf32>
          %parallel_loop3A_412 = arith.mulf %parallel_loop3A_193, %parallel_loop3A_411 : vector<16xf32>
          %parallel_loop3A_413 = arith.addf %parallel_loop3A_406, %parallel_loop3A_412 : vector<16xf32>
          %parallel_loop3A_414 = arith.constant 16 : i32
          %parallel_loop3A_415 = arith.muli %parallel_loop3A_163, %parallel_loop3A_414 : i32
          %parallel_loop3A_416 = arith.constant 2 : i32
          %parallel_loop3A_417 = arith.constant 11 : i32
          %parallel_loop3A_418 = arith.index_cast %parallel_loop3A_416 : i32 to index
          %parallel_loop3A_419 = arith.index_cast %parallel_loop3A_417 : i32 to index
          %parallel_loop3A_420 = arith.index_cast %parallel_loop3A_415 : i32 to index
          %parallel_loop3A_421 = tpu.vector_load %arg7[%parallel_loop3A_418, %parallel_loop3A_419, %parallel_loop3A_420] {strides = array<i32>} : memref<3x16x1280xf32, #tpu.memory_space<vmem>>, vector<16xf32>,
          tpu.vector_store %arg7[%parallel_loop3A_418, %parallel_loop3A_419, %parallel_loop3A_420], %parallel_loop3A_413 {strides = array<i32>} : memref<3x16x1280xf32, #tpu.memory_space<vmem>>, vector<16xf32>,
          %parallel_loop3A_422 = arith.constant 1536 : i32
          %parallel_loop3A_423 = vector.broadcast %parallel_loop3A_422 : i32 to vector<16xi32>
          %parallel_loop3A_424 = arith.addi %parallel_loop3A_185, %parallel_loop3A_423 : vector<16xi32>
          %parallel_loop3A_425 = tpu.vector_load_idx %arg5[%parallel_loop3A_424] : memref<2048xf32, #tpu.memory_space<vmem>>[vector<16xi32>], vector<16xf32>,
          %parallel_loop3A_426 = arith.constant 1 : i32
          %parallel_loop3A_427 = vector.broadcast %parallel_loop3A_426 : i32 to vector<16xi32>
          %parallel_loop3A_428 = arith.addi %parallel_loop3A_424, %parallel_loop3A_427 : vector<16xi32>
          %parallel_loop3A_429 = tpu.vector_load_idx %arg5[%parallel_loop3A_428] : memref<2048xf32, #tpu.memory_space<vmem>>[vector<16xi32>], vector<16xf32>,
          %parallel_loop3A_430 = arith.subf %parallel_loop3A_429, %parallel_loop3A_425 : vector<16xf32>
          %parallel_loop3A_431 = arith.mulf %parallel_loop3A_193, %parallel_loop3A_430 : vector<16xf32>
          %parallel_loop3A_432 = arith.addf %parallel_loop3A_425, %parallel_loop3A_431 : vector<16xf32>
          %parallel_loop3A_433 = arith.constant 16 : i32
          %parallel_loop3A_434 = arith.muli %parallel_loop3A_163, %parallel_loop3A_433 : i32
          %parallel_loop3A_435 = arith.constant 2 : i32
          %parallel_loop3A_436 = arith.constant 12 : i32
          %parallel_loop3A_437 = arith.index_cast %parallel_loop3A_435 : i32 to index
          %parallel_loop3A_438 = arith.index_cast %parallel_loop3A_436 : i32 to index
          %parallel_loop3A_439 = arith.index_cast %parallel_loop3A_434 : i32 to index
          %parallel_loop3A_440 = tpu.vector_load %arg7[%parallel_loop3A_437, %parallel_loop3A_438, %parallel_loop3A_439] {strides = array<i32>} : memref<3x16x1280xf32, #tpu.memory_space<vmem>>, vector<16xf32>,
          tpu.vector_store %arg7[%parallel_loop3A_437, %parallel_loop3A_438, %parallel_loop3A_439], %parallel_loop3A_432 {strides = array<i32>} : memref<3x16x1280xf32, #tpu.memory_space<vmem>>, vector<16xf32>,
          %parallel_loop3A_441 = arith.constant 1664 : i32
          %parallel_loop3A_442 = vector.broadcast %parallel_loop3A_441 : i32 to vector<16xi32>
          %parallel_loop3A_443 = arith.addi %parallel_loop3A_185, %parallel_loop3A_442 : vector<16xi32>
          %parallel_loop3A_444 = tpu.vector_load_idx %arg5[%parallel_loop3A_443] : memref<2048xf32, #tpu.memory_space<vmem>>[vector<16xi32>], vector<16xf32>,
          %parallel_loop3A_445 = arith.constant 1 : i32
          %parallel_loop3A_446 = vector.broadcast %parallel_loop3A_445 : i32 to vector<16xi32>
          %parallel_loop3A_447 = arith.addi %parallel_loop3A_443, %parallel_loop3A_446 : vector<16xi32>
          %parallel_loop3A_448 = tpu.vector_load_idx %arg5[%parallel_loop3A_447] : memref<2048xf32, #tpu.memory_space<vmem>>[vector<16xi32>], vector<16xf32>,
          %parallel_loop3A_449 = arith.subf %parallel_loop3A_448, %parallel_loop3A_444 : vector<16xf32>
          %parallel_loop3A_450 = arith.mulf %parallel_loop3A_193, %parallel_loop3A_449 : vector<16xf32>
          %parallel_loop3A_451 = arith.addf %parallel_loop3A_444, %parallel_loop3A_450 : vector<16xf32>
          %parallel_loop3A_452 = arith.constant 16 : i32
          %parallel_loop3A_453 = arith.muli %parallel_loop3A_163, %parallel_loop3A_452 : i32
          %parallel_loop3A_454 = arith.constant 2 : i32
          %parallel_loop3A_455 = arith.constant 13 : i32
          %parallel_loop3A_456 = arith.index_cast %parallel_loop3A_454 : i32 to index
          %parallel_loop3A_457 = arith.index_cast %parallel_loop3A_455 : i32 to index
          %parallel_loop3A_458 = arith.index_cast %parallel_loop3A_453 : i32 to index
          %parallel_loop3A_459 = tpu.vector_load %arg7[%parallel_loop3A_456, %parallel_loop3A_457, %parallel_loop3A_458] {strides = array<i32>} : memref<3x16x1280xf32, #tpu.memory_space<vmem>>, vector<16xf32>,
          tpu.vector_store %arg7[%parallel_loop3A_456, %parallel_loop3A_457, %parallel_loop3A_458], %parallel_loop3A_451 {strides = array<i32>} : memref<3x16x1280xf32, #tpu.memory_space<vmem>>, vector<16xf32>,
          %parallel_loop3A_460 = arith.constant 1792 : i32
          %parallel_loop3A_461 = vector.broadcast %parallel_loop3A_460 : i32 to vector<16xi32>
          %parallel_loop3A_462 = arith.addi %parallel_loop3A_185, %parallel_loop3A_461 : vector<16xi32>
          %parallel_loop3A_463 = tpu.vector_load_idx %arg5[%parallel_loop3A_462] : memref<2048xf32, #tpu.memory_space<vmem>>[vector<16xi32>], vector<16xf32>,
          %parallel_loop3A_464 = arith.constant 1 : i32
          %parallel_loop3A_465 = vector.broadcast %parallel_loop3A_464 : i32 to vector<16xi32>
          %parallel_loop3A_466 = arith.addi %parallel_loop3A_462, %parallel_loop3A_465 : vector<16xi32>
          %parallel_loop3A_467 = tpu.vector_load_idx %arg5[%parallel_loop3A_466] : memref<2048xf32, #tpu.memory_space<vmem>>[vector<16xi32>], vector<16xf32>,
          %parallel_loop3A_468 = arith.subf %parallel_loop3A_467, %parallel_loop3A_463 : vector<16xf32>
          %parallel_loop3A_469 = arith.mulf %parallel_loop3A_193, %parallel_loop3A_468 : vector<16xf32>
          %parallel_loop3A_470 = arith.addf %parallel_loop3A_463, %parallel_loop3A_469 : vector<16xf32>
          %parallel_loop3A_471 = arith.constant 16 : i32
          %parallel_loop3A_472 = arith.muli %parallel_loop3A_163, %parallel_loop3A_471 : i32
          %parallel_loop3A_473 = arith.constant 2 : i32
          %parallel_loop3A_474 = arith.constant 14 : i32
          %parallel_loop3A_475 = arith.index_cast %parallel_loop3A_473 : i32 to index
          %parallel_loop3A_476 = arith.index_cast %parallel_loop3A_474 : i32 to index
          %parallel_loop3A_477 = arith.index_cast %parallel_loop3A_472 : i32 to index
          %parallel_loop3A_478 = tpu.vector_load %arg7[%parallel_loop3A_475, %parallel_loop3A_476, %parallel_loop3A_477] {strides = array<i32>} : memref<3x16x1280xf32, #tpu.memory_space<vmem>>, vector<16xf32>,
          tpu.vector_store %arg7[%parallel_loop3A_475, %parallel_loop3A_476, %parallel_loop3A_477], %parallel_loop3A_470 {strides = array<i32>} : memref<3x16x1280xf32, #tpu.memory_space<vmem>>, vector<16xf32>,
          %parallel_loop3A_479 = arith.constant 1920 : i32
          %parallel_loop3A_480 = vector.broadcast %parallel_loop3A_479 : i32 to vector<16xi32>
          %parallel_loop3A_481 = arith.addi %parallel_loop3A_185, %parallel_loop3A_480 : vector<16xi32>
          %parallel_loop3A_482 = tpu.vector_load_idx %arg5[%parallel_loop3A_481] : memref<2048xf32, #tpu.memory_space<vmem>>[vector<16xi32>], vector<16xf32>,
          %parallel_loop3A_483 = arith.constant 1 : i32
          %parallel_loop3A_484 = vector.broadcast %parallel_loop3A_483 : i32 to vector<16xi32>
          %parallel_loop3A_485 = arith.addi %parallel_loop3A_481, %parallel_loop3A_484 : vector<16xi32>
          %parallel_loop3A_486 = tpu.vector_load_idx %arg5[%parallel_loop3A_485] : memref<2048xf32, #tpu.memory_space<vmem>>[vector<16xi32>], vector<16xf32>,
          %parallel_loop3A_487 = arith.subf %parallel_loop3A_486, %parallel_loop3A_482 : vector<16xf32>
          %parallel_loop3A_488 = arith.mulf %parallel_loop3A_193, %parallel_loop3A_487 : vector<16xf32>
          %parallel_loop3A_489 = arith.addf %parallel_loop3A_482, %parallel_loop3A_488 : vector<16xf32>
          %parallel_loop3A_490 = arith.constant 16 : i32
          %parallel_loop3A_491 = arith.muli %parallel_loop3A_163, %parallel_loop3A_490 : i32
          %parallel_loop3A_492 = arith.constant 2 : i32
          %parallel_loop3A_493 = arith.constant 15 : i32
          %parallel_loop3A_494 = arith.index_cast %parallel_loop3A_492 : i32 to index
          %parallel_loop3A_495 = arith.index_cast %parallel_loop3A_493 : i32 to index
          %parallel_loop3A_496 = arith.index_cast %parallel_loop3A_491 : i32 to index
          %parallel_loop3A_497 = tpu.vector_load %arg7[%parallel_loop3A_494, %parallel_loop3A_495, %parallel_loop3A_496] {strides = array<i32>} : memref<3x16x1280xf32, #tpu.memory_space<vmem>>, vector<16xf32>,
          tpu.vector_store %arg7[%parallel_loop3A_494, %parallel_loop3A_495, %parallel_loop3A_496], %parallel_loop3A_489 {strides = array<i32>} : memref<3x16x1280xf32, #tpu.memory_space<vmem>>, vector<16xf32>,
        } {sc.loop_unroll_factor = 8 : i64, sc.parallel_access}
        %mul3A_142 = arith.constant 32 : i32
        %mul3A_143 = arith.muli %mul3A_142, %add3A_106 : i32
        %add3A_144 = arith.addi %add3A, %mul3A_143 : i32
        %mul3A_145 = arith.constant 1280 : i32
        %mul3A_146 = arith.muli %add3A_144, %mul3A_145 : i32
        %dma_start3A_147 = arith.constant 2 : i32
        %dma_start3A_148 = arith.constant 2 : i32
        %dma_start3A_149 = arith.constant 0 : i32
        %dma_start3A_150 = arith.constant 0 : i32
        %dma_start3A_151 = tpu.memref_slice %arg7[%dma_start3A_147, %dma_start3A_149, %dma_start3A_150] : memref<3x16x1280xf32, #tpu.memory_space<vmem>> -> memref<1x16x1280xf32, #tpu.memory_space<vmem>>
        %dma_start3A_152 = tpu.memref_squeeze %dma_start3A_151 : memref<1x16x1280xf32, #tpu.memory_space<vmem>> -> memref<16x1280xf32, #tpu.memory_space<vmem>>
        %dma_start3A_153 = arith.constant 0 : i32
        %dma_start3A_154 = tpu.memref_slice %arg4[%dma_start3A_153, %mul3A_146] : memref<16x4000000xf32, #tpu.memory_space<hbm>> -> memref<16x1280xf32, #tpu.memory_space<hbm>>
        %dma_start3A_155 = tpu.memref_slice %arg9[%dma_start3A_148] : memref<3x!tpu.dma_semaphore, #tpu.memory_space<semaphore_mem>> -> memref<1x!tpu.dma_semaphore, #tpu.memory_space<semaphore_mem>>
        %dma_start3A_156 = tpu.memref_squeeze %dma_start3A_155 : memref<1x!tpu.dma_semaphore, #tpu.memory_space<semaphore_mem>> -> memref<!tpu.dma_semaphore, #tpu.memory_space<semaphore_mem>>
        %dma_start3A_157 = arith.constant 0 : i32
        %dma_start3A_158 = tpu.memref_slice %arg4[%dma_start3A_157, %mul3A_146] : memref<16x4000000xf32, #tpu.memory_space<hbm>> -> memref<16x1280xf32, #tpu.memory_space<hbm>>
        %dma_start3A_159 = arith.constant 0 : i32
        %dma_start3A_160 = arith.constant 0 : i32
        %dma_start3A_161 = tpu.memref_slice %arg7[%dma_start3A_147, %dma_start3A_159, %dma_start3A_160] : memref<3x16x1280xf32, #tpu.memory_space<vmem>> -> memref<1x16x1280xf32, #tpu.memory_space<vmem>>
        %dma_start3A_162 = tpu.memref_squeeze %dma_start3A_161 : memref<1x16x1280xf32, #tpu.memory_space<vmem>> -> memref<16x1280xf32, #tpu.memory_space<vmem>>
        tpu.enqueue_dma source(%dma_start3A_162 : memref<16x1280xf32, #tpu.memory_space<vmem>>) target(%dma_start3A_158 : memref<16x1280xf32, #tpu.memory_space<hbm>>) target_semaphore(%dma_start3A_156 : memref<!tpu.dma_semaphore, #tpu.memory_space<semaphore_mem>>)
      } else {
      }
    }
    %scan3A_20 = arith.constant 33 : i32
    %add3A_21 = arith.constant 0 : i32
    %add3A_22 = arith.addi %add3A, %add3A_21 : i32
    %mul3A_23 = arith.constant 1280 : i32
    %mul3A_24 = arith.muli %add3A_22, %mul3A_23 : i32
    %dma_wait3A = arith.constant 0 : i32
    %dma_wait3A_25 = arith.constant 0 : i32
    %dma_wait3A_26 = arith.constant 0 : i32
    %dma_wait3A_27 = arith.constant 0 : i32
    %dma_wait3A_28 = tpu.memref_slice %arg7[%dma_wait3A, %dma_wait3A_26, %dma_wait3A_27] : memref<3x16x1280xf32, #tpu.memory_space<vmem>> -> memref<1x16x1280xf32, #tpu.memory_space<vmem>>
    %dma_wait3A_29 = tpu.memref_squeeze %dma_wait3A_28 : memref<1x16x1280xf32, #tpu.memory_space<vmem>> -> memref<16x1280xf32, #tpu.memory_space<vmem>>
    %dma_wait3A_30 = arith.constant 0 : i32
    %dma_wait3A_31 = tpu.memref_slice %arg4[%dma_wait3A_30, %mul3A_24] : memref<16x4000000xf32, #tpu.memory_space<hbm>> -> memref<16x1280xf32, #tpu.memory_space<hbm>>
    %dma_wait3A_32 = tpu.memref_slice %arg9[%dma_wait3A_25] : memref<3x!tpu.dma_semaphore, #tpu.memory_space<semaphore_mem>> -> memref<1x!tpu.dma_semaphore, #tpu.memory_space<semaphore_mem>>
    %dma_wait3A_33 = tpu.memref_squeeze %dma_wait3A_32 : memref<1x!tpu.dma_semaphore, #tpu.memory_space<semaphore_mem>> -> memref<!tpu.dma_semaphore, #tpu.memory_space<semaphore_mem>>
    %dma_wait3A_34 = arith.constant 0 : i32
    %dma_wait3A_35 = tpu.memref_slice %arg4[%dma_wait3A_34, %mul3A_24] : memref<16x4000000xf32, #tpu.memory_space<hbm>> -> memref<16x1280xf32, #tpu.memory_space<hbm>>
    %dma_wait3A_36 = arith.constant 0 : i32
    %dma_wait3A_37 = arith.constant 0 : i32
    %dma_wait3A_38 = tpu.memref_slice %arg7[%dma_wait3A, %dma_wait3A_36, %dma_wait3A_37] : memref<3x16x1280xf32, #tpu.memory_space<vmem>> -> memref<1x16x1280xf32, #tpu.memory_space<vmem>>
    %dma_wait3A_39 = tpu.memref_squeeze %dma_wait3A_38 : memref<1x16x1280xf32, #tpu.memory_space<vmem>> -> memref<16x1280xf32, #tpu.memory_space<vmem>>
    tpu.wait_dma2 semaphore(%dma_wait3A_33 : memref<!tpu.dma_semaphore, #tpu.memory_space<semaphore_mem>>) src(%dma_wait3A_39 : memref<16x1280xf32, #tpu.memory_space<vmem>>) dst(%dma_wait3A_35 : memref<16x1280xf32, #tpu.memory_space<hbm>>)
    %add3A_40 = arith.constant 0 : i32
    %add3A_41 = arith.addi %add3A, %add3A_40 : i32
    %mul3A_42 = arith.constant 1280 : i32
    %mul3A_43 = arith.muli %add3A_41, %mul3A_42 : i32
    %dma_wait3A_44 = arith.constant 1 : i32
    %dma_wait3A_45 = arith.constant 1 : i32
    %dma_wait3A_46 = arith.constant 0 : i32
    %dma_wait3A_47 = arith.constant 0 : i32
    %dma_wait3A_48 = tpu.memref_slice %arg7[%dma_wait3A_44, %dma_wait3A_46, %dma_wait3A_47] : memref<3x16x1280xf32, #tpu.memory_space<vmem>> -> memref<1x16x1280xf32, #tpu.memory_space<vmem>>
    %dma_wait3A_49 = tpu.memref_squeeze %dma_wait3A_48 : memref<1x16x1280xf32, #tpu.memory_space<vmem>> -> memref<16x1280xf32, #tpu.memory_space<vmem>>
    %dma_wait3A_50 = arith.constant 0 : i32
    %dma_wait3A_51 = tpu.memref_slice %arg4[%dma_wait3A_50, %mul3A_43] : memref<16x4000000xf32, #tpu.memory_space<hbm>> -> memref<16x1280xf32, #tpu.memory_space<hbm>>
    %dma_wait3A_52 = tpu.memref_slice %arg9[%dma_wait3A_45] : memref<3x!tpu.dma_semaphore, #tpu.memory_space<semaphore_mem>> -> memref<1x!tpu.dma_semaphore, #tpu.memory_space<semaphore_mem>>
    %dma_wait3A_53 = tpu.memref_squeeze %dma_wait3A_52 : memref<1x!tpu.dma_semaphore, #tpu.memory_space<semaphore_mem>> -> memref<!tpu.dma_semaphore, #tpu.memory_space<semaphore_mem>>
    %dma_wait3A_54 = arith.constant 0 : i32
    %dma_wait3A_55 = tpu.memref_slice %arg4[%dma_wait3A_54, %mul3A_43] : memref<16x4000000xf32, #tpu.memory_space<hbm>> -> memref<16x1280xf32, #tpu.memory_space<hbm>>
    %dma_wait3A_56 = arith.constant 0 : i32
    %dma_wait3A_57 = arith.constant 0 : i32
    %dma_wait3A_58 = tpu.memref_slice %arg7[%dma_wait3A_44, %dma_wait3A_56, %dma_wait3A_57] : memref<3x16x1280xf32, #tpu.memory_space<vmem>> -> memref<1x16x1280xf32, #tpu.memory_space<vmem>>
    %dma_wait3A_59 = tpu.memref_squeeze %dma_wait3A_58 : memref<1x16x1280xf32, #tpu.memory_space<vmem>> -> memref<16x1280xf32, #tpu.memory_space<vmem>>
    tpu.wait_dma2 semaphore(%dma_wait3A_53 : memref<!tpu.dma_semaphore, #tpu.memory_space<semaphore_mem>>) src(%dma_wait3A_59 : memref<16x1280xf32, #tpu.memory_space<vmem>>) dst(%dma_wait3A_55 : memref<16x1280xf32, #tpu.memory_space<hbm>>)
    %add3A_60 = arith.constant 0 : i32
    %add3A_61 = arith.addi %add3A, %add3A_60 : i32
    %mul3A_62 = arith.constant 1280 : i32
    %mul3A_63 = arith.muli %add3A_61, %mul3A_62 : i32
    %dma_wait3A_64 = arith.constant 2 : i32
    %dma_wait3A_65 = arith.constant 2 : i32
    %dma_wait3A_66 = arith.constant 0 : i32
    %dma_wait3A_67 = arith.constant 0 : i32
    %dma_wait3A_68 = tpu.memref_slice %arg7[%dma_wait3A_64, %dma_wait3A_66, %dma_wait3A_67] : memref<3x16x1280xf32, #tpu.memory_space<vmem>> -> memref<1x16x1280xf32, #tpu.memory_space<vmem>>
    %dma_wait3A_69 = tpu.memref_squeeze %dma_wait3A_68 : memref<1x16x1280xf32, #tpu.memory_space<vmem>> -> memref<16x1280xf32, #tpu.memory_space<vmem>>
    %dma_wait3A_70 = arith.constant 0 : i32
    %dma_wait3A_71 = tpu.memref_slice %arg4[%dma_wait3A_70, %mul3A_63] : memref<16x4000000xf32, #tpu.memory_space<hbm>> -> memref<16x1280xf32, #tpu.memory_space<hbm>>
    %dma_wait3A_72 = tpu.memref_slice %arg9[%dma_wait3A_65] : memref<3x!tpu.dma_semaphore, #tpu.memory_space<semaphore_mem>> -> memref<1x!tpu.dma_semaphore, #tpu.memory_space<semaphore_mem>>
    %dma_wait3A_73 = tpu.memref_squeeze %dma_wait3A_72 : memref<1x!tpu.dma_semaphore, #tpu.memory_space<semaphore_mem>> -> memref<!tpu.dma_semaphore, #tpu.memory_space<semaphore_mem>>
    %dma_wait3A_74 = arith.constant 0 : i32
    %dma_wait3A_75 = tpu.memref_slice %arg4[%dma_wait3A_74, %mul3A_63] : memref<16x4000000xf32, #tpu.memory_space<hbm>> -> memref<16x1280xf32, #tpu.memory_space<hbm>>
    %dma_wait3A_76 = arith.constant 0 : i32
    %dma_wait3A_77 = arith.constant 0 : i32
    %dma_wait3A_78 = tpu.memref_slice %arg7[%dma_wait3A_64, %dma_wait3A_76, %dma_wait3A_77] : memref<3x16x1280xf32, #tpu.memory_space<vmem>> -> memref<1x16x1280xf32, #tpu.memory_space<vmem>>
    %dma_wait3A_79 = tpu.memref_squeeze %dma_wait3A_78 : memref<1x16x1280xf32, #tpu.memory_space<vmem>> -> memref<16x1280xf32, #tpu.memory_space<vmem>>
    tpu.wait_dma2 semaphore(%dma_wait3A_73 : memref<!tpu.dma_semaphore, #tpu.memory_space<semaphore_mem>>) src(%dma_wait3A_79 : memref<16x1280xf32, #tpu.memory_space<vmem>>) dst(%dma_wait3A_75 : memref<16x1280xf32, #tpu.memory_space<hbm>>)
    return
  }
}

module attributes {stable_mosaic.version = 14 : i64} {
  func.func @_table_body(%arg0: memref<64x128xf32, #tpu.memory_space<vmem>>, %arg1: memref<16x64xf32, #tpu.memory_space<vmem>>, %arg2: memref<16x16xf32, #tpu.memory_space<vmem>>, %arg3: memref<16x128xf32, #tpu.memory_space<vmem>>) attributes {dimension_semantics = [], scalar_prefetch = 0 : i64, scratch_operands = 0 : i64, tpu.core_type = #tpu.core_type<tc>} {
    %get3A = arith.constant 0 : index
    %get3A_0 = arith.constant 0 : index
    %get3A_1 = vector.load %arg1[%get3A, %get3A_0] : memref<16x64xf32, #tpu.memory_space<vmem>>, vector<16x64xf32>
    %get3A_2 = arith.constant 0 : index
    %get3A_3 = arith.constant 0 : index
    %get3A_4 = vector.load %arg0[%get3A_2, %get3A_3] : memref<64x128xf32, #tpu.memory_space<vmem>>, vector<64x128xf32>
    %dot_general3A = arith.constant dense<0.000000e+00> : vector<16x128xf32>
    %dot_general3A_5 = tpu.matmul %get3A_1, %get3A_4, %dot_general3A {dimension_numbers = #tpu.dot_dimension_numbers<[1], [0], [0], [1], [0, 0, 1, 1], [], []>, transpose_lhs_hint = false} : vector<16x64xf32>, vector<64x128xf32>, vector<16x128xf32> -> vector<16x128xf32>
    %get3A_6 = arith.constant 0 : index
    %get3A_7 = arith.constant 0 : index
    %get3A_8 = vector.load %arg2[%get3A_6, %get3A_7] : memref<16x16xf32, #tpu.memory_space<vmem>>, vector<16x16xf32>
    %dot_general3A_9 = arith.constant dense<0.000000e+00> : vector<16x128xf32>
    %dot_general3A_10 = tpu.matmul %get3A_8, %dot_general3A_5, %dot_general3A_9 {dimension_numbers = #tpu.dot_dimension_numbers<[1], [0], [0], [1], [0, 0, 1, 1], [], []>, transpose_lhs_hint = false} : vector<16x16xf32>, vector<16x128xf32>, vector<16x128xf32> -> vector<16x128xf32>
    %swap3A = arith.constant 0 : index
    %swap3A_11 = arith.constant 0 : index
    %swap3A_12 = vector.load %arg3[%swap3A, %swap3A_11] : memref<16x128xf32, #tpu.memory_space<vmem>>, vector<16x128xf32>
    tpu.vector_store %arg3[%swap3A, %swap3A_11], %dot_general3A_10 {strides = array<i32>} : memref<16x128xf32, #tpu.memory_space<vmem>>, vector<16x128xf32>,
    return
  }
}

</mosaic_0001>

<sc_bundles>
// kernel: kernel.4.cloned.1.call-start
scs
__scs_entry_jumppad:
0x0: {  	(pc) =	sbr.rel $0x88, $3  }
0x1: {  	(tag) =	ssettag $0x0;
	lr =	simm.s32 $0x1  }
0x2: {  	[smem:$0x3F9E] =	sst lr;
	_ =	strace $0xD0000000  }
0x3: {  	_ = 	snop  }
0x4: {  	_ = 	snop  }
0x5: {  	_ = 	snop  }
0x6: {  	_ = 	snop  }
0x7: {  	_ = 	snop  }
__scs_overlays_trampoline_lowered:
0x8: {  	[smem:$0x3FAD] =	sst s0  }
0x9: {  	[smem:$0x3FAE] =	sst s1  }
0xa: {  	[smem:$0x3FAF] =	sst s2  }
0xb: {  	[smem:$0x3FB0] =	sst s3  }
0xc: {  	[smem:$0x3FB1] =	sst s4  }
0xd: {  	[smem:$0x3FB2] =	sst s5  }
0xe: {  	[smem:$0x3FB3] =	sst s6  }
0xf: {  	[smem:$0x3FB4] =	sst s7  }
0x10: {  	[smem:$0x3FB5] =	sst s8  }
0x11: {  	[smem:$0x3FB6] =	sst s9;
	s0 =	simm.s32 @!p0 $0x0  }
0x12: {  	s1 =	sld [smem:$0x3F9C];
	s0 =	simm.s32 @p0 $0x1  }
0x13: {  	[smem:$0x3FB7] =	sst s0;
	s0 =	simm.s32 @!p1 $0x0  }
0x14: {  	s2 =	sld [smem:$0x3F9B];
	s0 =	simm.s32 @p1 $0x1  }
0x15: {  	[smem:$0x3FB8] =	sst s0;
	s0 =	simm.s32 @!p2 $0x0  }
0x16: {  	s3 =	sld [smem:$0x3FDB];
	s0 =	simm.s32 @p2 $0x1  }
0x17: {  	s4 =	simm.s32 $0x1BF5;
	[smem:$0x3FBA] =	sst s0  }
0x18: {  	s0 =	sld [smem:$0x3F9D];
	_ =	swait.ge [sflag:s4], $0x0  }
0x19: {  	s7 =	sld [smem:$0x3F9E]  }
0x1a: {  	s8 =	sadd.s32 $0xFFFFE003, lr  }
0x1b: {  	s9 =	sadd.s32 $0xFFFFFEF7, lr;
	s5 =	simm.s32 $0xFFFFFFFF;
	p2 =	slt.u32 s8, $0xFFFFF086  }
0x1c: {  	p1 =	slt.u32 s9, $0xF7A;
	s5 =	simm.s32 @!p2 $0x0  }
0x1d: {  	s5 =	simm.s32 @p1 $0x1;
	p0 =	seq.s32 s7, s2  }
0x1e: {  	s7 =	smul.u32 @!p0 $0xF7A, s2;
	p2 =	seq.s32 @!p0 s5, $0x0  }
0x1f: {  	s9 =	smul.u32 $0xF7A, s1;
	s8 =	simm.s32 @!p0 $0x1BF5;
	p2 =	por !p2, p0  }
0x20: {  	[sflag:s8] =	ssyncset.s32 @!p0 $0xFFFFF086;
	s6 =	sadd.s32 @!p0 s3, s7;
	s7 =	simm.s32 @!p0 $0x108  }
0x21: {  	s3 =	sadd.s32 s3, s9;
	s6 =	sadd.s32 @!p0 $0x88, s6;
	s7 =	simm.s32 @p2 $0x1082  }
0x22: {  	[simem:s7], [sflag:s8] =	dma.local @!p0 [hbm:s6], $0xF7A  }
0x23: {  	s9 =	sor.u32 $0xD0000000, s2;
	s6 =	simm.s32 $0x108;
	_ =	swait.ge @!p0 [sflag:s8], $0x0  }
0x24: {  	s3 =	sadd.s32 $0x88, s3;
	s6 =	simm.s32 @!p1 $0x1082;
	[sflag:s4] =	ssyncset.s32 $0xFFFFF086  }
0x25: {  	[simem:s6], [sflag:s4] =	dma.local [hbm:s3], $0xF7A  }
0x26: {  	[smem:$0x3F9E] =	sst s1;
	(tag) =	ssettag s2;
	_ =	strace s9  }
0x27: {  	s1 =	sld [smem:$0x3FAE]  }
0x28: {  	s2 =	sld [smem:$0x3FAF]  }
0x29: {  	s4 =	sld [smem:$0x3FB1]  }
0x2a: {  	p0 =	seq.s32 s5, $0x0;
	s5 =	sld [smem:$0x3FB2]  }
0x2b: {  	s6 =	sld [smem:$0x3FB3]  }
0x2c: {  	s7 =	sld [smem:$0x3FB4]  }
0x2d: {  	s3 =	simm.s32 $0x108;
	s8 =	sld [smem:$0x3FB5]  }
0x2e: {  	s3 =	simm.s32 @!p0 $0x1082;
	s9 =	sld [smem:$0x3FB6]  }
0x2f: {  	lr =	sadd.s32 s0, s3;
	s0 =	sld [smem:$0x3FAD]  }
0x30: {  	s3 =	sld [smem:$0x3FB0]  }
0x31: {  	[smem:$0x3FB9] =	sst s10  }
0x32: {  	s10 =	sld [smem:$0x3FB7];
	_ =	sdelay $0x3  }
0x33: {  	p0 =	seq.s32 s10, $0x1;
	s10 =	sld [smem:$0x3FB9];
	_ =	sdelay $0x3  }
0x34: {  	[smem:$0x3FB9] =	sst s10  }
0x35: {  	s10 =	sld [smem:$0x3FB8];
	_ =	sdelay $0x3  }
0x36: {  	p1 =	seq.s32 s10, $0x1;
	s10 =	sld [smem:$0x3FB9];
	_ =	sdelay $0x3  }
0x37: {  	[smem:$0x3FB9] =	sst s10  }
0x38: {  	s10 =	sld [smem:$0x3FBA]  }
0x39: {  	_ = 	snop;
	(pc) =	sbr.ind lr, $3  }
0x3a: {  	_ = 	snop  }
0x3b: {  	_ = 	snop  }
0x3c: {  	p2 =	seq.s32 s10, $0x1;
	s10 =	sld [smem:$0x3FB9]  }
0x3d: {  	_ =	shalt  }
0x3e: {  	_ =	shalt  }
0x3f: {  	_ =	shalt  }
0x40: {  	_ =	shalt  }
0x41: {  	_ =	shalt  }
0x42: {  	_ =	shalt  }
0x43: {  	_ =	shalt  }
0x44: {  	_ =	shalt  }
0x45: {  	_ =	shalt  }
0x46: {  	_ =	shalt  }
0x47: {  	_ =	shalt  }
0x48: {  	_ =	shalt  }
0x49: {  	_ =	shalt  }
0x4a: {  	_ =	shalt  }
0x4b: {  	_ =	shalt  }
0x4c: {  	_ =	shalt  }
0x4d: {  	_ =	shalt  }
0x4e: {  	_ =	shalt  }
0x4f: {  	_ =	shalt  }
0x50: {  	_ =	shalt  }
0x51: {  	_ =	shalt  }
0x52: {  	_ =	shalt  }
0x53: {  	_ =	shalt  }
0x54: {  	_ =	shalt  }
0x55: {  	_ =	shalt  }
0x56: {  	_ =	shalt  }
0x57: {  	_ =	shalt  }
0x58: {  	_ =	shalt  }
0x59: {  	_ =	shalt  }
0x5a: {  	_ =	shalt  }
0x5b: {  	_ =	shalt  }
0x5c: {  	_ =	shalt  }
0x5d: {  	_ =	shalt  }
0x5e: {  	_ =	shalt  }
0x5f: {  	_ =	shalt  }
0x60: {  	_ =	shalt  }
0x61: {  	_ =	shalt  }
0x62: {  	_ =	shalt  }
0x63: {  	_ =	shalt  }
0x64: {  	_ =	shalt  }
0x65: {  	_ =	shalt  }
0x66: {  	_ =	shalt  }
0x67: {  	_ =	shalt  }
0x68: {  	_ =	shalt  }
0x69: {  	_ =	shalt  }
0x6a: {  	_ =	shalt  }
0x6b: {  	_ =	shalt  }
0x6c: {  	_ =	shalt  }
0x6d: {  	_ =	shalt  }
0x6e: {  	_ =	shalt  }
0x6f: {  	_ =	shalt  }
0x70: {  	_ =	shalt  }
0x71: {  	_ =	shalt  }
0x72: {  	_ =	shalt  }
0x73: {  	_ =	shalt  }
0x74: {  	_ =	shalt  }
0x75: {  	_ =	shalt  }
0x76: {  	_ =	shalt  }
0x77: {  	_ =	shalt  }
0x78: {  	_ =	shalt  }
0x79: {  	_ =	shalt  }
0x7a: {  	_ =	shalt  }
0x7b: {  	_ =	shalt  }
0x7c: {  	_ =	shalt  }
0x7d: {  	_ =	shalt  }
0x7e: {  	_ =	shalt  }
0x7f: {  	_ =	shalt  }
0x80: {  	_ =	shalt  }
0x81: {  	_ =	shalt  }
0x82: {  	_ =	shalt  }
0x83: {  	_ =	shalt  }
0x84: {  	_ =	shalt  }
0x85: {  	_ =	shalt  }
0x86: {  	_ =	shalt  }
0x87: {  	_ =	shalt  }
.Lfunc_end0:
.L_simem_size_0:
called_computation_lowered:
.L_overlay_start_0:
0x88: {  	s2 =	sld [smem:$0x3FD9]  }
0x89: {  	s3 =	sld [smem:$0x3FFE];
	_ =	sdelay $0x1  }
0x8a: {  	s1 =	srdreg.scid  }
0x8b: {  	s0 =	sand.u32 $0x1, s1  }
0x8c: {  	s17 =	sshll.u32 s0, $0xA;
	s2 =	sadd.s32 s3, s2  }
0x8d: {  	s2 =	sadd.s32 s2, s17  }
0x8e: {  	[smem:$0x3FC5] =	sst s2  }
0x8f: {  	_ = 	snop  }
0x90: {  	s2 =	sld [smem:$0x3FC9]  }
0x91: {  	s18 =	sld [smem:$0x3FD0];
	(tm) =	ssettm $0x1  }
0x92: {  	s4 =	sld [smem:$0x3FFB];
	_ =	sdelay $0x3  }
0x93: {  	_ =	strace s4  }
0x94: {  	s4 =	sld [smem:$0x3FFC];
	_ =	sdelay $0x3  }
0x95: {  	_ =	strace s4  }
0x96: {  	s4 =	sld [smem:$0x3FFD];
	_ =	sdelay $0x3  }
0x97: {  	_ =	strace s4  }
0x98: {  	_ =	strace $0x8FFFFFFF  }
0x99: {  	s19 =	sld [smem:$0x3FDB];
	_ =	sdelay $0x1  }
0x9a: {  	s5 =	simm.s32 $_scs_section_size  }
0x9b: {  	s6 =	simm.s32 $_size__tile_overlayer_lowered;
	s7 =	simm.s32 $_tile_overlayer_lowered  }
0x9c: {  	s22 =	simm.s32 $0x1BFF;
	s21 =	sshll.u32 s7, $0x1;
	s4 =	sadd.s32 s5, s19  }
0x9d: {  	s8 =	simm.s32 $0x0;
	s20 =	sshll.u32 s6, $0x1;
	s6 =	sadd.s32 s21, s4  }
0x9e: {  	[timem:s8], [sflag:s22] =	dma.local [hbm:s6], s20  }
0x9f: {  	_ =	swait.ge [sflag:s22], s20  }
0xa0: {  	s5 =	ssub.s32 $0x0, s20;
	[sflag:s22] =	ssyncset.done $0x0  }
0xa1: {  	[sflag:s22] =	ssyncadd.s32 s5;
	_ =	sdelay $0x1  }
0xa2: {  	s23 =	simm.s32 $0x1B8B  }
0xa3: {  	_ =	swait.ge [sflag:s23], $0x1  }
0xa4: {  	[sflag:s23] =	ssyncset.done $0x0  }
0xa5: {  	s25 =	simm.s32 $0x1B8E;
	s24 =	sld [smem:$0x3FFE];
	[sflag:s23] =	ssyncadd.s32 $0xFFFFFFFF  }
0xa6: {  	s26 =	simm.s32 $execute0_lowered;
	[smem:$0x3FD2] =	sst s25  }
0xa7: {  	s6 =	sshll.u32 s26, $0x1;
	_ =	strace $0x80000046;
	[dreg:$0x1] =	wrdreg $0xFFFFFFFF  }
0xa8: {  	s28 =	simm.s32 $_size_execute0_lowered;
	s4 =	sadd.s32 s4, s6;
	[dreg:$0x0] =	wrdreg $0x0  }
0xa9: {  	s6 =	sshll.u32 s28, $0x1;
	[dreg:$0x2] =	wrdreg s4  }
0xaa: {  	[dreg:$0x3] =	wrdreg s6  }
0xab: {  	[dreg:$0x4] =	wrdreg $0xC0  }
0xac: {  	_ =	task [dreg:s8], $0x5FFFF  }
0xad: {  	[dreg:$0x1] =	wrdreg $0xFFFFFFFF  }
0xae: {  	[dreg:$0x0] =	wrdreg $0x60  }
0xaf: {  	[dreg:$0x2] =	wrdreg s24  }
0xb0: {  	[dreg:$0x3] =	wrdreg s2  }
0xb1: {  	[dreg:$0x4] =	wrdreg s18  }
0xb2: {  	[dreg:$0x5] =	wrdreg $0x9  }
0xb3: {  	_ =	task.clear_ibuf [dreg:s8], $0x6FFFF;
	_ =	strace $0x90000046  }
0xb4: {  	s29 =	simm.s32 $0x9;
	_ =	strace $0x80000048  }
0xb5: {  	_ =	swait.ge [sflag:s29], $0x1  }
0xb6: {  	[sflag:s29] =	ssyncadd.s32 $0xFFFFFFFF  }
0xb7: {  	_ =	strace $0x90000048  }
0xb8: {  	_ =	sfence  }
0xb9: {  	s30 =	sld [smem:$0x0];
	_ =	sdelay $0x2  }
0xba: {  	s31 =	sshll.u32 s1, $0xD;
	s1 =	sshrl.u32 s1, $0x2  }
0xbb: {  	s3 =	sand.u32 $0x4000, s31;
	s1 =	sadd.s32 s1, s30  }
0xbc: {  	s0 =	sor.u32 s3, s0;
	s1 =	sshll.u32 s1, $0x11  }
0xbd: {  	s0 =	sor.u32 s1, s0  }
0xbe: {  	s0 =	sadd.s32 $0x8F2B, s0  }
0xbf: {  	[sflag:s0] =	ssyncadd.remote.s32 $0x1  }
0xc0: {  	_ =	sfence.sel $0xFFFF  }
0xc1: {  	[dreg:$0x0] =	wrdreg $0xFFFFFFFF;
	(pc) =	sbr.abs _section_cstart, $3  }
0xc2: {  	[dreg:$0x1] =	wrdreg $0xFFFFFFFF  }
0xc3: {  	_ =	task.clear_ibuf [dreg:s8], $0x2FFFF;
	_ =	strace $0x9FFFFFFF  }
0xc4: {  	(tm) =	ssettm $0x7FFFFFFF  }
0xc5: {  	_ =	shalt  }
tec
execute0_lowered:
.L_overlay_start_1:
0x0: {  	(tag) =	ssettag $0x1  }
0x1: {  	s0 =	rddreg [dreg:$0x0]  }
0x2: {  	s2 =	rddreg [dreg:$0x1]  }
0x3: {  	s1 =	srdreg.scid;
	s4 =	stileid.u32  }
0x4: {  	s3 =	rddreg [dreg:$0x2];
	s14 =	simm.s32 $0x7;
	s17 =	simm.s32 $0x1  }
0x5: {  	s18 =	simm.s32 $0x2800;
	s19 =	simm.s32 $0x1E84800;
	s20 =	simm.s32 $0x1700  }
0x6: {  	s21 =	simm.s32 $0x2;
	s22 =	simm.s32 $0x6700;
	s23 =	simm.s32 $0x3  }
0x7: {  	s24 =	simm.s32 $0xB700;
	s25 =	simm.s32 $0x4;
	s26 =	simm.s32 $0x5  }
0x8: {  	s28 =	simm.s32 $0x6;
	s1 =	sand.u32 $0x1, s1;
	s5 =	sshll.u32 s4, $0x1  }
0x9: {  	s29 =	simm.s32 $0x0;
	s4 =	simm.s32 $0x0;
	s5 =	sor.u32 s1, s5  }
0xa: {  	s6 =	sadd.s32 $0xC00, s0;
	[smem:$0x7FF] =	sst s4;
	s7 =	smul.u32 $0x500, s5  }
.Ltmp0:
0xb: {  	s1 =	ssub.s32 $0x2, s1;
	_ =	strace $0x80000047;
	(pc) =	sbr.rel .LBB2_1-.Ltmp0, $4  }
0xc: {  	s8 =	smul.u32 $0xA0, s5;
	s30 =	sshrl.u32 s1, $0x1;
	s10 =	sor.u32 $0x20, s5  }
0xd: {  	s11 =	sor.u32 $0x60, s5;
	s12 =	sor.u32 $0x80, s5;
	s9 =	sshrl.u32 s7, $0x3  }
0xe: {  	s0 =	ssub.s32 s1, s30;
	s7 =	sadd.s32 s2, s8;
	s31 =	sadd.s32 s2, s9  }
0xf: {  	s13 =	smax.u32 s0, $0x1;
	s9 =	sor.u32 $0x40, s5;
	s8 =	sadd.s32 $0x1400, s31  }
.LBB2_13:
0x10: {  	_ =	swait.ge [sflag:s25], $0x5000  }
0x11: {  	[sflag:s25] =	ssyncset.done $0x0  }
0x12: {  	s29 =	sadd.s32 $0x1, s29;
	[sflag:s25] =	ssyncadd.s32 $0xFFFFB000  }
0x13: {  	p0 =	sne.s32 s29, s13;
	_ =	swait.ge [sflag:s26], $0x5000  }
.Ltmp1:
0x14: {  	[sflag:s26] =	ssyncset.done $0x0;
	(pc) =	sbr.rel @!p0 .LBB2_14-.Ltmp1, $4  }
0x15: {  	[sflag:s26] =	ssyncadd.s32 $0xFFFFB000  }
0x16: {  	_ =	swait.ge [sflag:s28], $0x5000  }
0x17: {  	[sflag:s28] =	ssyncset.done $0x0  }
0x18: {  	[sflag:s28] =	ssyncadd.s32 $0xFFFFB000  }
.LBB2_1:
0x19: {  	[tilespmem:s4], [sflag:$0x7] =	stream.linear.gather [hbm4b:s6+s4], $0x800, $0x38;
	[tilespmem:$0x10700] =	vst v63  }
0x1a: {  	_ =	swait.ge [sflag:s14], $0x800  }
.Ltmp2:
0x1b: {  	[sflag:s14] =	ssyncset.done $0x0;
	(pc) =	sbr.rel .LBB2_2-.Ltmp2, $4  }
0x1c: {  	s0 =	simm.s32 $0x800;
	[sflag:s14] =	ssyncadd.s32 $0xFFFFF800  }
0x1d: {  	[tilespmem:s0], [sflag:$0x1] =	stream.linear.gather [hbm4b:s7+s4], $0x500, $0x38;
	[tilespmem:$0x10700] =	vst v63  }
0x1e: {  	s31 =	simm.s32 $0xD00;
	s30 =	simm.s32 $0x0  }
0x1f: {  	[tilespmem:s31], [sflag:$0x2] =	stream.linear.gather [hbm4b:s8+s4], $0x500, $0x38;
	[tilespmem:$0x10700] =	vst v63  }
.LBB2_12:
0x20: {  	s30 =	sadd.s32 $0x1, s30  }
0x21: {  	p0 =	sne.s32 s30, $0x21  }
.Ltmp3:
0x22: {  	_ = 	snop;
	(pc) =	sbr.rel @!p0 .LBB2_13-.Ltmp3, $1  }
0x23: {  	_ =	sdelay $0x3  }
.LBB2_2:
0x24: {  	s31 =	smul.u32 $0x60, s30;
	_ =	sdelay $0x1  }
0x25: {  	s1 =	sor.u32 s5, s31  }
0x26: {  	p0 =	sgt.u32 s1, $0xBF4  }
0x27: {  	_ =	swait.ge [sflag:s17], $0x500;
	s0 =	sadd.s32 @!p0 s9, s31  }
0x28: {  	[sflag:s17] =	ssyncset.done $0x0;
	s0 =	smul.u32 @!p0 $0xA0, s0  }
0x29: {  	[sflag:s17] =	ssyncadd.s32 $0xFFFFFB00  }
0x2a: {  	s15 =	simm.s32 @!p0 $0x0;
	s16 =	simm.s32 @!p0 $0x1200;
	s0 =	sadd.s32 @!p0 s2, s0  }
0x2b: {  	[tilespmem:s16], [sflag:$0x3] =	stream.linear.gather @!p0 [hbm4b:s0+s15], $0x500, $0x38;
	[tilespmem:$0x10700] =	vst v63  }
0x2c: {  	p0 =	seq.s32 s30, $0x0  }
0x2d: {  	s0 =	simm.s32 @!p0 $0x4  }
0x2e: {  	_ =	swait.ge @!p0 [sflag:s0], $0x5000  }
0x2f: {  	s15 =	simm.s32 $0x42F0;
	[sflag:s0] =	ssyncset.done @!p0 $0x0  }
0x30: {  	s16 =	simm.s32 $0x840;
	[sflag:s0] =	ssyncadd.s32 @!p0 $0xFFFFB000;
	s0 =	simm.s32 $0xFFFFFFF8  }
.LBB2_3:
0x31: {  	v0 =	vld [tilespmem:s16+$0xFFFFFFC0];
	_ =	sdelay $0x4  }
0x32: {  	v1 =	vmax.f32 v0, $0.0e+00  }
0x33: {  	v1 =	vmin.f32 v1, $5.000000000e+00  }
0x34: {  	v1 =	vmul.f32 $2.539999960e+01, v1;
	_ =	sdelay $0x1  }
0x35: {  	v1 =	vtrunc.f32 v1  }
0x36: {  	v1 =	vcvt.f32.s32 v1;
	_ =	sdelay $0x1  }
0x37: {  	vm0 =	vgt.s32 v1, $0x0  }
0x38: {  	v1 =	vnsel vm0, $0x0, v1  }
0x39: {  	v1 =	vmin.u32 v1, $0x7E  }
0x3a: {  	v2 =	vadd.s32 $0x1, v1;
	_ =	sdelay $0x3  }
0x3b: {  	v3 =	vcvt.s32.f32 v1;
	v4 =	vld.idx.msk [tilespmem:v1+s4+$0x0], $0xffff  }
0x3c: {  	v2 =	vld.idx.msk [tilespmem:v2+s4+$0x0], $0xffff  }
0x3d: {  	v3 =	vmul.f32 $3.937007860e-02, v3;
	_ =	sdelay $0x1  }
0x3e: {  	v0 =	vsub.f32 v0, v3;
	_ =	sdelay $0x1  }
0x3f: {  	v0 =	vmul.f32 $2.539999960e+01, v0;
	v2 =	vsub.f32 v2, v4;
	_ =	sdelay $0x1  }
0x40: {  	v45 =	vor.u32 $0x80, v1;
	v2 =	vmul.f32 v0, v2  }
0x41: {  	v5 =	vadd.s32 $0x81, v1  }
0x42: {  	v2 =	vadd.f32 v2, v4;
	_ =	sdelay $0x1  }
0x43: {  	[tilespmem:s15+$0xFFFFD410] =	vst v2  }
0x44: {  	v2 =	vld.idx.msk [tilespmem:v45+s4+$0x0], $0xffff  }
0x45: {  	v46 =	vld.idx.msk [tilespmem:v5+s4+$0x0], $0xffff;
	_ =	sdelay $0x4  }
0x46: {  	v3 =	vsub.f32 v46, v2;
	_ =	sdelay $0x1  }
0x47: {  	v47 =	vor.u32 $0x100, v1;
	v3 =	vmul.f32 v0, v3  }
0x48: {  	v48 =	vadd.s32 $0x101, v1  }
0x49: {  	v2 =	vadd.f32 v3, v2;
	_ =	sdelay $0x1  }
0x4a: {  	[tilespmem:s15+$0xFFFFD490] =	vst v2  }
0x4b: {  	v2 =	vld.idx.msk [tilespmem:v47+s4+$0x0], $0xffff  }
0x4c: {  	v49 =	vld.idx.msk [tilespmem:v48+s4+$0x0], $0xffff;
	_ =	sdelay $0x4  }
0x4d: {  	v3 =	vsub.f32 v49, v2;
	_ =	sdelay $0x1  }
0x4e: {  	v50 =	vor.u32 $0x180, v1;
	v3 =	vmul.f32 v0, v3  }
0x4f: {  	v51 =	vadd.s32 $0x181, v1  }
0x50: {  	v2 =	vadd.f32 v3, v2;
	_ =	sdelay $0x1  }
0x51: {  	[tilespmem:s15+$0xFFFFD510] =	vst v2  }
0x52: {  	v2 =	vld.idx.msk [tilespmem:v50+s4+$0x0], $0xffff  }
0x53: {  	v52 =	vld.idx.msk [tilespmem:v51+s4+$0x0], $0xffff;
	_ =	sdelay $0x4  }
0x54: {  	v3 =	vsub.f32 v52, v2;
	_ =	sdelay $0x1  }
0x55: {  	v53 =	vor.u32 $0x200, v1;
	v3 =	vmul.f32 v3, v0  }
0x56: {  	v54 =	vadd.s32 $0x201, v1  }
0x57: {  	v2 =	vadd.f32 v3, v2;
	_ =	sdelay $0x1  }
0x58: {  	[tilespmem:s15+$0xFFFFD590] =	vst v2  }
0x59: {  	v2 =	vld.idx.msk [tilespmem:v53+s4+$0x0], $0xffff  }
0x5a: {  	v55 =	vld.idx.msk [tilespmem:v54+s4+$0x0], $0xffff;
	_ =	sdelay $0x4  }
0x5b: {  	v3 =	vsub.f32 v55, v2;
	_ =	sdelay $0x1  }
0x5c: {  	v56 =	vor.u32 $0x280, v1;
	v3 =	vmul.f32 v3, v0  }
0x5d: {  	v57 =	vadd.s32 $0x281, v1  }
0x5e: {  	v2 =	vadd.f32 v3, v2;
	_ =	sdelay $0x1  }
0x5f: {  	[tilespmem:s15+$0xFFFFD610] =	vst v2  }
0x60: {  	v2 =	vld.idx.msk [tilespmem:v56+s4+$0x0], $0xffff  }
0x61: {  	v58 =	vld.idx.msk [tilespmem:v57+s4+$0x0], $0xffff;
	_ =	sdelay $0x4  }
0x62: {  	v3 =	vsub.f32 v58, v2;
	_ =	sdelay $0x1  }
0x63: {  	v59 =	vor.u32 $0x300, v1;
	v3 =	vmul.f32 v3, v0  }
0x64: {  	v60 =	vadd.s32 $0x301, v1  }
0x65: {  	v2 =	vadd.f32 v3, v2;
	_ =	sdelay $0x1  }
0x66: {  	[tilespmem:s15+$0xFFFFD690] =	vst v2  }
0x67: {  	v2 =	vld.idx.msk [tilespmem:v59+s4+$0x0], $0xffff  }
0x68: {  	v61 =	vld.idx.msk [tilespmem:v60+s4+$0x0], $0xffff;
	_ =	sdelay $0x4  }
0x69: {  	v3 =	vsub.f32 v61, v2;
	_ =	sdelay $0x1  }
0x6a: {  	v62 =	vor.u32 $0x380, v1;
	v3 =	vmul.f32 v3, v0  }
0x6b: {  	v63 =	vadd.s32 $0x381, v1  }
0x6c: {  	v2 =	vadd.f32 v3, v2;
	_ =	sdelay $0x1  }
0x6d: {  	[tilespmem:s15+$0xFFFFD710] =	vst v2  }
0x6e: {  	v2 =	vld.idx.msk [tilespmem:v62+s4+$0x0], $0xffff  }
0x6f: {  	v8 =	vld.idx.msk [tilespmem:v63+s4+$0x0], $0xffff;
	_ =	sdelay $0x4  }
0x70: {  	v3 =	vsub.f32 v8, v2;
	_ =	sdelay $0x1  }
0x71: {  	v9 =	vor.u32 $0x400, v1;
	v3 =	vmul.f32 v3, v0  }
0x72: {  	v10 =	vadd.s32 $0x401, v1  }
0x73: {  	v2 =	vadd.f32 v3, v2;
	_ =	sdelay $0x1  }
0x74: {  	[tilespmem:s15+$0xFFFFD790] =	vst v2  }
0x75: {  	v2 =	vld.idx.msk [tilespmem:v9+s4+$0x0], $0xffff  }
0x76: {  	v11 =	vld.idx.msk [tilespmem:v10+s4+$0x0], $0xffff;
	_ =	sdelay $0x4  }
0x77: {  	v3 =	vsub.f32 v11, v2;
	_ =	sdelay $0x1  }
0x78: {  	v12 =	vor.u32 $0x480, v1;
	v3 =	vmul.f32 v3, v0  }
0x79: {  	v13 =	vadd.s32 $0x481, v1  }
0x7a: {  	v14 =	vld [tilespmem:s16+$0xFFFFFFD0];
	v2 =	vadd.f32 v3, v2;
	_ =	sdelay $0x1  }
0x7b: {  	[tilespmem:s15+$0xFFFFFC10] =	vst v2  }
0x7c: {  	v2 =	vld.idx.msk [tilespmem:v12+s4+$0x0], $0xffff  }
0x7d: {  	v15 =	vld.idx.msk [tilespmem:v13+s4+$0x0], $0xffff  }
0x7e: {  	v16 =	vmax.f32 v14, $0.0e+00  }
0x7f: {  	v5 =	vmin.f32 v16, $5.000000000e+00  }
0x80: {  	v5 =	vmul.f32 $2.539999960e+01, v5;
	_ =	sdelay $0x1  }
0x81: {  	v5 =	vtrunc.f32 v5;
	v4 =	vsub.f32 v15, v2  }
0x82: {  	v5 =	vcvt.f32.s32 v5  }
0x83: {  	v6 =	vor.u32 $0x500, v1;
	v4 =	vmul.f32 v4, v0  }
0x84: {  	v7 =	vadd.s32 $0x501, v1;
	vm9 =	vgt.s32 v5, $0x0  }
0x85: {  	v17 =	vnsel vm9, $0x0, v5;
	v2 =	vadd.f32 v4, v2  }
0x86: {  	v4 =	vmin.u32 v17, $0x7E  }
0x87: {  	v20 =	vld [tilespmem:s16+$0xFFFFFFE0];
	v19 =	vadd.s32 $0x1, v4;
	[tilespmem:s15+$0xFFFFFC90] =	vst v2  }
0x88: {  	v18 =	vld.idx.msk [tilespmem:v6+s4+$0x0], $0xffff  }
0x89: {  	v7 =	vld.idx.msk [tilespmem:v7+s4+$0x0], $0xffff;
	_ =	sdelay $0x1  }
0x8a: {  	v8 =	vcvt.s32.f32 v4;
	v9 =	vld.idx.msk [tilespmem:v4+s4+$0x0], $0xffff  }
0x8b: {  	v22 =	vmax.f32 v20, $0.0e+00;
	v10 =	vld.idx.msk [tilespmem:v19+s4+$0x0], $0xffff  }
0x8c: {  	v21 =	vmul.f32 $3.937007860e-02, v8;
	v8 =	vmin.f32 v22, $5.000000000e+00  }
0x8d: {  	v23 =	vmul.f32 $2.539999960e+01, v8;
	v7 =	vsub.f32 v7, v18  }
0x8e: {  	v24 =	vor.u32 $0x580, v1;
	v2 =	vsub.f32 v14, v21  }
0x8f: {  	v11 =	vadd.s32 $0x581, v1;
	v3 =	vtrunc.f32 v23;
	v7 =	vmul.f32 v7, v0  }
0x90: {  	v2 =	vmul.f32 $2.539999960e+01, v2;
	v3 =	vcvt.f32.s32 v3;
	v10 =	vsub.f32 v10, v9  }
0x91: {  	v5 =	vadd.f32 v7, v18  }
0x92: {  	v26 =	vor.u32 $0x80, v4;
	vm10 =	vgt.s32 v3, $0x0;
	v25 =	vmul.f32 v2, v10  }
0x93: {  	v12 =	vadd.s32 $0x81, v4;
	v3 =	vnsel vm10, $0x0, v3;
	[tilespmem:s15+$0xFFFFFD10] =	vst v5  }
0x94: {  	v5 =	vmin.u32 v3, $0x7E;
	v7 =	vadd.f32 v25, v9;
	v8 =	vld.idx.msk [tilespmem:v24+s4+$0x0], $0xffff  }
0x95: {  	v27 =	vld.idx.msk [tilespmem:v11+s4+$0x0], $0xffff;
	v28 =	vadd.s32 $0x1, v5  }
0x96: {  	[tilespmem:s15+$0xFFFFD420] =	vst v7  }
0x97: {  	v29 =	vld.idx.msk [tilespmem:v26+s4+$0x0], $0xffff  }
0x98: {  	v30 =	vld.idx.msk [tilespmem:v12+s4+$0x0], $0xffff  }
0x99: {  	v31 =	vcvt.s32.f32 v5;
	v32 =	vld.idx.msk [tilespmem:v5+s4+$0x0], $0xffff  }
0x9a: {  	v3 =	vsub.f32 v27, v8;
	v7 =	vld.idx.msk [tilespmem:v28+s4+$0x0], $0xffff  }
0x9b: {  	v11 =	vmul.f32 $3.937007860e-02, v31  }
0x9c: {  	v13 =	vor.u32 $0x600, v1;
	v3 =	vmul.f32 v3, v0  }
0x9d: {  	v14 =	vadd.s32 $0x601, v1;
	v6 =	vsub.f32 v20, v11;
	v10 =	vsub.f32 v30, v29  }
0x9e: {  	v33 =	vor.u32 $0x100, v4;
	v8 =	vadd.f32 v3, v8  }
0x9f: {  	v3 =	vmul.f32 $2.539999960e+01, v6;
	v10 =	vmul.f32 v2, v10;
	v34 =	vsub.f32 v7, v32  }
0xa0: {  	v15 =	vadd.s32 $0x101, v4;
	[tilespmem:s15+$0xFFFFFD90] =	vst v8  }
0xa1: {  	v36 =	vor.u32 $0x80, v5;
	v35 =	vadd.f32 v10, v29;
	v8 =	vld.idx.msk [tilespmem:v13+s4+$0x0], $0xffff;
	v6 =	vmul.f32 v3, v34  }
0xa2: {  	v38 =	vadd.s32 $0x81, v5;
	v37 =	vld.idx.msk [tilespmem:v14+s4+$0x0], $0xffff  }
0xa3: {  	[tilespmem:s15+$0xFFFFD4A0] =	vst v35;
	v6 =	vadd.f32 v6, v32  }
0xa4: {  	v11 =	vld.idx.msk [tilespmem:v33+s4+$0x0], $0xffff  }
0xa5: {  	v39 =	vld.idx.msk [tilespmem:v15+s4+$0x0], $0xffff;
	[tilespmem:s15+$0xFFFFD430] =	vst v6  }
0xa6: {  	v6 =	vld.idx.msk [tilespmem:v36+s4+$0x0], $0xffff  }
0xa7: {  	v40 =	vsub.f32 v37, v8;
	v7 =	vld.idx.msk [tilespmem:v38+s4+$0x0], $0xffff;
	_ =	sdelay $0x1  }
0xa8: {  	v41 =	vor.u32 $0x680, v1;
	v9 =	vmul.f32 v40, v0  }
0xa9: {  	v42 =	vadd.s32 $0x681, v1;
	v12 =	vsub.f32 v39, v11  }
0xaa: {  	v8 =	vadd.f32 v9, v8  }
0xab: {  	v44 =	vor.u32 $0x180, v4;
	v43 =	vmul.f32 v2, v12;
	v7 =	vsub.f32 v7, v6  }
0xac: {  	v45 =	vadd.s32 $0x181, v4;
	[tilespmem:s15+$0xFFFFFE10] =	vst v8  }
0xad: {  	v48 =	vor.u32 $0x100, v5;
	v46 =	vadd.f32 v43, v11;
	v47 =	vld.idx.msk [tilespmem:v41+s4+$0x0], $0xffff;
	v7 =	vmul.f32 v3, v7  }
0xae: {  	v50 =	vadd.s32 $0x101, v5;
	v49 =	vld.idx.msk [tilespmem:v42+s4+$0x0], $0xffff  }
0xaf: {  	[tilespmem:s15+$0xFFFFD520] =	vst v46;
	v6 =	vadd.f32 v7, v6  }
0xb0: {  	v12 =	vld.idx.msk [tilespmem:v44+s4+$0x0], $0xffff  }
0xb1: {  	v51 =	vld.idx.msk [tilespmem:v45+s4+$0x0], $0xffff;
	[tilespmem:s15+$0xFFFFD4B0] =	vst v6  }
0xb2: {  	v6 =	vld.idx.msk [tilespmem:v48+s4+$0x0], $0xffff  }
0xb3: {  	v52 =	vsub.f32 v49, v47;
	v8 =	vld.idx.msk [tilespmem:v50+s4+$0x0], $0xffff  }
0xb4: {  	v19 =	vld [tilespmem:s16+$0x20]  }
0xb5: {  	v53 =	vor.u32 $0x700, v1;
	v10 =	vmul.f32 v52, v0  }
0xb6: {  	v54 =	vadd.s32 $0x701, v1;
	v7 =	vsub.f32 v51, v12  }
0xb7: {  	v20 =	vld [tilespmem:s16+$0x30];
	v9 =	vadd.f32 v10, v47  }
0xb8: {  	v55 =	vor.u32 $0x200, v4;
	v7 =	vmul.f32 v7, v2;
	v8 =	vsub.f32 v8, v6  }
0xb9: {  	v59 =	vld [tilespmem:s16+$0xFFFFFFF0];
	v56 =	vadd.s32 $0x201, v4;
	v22 =	vmax.f32 v19, $0.0e+00;
	[tilespmem:s15+$0xFFFFFE90] =	vst v9  }
0xba: {  	v57 =	vor.u32 $0x180, v5;
	v7 =	vadd.f32 v7, v12;
	v11 =	vld.idx.msk [tilespmem:v53+s4+$0x0], $0xffff;
	v8 =	vmul.f32 v3, v8  }
0xbb: {  	v22 =	vmin.f32 v22, $5.000000000e+00;
	v58 =	vadd.s32 $0x181, v5;
	v13 =	vld.idx.msk [tilespmem:v54+s4+$0x0], $0xffff  }
0xbc: {  	v61 =	vld [tilespmem:s16+$0x0];
	v22 =	vmul.f32 $2.539999960e+01, v22;
	v23 =	vmax.f32 v20, $0.0e+00;
	[tilespmem:s15+$0xFFFFD5A0] =	vst v7;
	v6 =	vadd.f32 v8, v6  }
0xbd: {  	v47 =	vmin.f32 v23, $5.000000000e+00;
	v10 =	vld.idx.msk [tilespmem:v55+s4+$0x0], $0xffff  }
0xbe: {  	v62 =	vmax.f32 v59, $0.0e+00;
	v46 =	vtrunc.f32 v22;
	v22 =	vmul.f32 $2.539999960e+01, v47;
	v9 =	vld.idx.msk [tilespmem:v56+s4+$0x0], $0xffff;
	[tilespmem:s15+$0xFFFFD530] =	vst v6  }
0xbf: {  	v14 =	vmin.f32 v62, $5.000000000e+00;
	v6 =	vld.idx.msk [tilespmem:v57+s4+$0x0], $0xffff  }
0xc0: {  	v14 =	vmul.f32 $2.539999960e+01, v14;
	v51 =	vtrunc.f32 v22;
	v7 =	vld.idx.msk [tilespmem:v58+s4+$0x0], $0xffff;
	v60 =	vsub.f32 v13, v11  }
0xc1: {  	v16 =	vld [tilespmem:s16+$0x10];
	v28 =	vcvt.f32.s32 v51  }
0xc2: {  	v36 =	vtrunc.f32 v14;
	v37 =	vmax.f32 v61, $0.0e+00;
	v12 =	vmul.f32 v60, v0  }
0xc3: {  	v39 =	vor.u32 $0x200, v5;
	vm15 =	vgt.s32 v28, $0x0;
	v9 =	vsub.f32 v9, v10  }
0xc4: {  	v55 =	vnsel vm15, $0x0, v28;
	v63 =	vadd.f32 v12, v11;
	v11 =	vcvt.f32.s32 v36  }
0xc5: {  	v12 =	vmin.f32 v37, $5.000000000e+00;
	v7 =	vsub.f32 v7, v6;
	v9 =	vmul.f32 v9, v2  }
0xc6: {  	v41 =	vmax.f32 v16, $0.0e+00;
	v14 =	vmin.u32 v55, $0x7E;
	v38 =	vmul.f32 $2.539999960e+01, v12  }
0xc7: {  	vm11 =	vgt.s32 v11, $0x0;
	v7 =	vmul.f32 v7, v3;
	v18 =	vadd.f32 v9, v10  }
0xc8: {  	v40 =	vnsel vm11, $0x0, v11;
	v9 =	vtrunc.f32 v38;
	v11 =	vmin.f32 v41, $5.000000000e+00  }
0xc9: {  	v42 =	vadd.s32 $0x201, v5;
	v10 =	vcvt.f32.s32 v46;
	v11 =	vmul.f32 $2.539999960e+01, v11  }
0xca: {  	v9 =	vcvt.f32.s32 v9;
	v6 =	vadd.f32 v7, v6;
	v7 =	vmin.u32 v40, $0x7E  }
0xcb: {  	vm14 =	vgt.s32 v10, $0x0;
	v21 =	vadd.s32 $0x1, v7;
	v11 =	vtrunc.f32 v11  }
0xcc: {  	vm12 =	vgt.s32 v9, $0x0;
	v10 =	vnsel vm14, $0x0, v10;
	v11 =	vcvt.f32.s32 v11  }
0xcd: {  	v34 =	vld.idx.msk [tilespmem:v14+s4+$0x0], $0xffff;
	v9 =	vnsel vm12, $0x0, v9;
	[tilespmem:s15+$0xFFFFD5B0] =	vst v6;
	v12 =	vmin.u32 v10, $0x7E  }
0xce: {  	v17 =	vor.u32 $0x780, v1;
	v9 =	vmin.u32 v9, $0x7E;
	v24 =	vld.idx.msk [tilespmem:v39+s4+$0x0], $0xffff;
	vm13 =	vgt.s32 v11, $0x0  }
0xcf: {  	v1 =	vadd.s32 $0x781, v1;
	v50 =	vld.idx.msk [tilespmem:v42+s4+$0x0], $0xffff;
	v45 =	vadd.s32 $0x1, v9;
	v11 =	vnsel vm13, $0x0, v11  }
0xd0: {  	v25 =	vor.u32 $0x280, v4;
	v43 =	vcvt.s32.f32 v7;
	v48 =	vld.idx.msk [tilespmem:v7+s4+$0x0], $0xffff;
	v11 =	vmin.u32 v11, $0x7E  }
0xd1: {  	v29 =	vadd.s32 $0x281, v4;
	v47 =	vor.u32 $0x280, v5;
	v49 =	vld.idx.msk [tilespmem:v21+s4+$0x0], $0xffff;
	v26 =	vadd.s32 $0x1, v11  }
0xd2: {  	v58 =	vadd.s32 $0x1, v14;
	v44 =	vmul.f32 $3.937007860e-02, v43;
	v54 =	vadd.s32 $0x1, v12;
	v33 =	vld.idx.msk [tilespmem:v12+s4+$0x0], $0xffff  }
0xd3: {  	v38 =	vcvt.s32.f32 v14;
	v62 =	vor.u32 $0x80, v7;
	v52 =	vcvt.s32.f32 v9;
	v27 =	vld.idx.msk [tilespmem:v9+s4+$0x0], $0xffff  }
0xd4: {  	[tilespmem:s15+$0xFFFFFF10] =	vst v63;
	v63 =	vadd.s32 $0x81, v7;
	v6 =	vsub.f32 v59, v44;
	v31 =	vcvt.s32.f32 v11;
	v30 =	vld.idx.msk [tilespmem:v45+s4+$0x0], $0xffff  }
0xd5: {  	v60 =	vcvt.s32.f32 v12;
	v40 =	vor.u32 $0x80, v9;
	v53 =	vmul.f32 $3.937007860e-02, v52;
	v32 =	vld.idx.msk [tilespmem:v11+s4+$0x0], $0xffff  }
0xd6: {  	v6 =	vmul.f32 $2.539999960e+01, v6;
	v57 =	vmul.f32 $3.937007860e-02, v31;
	v8 =	vsub.f32 v49, v48;
	v26 =	vld.idx.msk [tilespmem:v26+s4+$0x0], $0xffff  }
0xd7: {  	v42 =	vadd.s32 $0x81, v9;
	v43 =	vor.u32 $0x80, v11;
	v10 =	vsub.f32 v61, v53;
	v22 =	vld.idx.msk [tilespmem:v54+s4+$0x0], $0xffff  }
0xd8: {  	v13 =	vld.idx.msk [tilespmem:v17+s4+$0x0], $0xffff;
	v21 =	vsub.f32 v50, v24;
	v16 =	vsub.f32 v16, v57;
	v56 =	vmul.f32 v6, v8  }
0xd9: {  	v41 =	vld.idx.msk [tilespmem:v58+s4+$0x0], $0xffff;
	v8 =	vmul.f32 $2.539999960e+01, v10;
	v59 =	vsub.f32 v30, v27;
	v30 =	vmul.f32 $3.937007860e-02, v60  }
0xda: {  	v1 =	vld.idx.msk [tilespmem:v1+s4+$0x0], $0xffff;
	[tilespmem:s15+$0xFFFFD620] =	vst v18;
	v21 =	vmul.f32 v21, v3;
	v10 =	vmul.f32 $2.539999960e+01, v16;
	v61 =	vadd.f32 v56, v48  }
0xdb: {  	v25 =	vld.idx.msk [tilespmem:v25+s4+$0x0], $0xffff;
	v36 =	vmul.f32 v8, v59;
	v19 =	vsub.f32 v19, v30;
	v37 =	vsub.f32 v26, v32  }
0xdc: {  	v46 =	vld.idx.msk [tilespmem:v29+s4+$0x0], $0xffff;
	v21 =	vadd.f32 v21, v24;
	v44 =	vsub.f32 v22, v33;
	[tilespmem:s15+$0xFFFFD440] =	vst v61;
	v26 =	vmul.f32 $3.937007860e-02, v38  }
0xdd: {  	v39 =	vadd.f32 v36, v27;
	v23 =	vld.idx.msk [tilespmem:v62+s4+$0x0], $0xffff;
	v15 =	vmul.f32 $2.539999960e+01, v19;
	v16 =	vmul.f32 v10, v37  }
0xde: {  	v45 =	vadd.s32 $0x81, v11;
	[tilespmem:s15+$0xFFFFD630] =	vst v21;
	v17 =	vld.idx.msk [tilespmem:v63+s4+$0x0], $0xffff;
	v20 =	vsub.f32 v20, v26  }
0xdf: {  	v49 =	vor.u32 $0x80, v12;
	v18 =	vld.idx.msk [tilespmem:v47+s4+$0x0], $0xffff;
	[tilespmem:s15+$0xFFFFD450] =	vst v39;
	v19 =	vmul.f32 v15, v44;
	v48 =	vadd.f32 v16, v32  }
0xe0: {  	v52 =	vadd.s32 $0x81, v12;
	v50 =	vsub.f32 v41, v34;
	v27 =	vld.idx.msk [tilespmem:v40+s4+$0x0], $0xffff;
	v16 =	vmul.f32 $2.539999960e+01, v20  }
0xe1: {  	v56 =	vadd.s32 $0x281, v5;
	v51 =	vld.idx.msk [tilespmem:v42+s4+$0x0], $0xffff;
	v19 =	vadd.f32 v19, v33;
	[tilespmem:s15+$0xFFFFD460] =	vst v48  }
0xe2: {  	v58 =	vsub.f32 v46, v25;
	v53 =	vor.u32 $0x80, v14;
	v20 =	vmul.f32 v16, v50;
	v29 =	vld.idx.msk [tilespmem:v43+s4+$0x0], $0xffff  }
0xe3: {  	v55 =	vadd.s32 $0x81, v14;
	v17 =	vsub.f32 v17, v23;
	v54 =	vld.idx.msk [tilespmem:v45+s4+$0x0], $0xffff;
	[tilespmem:s15+$0xFFFFD470] =	vst v19  }
0xe4: {  	v61 =	vmul.f32 v58, v2;
	v62 =	vor.u32 $0x300, v4;
	v57 =	vadd.f32 v20, v34;
	v32 =	vld.idx.msk [tilespmem:v49+s4+$0x0], $0xffff  }
0xe5: {  	v59 =	vor.u32 $0x100, v7;
	v17 =	vmul.f32 v6, v17;
	v28 =	vld.idx.msk [tilespmem:v52+s4+$0x0], $0xffff  }
0xe6: {  	v60 =	vadd.s32 $0x101, v7;
	v37 =	vld.idx.msk [tilespmem:v56+s4+$0x0], $0xffff;
	v19 =	vadd.f32 v61, v25;
	v24 =	vsub.f32 v51, v27;
	[tilespmem:s15+$0xFFFFD480] =	vst v57  }
0xe7: {  	v42 =	vadd.s32 $0x301, v4;
	v17 =	vadd.f32 v17, v23;
	v63 =	vld.idx.msk [tilespmem:v53+s4+$0x0], $0xffff  }
0xe8: {  	v36 =	vor.u32 $0x100, v9;
	[tilespmem:s15+$0xFFFFD6A0] =	vst v19;
	v24 =	vmul.f32 v8, v24;
	v22 =	vld.idx.msk [tilespmem:v55+s4+$0x0], $0xffff;
	v21 =	vsub.f32 v54, v29  }
0xe9: {  	v38 =	vadd.s32 $0x101, v9;
	v39 =	vor.u32 $0x100, v11;
	v20 =	vld.idx.msk [tilespmem:v62+s4+$0x0], $0xffff;
	[tilespmem:s15+$0xFFFFD4C0] =	vst v17  }
0xea: {  	v26 =	vld.idx.msk [tilespmem:v59+s4+$0x0], $0xffff;
	v24 =	vadd.f32 v24, v27;
	v28 =	vsub.f32 v28, v32;
	v21 =	vmul.f32 v10, v21  }
0xeb: {  	v41 =	vadd.s32 $0x101, v11;
	v25 =	vsub.f32 v37, v18;
	v40 =	vld.idx.msk [tilespmem:v60+s4+$0x0], $0xffff  }
0xec: {  	v43 =	vor.u32 $0x100, v12;
	v33 =	vld.idx.msk [tilespmem:v42+s4+$0x0], $0xffff;
	[tilespmem:s15+$0xFFFFD4D0] =	vst v24;
	v28 =	vmul.f32 v15, v28;
	v21 =	vadd.f32 v21, v29  }
0xed: {  	v44 =	vadd.s32 $0x101, v12;
	v24 =	vld.idx.msk [tilespmem:v36+s4+$0x0], $0xffff;
	v22 =	vsub.f32 v22, v63  }
0xee: {  	v47 =	vor.u32 $0x300, v5;
	v25 =	vmul.f32 v25, v3;
	v17 =	vld.idx.msk [tilespmem:v38+s4+$0x0], $0xffff;
	v28 =	vadd.f32 v28, v32;
	[tilespmem:s15+$0xFFFFD4E0] =	vst v21  }
0xef: {  	v45 =	vor.u32 $0x100, v14;
	v22 =	vmul.f32 v16, v22;
	v27 =	vld.idx.msk [tilespmem:v39+s4+$0x0], $0xffff  }
0xf0: {  	v46 =	vadd.s32 $0x101, v14;
	v18 =	vadd.f32 v25, v18;
	v19 =	vsub.f32 v40, v26;
	v31 =	vld.idx.msk [tilespmem:v41+s4+$0x0], $0xffff;
	[tilespmem:s15+$0xFFFFD4F0] =	vst v28  }
0xf1: {  	v50 =	vadd.s32 $0x301, v5;
	v22 =	vadd.f32 v22, v63;
	v29 =	vld.idx.msk [tilespmem:v43+s4+$0x0], $0xffff  }
0xf2: {  	v48 =	vor.u32 $0x180, v7;
	[tilespmem:s15+$0xFFFFD6B0] =	vst v18;
	v55 =	vsub.f32 v33, v20;
	v19 =	vmul.f32 v6, v19;
	v21 =	vld.idx.msk [tilespmem:v44+s4+$0x0], $0xffff  }
0xf3: {  	v49 =	vadd.s32 $0x181, v7;
	v28 =	vld.idx.msk [tilespmem:v47+s4+$0x0], $0xffff;
	v17 =	vsub.f32 v17, v24;
	[tilespmem:s15+$0xFFFFD500] =	vst v22  }
0xf4: {  	v32 =	vmul.f32 v55, v2;
	v40 =	vadd.s32 $0x381, v4;
	v19 =	vadd.f32 v19, v26;
	v51 =	vld.idx.msk [tilespmem:v45+s4+$0x0], $0xffff  }
0xf5: {  	v52 =	vor.u32 $0x180, v9;
	v17 =	vmul.f32 v8, v17;
	v54 =	vld.idx.msk [tilespmem:v46+s4+$0x0], $0xffff;
	v53 =	vsub.f32 v31, v27  }
0xf6: {  	v58 =	vor.u32 $0x180, v11;
	v56 =	vadd.s32 $0x181, v9;
	v20 =	vadd.f32 v32, v20;
	v22 =	vld.idx.msk [tilespmem:v50+s4+$0x0], $0xffff;
	[tilespmem:s15+$0xFFFFD540] =	vst v19  }
0xf7: {  	v23 =	vld.idx.msk [tilespmem:v48+s4+$0x0], $0xffff;
	v17 =	vadd.f32 v17, v24;
	v21 =	vsub.f32 v21, v29;
	v57 =	vmul.f32 v10, v53  }
0xf8: {  	v59 =	vadd.s32 $0x181, v11;
	[tilespmem:s15+$0xFFFFD720] =	vst v20;
	v25 =	vld.idx.msk [tilespmem:v49+s4+$0x0], $0xffff  }
0xf9: {  	v61 =	vor.u32 $0x180, v12;
	v33 =	vld.idx.msk [tilespmem:v40+s4+$0x0], $0xffff;
	[tilespmem:s15+$0xFFFFD550] =	vst v17;
	v21 =	vmul.f32 v15, v21;
	v24 =	vadd.f32 v57, v27  }
0xfa: {  	v62 =	vadd.s32 $0x181, v12;
	v18 =	vld.idx.msk [tilespmem:v52+s4+$0x0], $0xffff;
	v31 =	vsub.f32 v54, v51  }
0xfb: {  	v60 =	vor.u32 $0x380, v4;
	v19 =	vld.idx.msk [tilespmem:v56+s4+$0x0], $0xffff;
	v21 =	vadd.f32 v21, v29;
	[tilespmem:s15+$0xFFFFD560] =	vst v24  }
0xfc: {  	v36 =	vor.u32 $0x180, v14;
	v22 =	vsub.f32 v22, v28;
	v63 =	vmul.f32 v16, v31;
	v30 =	vld.idx.msk [tilespmem:v58+s4+$0x0], $0xffff  }
0xfd: {  	v39 =	vadd.s32 $0x181, v14;
	v37 =	vsub.f32 v25, v23;
	v38 =	vld.idx.msk [tilespmem:v59+s4+$0x0], $0xffff;
	[tilespmem:s15+$0xFFFFD570] =	vst v21  }
0xfe: {  	v45 =	vor.u32 $0x380, v5;
	v44 =	vmul.f32 v22, v3;
	v41 =	vadd.f32 v63, v51;
	v27 =	vld.idx.msk [tilespmem:v61+s4+$0x0], $0xffff  }
0xff: {  	v42 =	vor.u32 $0x200, v7;
	v20 =	vmul.f32 v37, v6;
	v24 =	vld.idx.msk [tilespmem:v62+s4+$0x0], $0xffff  }
0x100: {  	v43 =	vadd.s32 $0x201, v7;
	v17 =	vld.idx.msk [tilespmem:v60+s4+$0x0], $0xffff;
	v21 =	vadd.f32 v44, v28;
	v19 =	vsub.f32 v19, v18;
	[tilespmem:s15+$0xFFFFD580] =	vst v41  }
0x101: {  	v53 =	vadd.s32 $0x381, v5;
	v20 =	vadd.f32 v20, v23;
	v46 =	vld.idx.msk [tilespmem:v36+s4+$0x0], $0xffff  }
0x102: {  	v47 =	vor.u32 $0x200, v9;
	[tilespmem:s15+$0xFFFFD730] =	vst v21;
	v19 =	vmul.f32 v19, v8;
	v32 =	vld.idx.msk [tilespmem:v39+s4+$0x0], $0xffff;
	v25 =	vsub.f32 v38, v30  }
0x103: {  	v50 =	vor.u32 $0x200, v11;
	v48 =	vadd.s32 $0x201, v9;
	v22 =	vld.idx.msk [tilespmem:v45+s4+$0x0], $0xffff;
	[tilespmem:s15+$0xFFFFD5C0] =	vst v20  }
0x104: {  	v26 =	vld.idx.msk [tilespmem:v42+s4+$0x0], $0xffff;
	v18 =	vadd.f32 v19, v18;
	v24 =	vsub.f32 v24, v27;
	v49 =	vmul.f32 v25, v10  }
0x105: {  	v52 =	vadd.s32 $0x201, v11;
	v58 =	vsub.f32 v33, v17;
	v51 =	vld.idx.msk [tilespmem:v43+s4+$0x0], $0xffff  }
0x106: {  	v56 =	vor.u32 $0x200, v12;
	v29 =	vld.idx.msk [tilespmem:v53+s4+$0x0], $0xffff;
	[tilespmem:s15+$0xFFFFD5D0] =	vst v18;
	v24 =	vmul.f32 v24, v15;
	v54 =	vadd.f32 v49, v30  }
0x107: {  	v59 =	vadd.s32 $0x201, v12;
	v55 =	vld.idx.msk [tilespmem:v47+s4+$0x0], $0xffff;
	v57 =	vsub.f32 v32, v46  }
0x108: {  	v63 =	vor.u32 $0x400, v4;
	v20 =	vld.idx.msk [tilespmem:v48+s4+$0x0], $0xffff;
	v32 =	vmul.f32 v58, v2;
	v24 =	vadd.f32 v24, v27;
	[tilespmem:s15+$0xFFFFD5E0] =	vst v54  }
0x109: {  	v38 =	vadd.s32 $0x401, v4;
	v60 =	vmul.f32 v57, v16;
	v25 =	vld.idx.msk [tilespmem:v50+s4+$0x0], $0xffff  }
0x10a: {  	v61 =	vor.u32 $0x200, v14;
	v21 =	vsub.f32 v51, v26;
	v17 =	vadd.f32 v32, v17;
	v28 =	vld.idx.msk [tilespmem:v52+s4+$0x0], $0xffff;
	[tilespmem:s15+$0xFFFFD5F0] =	vst v24  }
0x10b: {  	v62 =	vadd.s32 $0x201, v14;
	v29 =	vsub.f32 v29, v22;
	v30 =	vld.idx.msk [tilespmem:v56+s4+$0x0], $0xffff  }
0x10c: {  	v36 =	vor.u32 $0x280, v7;
	v23 =	vadd.f32 v60, v46;
	v21 =	vmul.f32 v21, v6;
	v18 =	vld.idx.msk [tilespmem:v59+s4+$0x0], $0xffff;
	[tilespmem:s15+$0xFFFFD7A0] =	vst v17  }
0x10d: {  	v37 =	vadd.s32 $0x281, v7;
	v20 =	vsub.f32 v20, v55;
	v24 =	vld.idx.msk [tilespmem:v63+s4+$0x0], $0xffff  }
0x10e: {  	v47 =	vor.u32 $0x400, v5;
	v29 =	vmul.f32 v29, v3;
	[tilespmem:s15+$0xFFFFD600] =	vst v23;
	v21 =	vadd.f32 v21, v26;
	v23 =	vld.idx.msk [tilespmem:v38+s4+$0x0], $0xffff  }
0x10f: {  	v41 =	vor.u32 $0x280, v9;
	v39 =	vld.idx.msk [tilespmem:v61+s4+$0x0], $0xffff;
	v40 =	vmul.f32 v20, v8;
	v28 =	vsub.f32 v28, v25  }
0x110: {  	v43 =	vadd.s32 $0x281, v9;
	v22 =	vadd.f32 v29, v22;
	v42 =	vld.idx.msk [tilespmem:v62+s4+$0x0], $0xffff;
	[tilespmem:s15+$0xFFFFD640] =	vst v21  }
0x111: {  	v45 =	vor.u32 $0x280, v11;
	v27 =	vld.idx.msk [tilespmem:v36+s4+$0x0], $0xffff;
	v17 =	vadd.f32 v40, v55;
	v44 =	vmul.f32 v28, v10  }
0x112: {  	v46 =	vadd.s32 $0x281, v11;
	[tilespmem:s15+$0xFFFFD7B0] =	vst v22;
	v32 =	vld.idx.msk [tilespmem:v37+s4+$0x0], $0xffff;
	v18 =	vsub.f32 v18, v30  }
0x113: {  	v55 =	vadd.s32 $0x401, v5;
	[tilespmem:s15+$0xFFFFD650] =	vst v17;
	v17 =	vld.idx.msk [tilespmem:v47+s4+$0x0], $0xffff;
	v19 =	vadd.f32 v44, v25  }
0x114: {  	v48 =	vor.u32 $0x280, v12;
	v18 =	vmul.f32 v18, v15;
	v23 =	vsub.f32 v23, v24;
	v20 =	vld.idx.msk [tilespmem:v41+s4+$0x0], $0xffff  }
0x115: {  	v49 =	vadd.s32 $0x281, v12;
	v31 =	vsub.f32 v42, v39;
	v21 =	vld.idx.msk [tilespmem:v43+s4+$0x0], $0xffff;
	[tilespmem:s15+$0xFFFFD660] =	vst v19  }
0x116: {  	v60 =	vor.u32 $0x480, v4;
	v18 =	vadd.f32 v18, v30;
	v59 =	vmul.f32 v23, v2;
	v28 =	vld.idx.msk [tilespmem:v45+s4+$0x0], $0xffff  }
0x117: {  	v51 =	vor.u32 $0x280, v14;
	v50 =	vmul.f32 v31, v16;
	v52 =	vsub.f32 v32, v27;
	v53 =	vld.idx.msk [tilespmem:v46+s4+$0x0], $0xffff  }
0x118: {  	v54 =	vadd.s32 $0x281, v14;
	v63 =	vld.idx.msk [tilespmem:v55+s4+$0x0], $0xffff;
	[tilespmem:s15+$0xFFFFD670] =	vst v18;
	v18 =	vadd.f32 v59, v24  }
0x119: {  	v57 =	vor.u32 $0x300, v7;
	v56 =	vadd.f32 v50, v39;
	v22 =	vmul.f32 v52, v6;
	v25 =	vld.idx.msk [tilespmem:v48+s4+$0x0], $0xffff  }
0x11a: {  	v58 =	vadd.s32 $0x301, v7;
	v19 =	vld.idx.msk [tilespmem:v49+s4+$0x0], $0xffff;
	v21 =	vsub.f32 v21, v20;
	[tilespmem:s15+$0xFFFFFC20] =	vst v18  }
0x11b: {  	v41 =	vadd.s32 $0x481, v4;
	[tilespmem:s15+$0xFFFFD680] =	vst v56;
	v22 =	vadd.f32 v22, v27;
	v23 =	vld.idx.msk [tilespmem:v60+s4+$0x0], $0xffff  }
0x11c: {  	v62 =	vor.u32 $0x300, v9;
	v61 =	vld.idx.msk [tilespmem:v51+s4+$0x0], $0xffff;
	v21 =	vmul.f32 v21, v8;
	v31 =	vsub.f32 v53, v28  }
0x11d: {  	v38 =	vor.u32 $0x300, v11;
	v36 =	vadd.s32 $0x301, v9;
	v32 =	vld.idx.msk [tilespmem:v54+s4+$0x0], $0xffff;
	[tilespmem:s15+$0xFFFFD6C0] =	vst v22  }
0x11e: {  	v24 =	vsub.f32 v63, v17;
	v26 =	vld.idx.msk [tilespmem:v57+s4+$0x0], $0xffff;
	v20 =	vadd.f32 v21, v20;
	v37 =	vmul.f32 v31, v10  }
0x11f: {  	v40 =	vadd.s32 $0x301, v11;
	v39 =	vld.idx.msk [tilespmem:v58+s4+$0x0], $0xffff;
	v19 =	vsub.f32 v19, v25  }
0x120: {  	v50 =	vor.u32 $0x480, v5;
	v33 =	vld.idx.msk [tilespmem:v41+s4+$0x0], $0xffff;
	v24 =	vmul.f32 v24, v3;
	[tilespmem:s15+$0xFFFFD6D0] =	vst v20;
	v42 =	vadd.f32 v37, v28  }
0x121: {  	v44 =	vor.u32 $0x300, v12;
	v19 =	vmul.f32 v19, v15;
	v43 =	vld.idx.msk [tilespmem:v62+s4+$0x0], $0xffff  }
0x122: {  	v46 =	vadd.s32 $0x301, v12;
	v17 =	vadd.f32 v24, v17;
	v45 =	vsub.f32 v32, v61;
	v22 =	vld.idx.msk [tilespmem:v36+s4+$0x0], $0xffff;
	[tilespmem:s15+$0xFFFFD6E0] =	vst v42  }
0x123: {  	v53 =	vadd.s32 $0x481, v5;
	v19 =	vadd.f32 v19, v25;
	v31 =	vld.idx.msk [tilespmem:v38+s4+$0x0], $0xffff  }
0x124: {  	v48 =	vor.u32 $0x300, v14;
	[tilespmem:s15+$0xFFFFFC30] =	vst v17;
	v47 =	vmul.f32 v45, v16;
	v18 =	vsub.f32 v39, v26;
	v29 =	vld.idx.msk [tilespmem:v40+s4+$0x0], $0xffff  }
0x125: {  	v49 =	vadd.s32 $0x301, v14;
	v51 =	vor.u32 $0x380, v7;
	[tilespmem:s15+$0xFFFFD6F0] =	vst v19;
	v19 =	vld.idx.msk [tilespmem:v50+s4+$0x0], $0xffff  }
0x126: {  	v58 =	vsub.f32 v33, v23;
	v25 =	vadd.f32 v47, v61;
	v18 =	vmul.f32 v18, v6;
	v28 =	vld.idx.msk [tilespmem:v44+s4+$0x0], $0xffff  }
0x127: {  	v52 =	vadd.s32 $0x381, v7;
	v20 =	vld.idx.msk [tilespmem:v46+s4+$0x0], $0xffff;
	v22 =	vsub.f32 v22, v43  }
0x128: {  	v63 =	vor.u32 $0x500, v4;
	v32 =	vmul.f32 v58, v2;
	[tilespmem:s15+$0xFFFFD700] =	vst v25;
	v18 =	vadd.f32 v18, v26;
	v25 =	vld.idx.msk [tilespmem:v53+s4+$0x0], $0xffff  }
0x129: {  	v56 =	vor.u32 $0x380, v9;
	v54 =	vld.idx.msk [tilespmem:v48+s4+$0x0], $0xffff;
	v55 =	vmul.f32 v22, v8  }
0x12a: {  	v59 =	vadd.s32 $0x381, v9;
	v23 =	vadd.f32 v32, v23;
	v57 =	vld.idx.msk [tilespmem:v49+s4+$0x0], $0xffff;
	v29 =	vsub.f32 v29, v31;
	[tilespmem:s15+$0xFFFFD740] =	vst v18  }
0x12b: {  	v27 =	vld.idx.msk [tilespmem:v51+s4+$0x0], $0xffff;
	v17 =	vadd.f32 v55, v43;
	v43 =	vadd.s32 $0x501, v4  }
0x12c: {  	v61 =	vor.u32 $0x380, v11;
	[tilespmem:s15+$0xFFFFFCA0] =	vst v23;
	v24 =	vld.idx.msk [tilespmem:v52+s4+$0x0], $0xffff;
	v20 =	vsub.f32 v20, v28;
	v60 =	vmul.f32 v29, v10  }
0x12d: {  	v62 =	vadd.s32 $0x381, v11;
	v36 =	vor.u32 $0x380, v12;
	[tilespmem:s15+$0xFFFFD750] =	vst v17;
	v17 =	vld.idx.msk [tilespmem:v63+s4+$0x0], $0xffff  }
0x12e: {  	v20 =	vmul.f32 v20, v15;
	v25 =	vsub.f32 v25, v19;
	v21 =	vadd.f32 v60, v31;
	v22 =	vld.idx.msk [tilespmem:v56+s4+$0x0], $0xffff  }
0x12f: {  	v37 =	vadd.s32 $0x381, v12;
	v30 =	vsub.f32 v57, v54;
	v18 =	vld.idx.msk [tilespmem:v59+s4+$0x0], $0xffff  }
0x130: {  	v49 =	vor.u32 $0x500, v5;
	v20 =	vadd.f32 v20, v28;
	v48 =	vmul.f32 v25, v3;
	[tilespmem:s15+$0xFFFFD760] =	vst v21;
	v33 =	vld.idx.msk [tilespmem:v43+s4+$0x0], $0xffff  }
0x131: {  	v39 =	vor.u32 $0x380, v14;
	v38 =	vmul.f32 v30, v16;
	v29 =	vld.idx.msk [tilespmem:v61+s4+$0x0], $0xffff  }
0x132: {  	v42 =	vadd.s32 $0x381, v14;
	v40 =	vsub.f32 v24, v27;
	v41 =	vld.idx.msk [tilespmem:v62+s4+$0x0], $0xffff;
	[tilespmem:s15+$0xFFFFD770] =	vst v20;
	v19 =	vadd.f32 v48, v19  }
0x133: {  	v57 =	vadd.s32 $0x501, v5;
	v44 =	vadd.f32 v38, v54;
	v46 =	vld.idx.msk [tilespmem:v36+s4+$0x0], $0xffff  }
0x134: {  	v45 =	vor.u32 $0x400, v7;
	v23 =	vmul.f32 v40, v6;
	v21 =	vld.idx.msk [tilespmem:v37+s4+$0x0], $0xffff;
	[tilespmem:s15+$0xFFFFFCB0] =	vst v19  }
0x135: {  	v47 =	vadd.s32 $0x401, v7;
	v18 =	vsub.f32 v18, v22;
	[tilespmem:s15+$0xFFFFD780] =	vst v44;
	v25 =	vld.idx.msk [tilespmem:v49+s4+$0x0], $0xffff  }
0x136: {  	v23 =	vadd.f32 v23, v27;
	v50 =	vld.idx.msk [tilespmem:v39+s4+$0x0], $0xffff  }
0x137: {  	v51 =	vor.u32 $0x400, v9;
	v18 =	vmul.f32 v18, v8;
	v32 =	vld.idx.msk [tilespmem:v42+s4+$0x0], $0xffff;
	v24 =	vsub.f32 v41, v29  }
0x138: {  	v52 =	vadd.s32 $0x401, v9;
	v54 =	vor.u32 $0x400, v11;
	v31 =	vld.idx.msk [tilespmem:v57+s4+$0x0], $0xffff;
	[tilespmem:s15+$0xFFFFD7C0] =	vst v23  }
0x139: {  	v23 =	vld.idx.msk [tilespmem:v45+s4+$0x0], $0xffff;
	v18 =	vadd.f32 v18, v22;
	v21 =	vsub.f32 v21, v46;
	v53 =	vmul.f32 v24, v10  }
0x13a: {  	v56 =	vadd.s32 $0x401, v11;
	v60 =	vor.u32 $0x400, v12;
	v55 =	vld.idx.msk [tilespmem:v47+s4+$0x0], $0xffff  }
0x13b: {  	v62 =	vsub.f32 v33, v17;
	[tilespmem:s15+$0xFFFFD7D0] =	vst v18;
	v21 =	vmul.f32 v21, v15;
	v58 =	vadd.f32 v53, v29  }
0x13c: {  	v63 =	vadd.s32 $0x401, v12;
	v59 =	vld.idx.msk [tilespmem:v51+s4+$0x0], $0xffff;
	v61 =	vsub.f32 v32, v50  }
0x13d: {  	v39 =	vor.u32 $0x580, v4;
	v20 =	vld.idx.msk [tilespmem:v52+s4+$0x0], $0xffff;
	v32 =	vmul.f32 v62, v2;
	v21 =	vadd.f32 v21, v46;
	[tilespmem:s15+$0xFFFFD7E0] =	vst v58  }
0x13e: {  	v42 =	vadd.s32 $0x581, v4;
	v36 =	vmul.f32 v61, v16;
	v24 =	vld.idx.msk [tilespmem:v54+s4+$0x0], $0xffff  }
0x13f: {  	v37 =	vor.u32 $0x400, v14;
	v19 =	vsub.f32 v55, v23;
	v17 =	vadd.f32 v32, v17;
	v26 =	vld.idx.msk [tilespmem:v56+s4+$0x0], $0xffff;
	[tilespmem:s15+$0xFFFFD7F0] =	vst v21  }
0x140: {  	v38 =	vadd.s32 $0x401, v14;
	v31 =	vsub.f32 v31, v25;
	v29 =	vld.idx.msk [tilespmem:v60+s4+$0x0], $0xffff  }
0x141: {  	v40 =	vor.u32 $0x480, v7;
	v27 =	vadd.f32 v36, v50;
	v19 =	vmul.f32 v19, v6;
	v18 =	vld.idx.msk [tilespmem:v63+s4+$0x0], $0xffff;
	[tilespmem:s15+$0xFFFFFD20] =	vst v17  }
0x142: {  	v41 =	vadd.s32 $0x481, v7;
	v20 =	vsub.f32 v20, v59;
	v21 =	vld.idx.msk [tilespmem:v39+s4+$0x0], $0xffff  }
0x143: {  	v51 =	vor.u32 $0x580, v5;
	v31 =	vmul.f32 v31, v3;
	[tilespmem:s15+$0xFFFFD800] =	vst v27;
	v19 =	vadd.f32 v19, v23;
	v27 =	vld.idx.msk [tilespmem:v42+s4+$0x0], $0xffff  }
0x144: {  	v45 =	vor.u32 $0x480, v9;
	v43 =	vld.idx.msk [tilespmem:v37+s4+$0x0], $0xffff;
	v44 =	vmul.f32 v20, v8  }
0x145: {  	v47 =	vadd.s32 $0x481, v9;
	v25 =	vadd.f32 v31, v25;
	v46 =	vld.idx.msk [tilespmem:v38+s4+$0x0], $0xffff;
	v26 =	vsub.f32 v26, v24;
	[tilespmem:s15+$0xFFFFFC40] =	vst v19  }
0x146: {  	v28 =	vld.idx.msk [tilespmem:v40+s4+$0x0], $0xffff;
	v17 =	vadd.f32 v44, v59;
	v59 =	vadd.s32 $0x581, v5  }
0x147: {  	v49 =	vor.u32 $0x480, v11;
	[tilespmem:s15+$0xFFFFFD30] =	vst v25;
	v32 =	vld.idx.msk [tilespmem:v41+s4+$0x0], $0xffff;
	v18 =	vsub.f32 v18, v29;
	v48 =	vmul.f32 v26, v10  }
0x148: {  	v52 =	vor.u32 $0x480, v12;
	v50 =	vadd.s32 $0x481, v11;
	[tilespmem:s15+$0xFFFFFC50] =	vst v17;
	v17 =	vld.idx.msk [tilespmem:v51+s4+$0x0], $0xffff  }
0x149: {  	v18 =	vmul.f32 v18, v15;
	v61 =	vsub.f32 v27, v21;
	v22 =	vadd.f32 v48, v24;
	v20 =	vld.idx.msk [tilespmem:v45+s4+$0x0], $0xffff  }
0x14a: {  	v53 =	vadd.s32 $0x481, v12;
	v30 =	vsub.f32 v46, v43;
	v19 =	vld.idx.msk [tilespmem:v47+s4+$0x0], $0xffff  }
0x14b: {  	v37 =	vor.u32 $0x600, v4;
	v18 =	vadd.f32 v18, v29;
	v36 =	vmul.f32 v61, v2;
	[tilespmem:s15+$0xFFFFFC60] =	vst v22;
	v40 =	vld.idx.msk [tilespmem:v59+s4+$0x0], $0xffff  }
0x14c: {  	v55 =	vor.u32 $0x480, v14;
	v54 =	vmul.f32 v30, v16;
	v26 =	vld.idx.msk [tilespmem:v49+s4+$0x0], $0xffff  }
0x14d: {  	v58 =	vadd.s32 $0x481, v14;
	v56 =	vsub.f32 v32, v28;
	v57 =	vld.idx.msk [tilespmem:v50+s4+$0x0], $0xffff;
	[tilespmem:s15+$0xFFFFFC70] =	vst v18;
	v18 =	vadd.f32 v36, v21  }
0x14e: {  	v46 =	vadd.s32 $0x601, v4;
	v60 =	vadd.f32 v54, v43;
	v24 =	vld.idx.msk [tilespmem:v52+s4+$0x0], $0xffff  }
0x14f: {  	v62 =	vor.u32 $0x500, v7;
	v25 =	vmul.f32 v56, v6;
	v22 =	vld.idx.msk [tilespmem:v53+s4+$0x0], $0xffff;
	[tilespmem:s15+$0xFFFFFDA0] =	vst v18  }
0x150: {  	v63 =	vadd.s32 $0x501, v7;
	v19 =	vsub.f32 v19, v20;
	[tilespmem:s15+$0xFFFFFC80] =	vst v60;
	v23 =	vld.idx.msk [tilespmem:v37+s4+$0x0], $0xffff  }
0x151: {  	v25 =	vadd.f32 v25, v28;
	v38 =	vld.idx.msk [tilespmem:v55+s4+$0x0], $0xffff  }
0x152: {  	v39 =	vor.u32 $0x500, v9;
	v19 =	vmul.f32 v19, v8;
	v32 =	vld.idx.msk [tilespmem:v58+s4+$0x0], $0xffff;
	v31 =	vsub.f32 v57, v26  }
0x153: {  	v41 =	vadd.s32 $0x501, v9;
	v43 =	vor.u32 $0x500, v11;
	v33 =	vld.idx.msk [tilespmem:v46+s4+$0x0], $0xffff;
	[tilespmem:s15+$0xFFFFFCC0] =	vst v25  }
0x154: {  	v27 =	vld.idx.msk [tilespmem:v62+s4+$0x0], $0xffff;
	v19 =	vadd.f32 v19, v20;
	v22 =	vsub.f32 v22, v24;
	v42 =	vmul.f32 v31, v10  }
0x155: {  	v45 =	vadd.s32 $0x501, v11;
	v49 =	vor.u32 $0x500, v12;
	v44 =	vld.idx.msk [tilespmem:v63+s4+$0x0], $0xffff  }
0x156: {  	v21 =	vsub.f32 v40, v17;
	[tilespmem:s15+$0xFFFFFCD0] =	vst v19;
	v22 =	vmul.f32 v22, v15;
	v47 =	vadd.f32 v42, v26  }
0x157: {  	v51 =	vadd.s32 $0x501, v12;
	v48 =	vld.idx.msk [tilespmem:v39+s4+$0x0], $0xffff;
	v50 =	vsub.f32 v32, v38  }
0x158: {  	v55 =	vor.u32 $0x600, v5;
	v21 =	vmul.f32 v21, v3;
	v25 =	vld.idx.msk [tilespmem:v41+s4+$0x0], $0xffff;
	v22 =	vadd.f32 v22, v24;
	[tilespmem:s15+$0xFFFFFCE0] =	vst v47  }
0x159: {  	v53 =	vor.u32 $0x500, v14;
	v52 =	vmul.f32 v50, v16;
	v31 =	vld.idx.msk [tilespmem:v43+s4+$0x0], $0xffff  }
0x15a: {  	v54 =	vadd.s32 $0x501, v14;
	v17 =	vadd.f32 v21, v17;
	v18 =	vsub.f32 v44, v27;
	v29 =	vld.idx.msk [tilespmem:v45+s4+$0x0], $0xffff;
	[tilespmem:s15+$0xFFFFFCF0] =	vst v22  }
0x15b: {  	v58 =	vadd.s32 $0x601, v5;
	v24 =	vadd.f32 v52, v38;
	v26 =	vld.idx.msk [tilespmem:v49+s4+$0x0], $0xffff  }
0x15c: {  	v56 =	vor.u32 $0x580, v7;
	v63 =	vsub.f32 v33, v23;
	[tilespmem:s15+$0xFFFFFDB0] =	vst v17;
	v18 =	vmul.f32 v18, v6;
	v19 =	vld.idx.msk [tilespmem:v51+s4+$0x0], $0xffff  }
0x15d: {  	v57 =	vadd.s32 $0x581, v7;
	v22 =	vld.idx.msk [tilespmem:v55+s4+$0x0], $0xffff;
	v25 =	vsub.f32 v25, v48;
	[tilespmem:s15+$0xFFFFFD00] =	vst v24  }
0x15e: {  	v32 =	vmul.f32 v63, v2;
	v47 =	vadd.s32 $0x681, v4;
	v18 =	vadd.f32 v18, v27;
	v59 =	vld.idx.msk [tilespmem:v53+s4+$0x0], $0xffff  }
0x15f: {  	v61 =	vor.u32 $0x580, v9;
	v60 =	vmul.f32 v25, v8;
	v62 =	vld.idx.msk [tilespmem:v54+s4+$0x0], $0xffff;
	v29 =	vsub.f32 v29, v31  }
0x160: {  	v36 =	vadd.s32 $0x581, v9;
	v23 =	vadd.f32 v32, v23;
	v38 =	vor.u32 $0x580, v11;
	v24 =	vld.idx.msk [tilespmem:v58+s4+$0x0], $0xffff;
	[tilespmem:s15+$0xFFFFFD40] =	vst v18  }
0x161: {  	v28 =	vld.idx.msk [tilespmem:v56+s4+$0x0], $0xffff;
	v17 =	vadd.f32 v60, v48;
	v19 =	vsub.f32 v19, v26;
	v37 =	vmul.f32 v29, v10  }
0x162: {  	v39 =	vadd.s32 $0x581, v11;
	[tilespmem:s15+$0xFFFFFE20] =	vst v23;
	v21 =	vld.idx.msk [tilespmem:v57+s4+$0x0], $0xffff  }
0x163: {  	v41 =	vor.u32 $0x580, v12;
	v33 =	vld.idx.msk [tilespmem:v47+s4+$0x0], $0xffff;
	[tilespmem:s15+$0xFFFFFD50] =	vst v17;
	v19 =	vmul.f32 v19, v15;
	v20 =	vadd.f32 v37, v31  }
0x164: {  	v42 =	vadd.s32 $0x581, v12;
	v25 =	vld.idx.msk [tilespmem:v61+s4+$0x0], $0xffff;
	v30 =	vsub.f32 v62, v59  }
0x165: {  	v40 =	vor.u32 $0x680, v4;
	v18 =	vld.idx.msk [tilespmem:v36+s4+$0x0], $0xffff;
	v19 =	vadd.f32 v19, v26;
	[tilespmem:s15+$0xFFFFFD60] =	vst v20  }
0x166: {  	v44 =	vor.u32 $0x580, v14;
	v24 =	vsub.f32 v24, v22;
	v43 =	vmul.f32 v30, v16;
	v29 =	vld.idx.msk [tilespmem:v38+s4+$0x0], $0xffff  }
0x167: {  	v46 =	vadd.s32 $0x581, v14;
	v21 =	vsub.f32 v21, v28;
	v45 =	vld.idx.msk [tilespmem:v39+s4+$0x0], $0xffff;
	[tilespmem:s15+$0xFFFFFD70] =	vst v19  }
0x168: {  	v53 =	vor.u32 $0x680, v5;
	v52 =	vmul.f32 v24, v3;
	v48 =	vadd.f32 v43, v59;
	v50 =	vld.idx.msk [tilespmem:v41+s4+$0x0], $0xffff  }
0x169: {  	v49 =	vor.u32 $0x600, v7;
	v21 =	vmul.f32 v21, v6;
	v20 =	vld.idx.msk [tilespmem:v42+s4+$0x0], $0xffff  }
0x16a: {  	v51 =	vadd.s32 $0x601, v7;
	v17 =	vld.idx.msk [tilespmem:v40+s4+$0x0], $0xffff;
	v19 =	vadd.f32 v52, v22;
	v18 =	vsub.f32 v18, v25;
	[tilespmem:s15+$0xFFFFFD80] =	vst v48  }
0x16b: {  	v61 =	vadd.s32 $0x681, v5;
	v21 =	vadd.f32 v21, v28;
	v54 =	vld.idx.msk [tilespmem:v44+s4+$0x0], $0xffff  }
0x16c: {  	v55 =	vor.u32 $0x600, v9;
	[tilespmem:s15+$0xFFFFFE30] =	vst v19;
	v18 =	vmul.f32 v18, v8;
	v32 =	vld.idx.msk [tilespmem:v46+s4+$0x0], $0xffff;
	v23 =	vsub.f32 v45, v29  }
0x16d: {  	v58 =	vor.u32 $0x600, v11;
	v56 =	vadd.s32 $0x601, v9;
	v24 =	vld.idx.msk [tilespmem:v53+s4+$0x0], $0xffff;
	[tilespmem:s15+$0xFFFFFDC0] =	vst v21  }
0x16e: {  	v57 =	vld.idx.msk [tilespmem:v49+s4+$0x0], $0xffff;
	v18 =	vadd.f32 v18, v25;
	v20 =	vsub.f32 v20, v50;
	v23 =	vmul.f32 v23, v10  }
0x16f: {  	v60 =	vadd.s32 $0x601, v11;
	v38 =	vsub.f32 v33, v17;
	v59 =	vld.idx.msk [tilespmem:v51+s4+$0x0], $0xffff  }
0x170: {  	v36 =	vor.u32 $0x600, v12;
	v31 =	vld.idx.msk [tilespmem:v61+s4+$0x0], $0xffff;
	[tilespmem:s15+$0xFFFFFDD0] =	vst v18;
	v20 =	vmul.f32 v20, v15;
	v62 =	vadd.f32 v23, v29  }
0x171: {  	v39 =	vadd.s32 $0x601, v12;
	v63 =	vld.idx.msk [tilespmem:v55+s4+$0x0], $0xffff;
	v37 =	vsub.f32 v32, v54  }
0x172: {  	v43 =	vor.u32 $0x700, v4;
	v21 =	vld.idx.msk [tilespmem:v56+s4+$0x0], $0xffff;
	v32 =	vmul.f32 v38, v2;
	v20 =	vadd.f32 v20, v50;
	[tilespmem:s15+$0xFFFFFDE0] =	vst v62  }
0x173: {  	v41 =	vor.u32 $0x600, v14;
	v40 =	vmul.f32 v37, v16;
	v25 =	vld.idx.msk [tilespmem:v58+s4+$0x0], $0xffff  }
0x174: {  	v42 =	vadd.s32 $0x601, v14;
	v19 =	vsub.f32 v59, v57;
	v17 =	vadd.f32 v32, v17;
	v26 =	vld.idx.msk [tilespmem:v60+s4+$0x0], $0xffff;
	[tilespmem:s15+$0xFFFFFDF0] =	vst v20  }
0x175: {  	v46 =	vadd.s32 $0x701, v4;
	v27 =	vadd.f32 v40, v54;
	v29 =	vld.idx.msk [tilespmem:v36+s4+$0x0], $0xffff  }
0x176: {  	v44 =	vor.u32 $0x680, v7;
	v31 =	vsub.f32 v31, v24;
	v19 =	vmul.f32 v19, v6;
	v18 =	vld.idx.msk [tilespmem:v39+s4+$0x0], $0xffff;
	[tilespmem:s15+$0xFFFFFEA0] =	vst v17  }
0x177: {  	v45 =	vadd.s32 $0x681, v7;
	v21 =	vsub.f32 v21, v63;
	v20 =	vld.idx.msk [tilespmem:v43+s4+$0x0], $0xffff;
	[tilespmem:s15+$0xFFFFFE00] =	vst v27  }
0x178: {  	v55 =	vor.u32 $0x700, v5;
	v31 =	vmul.f32 v31, v3;
	v19 =	vadd.f32 v19, v57;
	v47 =	vld.idx.msk [tilespmem:v41+s4+$0x0], $0xffff  }
0x179: {  	v49 =	vor.u32 $0x680, v9;
	v48 =	vmul.f32 v21, v8;
	v50 =	vld.idx.msk [tilespmem:v42+s4+$0x0], $0xffff  }
0x17a: {  	v51 =	vadd.s32 $0x681, v9;
	v24 =	vadd.f32 v31, v24;
	v27 =	vld.idx.msk [tilespmem:v46+s4+$0x0], $0xffff;
	v26 =	vsub.f32 v26, v25;
	[tilespmem:s15+$0xFFFFFE40] =	vst v19  }
0x17b: {  	v28 =	vld.idx.msk [tilespmem:v44+s4+$0x0], $0xffff;
	v17 =	vadd.f32 v48, v63;
	v63 =	vadd.s32 $0x701, v5  }
0x17c: {  	v53 =	vor.u32 $0x680, v11;
	[tilespmem:s15+$0xFFFFFEB0] =	vst v24;
	v32 =	vld.idx.msk [tilespmem:v45+s4+$0x0], $0xffff;
	v18 =	vsub.f32 v18, v29;
	v52 =	vmul.f32 v26, v10  }
0x17d: {  	v56 =	vor.u32 $0x680, v12;
	v54 =	vadd.s32 $0x681, v11;
	[tilespmem:s15+$0xFFFFFE50] =	vst v17;
	v17 =	vld.idx.msk [tilespmem:v55+s4+$0x0], $0xffff  }
0x17e: {  	v18 =	vmul.f32 v18, v15;
	v23 =	vadd.f32 v52, v25;
	v21 =	vld.idx.msk [tilespmem:v49+s4+$0x0], $0xffff;
	v30 =	vsub.f32 v50, v47  }
0x17f: {  	v57 =	vadd.s32 $0x681, v12;
	v27 =	vsub.f32 v27, v20;
	v19 =	vld.idx.msk [tilespmem:v51+s4+$0x0], $0xffff  }
0x180: {  	v59 =	vor.u32 $0x680, v14;
	v18 =	vadd.f32 v18, v29;
	[tilespmem:s15+$0xFFFFFE60] =	vst v23;
	v58 =	vmul.f32 v30, v16;
	v44 =	vld.idx.msk [tilespmem:v63+s4+$0x0], $0xffff  }
0x181: {  	v62 =	vadd.s32 $0x681, v14;
	v27 =	vmul.f32 v27, v2;
	v26 =	vld.idx.msk [tilespmem:v53+s4+$0x0], $0xffff  }
0x182: {  	v50 =	vor.u32 $0x780, v4;
	v60 =	vsub.f32 v32, v28;
	v61 =	vld.idx.msk [tilespmem:v54+s4+$0x0], $0xffff;
	[tilespmem:s15+$0xFFFFFE70] =	vst v18;
	v34 =	vadd.f32 v58, v47  }
0x183: {  	v4 =	vadd.s32 $0x781, v4;
	v36 =	vld.idx.msk [tilespmem:v56+s4+$0x0], $0xffff  }
0x184: {  	v37 =	vor.u32 $0x700, v7;
	v20 =	vadd.f32 v27, v20;
	v35 =	vmul.f32 v60, v6;
	v23 =	vld.idx.msk [tilespmem:v57+s4+$0x0], $0xffff;
	[tilespmem:s15+$0xFFFFFE80] =	vst v34  }
0x185: {  	v39 =	vadd.s32 $0x701, v7;
	v19 =	vsub.f32 v19, v21;
	v40 =	vld.idx.msk [tilespmem:v59+s4+$0x0], $0xffff  }
0x186: {  	[tilespmem:s15+$0xFFFFFF20] =	vst v20;
	v38 =	vadd.f32 v35, v28;
	v43 =	vld.idx.msk [tilespmem:v62+s4+$0x0], $0xffff  }
0x187: {  	v41 =	vor.u32 $0x700, v9;
	v18 =	vld.idx.msk [tilespmem:v50+s4+$0x0], $0xffff;
	v19 =	vmul.f32 v19, v8;
	v42 =	vsub.f32 v61, v26  }
0x188: {  	v45 =	vadd.s32 $0x701, v9;
	v48 =	vor.u32 $0x700, v11;
	v4 =	vld.idx.msk [tilespmem:v4+s4+$0x0], $0xffff;
	[tilespmem:s15+$0xFFFFFEC0] =	vst v38  }
0x189: {  	v46 =	vadd.f32 v19, v21;
	v25 =	vld.idx.msk [tilespmem:v37+s4+$0x0], $0xffff;
	v23 =	vsub.f32 v23, v36;
	v47 =	vmul.f32 v42, v10  }
0x18a: {  	v49 =	vadd.s32 $0x701, v11;
	v52 =	vor.u32 $0x700, v12;
	v22 =	vld.idx.msk [tilespmem:v39+s4+$0x0], $0xffff  }
0x18b: {  	[tilespmem:s15+$0xFFFFFED0] =	vst v46;
	v23 =	vmul.f32 v23, v15;
	v19 =	vadd.f32 v47, v26;
	v31 =	vsub.f32 v43, v40  }
0x18c: {  	v55 =	vadd.s32 $0x701, v12;
	v53 =	vsub.f32 v44, v17;
	v51 =	vld.idx.msk [tilespmem:v41+s4+$0x0], $0xffff  }
0x18d: {  	v57 =	vor.u32 $0x700, v14;
	v54 =	vld.idx.msk [tilespmem:v45+s4+$0x0], $0xffff;
	v23 =	vadd.f32 v23, v36;
	[tilespmem:s15+$0xFFFFFEE0] =	vst v19;
	v56 =	vmul.f32 v31, v16  }
0x18e: {  	v59 =	vadd.s32 $0x701, v14;
	v60 =	vmul.f32 v53, v3;
	v21 =	vld.idx.msk [tilespmem:v48+s4+$0x0], $0xffff  }
0x18f: {  	v61 =	vor.u32 $0x780, v5;
	v22 =	vsub.f32 v22, v25;
	v58 =	vld.idx.msk [tilespmem:v49+s4+$0x0], $0xffff;
	[tilespmem:s15+$0xFFFFFEF0] =	vst v23;
	v24 =	vadd.f32 v56, v40  }
0x190: {  	v5 =	vadd.s32 $0x781, v5;
	v62 =	vld.idx.msk [tilespmem:v52+s4+$0x0], $0xffff  }
0x191: {  	v63 =	vor.u32 $0x780, v7;
	v17 =	vadd.f32 v60, v17;
	v19 =	vld.idx.msk [tilespmem:v55+s4+$0x0], $0xffff;
	v22 =	vmul.f32 v22, v6;
	[tilespmem:s15+$0xFFFFFF00] =	vst v24  }
0x192: {  	v7 =	vadd.s32 $0x781, v7;
	v33 =	vsub.f32 v54, v51;
	v34 =	vld.idx.msk [tilespmem:v57+s4+$0x0], $0xffff  }
0x193: {  	[tilespmem:s15+$0xFFFFFF30] =	vst v17;
	v35 =	vadd.f32 v22, v25;
	v30 =	vld.idx.msk [tilespmem:v59+s4+$0x0], $0xffff  }
0x194: {  	v37 =	vor.u32 $0x780, v9;
	v38 =	vld.idx.msk [tilespmem:v61+s4+$0x0], $0xffff;
	v36 =	vmul.f32 v33, v8;
	v20 =	vsub.f32 v58, v21  }
0x195: {  	v9 =	vadd.s32 $0x781, v9;
	v5 =	vld.idx.msk [tilespmem:v5+s4+$0x0], $0xffff;
	v40 =	vor.u32 $0x780, v11;
	[tilespmem:s15+$0xFFFFFF40] =	vst v35  }
0x196: {  	v39 =	vadd.f32 v36, v51;
	v19 =	vsub.f32 v19, v62;
	v41 =	vld.idx.msk [tilespmem:v63+s4+$0x0], $0xffff;
	v20 =	vmul.f32 v20, v10  }
0x197: {  	v43 =	vor.u32 $0x780, v12;
	v11 =	vadd.s32 $0x781, v11;
	v7 =	vld.idx.msk [tilespmem:v7+s4+$0x0], $0xffff  }
0x198: {  	[tilespmem:s15+$0xFFFFFF50] =	vst v39;
	v42 =	vmul.f32 v19, v15;
	v20 =	vadd.f32 v20, v21;
	v44 =	vsub.f32 v30, v34  }
0x199: {  	v12 =	vadd.s32 $0x781, v12;
	v24 =	vld.idx.msk [tilespmem:v37+s4+$0x0], $0xffff  }
0x19a: {  	v46 =	vor.u32 $0x780, v14;
	v9 =	vld.idx.msk [tilespmem:v9+s4+$0x0], $0xffff;
	v17 =	vadd.f32 v42, v62;
	[tilespmem:s15+$0xFFFFFF60] =	vst v20;
	v45 =	vmul.f32 v44, v16  }
0x19b: {  	v14 =	vadd.s32 $0x781, v14;
	v22 =	vld.idx.msk [tilespmem:v40+s4+$0x0], $0xffff  }
0x19c: {  	[tilespmem:s15+$0xFFFFFF70] =	vst v17;
	v11 =	vld.idx.msk [tilespmem:v11+s4+$0x0], $0xffff;
	v47 =	vadd.f32 v45, v34  }
0x19d: {  	v19 =	vld.idx.msk [tilespmem:v43+s4+$0x0], $0xffff  }
0x19e: {  	v1 =	vsub.f32 v1, v13;
	v12 =	vld.idx.msk [tilespmem:v12+s4+$0x0], $0xffff;
	[tilespmem:s15+$0xFFFFFF80] =	vst v47  }
0x19f: {  	v4 =	vsub.f32 v4, v18;
	v17 =	vld.idx.msk [tilespmem:v46+s4+$0x0], $0xffff  }
0x1a0: {  	v0 =	vmul.f32 v1, v0;
	v48 =	vsub.f32 v5, v38;
	v49 =	vld.idx.msk [tilespmem:v14+s4+$0x0], $0xffff  }
0x1a1: {  	v2 =	vmul.f32 v4, v2;
	v50 =	vsub.f32 v7, v41  }
0x1a2: {  	v0 =	vadd.f32 v0, v13;
	v1 =	vmul.f32 v48, v3;
	v51 =	vsub.f32 v9, v24  }
0x1a3: {  	v2 =	vadd.f32 v2, v18;
	v4 =	vmul.f32 v50, v6;
	v52 =	vsub.f32 v11, v22  }
0x1a4: {  	[tilespmem:s15+$0xFFFFFF90] =	vst v0;
	v53 =	vadd.f32 v1, v38;
	v54 =	vmul.f32 v51, v8;
	v55 =	vsub.f32 v12, v19  }
0x1a5: {  	s0 =	sadd.s32 $0x8, s0;
	[tilespmem:s15+$0xFFFFFFA0] =	vst v2;
	v56 =	vadd.f32 v4, v41;
	v57 =	vmul.f32 v52, v10;
	v5 =	vsub.f32 v49, v17  }
0x1a6: {  	p1 =	slt.u32 s0, $0x48;
	[tilespmem:s15+$0xFFFFFFB0] =	vst v53;
	v58 =	vadd.f32 v54, v24;
	v59 =	vmul.f32 v55, v15  }
.Ltmp4:
0x1a7: {  	[tilespmem:s15+$0xFFFFFFC0] =	vst v56;
	v60 =	vadd.f32 v57, v22;
	v61 =	vmul.f32 v5, v16;
	(pc) =	sbr.rel @p1 .LBB2_3-.Ltmp4, $4  }
0x1a8: {  	[tilespmem:s15+$0xFFFFFFD0] =	vst v58;
	v62 =	vadd.f32 v59, v19  }
0x1a9: {  	[tilespmem:s15+$0xFFFFFFE0] =	vst v60;
	v63 =	vadd.f32 v61, v17  }
0x1aa: {  	[tilespmem:s15+$0xFFFFFFF0] =	vst v62  }
0x1ab: {  	s16 =	sadd.s32 $0x80, s16;
	[tilespmem:s15+$0x0] =	vst v63;
	s15 =	sadd.s32 $0x400, s15  }
0x1ac: {  	s0 =	smul.u32 $0x500, s1;
	s1 =	sadd.s32 s10, s31  }
0x1ad: {  	p1 =	sgt.u32 s1, $0xC34  }
.Ltmp5:
0x1ae: {  	_ = 	snop;
	(pc) =	sbr.rel @p1 .LBB2_8-.Ltmp5, $3  }
0x1af: {  	_ =	sdelay $0x1  }
0x1b0: {  	s0 =	sadd.s32 s3, s0  }
0x1b1: {  	[hbm4b:s0+s18] =	stream.strided.scatter [tilespmem:s20], [sflag:$0x4], $0x5000, s19, s18, $0x38;
	[tilespmem:$0x10700] =	vst v63  }
0x1b2: {  	p1 =	sgt.u32 s1, $0xBF4  }
0x1b3: {  	s0 =	sadd.s32 @!p1 s11, s31  }
0x1b4: {  	_ =	swait.ge [sflag:s21], $0x500;
	s0 =	smul.u32 @!p1 $0xA0, s0  }
0x1b5: {  	[sflag:s21] =	ssyncset.done $0x0;
	s15 =	simm.s32 @!p1 $0x0  }
0x1b6: {  	s16 =	simm.s32 @!p1 $0x800;
	[sflag:s21] =	ssyncadd.s32 $0xFFFFFB00;
	s0 =	sadd.s32 @!p1 s2, s0  }
0x1b7: {  	[tilespmem:s16], [sflag:$0x1] =	stream.linear.gather @!p1 [hbm4b:s0+s15], $0x500, $0x38;
	[tilespmem:$0x10700] =	vst v63  }
0x1b8: {  	s0 =	simm.s32 @!p0 $0x5  }
0x1b9: {  	_ =	swait.ge @!p0 [sflag:s0], $0x5000  }
0x1ba: {  	s15 =	simm.s32 $0x6700;
	[sflag:s0] =	ssyncset.done @!p0 $0x0  }
0x1bb: {  	s16 =	simm.s32 $0xD70;
	[sflag:s0] =	ssyncadd.s32 @!p0 $0xFFFFB000;
	s0 =	simm.s32 $0xFFFFFFF8  }
.LBB2_6:
0x1bc: {  	v0 =	vld [tilespmem:s16+$0xFFFFFF90];
	_ =	sdelay $0x4  }
0x1bd: {  	v1 =	vmax.f32 v0, $0.0e+00  }
0x1be: {  	v1 =	vmin.f32 v1, $5.000000000e+00  }
0x1bf: {  	v1 =	vmul.f32 $2.539999960e+01, v1;
	_ =	sdelay $0x1  }
0x1c0: {  	v1 =	vtrunc.f32 v1  }
0x1c1: {  	v1 =	vcvt.f32.s32 v1;
	_ =	sdelay $0x1  }
0x1c2: {  	vm0 =	vgt.s32 v1, $0x0  }
0x1c3: {  	v1 =	vnsel vm0, $0x0, v1  }
0x1c4: {  	v1 =	vmin.u32 v1, $0x7E  }
0x1c5: {  	v2 =	vadd.s32 $0x1, v1;
	_ =	sdelay $0x3  }
0x1c6: {  	v3 =	vcvt.s32.f32 v1;
	v4 =	vld.idx.msk [tilespmem:v1+s4+$0x0], $0xffff  }
0x1c7: {  	v2 =	vld.idx.msk [tilespmem:v2+s4+$0x0], $0xffff  }
0x1c8: {  	v3 =	vmul.f32 $3.937007860e-02, v3;
	_ =	sdelay $0x1  }
0x1c9: {  	v0 =	vsub.f32 v0, v3;
	_ =	sdelay $0x1  }
0x1ca: {  	v0 =	vmul.f32 $2.539999960e+01, v0;
	v2 =	vsub.f32 v2, v4;
	_ =	sdelay $0x1  }
0x1cb: {  	v45 =	vor.u32 $0x80, v1;
	v2 =	vmul.f32 v0, v2  }
0x1cc: {  	v5 =	vadd.s32 $0x81, v1  }
0x1cd: {  	v2 =	vadd.f32 v2, v4;
	_ =	sdelay $0x1  }
0x1ce: {  	[tilespmem:s15+$0x0] =	vst v2  }
0x1cf: {  	v2 =	vld.idx.msk [tilespmem:v45+s4+$0x0], $0xffff  }
0x1d0: {  	v46 =	vld.idx.msk [tilespmem:v5+s4+$0x0], $0xffff;
	_ =	sdelay $0x4  }
0x1d1: {  	v3 =	vsub.f32 v46, v2;
	_ =	sdelay $0x1  }
0x1d2: {  	v47 =	vor.u32 $0x100, v1;
	v3 =	vmul.f32 v0, v3  }
0x1d3: {  	v48 =	vadd.s32 $0x101, v1  }
0x1d4: {  	v2 =	vadd.f32 v3, v2;
	_ =	sdelay $0x1  }
0x1d5: {  	[tilespmem:s15+$0x80] =	vst v2  }
0x1d6: {  	v2 =	vld.idx.msk [tilespmem:v47+s4+$0x0], $0xffff  }
0x1d7: {  	v49 =	vld.idx.msk [tilespmem:v48+s4+$0x0], $0xffff;
	_ =	sdelay $0x4  }
0x1d8: {  	v3 =	vsub.f32 v49, v2;
	_ =	sdelay $0x1  }
0x1d9: {  	v50 =	vor.u32 $0x180, v1;
	v3 =	vmul.f32 v0, v3  }
0x1da: {  	v51 =	vadd.s32 $0x181, v1  }
0x1db: {  	v2 =	vadd.f32 v3, v2;
	_ =	sdelay $0x1  }
0x1dc: {  	[tilespmem:s15+$0x100] =	vst v2  }
0x1dd: {  	v2 =	vld.idx.msk [tilespmem:v50+s4+$0x0], $0xffff  }
0x1de: {  	v52 =	vld.idx.msk [tilespmem:v51+s4+$0x0], $0xffff;
	_ =	sdelay $0x4  }
0x1df: {  	v3 =	vsub.f32 v52, v2;
	_ =	sdelay $0x1  }
0x1e0: {  	v53 =	vor.u32 $0x200, v1;
	v3 =	vmul.f32 v3, v0  }
0x1e1: {  	v54 =	vadd.s32 $0x201, v1  }
0x1e2: {  	v2 =	vadd.f32 v3, v2;
	_ =	sdelay $0x1  }
0x1e3: {  	[tilespmem:s15+$0x180] =	vst v2  }
0x1e4: {  	v2 =	vld.idx.msk [tilespmem:v53+s4+$0x0], $0xffff  }
0x1e5: {  	v55 =	vld.idx.msk [tilespmem:v54+s4+$0x0], $0xffff;
	_ =	sdelay $0x4  }
0x1e6: {  	v3 =	vsub.f32 v55, v2;
	_ =	sdelay $0x1  }
0x1e7: {  	v56 =	vor.u32 $0x280, v1;
	v3 =	vmul.f32 v3, v0  }
0x1e8: {  	v57 =	vadd.s32 $0x281, v1  }
0x1e9: {  	v2 =	vadd.f32 v3, v2;
	_ =	sdelay $0x1  }
0x1ea: {  	[tilespmem:s15+$0x200] =	vst v2  }
0x1eb: {  	v2 =	vld.idx.msk [tilespmem:v56+s4+$0x0], $0xffff  }
0x1ec: {  	v58 =	vld.idx.msk [tilespmem:v57+s4+$0x0], $0xffff;
	_ =	sdelay $0x4  }
0x1ed: {  	v3 =	vsub.f32 v58, v2;
	_ =	sdelay $0x1  }
0x1ee: {  	v59 =	vor.u32 $0x300, v1;
	v3 =	vmul.f32 v3, v0  }
0x1ef: {  	v60 =	vadd.s32 $0x301, v1  }
0x1f0: {  	v2 =	vadd.f32 v3, v2;
	_ =	sdelay $0x1  }
0x1f1: {  	[tilespmem:s15+$0x280] =	vst v2  }
0x1f2: {  	v2 =	vld.idx.msk [tilespmem:v59+s4+$0x0], $0xffff  }
0x1f3: {  	v61 =	vld.idx.msk [tilespmem:v60+s4+$0x0], $0xffff;
	_ =	sdelay $0x4  }
0x1f4: {  	v3 =	vsub.f32 v61, v2;
	_ =	sdelay $0x1  }
0x1f5: {  	v62 =	vor.u32 $0x380, v1;
	v3 =	vmul.f32 v3, v0  }
0x1f6: {  	v63 =	vadd.s32 $0x381, v1  }
0x1f7: {  	v2 =	vadd.f32 v3, v2;
	_ =	sdelay $0x1  }
0x1f8: {  	[tilespmem:s15+$0x300] =	vst v2  }
0x1f9: {  	v2 =	vld.idx.msk [tilespmem:v62+s4+$0x0], $0xffff  }
0x1fa: {  	v8 =	vld.idx.msk [tilespmem:v63+s4+$0x0], $0xffff;
	_ =	sdelay $0x4  }
0x1fb: {  	v3 =	vsub.f32 v8, v2;
	_ =	sdelay $0x1  }
0x1fc: {  	v9 =	vor.u32 $0x400, v1;
	v3 =	vmul.f32 v3, v0  }
0x1fd: {  	v10 =	vadd.s32 $0x401, v1  }
0x1fe: {  	v2 =	vadd.f32 v3, v2;
	_ =	sdelay $0x1  }
0x1ff: {  	[tilespmem:s15+$0x380] =	vst v2  }
0x200: {  	v2 =	vld.idx.msk [tilespmem:v9+s4+$0x0], $0xffff  }
0x201: {  	v11 =	vld.idx.msk [tilespmem:v10+s4+$0x0], $0xffff;
	_ =	sdelay $0x4  }
0x202: {  	v3 =	vsub.f32 v11, v2;
	_ =	sdelay $0x1  }
0x203: {  	v12 =	vor.u32 $0x480, v1;
	v3 =	vmul.f32 v3, v0  }
0x204: {  	v13 =	vadd.s32 $0x481, v1  }
0x205: {  	v14 =	vld [tilespmem:s16+$0xFFFFFFA0];
	v2 =	vadd.f32 v3, v2;
	_ =	sdelay $0x1  }
0x206: {  	[tilespmem:s15+$0x2800] =	vst v2  }
0x207: {  	v2 =	vld.idx.msk [tilespmem:v12+s4+$0x0], $0xffff  }
0x208: {  	v15 =	vld.idx.msk [tilespmem:v13+s4+$0x0], $0xffff  }
0x209: {  	v16 =	vmax.f32 v14, $0.0e+00  }
0x20a: {  	v5 =	vmin.f32 v16, $5.000000000e+00  }
0x20b: {  	v5 =	vmul.f32 $2.539999960e+01, v5;
	_ =	sdelay $0x1  }
0x20c: {  	v5 =	vtrunc.f32 v5;
	v4 =	vsub.f32 v15, v2  }
0x20d: {  	v5 =	vcvt.f32.s32 v5  }
0x20e: {  	v6 =	vor.u32 $0x500, v1;
	v4 =	vmul.f32 v4, v0  }
0x20f: {  	v7 =	vadd.s32 $0x501, v1;
	vm9 =	vgt.s32 v5, $0x0  }
0x210: {  	v17 =	vnsel vm9, $0x0, v5;
	v2 =	vadd.f32 v4, v2  }
0x211: {  	v4 =	vmin.u32 v17, $0x7E  }
0x212: {  	v20 =	vld [tilespmem:s16+$0xFFFFFFB0];
	v19 =	vadd.s32 $0x1, v4;
	[tilespmem:s15+$0x2880] =	vst v2  }
0x213: {  	v18 =	vld.idx.msk [tilespmem:v6+s4+$0x0], $0xffff  }
0x214: {  	v7 =	vld.idx.msk [tilespmem:v7+s4+$0x0], $0xffff;
	_ =	sdelay $0x1  }
0x215: {  	v8 =	vcvt.s32.f32 v4;
	v9 =	vld.idx.msk [tilespmem:v4+s4+$0x0], $0xffff  }
0x216: {  	v22 =	vmax.f32 v20, $0.0e+00;
	v10 =	vld.idx.msk [tilespmem:v19+s4+$0x0], $0xffff  }
0x217: {  	v21 =	vmul.f32 $3.937007860e-02, v8;
	v8 =	vmin.f32 v22, $5.000000000e+00  }
0x218: {  	v23 =	vmul.f32 $2.539999960e+01, v8;
	v7 =	vsub.f32 v7, v18  }
0x219: {  	v24 =	vor.u32 $0x580, v1;
	v2 =	vsub.f32 v14, v21  }
0x21a: {  	v11 =	vadd.s32 $0x581, v1;
	v3 =	vtrunc.f32 v23;
	v7 =	vmul.f32 v7, v0  }
0x21b: {  	v2 =	vmul.f32 $2.539999960e+01, v2;
	v3 =	vcvt.f32.s32 v3;
	v10 =	vsub.f32 v10, v9  }
0x21c: {  	v5 =	vadd.f32 v7, v18  }
0x21d: {  	v26 =	vor.u32 $0x80, v4;
	vm10 =	vgt.s32 v3, $0x0;
	v25 =	vmul.f32 v2, v10  }
0x21e: {  	v12 =	vadd.s32 $0x81, v4;
	v3 =	vnsel vm10, $0x0, v3;
	[tilespmem:s15+$0x2900] =	vst v5  }
0x21f: {  	v5 =	vmin.u32 v3, $0x7E;
	v7 =	vadd.f32 v25, v9;
	v8 =	vld.idx.msk [tilespmem:v24+s4+$0x0], $0xffff  }
0x220: {  	v27 =	vld.idx.msk [tilespmem:v11+s4+$0x0], $0xffff;
	v28 =	vadd.s32 $0x1, v5  }
0x221: {  	[tilespmem:s15+$0x10] =	vst v7  }
0x222: {  	v29 =	vld.idx.msk [tilespmem:v26+s4+$0x0], $0xffff  }
0x223: {  	v30 =	vld.idx.msk [tilespmem:v12+s4+$0x0], $0xffff  }
0x224: {  	v31 =	vcvt.s32.f32 v5;
	v32 =	vld.idx.msk [tilespmem:v5+s4+$0x0], $0xffff  }
0x225: {  	v3 =	vsub.f32 v27, v8;
	v7 =	vld.idx.msk [tilespmem:v28+s4+$0x0], $0xffff  }
0x226: {  	v11 =	vmul.f32 $3.937007860e-02, v31  }
0x227: {  	v13 =	vor.u32 $0x600, v1;
	v3 =	vmul.f32 v3, v0  }
0x228: {  	v14 =	vadd.s32 $0x601, v1;
	v6 =	vsub.f32 v20, v11;
	v10 =	vsub.f32 v30, v29  }
0x229: {  	v33 =	vor.u32 $0x100, v4;
	v8 =	vadd.f32 v3, v8  }
0x22a: {  	v3 =	vmul.f32 $2.539999960e+01, v6;
	v10 =	vmul.f32 v2, v10;
	v34 =	vsub.f32 v7, v32  }
0x22b: {  	v15 =	vadd.s32 $0x101, v4;
	[tilespmem:s15+$0x2980] =	vst v8  }
0x22c: {  	v36 =	vor.u32 $0x80, v5;
	v35 =	vadd.f32 v10, v29;
	v8 =	vld.idx.msk [tilespmem:v13+s4+$0x0], $0xffff;
	v6 =	vmul.f32 v3, v34  }
0x22d: {  	v38 =	vadd.s32 $0x81, v5;
	v37 =	vld.idx.msk [tilespmem:v14+s4+$0x0], $0xffff  }
0x22e: {  	[tilespmem:s15+$0x90] =	vst v35;
	v6 =	vadd.f32 v6, v32  }
0x22f: {  	v11 =	vld.idx.msk [tilespmem:v33+s4+$0x0], $0xffff  }
0x230: {  	v39 =	vld.idx.msk [tilespmem:v15+s4+$0x0], $0xffff;
	[tilespmem:s15+$0x20] =	vst v6  }
0x231: {  	v6 =	vld.idx.msk [tilespmem:v36+s4+$0x0], $0xffff  }
0x232: {  	v40 =	vsub.f32 v37, v8;
	v7 =	vld.idx.msk [tilespmem:v38+s4+$0x0], $0xffff;
	_ =	sdelay $0x1  }
0x233: {  	v41 =	vor.u32 $0x680, v1;
	v9 =	vmul.f32 v40, v0  }
0x234: {  	v42 =	vadd.s32 $0x681, v1;
	v12 =	vsub.f32 v39, v11  }
0x235: {  	v8 =	vadd.f32 v9, v8  }
0x236: {  	v44 =	vor.u32 $0x180, v4;
	v43 =	vmul.f32 v2, v12;
	v7 =	vsub.f32 v7, v6  }
0x237: {  	v45 =	vadd.s32 $0x181, v4;
	[tilespmem:s15+$0x2A00] =	vst v8  }
0x238: {  	v48 =	vor.u32 $0x100, v5;
	v46 =	vadd.f32 v43, v11;
	v47 =	vld.idx.msk [tilespmem:v41+s4+$0x0], $0xffff;
	v7 =	vmul.f32 v3, v7  }
0x239: {  	v50 =	vadd.s32 $0x101, v5;
	v49 =	vld.idx.msk [tilespmem:v42+s4+$0x0], $0xffff  }
0x23a: {  	[tilespmem:s15+$0x110] =	vst v46;
	v6 =	vadd.f32 v7, v6  }
0x23b: {  	v12 =	vld.idx.msk [tilespmem:v44+s4+$0x0], $0xffff  }
0x23c: {  	v51 =	vld.idx.msk [tilespmem:v45+s4+$0x0], $0xffff;
	[tilespmem:s15+$0xA0] =	vst v6  }
0x23d: {  	v6 =	vld.idx.msk [tilespmem:v48+s4+$0x0], $0xffff  }
0x23e: {  	v52 =	vsub.f32 v49, v47;
	v8 =	vld.idx.msk [tilespmem:v50+s4+$0x0], $0xffff  }
0x23f: {  	v19 =	vld [tilespmem:s16+$0xFFFFFFF0]  }
0x240: {  	v53 =	vor.u32 $0x700, v1;
	v10 =	vmul.f32 v52, v0  }
0x241: {  	v54 =	vadd.s32 $0x701, v1;
	v7 =	vsub.f32 v51, v12  }
0x242: {  	v20 =	vld [tilespmem:s16+$0x0];
	v9 =	vadd.f32 v10, v47  }
0x243: {  	v55 =	vor.u32 $0x200, v4;
	v7 =	vmul.f32 v7, v2;
	v8 =	vsub.f32 v8, v6  }
0x244: {  	v59 =	vld [tilespmem:s16+$0xFFFFFFC0];
	v56 =	vadd.s32 $0x201, v4;
	v22 =	vmax.f32 v19, $0.0e+00;
	[tilespmem:s15+$0x2A80] =	vst v9  }
0x245: {  	v57 =	vor.u32 $0x180, v5;
	v7 =	vadd.f32 v7, v12;
	v11 =	vld.idx.msk [tilespmem:v53+s4+$0x0], $0xffff;
	v8 =	vmul.f32 v3, v8  }
0x246: {  	v22 =	vmin.f32 v22, $5.000000000e+00;
	v58 =	vadd.s32 $0x181, v5;
	v13 =	vld.idx.msk [tilespmem:v54+s4+$0x0], $0xffff  }
0x247: {  	v61 =	vld [tilespmem:s16+$0xFFFFFFD0];
	v22 =	vmul.f32 $2.539999960e+01, v22;
	v23 =	vmax.f32 v20, $0.0e+00;
	[tilespmem:s15+$0x190] =	vst v7;
	v6 =	vadd.f32 v8, v6  }
0x248: {  	v47 =	vmin.f32 v23, $5.000000000e+00;
	v10 =	vld.idx.msk [tilespmem:v55+s4+$0x0], $0xffff  }
0x249: {  	v62 =	vmax.f32 v59, $0.0e+00;
	v46 =	vtrunc.f32 v22;
	v22 =	vmul.f32 $2.539999960e+01, v47;
	v9 =	vld.idx.msk [tilespmem:v56+s4+$0x0], $0xffff;
	[tilespmem:s15+$0x120] =	vst v6  }
0x24a: {  	v14 =	vmin.f32 v62, $5.000000000e+00;
	v6 =	vld.idx.msk [tilespmem:v57+s4+$0x0], $0xffff  }
0x24b: {  	v14 =	vmul.f32 $2.539999960e+01, v14;
	v51 =	vtrunc.f32 v22;
	v7 =	vld.idx.msk [tilespmem:v58+s4+$0x0], $0xffff;
	v60 =	vsub.f32 v13, v11  }
0x24c: {  	v16 =	vld [tilespmem:s16+$0xFFFFFFE0];
	v28 =	vcvt.f32.s32 v51  }
0x24d: {  	v36 =	vtrunc.f32 v14;
	v37 =	vmax.f32 v61, $0.0e+00;
	v12 =	vmul.f32 v60, v0  }
0x24e: {  	v39 =	vor.u32 $0x200, v5;
	vm15 =	vgt.s32 v28, $0x0;
	v9 =	vsub.f32 v9, v10  }
0x24f: {  	v55 =	vnsel vm15, $0x0, v28;
	v63 =	vadd.f32 v12, v11;
	v11 =	vcvt.f32.s32 v36  }
0x250: {  	v12 =	vmin.f32 v37, $5.000000000e+00;
	v7 =	vsub.f32 v7, v6;
	v9 =	vmul.f32 v9, v2  }
0x251: {  	v41 =	vmax.f32 v16, $0.0e+00;
	v14 =	vmin.u32 v55, $0x7E;
	v38 =	vmul.f32 $2.539999960e+01, v12  }
0x252: {  	vm11 =	vgt.s32 v11, $0x0;
	v7 =	vmul.f32 v7, v3;
	v18 =	vadd.f32 v9, v10  }
0x253: {  	v40 =	vnsel vm11, $0x0, v11;
	v9 =	vtrunc.f32 v38;
	v11 =	vmin.f32 v41, $5.000000000e+00  }
0x254: {  	v42 =	vadd.s32 $0x201, v5;
	v10 =	vcvt.f32.s32 v46;
	v11 =	vmul.f32 $2.539999960e+01, v11  }
0x255: {  	v9 =	vcvt.f32.s32 v9;
	v6 =	vadd.f32 v7, v6;
	v7 =	vmin.u32 v40, $0x7E  }
0x256: {  	vm14 =	vgt.s32 v10, $0x0;
	v21 =	vadd.s32 $0x1, v7;
	v11 =	vtrunc.f32 v11  }
0x257: {  	vm12 =	vgt.s32 v9, $0x0;
	v10 =	vnsel vm14, $0x0, v10;
	v11 =	vcvt.f32.s32 v11  }
0x258: {  	v34 =	vld.idx.msk [tilespmem:v14+s4+$0x0], $0xffff;
	v9 =	vnsel vm12, $0x0, v9;
	[tilespmem:s15+$0x1A0] =	vst v6;
	v12 =	vmin.u32 v10, $0x7E  }
0x259: {  	v17 =	vor.u32 $0x780, v1;
	v9 =	vmin.u32 v9, $0x7E;
	v24 =	vld.idx.msk [tilespmem:v39+s4+$0x0], $0xffff;
	vm13 =	vgt.s32 v11, $0x0  }
0x25a: {  	v1 =	vadd.s32 $0x781, v1;
	v50 =	vld.idx.msk [tilespmem:v42+s4+$0x0], $0xffff;
	v45 =	vadd.s32 $0x1, v9;
	v11 =	vnsel vm13, $0x0, v11  }
0x25b: {  	v25 =	vor.u32 $0x280, v4;
	v43 =	vcvt.s32.f32 v7;
	v48 =	vld.idx.msk [tilespmem:v7+s4+$0x0], $0xffff;
	v11 =	vmin.u32 v11, $0x7E  }
0x25c: {  	v29 =	vadd.s32 $0x281, v4;
	v47 =	vor.u32 $0x280, v5;
	v49 =	vld.idx.msk [tilespmem:v21+s4+$0x0], $0xffff;
	v26 =	vadd.s32 $0x1, v11  }
0x25d: {  	v58 =	vadd.s32 $0x1, v14;
	v44 =	vmul.f32 $3.937007860e-02, v43;
	v54 =	vadd.s32 $0x1, v12;
	v33 =	vld.idx.msk [tilespmem:v12+s4+$0x0], $0xffff  }
0x25e: {  	v38 =	vcvt.s32.f32 v14;
	v62 =	vor.u32 $0x80, v7;
	v52 =	vcvt.s32.f32 v9;
	v27 =	vld.idx.msk [tilespmem:v9+s4+$0x0], $0xffff  }
0x25f: {  	[tilespmem:s15+$0x2B00] =	vst v63;
	v63 =	vadd.s32 $0x81, v7;
	v6 =	vsub.f32 v59, v44;
	v31 =	vcvt.s32.f32 v11;
	v30 =	vld.idx.msk [tilespmem:v45+s4+$0x0], $0xffff  }
0x260: {  	v60 =	vcvt.s32.f32 v12;
	v40 =	vor.u32 $0x80, v9;
	v53 =	vmul.f32 $3.937007860e-02, v52;
	v32 =	vld.idx.msk [tilespmem:v11+s4+$0x0], $0xffff  }
0x261: {  	v6 =	vmul.f32 $2.539999960e+01, v6;
	v57 =	vmul.f32 $3.937007860e-02, v31;
	v8 =	vsub.f32 v49, v48;
	v26 =	vld.idx.msk [tilespmem:v26+s4+$0x0], $0xffff  }
0x262: {  	v42 =	vadd.s32 $0x81, v9;
	v43 =	vor.u32 $0x80, v11;
	v10 =	vsub.f32 v61, v53;
	v22 =	vld.idx.msk [tilespmem:v54+s4+$0x0], $0xffff  }
0x263: {  	v13 =	vld.idx.msk [tilespmem:v17+s4+$0x0], $0xffff;
	v21 =	vsub.f32 v50, v24;
	v16 =	vsub.f32 v16, v57;
	v56 =	vmul.f32 v6, v8  }
0x264: {  	v41 =	vld.idx.msk [tilespmem:v58+s4+$0x0], $0xffff;
	v8 =	vmul.f32 $2.539999960e+01, v10;
	v59 =	vsub.f32 v30, v27;
	v30 =	vmul.f32 $3.937007860e-02, v60  }
0x265: {  	v1 =	vld.idx.msk [tilespmem:v1+s4+$0x0], $0xffff;
	[tilespmem:s15+$0x210] =	vst v18;
	v21 =	vmul.f32 v21, v3;
	v10 =	vmul.f32 $2.539999960e+01, v16;
	v61 =	vadd.f32 v56, v48  }
0x266: {  	v25 =	vld.idx.msk [tilespmem:v25+s4+$0x0], $0xffff;
	v36 =	vmul.f32 v8, v59;
	v19 =	vsub.f32 v19, v30;
	v37 =	vsub.f32 v26, v32  }
0x267: {  	v46 =	vld.idx.msk [tilespmem:v29+s4+$0x0], $0xffff;
	v21 =	vadd.f32 v21, v24;
	v44 =	vsub.f32 v22, v33;
	[tilespmem:s15+$0x30] =	vst v61;
	v26 =	vmul.f32 $3.937007860e-02, v38  }
0x268: {  	v39 =	vadd.f32 v36, v27;
	v23 =	vld.idx.msk [tilespmem:v62+s4+$0x0], $0xffff;
	v15 =	vmul.f32 $2.539999960e+01, v19;
	v16 =	vmul.f32 v10, v37  }
0x269: {  	v45 =	vadd.s32 $0x81, v11;
	[tilespmem:s15+$0x220] =	vst v21;
	v17 =	vld.idx.msk [tilespmem:v63+s4+$0x0], $0xffff;
	v20 =	vsub.f32 v20, v26  }
0x26a: {  	v49 =	vor.u32 $0x80, v12;
	v18 =	vld.idx.msk [tilespmem:v47+s4+$0x0], $0xffff;
	[tilespmem:s15+$0x40] =	vst v39;
	v19 =	vmul.f32 v15, v44;
	v48 =	vadd.f32 v16, v32  }
0x26b: {  	v52 =	vadd.s32 $0x81, v12;
	v50 =	vsub.f32 v41, v34;
	v27 =	vld.idx.msk [tilespmem:v40+s4+$0x0], $0xffff;
	v16 =	vmul.f32 $2.539999960e+01, v20  }
0x26c: {  	v56 =	vadd.s32 $0x281, v5;
	v51 =	vld.idx.msk [tilespmem:v42+s4+$0x0], $0xffff;
	v19 =	vadd.f32 v19, v33;
	[tilespmem:s15+$0x50] =	vst v48  }
0x26d: {  	v58 =	vsub.f32 v46, v25;
	v53 =	vor.u32 $0x80, v14;
	v20 =	vmul.f32 v16, v50;
	v29 =	vld.idx.msk [tilespmem:v43+s4+$0x0], $0xffff  }
0x26e: {  	v55 =	vadd.s32 $0x81, v14;
	v17 =	vsub.f32 v17, v23;
	v54 =	vld.idx.msk [tilespmem:v45+s4+$0x0], $0xffff;
	[tilespmem:s15+$0x60] =	vst v19  }
0x26f: {  	v61 =	vmul.f32 v58, v2;
	v62 =	vor.u32 $0x300, v4;
	v57 =	vadd.f32 v20, v34;
	v32 =	vld.idx.msk [tilespmem:v49+s4+$0x0], $0xffff  }
0x270: {  	v59 =	vor.u32 $0x100, v7;
	v17 =	vmul.f32 v6, v17;
	v28 =	vld.idx.msk [tilespmem:v52+s4+$0x0], $0xffff  }
0x271: {  	v60 =	vadd.s32 $0x101, v7;
	v37 =	vld.idx.msk [tilespmem:v56+s4+$0x0], $0xffff;
	v19 =	vadd.f32 v61, v25;
	v24 =	vsub.f32 v51, v27;
	[tilespmem:s15+$0x70] =	vst v57  }
0x272: {  	v42 =	vadd.s32 $0x301, v4;
	v17 =	vadd.f32 v17, v23;
	v63 =	vld.idx.msk [tilespmem:v53+s4+$0x0], $0xffff  }
0x273: {  	v36 =	vor.u32 $0x100, v9;
	[tilespmem:s15+$0x290] =	vst v19;
	v24 =	vmul.f32 v8, v24;
	v22 =	vld.idx.msk [tilespmem:v55+s4+$0x0], $0xffff;
	v21 =	vsub.f32 v54, v29  }
0x274: {  	v38 =	vadd.s32 $0x101, v9;
	v39 =	vor.u32 $0x100, v11;
	v20 =	vld.idx.msk [tilespmem:v62+s4+$0x0], $0xffff;
	[tilespmem:s15+$0xB0] =	vst v17  }
0x275: {  	v26 =	vld.idx.msk [tilespmem:v59+s4+$0x0], $0xffff;
	v24 =	vadd.f32 v24, v27;
	v28 =	vsub.f32 v28, v32;
	v21 =	vmul.f32 v10, v21  }
0x276: {  	v41 =	vadd.s32 $0x101, v11;
	v25 =	vsub.f32 v37, v18;
	v40 =	vld.idx.msk [tilespmem:v60+s4+$0x0], $0xffff  }
0x277: {  	v43 =	vor.u32 $0x100, v12;
	v33 =	vld.idx.msk [tilespmem:v42+s4+$0x0], $0xffff;
	[tilespmem:s15+$0xC0] =	vst v24;
	v28 =	vmul.f32 v15, v28;
	v21 =	vadd.f32 v21, v29  }
0x278: {  	v44 =	vadd.s32 $0x101, v12;
	v24 =	vld.idx.msk [tilespmem:v36+s4+$0x0], $0xffff;
	v22 =	vsub.f32 v22, v63  }
0x279: {  	v47 =	vor.u32 $0x300, v5;
	v25 =	vmul.f32 v25, v3;
	v17 =	vld.idx.msk [tilespmem:v38+s4+$0x0], $0xffff;
	v28 =	vadd.f32 v28, v32;
	[tilespmem:s15+$0xD0] =	vst v21  }
0x27a: {  	v45 =	vor.u32 $0x100, v14;
	v22 =	vmul.f32 v16, v22;
	v27 =	vld.idx.msk [tilespmem:v39+s4+$0x0], $0xffff  }
0x27b: {  	v46 =	vadd.s32 $0x101, v14;
	v18 =	vadd.f32 v25, v18;
	v19 =	vsub.f32 v40, v26;
	v31 =	vld.idx.msk [tilespmem:v41+s4+$0x0], $0xffff;
	[tilespmem:s15+$0xE0] =	vst v28  }
0x27c: {  	v50 =	vadd.s32 $0x301, v5;
	v22 =	vadd.f32 v22, v63;
	v29 =	vld.idx.msk [tilespmem:v43+s4+$0x0], $0xffff  }
0x27d: {  	v48 =	vor.u32 $0x180, v7;
	[tilespmem:s15+$0x2A0] =	vst v18;
	v55 =	vsub.f32 v33, v20;
	v19 =	vmul.f32 v6, v19;
	v21 =	vld.idx.msk [tilespmem:v44+s4+$0x0], $0xffff  }
0x27e: {  	v49 =	vadd.s32 $0x181, v7;
	v28 =	vld.idx.msk [tilespmem:v47+s4+$0x0], $0xffff;
	v17 =	vsub.f32 v17, v24;
	[tilespmem:s15+$0xF0] =	vst v22  }
0x27f: {  	v32 =	vmul.f32 v55, v2;
	v40 =	vadd.s32 $0x381, v4;
	v19 =	vadd.f32 v19, v26;
	v51 =	vld.idx.msk [tilespmem:v45+s4+$0x0], $0xffff  }
0x280: {  	v52 =	vor.u32 $0x180, v9;
	v17 =	vmul.f32 v8, v17;
	v54 =	vld.idx.msk [tilespmem:v46+s4+$0x0], $0xffff;
	v53 =	vsub.f32 v31, v27  }
0x281: {  	v58 =	vor.u32 $0x180, v11;
	v56 =	vadd.s32 $0x181, v9;
	v20 =	vadd.f32 v32, v20;
	v22 =	vld.idx.msk [tilespmem:v50+s4+$0x0], $0xffff;
	[tilespmem:s15+$0x130] =	vst v19  }
0x282: {  	v23 =	vld.idx.msk [tilespmem:v48+s4+$0x0], $0xffff;
	v17 =	vadd.f32 v17, v24;
	v21 =	vsub.f32 v21, v29;
	v57 =	vmul.f32 v10, v53  }
0x283: {  	v59 =	vadd.s32 $0x181, v11;
	[tilespmem:s15+$0x310] =	vst v20;
	v25 =	vld.idx.msk [tilespmem:v49+s4+$0x0], $0xffff  }
0x284: {  	v61 =	vor.u32 $0x180, v12;
	v33 =	vld.idx.msk [tilespmem:v40+s4+$0x0], $0xffff;
	[tilespmem:s15+$0x140] =	vst v17;
	v21 =	vmul.f32 v15, v21;
	v24 =	vadd.f32 v57, v27  }
0x285: {  	v62 =	vadd.s32 $0x181, v12;
	v18 =	vld.idx.msk [tilespmem:v52+s4+$0x0], $0xffff;
	v31 =	vsub.f32 v54, v51  }
0x286: {  	v60 =	vor.u32 $0x380, v4;
	v19 =	vld.idx.msk [tilespmem:v56+s4+$0x0], $0xffff;
	v21 =	vadd.f32 v21, v29;
	[tilespmem:s15+$0x150] =	vst v24  }
0x287: {  	v36 =	vor.u32 $0x180, v14;
	v22 =	vsub.f32 v22, v28;
	v63 =	vmul.f32 v16, v31;
	v30 =	vld.idx.msk [tilespmem:v58+s4+$0x0], $0xffff  }
0x288: {  	v39 =	vadd.s32 $0x181, v14;
	v37 =	vsub.f32 v25, v23;
	v38 =	vld.idx.msk [tilespmem:v59+s4+$0x0], $0xffff;
	[tilespmem:s15+$0x160] =	vst v21  }
0x289: {  	v45 =	vor.u32 $0x380, v5;
	v44 =	vmul.f32 v22, v3;
	v41 =	vadd.f32 v63, v51;
	v27 =	vld.idx.msk [tilespmem:v61+s4+$0x0], $0xffff  }
0x28a: {  	v42 =	vor.u32 $0x200, v7;
	v20 =	vmul.f32 v37, v6;
	v24 =	vld.idx.msk [tilespmem:v62+s4+$0x0], $0xffff  }
0x28b: {  	v43 =	vadd.s32 $0x201, v7;
	v17 =	vld.idx.msk [tilespmem:v60+s4+$0x0], $0xffff;
	v21 =	vadd.f32 v44, v28;
	v19 =	vsub.f32 v19, v18;
	[tilespmem:s15+$0x170] =	vst v41  }
0x28c: {  	v53 =	vadd.s32 $0x381, v5;
	v20 =	vadd.f32 v20, v23;
	v46 =	vld.idx.msk [tilespmem:v36+s4+$0x0], $0xffff  }
0x28d: {  	v47 =	vor.u32 $0x200, v9;
	[tilespmem:s15+$0x320] =	vst v21;
	v19 =	vmul.f32 v19, v8;
	v32 =	vld.idx.msk [tilespmem:v39+s4+$0x0], $0xffff;
	v25 =	vsub.f32 v38, v30  }
0x28e: {  	v50 =	vor.u32 $0x200, v11;
	v48 =	vadd.s32 $0x201, v9;
	v22 =	vld.idx.msk [tilespmem:v45+s4+$0x0], $0xffff;
	[tilespmem:s15+$0x1B0] =	vst v20  }
0x28f: {  	v26 =	vld.idx.msk [tilespmem:v42+s4+$0x0], $0xffff;
	v18 =	vadd.f32 v19, v18;
	v24 =	vsub.f32 v24, v27;
	v49 =	vmul.f32 v25, v10  }
0x290: {  	v52 =	vadd.s32 $0x201, v11;
	v58 =	vsub.f32 v33, v17;
	v51 =	vld.idx.msk [tilespmem:v43+s4+$0x0], $0xffff  }
0x291: {  	v56 =	vor.u32 $0x200, v12;
	v29 =	vld.idx.msk [tilespmem:v53+s4+$0x0], $0xffff;
	[tilespmem:s15+$0x1C0] =	vst v18;
	v24 =	vmul.f32 v24, v15;
	v54 =	vadd.f32 v49, v30  }
0x292: {  	v59 =	vadd.s32 $0x201, v12;
	v55 =	vld.idx.msk [tilespmem:v47+s4+$0x0], $0xffff;
	v57 =	vsub.f32 v32, v46  }
0x293: {  	v63 =	vor.u32 $0x400, v4;
	v20 =	vld.idx.msk [tilespmem:v48+s4+$0x0], $0xffff;
	v32 =	vmul.f32 v58, v2;
	v24 =	vadd.f32 v24, v27;
	[tilespmem:s15+$0x1D0] =	vst v54  }
0x294: {  	v38 =	vadd.s32 $0x401, v4;
	v60 =	vmul.f32 v57, v16;
	v25 =	vld.idx.msk [tilespmem:v50+s4+$0x0], $0xffff  }
0x295: {  	v61 =	vor.u32 $0x200, v14;
	v21 =	vsub.f32 v51, v26;
	v17 =	vadd.f32 v32, v17;
	v28 =	vld.idx.msk [tilespmem:v52+s4+$0x0], $0xffff;
	[tilespmem:s15+$0x1E0] =	vst v24  }
0x296: {  	v62 =	vadd.s32 $0x201, v14;
	v29 =	vsub.f32 v29, v22;
	v30 =	vld.idx.msk [tilespmem:v56+s4+$0x0], $0xffff  }
0x297: {  	v36 =	vor.u32 $0x280, v7;
	v23 =	vadd.f32 v60, v46;
	v21 =	vmul.f32 v21, v6;
	v18 =	vld.idx.msk [tilespmem:v59+s4+$0x0], $0xffff;
	[tilespmem:s15+$0x390] =	vst v17  }
0x298: {  	v37 =	vadd.s32 $0x281, v7;
	v20 =	vsub.f32 v20, v55;
	v24 =	vld.idx.msk [tilespmem:v63+s4+$0x0], $0xffff  }
0x299: {  	v47 =	vor.u32 $0x400, v5;
	v29 =	vmul.f32 v29, v3;
	[tilespmem:s15+$0x1F0] =	vst v23;
	v21 =	vadd.f32 v21, v26;
	v23 =	vld.idx.msk [tilespmem:v38+s4+$0x0], $0xffff  }
0x29a: {  	v41 =	vor.u32 $0x280, v9;
	v39 =	vld.idx.msk [tilespmem:v61+s4+$0x0], $0xffff;
	v40 =	vmul.f32 v20, v8;
	v28 =	vsub.f32 v28, v25  }
0x29b: {  	v43 =	vadd.s32 $0x281, v9;
	v22 =	vadd.f32 v29, v22;
	v42 =	vld.idx.msk [tilespmem:v62+s4+$0x0], $0xffff;
	[tilespmem:s15+$0x230] =	vst v21  }
0x29c: {  	v45 =	vor.u32 $0x280, v11;
	v27 =	vld.idx.msk [tilespmem:v36+s4+$0x0], $0xffff;
	v17 =	vadd.f32 v40, v55;
	v44 =	vmul.f32 v28, v10  }
0x29d: {  	v46 =	vadd.s32 $0x281, v11;
	[tilespmem:s15+$0x3A0] =	vst v22;
	v32 =	vld.idx.msk [tilespmem:v37+s4+$0x0], $0xffff;
	v18 =	vsub.f32 v18, v30  }
0x29e: {  	v55 =	vadd.s32 $0x401, v5;
	[tilespmem:s15+$0x240] =	vst v17;
	v17 =	vld.idx.msk [tilespmem:v47+s4+$0x0], $0xffff;
	v19 =	vadd.f32 v44, v25  }
0x29f: {  	v48 =	vor.u32 $0x280, v12;
	v18 =	vmul.f32 v18, v15;
	v23 =	vsub.f32 v23, v24;
	v20 =	vld.idx.msk [tilespmem:v41+s4+$0x0], $0xffff  }
0x2a0: {  	v49 =	vadd.s32 $0x281, v12;
	v31 =	vsub.f32 v42, v39;
	v21 =	vld.idx.msk [tilespmem:v43+s4+$0x0], $0xffff;
	[tilespmem:s15+$0x250] =	vst v19  }
0x2a1: {  	v60 =	vor.u32 $0x480, v4;
	v18 =	vadd.f32 v18, v30;
	v59 =	vmul.f32 v23, v2;
	v28 =	vld.idx.msk [tilespmem:v45+s4+$0x0], $0xffff  }
0x2a2: {  	v51 =	vor.u32 $0x280, v14;
	v50 =	vmul.f32 v31, v16;
	v52 =	vsub.f32 v32, v27;
	v53 =	vld.idx.msk [tilespmem:v46+s4+$0x0], $0xffff  }
0x2a3: {  	v54 =	vadd.s32 $0x281, v14;
	v63 =	vld.idx.msk [tilespmem:v55+s4+$0x0], $0xffff;
	[tilespmem:s15+$0x260] =	vst v18;
	v18 =	vadd.f32 v59, v24  }
0x2a4: {  	v57 =	vor.u32 $0x300, v7;
	v56 =	vadd.f32 v50, v39;
	v22 =	vmul.f32 v52, v6;
	v25 =	vld.idx.msk [tilespmem:v48+s4+$0x0], $0xffff  }
0x2a5: {  	v58 =	vadd.s32 $0x301, v7;
	v19 =	vld.idx.msk [tilespmem:v49+s4+$0x0], $0xffff;
	v21 =	vsub.f32 v21, v20;
	[tilespmem:s15+$0x2810] =	vst v18  }
0x2a6: {  	v41 =	vadd.s32 $0x481, v4;
	[tilespmem:s15+$0x270] =	vst v56;
	v22 =	vadd.f32 v22, v27;
	v23 =	vld.idx.msk [tilespmem:v60+s4+$0x0], $0xffff  }
0x2a7: {  	v62 =	vor.u32 $0x300, v9;
	v61 =	vld.idx.msk [tilespmem:v51+s4+$0x0], $0xffff;
	v21 =	vmul.f32 v21, v8;
	v31 =	vsub.f32 v53, v28  }
0x2a8: {  	v38 =	vor.u32 $0x300, v11;
	v36 =	vadd.s32 $0x301, v9;
	v32 =	vld.idx.msk [tilespmem:v54+s4+$0x0], $0xffff;
	[tilespmem:s15+$0x2B0] =	vst v22  }
0x2a9: {  	v24 =	vsub.f32 v63, v17;
	v26 =	vld.idx.msk [tilespmem:v57+s4+$0x0], $0xffff;
	v20 =	vadd.f32 v21, v20;
	v37 =	vmul.f32 v31, v10  }
0x2aa: {  	v40 =	vadd.s32 $0x301, v11;
	v39 =	vld.idx.msk [tilespmem:v58+s4+$0x0], $0xffff;
	v19 =	vsub.f32 v19, v25  }
0x2ab: {  	v50 =	vor.u32 $0x480, v5;
	v33 =	vld.idx.msk [tilespmem:v41+s4+$0x0], $0xffff;
	v24 =	vmul.f32 v24, v3;
	[tilespmem:s15+$0x2C0] =	vst v20;
	v42 =	vadd.f32 v37, v28  }
0x2ac: {  	v44 =	vor.u32 $0x300, v12;
	v19 =	vmul.f32 v19, v15;
	v43 =	vld.idx.msk [tilespmem:v62+s4+$0x0], $0xffff  }
0x2ad: {  	v46 =	vadd.s32 $0x301, v12;
	v17 =	vadd.f32 v24, v17;
	v45 =	vsub.f32 v32, v61;
	v22 =	vld.idx.msk [tilespmem:v36+s4+$0x0], $0xffff;
	[tilespmem:s15+$0x2D0] =	vst v42  }
0x2ae: {  	v53 =	vadd.s32 $0x481, v5;
	v19 =	vadd.f32 v19, v25;
	v31 =	vld.idx.msk [tilespmem:v38+s4+$0x0], $0xffff  }
0x2af: {  	v48 =	vor.u32 $0x300, v14;
	[tilespmem:s15+$0x2820] =	vst v17;
	v47 =	vmul.f32 v45, v16;
	v18 =	vsub.f32 v39, v26;
	v29 =	vld.idx.msk [tilespmem:v40+s4+$0x0], $0xffff  }
0x2b0: {  	v49 =	vadd.s32 $0x301, v14;
	v51 =	vor.u32 $0x380, v7;
	[tilespmem:s15+$0x2E0] =	vst v19;
	v19 =	vld.idx.msk [tilespmem:v50+s4+$0x0], $0xffff  }
0x2b1: {  	v58 =	vsub.f32 v33, v23;
	v25 =	vadd.f32 v47, v61;
	v18 =	vmul.f32 v18, v6;
	v28 =	vld.idx.msk [tilespmem:v44+s4+$0x0], $0xffff  }
0x2b2: {  	v52 =	vadd.s32 $0x381, v7;
	v20 =	vld.idx.msk [tilespmem:v46+s4+$0x0], $0xffff;
	v22 =	vsub.f32 v22, v43  }
0x2b3: {  	v63 =	vor.u32 $0x500, v4;
	v32 =	vmul.f32 v58, v2;
	[tilespmem:s15+$0x2F0] =	vst v25;
	v18 =	vadd.f32 v18, v26;
	v25 =	vld.idx.msk [tilespmem:v53+s4+$0x0], $0xffff  }
0x2b4: {  	v56 =	vor.u32 $0x380, v9;
	v54 =	vld.idx.msk [tilespmem:v48+s4+$0x0], $0xffff;
	v55 =	vmul.f32 v22, v8  }
0x2b5: {  	v59 =	vadd.s32 $0x381, v9;
	v23 =	vadd.f32 v32, v23;
	v57 =	vld.idx.msk [tilespmem:v49+s4+$0x0], $0xffff;
	v29 =	vsub.f32 v29, v31;
	[tilespmem:s15+$0x330] =	vst v18  }
0x2b6: {  	v27 =	vld.idx.msk [tilespmem:v51+s4+$0x0], $0xffff;
	v17 =	vadd.f32 v55, v43;
	v43 =	vadd.s32 $0x501, v4  }
0x2b7: {  	v61 =	vor.u32 $0x380, v11;
	[tilespmem:s15+$0x2890] =	vst v23;
	v24 =	vld.idx.msk [tilespmem:v52+s4+$0x0], $0xffff;
	v20 =	vsub.f32 v20, v28;
	v60 =	vmul.f32 v29, v10  }
0x2b8: {  	v62 =	vadd.s32 $0x381, v11;
	v36 =	vor.u32 $0x380, v12;
	[tilespmem:s15+$0x340] =	vst v17;
	v17 =	vld.idx.msk [tilespmem:v63+s4+$0x0], $0xffff  }
0x2b9: {  	v20 =	vmul.f32 v20, v15;
	v25 =	vsub.f32 v25, v19;
	v21 =	vadd.f32 v60, v31;
	v22 =	vld.idx.msk [tilespmem:v56+s4+$0x0], $0xffff  }
0x2ba: {  	v37 =	vadd.s32 $0x381, v12;
	v30 =	vsub.f32 v57, v54;
	v18 =	vld.idx.msk [tilespmem:v59+s4+$0x0], $0xffff  }
0x2bb: {  	v49 =	vor.u32 $0x500, v5;
	v20 =	vadd.f32 v20, v28;
	v48 =	vmul.f32 v25, v3;
	[tilespmem:s15+$0x350] =	vst v21;
	v33 =	vld.idx.msk [tilespmem:v43+s4+$0x0], $0xffff  }
0x2bc: {  	v39 =	vor.u32 $0x380, v14;
	v38 =	vmul.f32 v30, v16;
	v29 =	vld.idx.msk [tilespmem:v61+s4+$0x0], $0xffff  }
0x2bd: {  	v42 =	vadd.s32 $0x381, v14;
	v40 =	vsub.f32 v24, v27;
	v41 =	vld.idx.msk [tilespmem:v62+s4+$0x0], $0xffff;
	[tilespmem:s15+$0x360] =	vst v20;
	v19 =	vadd.f32 v48, v19  }
0x2be: {  	v57 =	vadd.s32 $0x501, v5;
	v44 =	vadd.f32 v38, v54;
	v46 =	vld.idx.msk [tilespmem:v36+s4+$0x0], $0xffff  }
0x2bf: {  	v45 =	vor.u32 $0x400, v7;
	v23 =	vmul.f32 v40, v6;
	v21 =	vld.idx.msk [tilespmem:v37+s4+$0x0], $0xffff;
	[tilespmem:s15+$0x28A0] =	vst v19  }
0x2c0: {  	v47 =	vadd.s32 $0x401, v7;
	v18 =	vsub.f32 v18, v22;
	[tilespmem:s15+$0x370] =	vst v44;
	v25 =	vld.idx.msk [tilespmem:v49+s4+$0x0], $0xffff  }
0x2c1: {  	v23 =	vadd.f32 v23, v27;
	v50 =	vld.idx.msk [tilespmem:v39+s4+$0x0], $0xffff  }
0x2c2: {  	v51 =	vor.u32 $0x400, v9;
	v18 =	vmul.f32 v18, v8;
	v32 =	vld.idx.msk [tilespmem:v42+s4+$0x0], $0xffff;
	v24 =	vsub.f32 v41, v29  }
0x2c3: {  	v52 =	vadd.s32 $0x401, v9;
	v54 =	vor.u32 $0x400, v11;
	v31 =	vld.idx.msk [tilespmem:v57+s4+$0x0], $0xffff;
	[tilespmem:s15+$0x3B0] =	vst v23  }
0x2c4: {  	v23 =	vld.idx.msk [tilespmem:v45+s4+$0x0], $0xffff;
	v18 =	vadd.f32 v18, v22;
	v21 =	vsub.f32 v21, v46;
	v53 =	vmul.f32 v24, v10  }
0x2c5: {  	v56 =	vadd.s32 $0x401, v11;
	v60 =	vor.u32 $0x400, v12;
	v55 =	vld.idx.msk [tilespmem:v47+s4+$0x0], $0xffff  }
0x2c6: {  	v62 =	vsub.f32 v33, v17;
	[tilespmem:s15+$0x3C0] =	vst v18;
	v21 =	vmul.f32 v21, v15;
	v58 =	vadd.f32 v53, v29  }
0x2c7: {  	v63 =	vadd.s32 $0x401, v12;
	v59 =	vld.idx.msk [tilespmem:v51+s4+$0x0], $0xffff;
	v61 =	vsub.f32 v32, v50  }
0x2c8: {  	v39 =	vor.u32 $0x580, v4;
	v20 =	vld.idx.msk [tilespmem:v52+s4+$0x0], $0xffff;
	v32 =	vmul.f32 v62, v2;
	v21 =	vadd.f32 v21, v46;
	[tilespmem:s15+$0x3D0] =	vst v58  }
0x2c9: {  	v42 =	vadd.s32 $0x581, v4;
	v36 =	vmul.f32 v61, v16;
	v24 =	vld.idx.msk [tilespmem:v54+s4+$0x0], $0xffff  }
0x2ca: {  	v37 =	vor.u32 $0x400, v14;
	v19 =	vsub.f32 v55, v23;
	v17 =	vadd.f32 v32, v17;
	v26 =	vld.idx.msk [tilespmem:v56+s4+$0x0], $0xffff;
	[tilespmem:s15+$0x3E0] =	vst v21  }
0x2cb: {  	v38 =	vadd.s32 $0x401, v14;
	v31 =	vsub.f32 v31, v25;
	v29 =	vld.idx.msk [tilespmem:v60+s4+$0x0], $0xffff  }
0x2cc: {  	v40 =	vor.u32 $0x480, v7;
	v27 =	vadd.f32 v36, v50;
	v19 =	vmul.f32 v19, v6;
	v18 =	vld.idx.msk [tilespmem:v63+s4+$0x0], $0xffff;
	[tilespmem:s15+$0x2910] =	vst v17  }
0x2cd: {  	v41 =	vadd.s32 $0x481, v7;
	v20 =	vsub.f32 v20, v59;
	v21 =	vld.idx.msk [tilespmem:v39+s4+$0x0], $0xffff  }
0x2ce: {  	v51 =	vor.u32 $0x580, v5;
	v31 =	vmul.f32 v31, v3;
	[tilespmem:s15+$0x3F0] =	vst v27;
	v19 =	vadd.f32 v19, v23;
	v27 =	vld.idx.msk [tilespmem:v42+s4+$0x0], $0xffff  }
0x2cf: {  	v45 =	vor.u32 $0x480, v9;
	v43 =	vld.idx.msk [tilespmem:v37+s4+$0x0], $0xffff;
	v44 =	vmul.f32 v20, v8  }
0x2d0: {  	v47 =	vadd.s32 $0x481, v9;
	v25 =	vadd.f32 v31, v25;
	v46 =	vld.idx.msk [tilespmem:v38+s4+$0x0], $0xffff;
	v26 =	vsub.f32 v26, v24;
	[tilespmem:s15+$0x2830] =	vst v19  }
0x2d1: {  	v28 =	vld.idx.msk [tilespmem:v40+s4+$0x0], $0xffff;
	v17 =	vadd.f32 v44, v59;
	v59 =	vadd.s32 $0x581, v5  }
0x2d2: {  	v49 =	vor.u32 $0x480, v11;
	[tilespmem:s15+$0x2920] =	vst v25;
	v32 =	vld.idx.msk [tilespmem:v41+s4+$0x0], $0xffff;
	v18 =	vsub.f32 v18, v29;
	v48 =	vmul.f32 v26, v10  }
0x2d3: {  	v52 =	vor.u32 $0x480, v12;
	v50 =	vadd.s32 $0x481, v11;
	[tilespmem:s15+$0x2840] =	vst v17;
	v17 =	vld.idx.msk [tilespmem:v51+s4+$0x0], $0xffff  }
0x2d4: {  	v18 =	vmul.f32 v18, v15;
	v61 =	vsub.f32 v27, v21;
	v22 =	vadd.f32 v48, v24;
	v20 =	vld.idx.msk [tilespmem:v45+s4+$0x0], $0xffff  }
0x2d5: {  	v53 =	vadd.s32 $0x481, v12;
	v30 =	vsub.f32 v46, v43;
	v19 =	vld.idx.msk [tilespmem:v47+s4+$0x0], $0xffff  }
0x2d6: {  	v37 =	vor.u32 $0x600, v4;
	v18 =	vadd.f32 v18, v29;
	v36 =	vmul.f32 v61, v2;
	[tilespmem:s15+$0x2850] =	vst v22;
	v40 =	vld.idx.msk [tilespmem:v59+s4+$0x0], $0xffff  }
0x2d7: {  	v55 =	vor.u32 $0x480, v14;
	v54 =	vmul.f32 v30, v16;
	v26 =	vld.idx.msk [tilespmem:v49+s4+$0x0], $0xffff  }
0x2d8: {  	v58 =	vadd.s32 $0x481, v14;
	v56 =	vsub.f32 v32, v28;
	v57 =	vld.idx.msk [tilespmem:v50+s4+$0x0], $0xffff;
	[tilespmem:s15+$0x2860] =	vst v18;
	v18 =	vadd.f32 v36, v21  }
0x2d9: {  	v46 =	vadd.s32 $0x601, v4;
	v60 =	vadd.f32 v54, v43;
	v24 =	vld.idx.msk [tilespmem:v52+s4+$0x0], $0xffff  }
0x2da: {  	v62 =	vor.u32 $0x500, v7;
	v25 =	vmul.f32 v56, v6;
	v22 =	vld.idx.msk [tilespmem:v53+s4+$0x0], $0xffff;
	[tilespmem:s15+$0x2990] =	vst v18  }
0x2db: {  	v63 =	vadd.s32 $0x501, v7;
	v19 =	vsub.f32 v19, v20;
	[tilespmem:s15+$0x2870] =	vst v60;
	v23 =	vld.idx.msk [tilespmem:v37+s4+$0x0], $0xffff  }
0x2dc: {  	v25 =	vadd.f32 v25, v28;
	v38 =	vld.idx.msk [tilespmem:v55+s4+$0x0], $0xffff  }
0x2dd: {  	v39 =	vor.u32 $0x500, v9;
	v19 =	vmul.f32 v19, v8;
	v32 =	vld.idx.msk [tilespmem:v58+s4+$0x0], $0xffff;
	v31 =	vsub.f32 v57, v26  }
0x2de: {  	v41 =	vadd.s32 $0x501, v9;
	v43 =	vor.u32 $0x500, v11;
	v33 =	vld.idx.msk [tilespmem:v46+s4+$0x0], $0xffff;
	[tilespmem:s15+$0x28B0] =	vst v25  }
0x2df: {  	v27 =	vld.idx.msk [tilespmem:v62+s4+$0x0], $0xffff;
	v19 =	vadd.f32 v19, v20;
	v22 =	vsub.f32 v22, v24;
	v42 =	vmul.f32 v31, v10  }
0x2e0: {  	v45 =	vadd.s32 $0x501, v11;
	v49 =	vor.u32 $0x500, v12;
	v44 =	vld.idx.msk [tilespmem:v63+s4+$0x0], $0xffff  }
0x2e1: {  	v21 =	vsub.f32 v40, v17;
	[tilespmem:s15+$0x28C0] =	vst v19;
	v22 =	vmul.f32 v22, v15;
	v47 =	vadd.f32 v42, v26  }
0x2e2: {  	v51 =	vadd.s32 $0x501, v12;
	v48 =	vld.idx.msk [tilespmem:v39+s4+$0x0], $0xffff;
	v50 =	vsub.f32 v32, v38  }
0x2e3: {  	v55 =	vor.u32 $0x600, v5;
	v21 =	vmul.f32 v21, v3;
	v25 =	vld.idx.msk [tilespmem:v41+s4+$0x0], $0xffff;
	v22 =	vadd.f32 v22, v24;
	[tilespmem:s15+$0x28D0] =	vst v47  }
0x2e4: {  	v53 =	vor.u32 $0x500, v14;
	v52 =	vmul.f32 v50, v16;
	v31 =	vld.idx.msk [tilespmem:v43+s4+$0x0], $0xffff  }
0x2e5: {  	v54 =	vadd.s32 $0x501, v14;
	v17 =	vadd.f32 v21, v17;
	v18 =	vsub.f32 v44, v27;
	v29 =	vld.idx.msk [tilespmem:v45+s4+$0x0], $0xffff;
	[tilespmem:s15+$0x28E0] =	vst v22  }
0x2e6: {  	v58 =	vadd.s32 $0x601, v5;
	v24 =	vadd.f32 v52, v38;
	v26 =	vld.idx.msk [tilespmem:v49+s4+$0x0], $0xffff  }
0x2e7: {  	v56 =	vor.u32 $0x580, v7;
	v63 =	vsub.f32 v33, v23;
	[tilespmem:s15+$0x29A0] =	vst v17;
	v18 =	vmul.f32 v18, v6;
	v19 =	vld.idx.msk [tilespmem:v51+s4+$0x0], $0xffff  }
0x2e8: {  	v57 =	vadd.s32 $0x581, v7;
	v22 =	vld.idx.msk [tilespmem:v55+s4+$0x0], $0xffff;
	v25 =	vsub.f32 v25, v48;
	[tilespmem:s15+$0x28F0] =	vst v24  }
0x2e9: {  	v32 =	vmul.f32 v63, v2;
	v47 =	vadd.s32 $0x681, v4;
	v18 =	vadd.f32 v18, v27;
	v59 =	vld.idx.msk [tilespmem:v53+s4+$0x0], $0xffff  }
0x2ea: {  	v61 =	vor.u32 $0x580, v9;
	v60 =	vmul.f32 v25, v8;
	v62 =	vld.idx.msk [tilespmem:v54+s4+$0x0], $0xffff;
	v29 =	vsub.f32 v29, v31  }
0x2eb: {  	v36 =	vadd.s32 $0x581, v9;
	v23 =	vadd.f32 v32, v23;
	v38 =	vor.u32 $0x580, v11;
	v24 =	vld.idx.msk [tilespmem:v58+s4+$0x0], $0xffff;
	[tilespmem:s15+$0x2930] =	vst v18  }
0x2ec: {  	v28 =	vld.idx.msk [tilespmem:v56+s4+$0x0], $0xffff;
	v17 =	vadd.f32 v60, v48;
	v19 =	vsub.f32 v19, v26;
	v37 =	vmul.f32 v29, v10  }
0x2ed: {  	v39 =	vadd.s32 $0x581, v11;
	[tilespmem:s15+$0x2A10] =	vst v23;
	v21 =	vld.idx.msk [tilespmem:v57+s4+$0x0], $0xffff  }
0x2ee: {  	v41 =	vor.u32 $0x580, v12;
	v33 =	vld.idx.msk [tilespmem:v47+s4+$0x0], $0xffff;
	[tilespmem:s15+$0x2940] =	vst v17;
	v19 =	vmul.f32 v19, v15;
	v20 =	vadd.f32 v37, v31  }
0x2ef: {  	v42 =	vadd.s32 $0x581, v12;
	v25 =	vld.idx.msk [tilespmem:v61+s4+$0x0], $0xffff;
	v30 =	vsub.f32 v62, v59  }
0x2f0: {  	v40 =	vor.u32 $0x680, v4;
	v18 =	vld.idx.msk [tilespmem:v36+s4+$0x0], $0xffff;
	v19 =	vadd.f32 v19, v26;
	[tilespmem:s15+$0x2950] =	vst v20  }
0x2f1: {  	v44 =	vor.u32 $0x580, v14;
	v24 =	vsub.f32 v24, v22;
	v43 =	vmul.f32 v30, v16;
	v29 =	vld.idx.msk [tilespmem:v38+s4+$0x0], $0xffff  }
0x2f2: {  	v46 =	vadd.s32 $0x581, v14;
	v21 =	vsub.f32 v21, v28;
	v45 =	vld.idx.msk [tilespmem:v39+s4+$0x0], $0xffff;
	[tilespmem:s15+$0x2960] =	vst v19  }
0x2f3: {  	v53 =	vor.u32 $0x680, v5;
	v52 =	vmul.f32 v24, v3;
	v48 =	vadd.f32 v43, v59;
	v50 =	vld.idx.msk [tilespmem:v41+s4+$0x0], $0xffff  }
0x2f4: {  	v49 =	vor.u32 $0x600, v7;
	v21 =	vmul.f32 v21, v6;
	v20 =	vld.idx.msk [tilespmem:v42+s4+$0x0], $0xffff  }
0x2f5: {  	v51 =	vadd.s32 $0x601, v7;
	v17 =	vld.idx.msk [tilespmem:v40+s4+$0x0], $0xffff;
	v19 =	vadd.f32 v52, v22;
	v18 =	vsub.f32 v18, v25;
	[tilespmem:s15+$0x2970] =	vst v48  }
0x2f6: {  	v61 =	vadd.s32 $0x681, v5;
	v21 =	vadd.f32 v21, v28;
	v54 =	vld.idx.msk [tilespmem:v44+s4+$0x0], $0xffff  }
0x2f7: {  	v55 =	vor.u32 $0x600, v9;
	[tilespmem:s15+$0x2A20] =	vst v19;
	v18 =	vmul.f32 v18, v8;
	v32 =	vld.idx.msk [tilespmem:v46+s4+$0x0], $0xffff;
	v23 =	vsub.f32 v45, v29  }
0x2f8: {  	v58 =	vor.u32 $0x600, v11;
	v56 =	vadd.s32 $0x601, v9;
	v24 =	vld.idx.msk [tilespmem:v53+s4+$0x0], $0xffff;
	[tilespmem:s15+$0x29B0] =	vst v21  }
0x2f9: {  	v57 =	vld.idx.msk [tilespmem:v49+s4+$0x0], $0xffff;
	v18 =	vadd.f32 v18, v25;
	v20 =	vsub.f32 v20, v50;
	v23 =	vmul.f32 v23, v10  }
0x2fa: {  	v60 =	vadd.s32 $0x601, v11;
	v38 =	vsub.f32 v33, v17;
	v59 =	vld.idx.msk [tilespmem:v51+s4+$0x0], $0xffff  }
0x2fb: {  	v36 =	vor.u32 $0x600, v12;
	v31 =	vld.idx.msk [tilespmem:v61+s4+$0x0], $0xffff;
	[tilespmem:s15+$0x29C0] =	vst v18;
	v20 =	vmul.f32 v20, v15;
	v62 =	vadd.f32 v23, v29  }
0x2fc: {  	v39 =	vadd.s32 $0x601, v12;
	v63 =	vld.idx.msk [tilespmem:v55+s4+$0x0], $0xffff;
	v37 =	vsub.f32 v32, v54  }
0x2fd: {  	v43 =	vor.u32 $0x700, v4;
	v21 =	vld.idx.msk [tilespmem:v56+s4+$0x0], $0xffff;
	v32 =	vmul.f32 v38, v2;
	v20 =	vadd.f32 v20, v50;
	[tilespmem:s15+$0x29D0] =	vst v62  }
0x2fe: {  	v41 =	vor.u32 $0x600, v14;
	v40 =	vmul.f32 v37, v16;
	v25 =	vld.idx.msk [tilespmem:v58+s4+$0x0], $0xffff  }
0x2ff: {  	v42 =	vadd.s32 $0x601, v14;
	v19 =	vsub.f32 v59, v57;
	v17 =	vadd.f32 v32, v17;
	v26 =	vld.idx.msk [tilespmem:v60+s4+$0x0], $0xffff;
	[tilespmem:s15+$0x29E0] =	vst v20  }
0x300: {  	v46 =	vadd.s32 $0x701, v4;
	v27 =	vadd.f32 v40, v54;
	v29 =	vld.idx.msk [tilespmem:v36+s4+$0x0], $0xffff  }
0x301: {  	v44 =	vor.u32 $0x680, v7;
	v31 =	vsub.f32 v31, v24;
	v19 =	vmul.f32 v19, v6;
	v18 =	vld.idx.msk [tilespmem:v39+s4+$0x0], $0xffff;
	[tilespmem:s15+$0x2A90] =	vst v17  }
0x302: {  	v45 =	vadd.s32 $0x681, v7;
	v21 =	vsub.f32 v21, v63;
	v20 =	vld.idx.msk [tilespmem:v43+s4+$0x0], $0xffff;
	[tilespmem:s15+$0x29F0] =	vst v27  }
0x303: {  	v55 =	vor.u32 $0x700, v5;
	v31 =	vmul.f32 v31, v3;
	v19 =	vadd.f32 v19, v57;
	v47 =	vld.idx.msk [tilespmem:v41+s4+$0x0], $0xffff  }
0x304: {  	v49 =	vor.u32 $0x680, v9;
	v48 =	vmul.f32 v21, v8;
	v50 =	vld.idx.msk [tilespmem:v42+s4+$0x0], $0xffff  }
0x305: {  	v51 =	vadd.s32 $0x681, v9;
	v24 =	vadd.f32 v31, v24;
	v27 =	vld.idx.msk [tilespmem:v46+s4+$0x0], $0xffff;
	v26 =	vsub.f32 v26, v25;
	[tilespmem:s15+$0x2A30] =	vst v19  }
0x306: {  	v28 =	vld.idx.msk [tilespmem:v44+s4+$0x0], $0xffff;
	v17 =	vadd.f32 v48, v63;
	v63 =	vadd.s32 $0x701, v5  }
0x307: {  	v53 =	vor.u32 $0x680, v11;
	[tilespmem:s15+$0x2AA0] =	vst v24;
	v32 =	vld.idx.msk [tilespmem:v45+s4+$0x0], $0xffff;
	v18 =	vsub.f32 v18, v29;
	v52 =	vmul.f32 v26, v10  }
0x308: {  	v56 =	vor.u32 $0x680, v12;
	v54 =	vadd.s32 $0x681, v11;
	[tilespmem:s15+$0x2A40] =	vst v17;
	v17 =	vld.idx.msk [tilespmem:v55+s4+$0x0], $0xffff  }
0x309: {  	v18 =	vmul.f32 v18, v15;
	v23 =	vadd.f32 v52, v25;
	v21 =	vld.idx.msk [tilespmem:v49+s4+$0x0], $0xffff;
	v30 =	vsub.f32 v50, v47  }
0x30a: {  	v57 =	vadd.s32 $0x681, v12;
	v27 =	vsub.f32 v27, v20;
	v19 =	vld.idx.msk [tilespmem:v51+s4+$0x0], $0xffff  }
0x30b: {  	v59 =	vor.u32 $0x680, v14;
	v18 =	vadd.f32 v18, v29;
	[tilespmem:s15+$0x2A50] =	vst v23;
	v58 =	vmul.f32 v30, v16;
	v44 =	vld.idx.msk [tilespmem:v63+s4+$0x0], $0xffff  }
0x30c: {  	v62 =	vadd.s32 $0x681, v14;
	v27 =	vmul.f32 v27, v2;
	v26 =	vld.idx.msk [tilespmem:v53+s4+$0x0], $0xffff  }
0x30d: {  	v50 =	vor.u32 $0x780, v4;
	v60 =	vsub.f32 v32, v28;
	v61 =	vld.idx.msk [tilespmem:v54+s4+$0x0], $0xffff;
	[tilespmem:s15+$0x2A60] =	vst v18;
	v34 =	vadd.f32 v58, v47  }
0x30e: {  	v4 =	vadd.s32 $0x781, v4;
	v36 =	vld.idx.msk [tilespmem:v56+s4+$0x0], $0xffff  }
0x30f: {  	v37 =	vor.u32 $0x700, v7;
	v20 =	vadd.f32 v27, v20;
	v35 =	vmul.f32 v60, v6;
	v23 =	vld.idx.msk [tilespmem:v57+s4+$0x0], $0xffff;
	[tilespmem:s15+$0x2A70] =	vst v34  }
0x310: {  	v39 =	vadd.s32 $0x701, v7;
	v19 =	vsub.f32 v19, v21;
	v40 =	vld.idx.msk [tilespmem:v59+s4+$0x0], $0xffff  }
0x311: {  	[tilespmem:s15+$0x2B10] =	vst v20;
	v38 =	vadd.f32 v35, v28;
	v43 =	vld.idx.msk [tilespmem:v62+s4+$0x0], $0xffff  }
0x312: {  	v41 =	vor.u32 $0x700, v9;
	v18 =	vld.idx.msk [tilespmem:v50+s4+$0x0], $0xffff;
	v19 =	vmul.f32 v19, v8;
	v42 =	vsub.f32 v61, v26  }
0x313: {  	v45 =	vadd.s32 $0x701, v9;
	v48 =	vor.u32 $0x700, v11;
	v4 =	vld.idx.msk [tilespmem:v4+s4+$0x0], $0xffff;
	[tilespmem:s15+$0x2AB0] =	vst v38  }
0x314: {  	v46 =	vadd.f32 v19, v21;
	v25 =	vld.idx.msk [tilespmem:v37+s4+$0x0], $0xffff;
	v23 =	vsub.f32 v23, v36;
	v47 =	vmul.f32 v42, v10  }
0x315: {  	v49 =	vadd.s32 $0x701, v11;
	v52 =	vor.u32 $0x700, v12;
	v22 =	vld.idx.msk [tilespmem:v39+s4+$0x0], $0xffff  }
0x316: {  	[tilespmem:s15+$0x2AC0] =	vst v46;
	v23 =	vmul.f32 v23, v15;
	v19 =	vadd.f32 v47, v26;
	v31 =	vsub.f32 v43, v40  }
0x317: {  	v55 =	vadd.s32 $0x701, v12;
	v53 =	vsub.f32 v44, v17;
	v51 =	vld.idx.msk [tilespmem:v41+s4+$0x0], $0xffff  }
0x318: {  	v57 =	vor.u32 $0x700, v14;
	v54 =	vld.idx.msk [tilespmem:v45+s4+$0x0], $0xffff;
	v23 =	vadd.f32 v23, v36;
	[tilespmem:s15+$0x2AD0] =	vst v19;
	v56 =	vmul.f32 v31, v16  }
0x319: {  	v59 =	vadd.s32 $0x701, v14;
	v60 =	vmul.f32 v53, v3;
	v21 =	vld.idx.msk [tilespmem:v48+s4+$0x0], $0xffff  }
0x31a: {  	v61 =	vor.u32 $0x780, v5;
	v22 =	vsub.f32 v22, v25;
	v58 =	vld.idx.msk [tilespmem:v49+s4+$0x0], $0xffff;
	[tilespmem:s15+$0x2AE0] =	vst v23;
	v24 =	vadd.f32 v56, v40  }
0x31b: {  	v5 =	vadd.s32 $0x781, v5;
	v62 =	vld.idx.msk [tilespmem:v52+s4+$0x0], $0xffff  }
0x31c: {  	v63 =	vor.u32 $0x780, v7;
	v17 =	vadd.f32 v60, v17;
	v19 =	vld.idx.msk [tilespmem:v55+s4+$0x0], $0xffff;
	v22 =	vmul.f32 v22, v6;
	[tilespmem:s15+$0x2AF0] =	vst v24  }
0x31d: {  	v7 =	vadd.s32 $0x781, v7;
	v33 =	vsub.f32 v54, v51;
	v34 =	vld.idx.msk [tilespmem:v57+s4+$0x0], $0xffff  }
0x31e: {  	[tilespmem:s15+$0x2B20] =	vst v17;
	v35 =	vadd.f32 v22, v25;
	v30 =	vld.idx.msk [tilespmem:v59+s4+$0x0], $0xffff  }
0x31f: {  	v37 =	vor.u32 $0x780, v9;
	v38 =	vld.idx.msk [tilespmem:v61+s4+$0x0], $0xffff;
	v36 =	vmul.f32 v33, v8;
	v20 =	vsub.f32 v58, v21  }
0x320: {  	v9 =	vadd.s32 $0x781, v9;
	v5 =	vld.idx.msk [tilespmem:v5+s4+$0x0], $0xffff;
	v40 =	vor.u32 $0x780, v11;
	[tilespmem:s15+$0x2B30] =	vst v35  }
0x321: {  	v39 =	vadd.f32 v36, v51;
	v19 =	vsub.f32 v19, v62;
	v41 =	vld.idx.msk [tilespmem:v63+s4+$0x0], $0xffff;
	v20 =	vmul.f32 v20, v10  }
0x322: {  	v43 =	vor.u32 $0x780, v12;
	v11 =	vadd.s32 $0x781, v11;
	v7 =	vld.idx.msk [tilespmem:v7+s4+$0x0], $0xffff  }
0x323: {  	[tilespmem:s15+$0x2B40] =	vst v39;
	v42 =	vmul.f32 v19, v15;
	v20 =	vadd.f32 v20, v21;
	v44 =	vsub.f32 v30, v34  }
0x324: {  	v12 =	vadd.s32 $0x781, v12;
	v24 =	vld.idx.msk [tilespmem:v37+s4+$0x0], $0xffff  }
0x325: {  	v46 =	vor.u32 $0x780, v14;
	v9 =	vld.idx.msk [tilespmem:v9+s4+$0x0], $0xffff;
	v17 =	vadd.f32 v42, v62;
	[tilespmem:s15+$0x2B50] =	vst v20;
	v45 =	vmul.f32 v44, v16  }
0x326: {  	v14 =	vadd.s32 $0x781, v14;
	v22 =	vld.idx.msk [tilespmem:v40+s4+$0x0], $0xffff  }
0x327: {  	[tilespmem:s15+$0x2B60] =	vst v17;
	v11 =	vld.idx.msk [tilespmem:v11+s4+$0x0], $0xffff;
	v47 =	vadd.f32 v45, v34  }
0x328: {  	v19 =	vld.idx.msk [tilespmem:v43+s4+$0x0], $0xffff  }
0x329: {  	v1 =	vsub.f32 v1, v13;
	v12 =	vld.idx.msk [tilespmem:v12+s4+$0x0], $0xffff;
	[tilespmem:s15+$0x2B70] =	vst v47  }
0x32a: {  	v4 =	vsub.f32 v4, v18;
	v17 =	vld.idx.msk [tilespmem:v46+s4+$0x0], $0xffff  }
0x32b: {  	v0 =	vmul.f32 v1, v0;
	v48 =	vsub.f32 v5, v38;
	v49 =	vld.idx.msk [tilespmem:v14+s4+$0x0], $0xffff  }
0x32c: {  	v2 =	vmul.f32 v4, v2;
	v50 =	vsub.f32 v7, v41  }
0x32d: {  	v0 =	vadd.f32 v0, v13;
	v1 =	vmul.f32 v48, v3;
	v51 =	vsub.f32 v9, v24  }
0x32e: {  	v2 =	vadd.f32 v2, v18;
	v4 =	vmul.f32 v50, v6;
	v52 =	vsub.f32 v11, v22  }
0x32f: {  	[tilespmem:s15+$0x2B80] =	vst v0;
	v53 =	vadd.f32 v1, v38;
	v54 =	vmul.f32 v51, v8;
	v55 =	vsub.f32 v12, v19  }
0x330: {  	s0 =	sadd.s32 $0x8, s0;
	[tilespmem:s15+$0x2B90] =	vst v2;
	v56 =	vadd.f32 v4, v41;
	v57 =	vmul.f32 v52, v10;
	v5 =	vsub.f32 v49, v17  }
0x331: {  	p1 =	slt.u32 s0, $0x48;
	[tilespmem:s15+$0x2BA0] =	vst v53;
	v58 =	vadd.f32 v54, v24;
	v59 =	vmul.f32 v55, v15  }
.Ltmp6:
0x332: {  	[tilespmem:s15+$0x2BB0] =	vst v56;
	v60 =	vadd.f32 v57, v22;
	v61 =	vmul.f32 v5, v16;
	(pc) =	sbr.rel @p1 .LBB2_6-.Ltmp6, $4  }
0x333: {  	[tilespmem:s15+$0x2BC0] =	vst v58;
	v62 =	vadd.f32 v59, v19  }
0x334: {  	[tilespmem:s15+$0x2BD0] =	vst v60;
	v63 =	vadd.f32 v61, v17  }
0x335: {  	[tilespmem:s15+$0x2BE0] =	vst v62  }
0x336: {  	s16 =	sadd.s32 $0x80, s16;
	[tilespmem:s15+$0x2BF0] =	vst v63;
	s15 =	sadd.s32 $0x400, s15  }
0x337: {  	s0 =	smul.u32 $0x500, s1;
	_ =	sdelay $0x1  }
0x338: {  	s0 =	sadd.s32 s3, s0  }
0x339: {  	[hbm4b:s0+s18] =	stream.strided.scatter [tilespmem:s22], [sflag:$0x5], $0x5000, s19, s18, $0x38;
	[tilespmem:$0x10700] =	vst v63  }
.LBB2_8:
0x33a: {  	s1 =	sadd.s32 s9, s31  }
0x33b: {  	p1 =	sgt.u32 s1, $0xC34  }
.Ltmp7:
0x33c: {  	_ = 	snop;
	(pc) =	sbr.rel @p1 .LBB2_12-.Ltmp7, $1  }
0x33d: {  	_ =	sdelay $0x3  }
0x33e: {  	p1 =	sgt.u32 s1, $0xBF4  }
0x33f: {  	s0 =	sadd.s32 @!p1 s12, s31  }
0x340: {  	_ =	swait.ge [sflag:s23], $0x500;
	s0 =	smul.u32 @!p1 $0xA0, s0  }
0x341: {  	[sflag:s23] =	ssyncset.done $0x0;
	s15 =	simm.s32 @!p1 $0x0  }
0x342: {  	s16 =	simm.s32 @!p1 $0xD00;
	[sflag:s23] =	ssyncadd.s32 $0xFFFFFB00;
	s0 =	sadd.s32 @!p1 s2, s0  }
0x343: {  	[tilespmem:s16], [sflag:$0x2] =	stream.linear.gather @!p1 [hbm4b:s0+s15], $0x500, $0x38;
	[tilespmem:$0x10700] =	vst v63  }
0x344: {  	s0 =	simm.s32 @!p0 $0x6  }
0x345: {  	_ =	swait.ge @!p0 [sflag:s0], $0x5000  }
0x346: {  	s15 =	simm.s32 $0xB700;
	[sflag:s0] =	ssyncset.done @!p0 $0x0  }
0x347: {  	s16 =	simm.s32 $0x1270;
	[sflag:s0] =	ssyncadd.s32 @!p0 $0xFFFFB000;
	s0 =	simm.s32 $0xFFFFFFF8  }
.LBB2_10:
0x348: {  	v0 =	vld [tilespmem:s16+$0xFFFFFF90];
	_ =	sdelay $0x4  }
0x349: {  	v1 =	vmax.f32 v0, $0.0e+00  }
0x34a: {  	v1 =	vmin.f32 v1, $5.000000000e+00  }
0x34b: {  	v1 =	vmul.f32 $2.539999960e+01, v1;
	_ =	sdelay $0x1  }
0x34c: {  	v1 =	vtrunc.f32 v1  }
0x34d: {  	v1 =	vcvt.f32.s32 v1;
	_ =	sdelay $0x1  }
0x34e: {  	vm0 =	vgt.s32 v1, $0x0  }
0x34f: {  	v1 =	vnsel vm0, $0x0, v1  }
0x350: {  	v1 =	vmin.u32 v1, $0x7E  }
0x351: {  	v2 =	vadd.s32 $0x1, v1;
	_ =	sdelay $0x3  }
0x352: {  	v3 =	vcvt.s32.f32 v1;
	v4 =	vld.idx.msk [tilespmem:v1+s4+$0x0], $0xffff  }
0x353: {  	v2 =	vld.idx.msk [tilespmem:v2+s4+$0x0], $0xffff  }
0x354: {  	v3 =	vmul.f32 $3.937007860e-02, v3;
	_ =	sdelay $0x1  }
0x355: {  	v0 =	vsub.f32 v0, v3;
	_ =	sdelay $0x1  }
0x356: {  	v0 =	vmul.f32 $2.539999960e+01, v0;
	v2 =	vsub.f32 v2, v4;
	_ =	sdelay $0x1  }
0x357: {  	v45 =	vor.u32 $0x80, v1;
	v2 =	vmul.f32 v0, v2  }
0x358: {  	v5 =	vadd.s32 $0x81, v1  }
0x359: {  	v2 =	vadd.f32 v2, v4;
	_ =	sdelay $0x1  }
0x35a: {  	[tilespmem:s15+$0x0] =	vst v2  }
0x35b: {  	v2 =	vld.idx.msk [tilespmem:v45+s4+$0x0], $0xffff  }
0x35c: {  	v46 =	vld.idx.msk [tilespmem:v5+s4+$0x0], $0xffff;
	_ =	sdelay $0x4  }
0x35d: {  	v3 =	vsub.f32 v46, v2;
	_ =	sdelay $0x1  }
0x35e: {  	v47 =	vor.u32 $0x100, v1;
	v3 =	vmul.f32 v0, v3  }
0x35f: {  	v48 =	vadd.s32 $0x101, v1  }
0x360: {  	v2 =	vadd.f32 v3, v2;
	_ =	sdelay $0x1  }
0x361: {  	[tilespmem:s15+$0x80] =	vst v2  }
0x362: {  	v2 =	vld.idx.msk [tilespmem:v47+s4+$0x0], $0xffff  }
0x363: {  	v49 =	vld.idx.msk [tilespmem:v48+s4+$0x0], $0xffff;
	_ =	sdelay $0x4  }
0x364: {  	v3 =	vsub.f32 v49, v2;
	_ =	sdelay $0x1  }
0x365: {  	v50 =	vor.u32 $0x180, v1;
	v3 =	vmul.f32 v0, v3  }
0x366: {  	v51 =	vadd.s32 $0x181, v1  }
0x367: {  	v2 =	vadd.f32 v3, v2;
	_ =	sdelay $0x1  }
0x368: {  	[tilespmem:s15+$0x100] =	vst v2  }
0x369: {  	v2 =	vld.idx.msk [tilespmem:v50+s4+$0x0], $0xffff  }
0x36a: {  	v52 =	vld.idx.msk [tilespmem:v51+s4+$0x0], $0xffff;
	_ =	sdelay $0x4  }
0x36b: {  	v3 =	vsub.f32 v52, v2;
	_ =	sdelay $0x1  }
0x36c: {  	v53 =	vor.u32 $0x200, v1;
	v3 =	vmul.f32 v3, v0  }
0x36d: {  	v54 =	vadd.s32 $0x201, v1  }
0x36e: {  	v2 =	vadd.f32 v3, v2;
	_ =	sdelay $0x1  }
0x36f: {  	[tilespmem:s15+$0x180] =	vst v2  }
0x370: {  	v2 =	vld.idx.msk [tilespmem:v53+s4+$0x0], $0xffff  }
0x371: {  	v55 =	vld.idx.msk [tilespmem:v54+s4+$0x0], $0xffff;
	_ =	sdelay $0x4  }
0x372: {  	v3 =	vsub.f32 v55, v2;
	_ =	sdelay $0x1  }
0x373: {  	v56 =	vor.u32 $0x280, v1;
	v3 =	vmul.f32 v3, v0  }
0x374: {  	v57 =	vadd.s32 $0x281, v1  }
0x375: {  	v2 =	vadd.f32 v3, v2;
	_ =	sdelay $0x1  }
0x376: {  	[tilespmem:s15+$0x200] =	vst v2  }
0x377: {  	v2 =	vld.idx.msk [tilespmem:v56+s4+$0x0], $0xffff  }
0x378: {  	v58 =	vld.idx.msk [tilespmem:v57+s4+$0x0], $0xffff;
	_ =	sdelay $0x4  }
0x379: {  	v3 =	vsub.f32 v58, v2;
	_ =	sdelay $0x1  }
0x37a: {  	v59 =	vor.u32 $0x300, v1;
	v3 =	vmul.f32 v3, v0  }
0x37b: {  	v60 =	vadd.s32 $0x301, v1  }
0x37c: {  	v2 =	vadd.f32 v3, v2;
	_ =	sdelay $0x1  }
0x37d: {  	[tilespmem:s15+$0x280] =	vst v2  }
0x37e: {  	v2 =	vld.idx.msk [tilespmem:v59+s4+$0x0], $0xffff  }
0x37f: {  	v61 =	vld.idx.msk [tilespmem:v60+s4+$0x0], $0xffff;
	_ =	sdelay $0x4  }
0x380: {  	v3 =	vsub.f32 v61, v2;
	_ =	sdelay $0x1  }
0x381: {  	v62 =	vor.u32 $0x380, v1;
	v3 =	vmul.f32 v3, v0  }
0x382: {  	v63 =	vadd.s32 $0x381, v1  }
0x383: {  	v2 =	vadd.f32 v3, v2;
	_ =	sdelay $0x1  }
0x384: {  	[tilespmem:s15+$0x300] =	vst v2  }
0x385: {  	v2 =	vld.idx.msk [tilespmem:v62+s4+$0x0], $0xffff  }
0x386: {  	v8 =	vld.idx.msk [tilespmem:v63+s4+$0x0], $0xffff;
	_ =	sdelay $0x4  }
0x387: {  	v3 =	vsub.f32 v8, v2;
	_ =	sdelay $0x1  }
0x388: {  	v9 =	vor.u32 $0x400, v1;
	v3 =	vmul.f32 v3, v0  }
0x389: {  	v10 =	vadd.s32 $0x401, v1  }
0x38a: {  	v2 =	vadd.f32 v3, v2;
	_ =	sdelay $0x1  }
0x38b: {  	[tilespmem:s15+$0x380] =	vst v2  }
0x38c: {  	v2 =	vld.idx.msk [tilespmem:v9+s4+$0x0], $0xffff  }
0x38d: {  	v11 =	vld.idx.msk [tilespmem:v10+s4+$0x0], $0xffff;
	_ =	sdelay $0x4  }
0x38e: {  	v3 =	vsub.f32 v11, v2;
	_ =	sdelay $0x1  }
0x38f: {  	v12 =	vor.u32 $0x480, v1;
	v3 =	vmul.f32 v3, v0  }
0x390: {  	v13 =	vadd.s32 $0x481, v1  }
0x391: {  	v14 =	vld [tilespmem:s16+$0xFFFFFFA0];
	v2 =	vadd.f32 v3, v2;
	_ =	sdelay $0x1  }
0x392: {  	[tilespmem:s15+$0x2800] =	vst v2  }
0x393: {  	v2 =	vld.idx.msk [tilespmem:v12+s4+$0x0], $0xffff  }
0x394: {  	v15 =	vld.idx.msk [tilespmem:v13+s4+$0x0], $0xffff  }
0x395: {  	v16 =	vmax.f32 v14, $0.0e+00  }
0x396: {  	v5 =	vmin.f32 v16, $5.000000000e+00  }
0x397: {  	v5 =	vmul.f32 $2.539999960e+01, v5;
	_ =	sdelay $0x1  }
0x398: {  	v5 =	vtrunc.f32 v5;
	v4 =	vsub.f32 v15, v2  }
0x399: {  	v5 =	vcvt.f32.s32 v5  }
0x39a: {  	v6 =	vor.u32 $0x500, v1;
	v4 =	vmul.f32 v4, v0  }
0x39b: {  	v7 =	vadd.s32 $0x501, v1;
	vm9 =	vgt.s32 v5, $0x0  }
0x39c: {  	v17 =	vnsel vm9, $0x0, v5;
	v2 =	vadd.f32 v4, v2  }
0x39d: {  	v4 =	vmin.u32 v17, $0x7E  }
0x39e: {  	v20 =	vld [tilespmem:s16+$0xFFFFFFB0];
	v19 =	vadd.s32 $0x1, v4;
	[tilespmem:s15+$0x2880] =	vst v2  }
0x39f: {  	v18 =	vld.idx.msk [tilespmem:v6+s4+$0x0], $0xffff  }
0x3a0: {  	v7 =	vld.idx.msk [tilespmem:v7+s4+$0x0], $0xffff;
	_ =	sdelay $0x1  }
0x3a1: {  	v8 =	vcvt.s32.f32 v4;
	v9 =	vld.idx.msk [tilespmem:v4+s4+$0x0], $0xffff  }
0x3a2: {  	v22 =	vmax.f32 v20, $0.0e+00;
	v10 =	vld.idx.msk [tilespmem:v19+s4+$0x0], $0xffff  }
0x3a3: {  	v21 =	vmul.f32 $3.937007860e-02, v8;
	v8 =	vmin.f32 v22, $5.000000000e+00  }
0x3a4: {  	v23 =	vmul.f32 $2.539999960e+01, v8;
	v7 =	vsub.f32 v7, v18  }
0x3a5: {  	v24 =	vor.u32 $0x580, v1;
	v2 =	vsub.f32 v14, v21  }
0x3a6: {  	v11 =	vadd.s32 $0x581, v1;
	v3 =	vtrunc.f32 v23;
	v7 =	vmul.f32 v7, v0  }
0x3a7: {  	v2 =	vmul.f32 $2.539999960e+01, v2;
	v3 =	vcvt.f32.s32 v3;
	v10 =	vsub.f32 v10, v9  }
0x3a8: {  	v5 =	vadd.f32 v7, v18  }
0x3a9: {  	v26 =	vor.u32 $0x80, v4;
	vm10 =	vgt.s32 v3, $0x0;
	v25 =	vmul.f32 v2, v10  }
0x3aa: {  	v12 =	vadd.s32 $0x81, v4;
	v3 =	vnsel vm10, $0x0, v3;
	[tilespmem:s15+$0x2900] =	vst v5  }
0x3ab: {  	v5 =	vmin.u32 v3, $0x7E;
	v7 =	vadd.f32 v25, v9;
	v8 =	vld.idx.msk [tilespmem:v24+s4+$0x0], $0xffff  }
0x3ac: {  	v27 =	vld.idx.msk [tilespmem:v11+s4+$0x0], $0xffff;
	v28 =	vadd.s32 $0x1, v5  }
0x3ad: {  	[tilespmem:s15+$0x10] =	vst v7  }
0x3ae: {  	v29 =	vld.idx.msk [tilespmem:v26+s4+$0x0], $0xffff  }
0x3af: {  	v30 =	vld.idx.msk [tilespmem:v12+s4+$0x0], $0xffff  }
0x3b0: {  	v31 =	vcvt.s32.f32 v5;
	v32 =	vld.idx.msk [tilespmem:v5+s4+$0x0], $0xffff  }
0x3b1: {  	v3 =	vsub.f32 v27, v8;
	v7 =	vld.idx.msk [tilespmem:v28+s4+$0x0], $0xffff  }
0x3b2: {  	v11 =	vmul.f32 $3.937007860e-02, v31  }
0x3b3: {  	v13 =	vor.u32 $0x600, v1;
	v3 =	vmul.f32 v3, v0  }
0x3b4: {  	v14 =	vadd.s32 $0x601, v1;
	v6 =	vsub.f32 v20, v11;
	v10 =	vsub.f32 v30, v29  }
0x3b5: {  	v33 =	vor.u32 $0x100, v4;
	v8 =	vadd.f32 v3, v8  }
0x3b6: {  	v3 =	vmul.f32 $2.539999960e+01, v6;
	v10 =	vmul.f32 v2, v10;
	v34 =	vsub.f32 v7, v32  }
0x3b7: {  	v15 =	vadd.s32 $0x101, v4;
	[tilespmem:s15+$0x2980] =	vst v8  }
0x3b8: {  	v36 =	vor.u32 $0x80, v5;
	v35 =	vadd.f32 v10, v29;
	v8 =	vld.idx.msk [tilespmem:v13+s4+$0x0], $0xffff;
	v6 =	vmul.f32 v3, v34  }
0x3b9: {  	v38 =	vadd.s32 $0x81, v5;
	v37 =	vld.idx.msk [tilespmem:v14+s4+$0x0], $0xffff  }
0x3ba: {  	[tilespmem:s15+$0x90] =	vst v35;
	v6 =	vadd.f32 v6, v32  }
0x3bb: {  	v11 =	vld.idx.msk [tilespmem:v33+s4+$0x0], $0xffff  }
0x3bc: {  	v39 =	vld.idx.msk [tilespmem:v15+s4+$0x0], $0xffff;
	[tilespmem:s15+$0x20] =	vst v6  }
0x3bd: {  	v6 =	vld.idx.msk [tilespmem:v36+s4+$0x0], $0xffff  }
0x3be: {  	v40 =	vsub.f32 v37, v8;
	v7 =	vld.idx.msk [tilespmem:v38+s4+$0x0], $0xffff;
	_ =	sdelay $0x1  }
0x3bf: {  	v41 =	vor.u32 $0x680, v1;
	v9 =	vmul.f32 v40, v0  }
0x3c0: {  	v42 =	vadd.s32 $0x681, v1;
	v12 =	vsub.f32 v39, v11  }
0x3c1: {  	v8 =	vadd.f32 v9, v8  }
0x3c2: {  	v44 =	vor.u32 $0x180, v4;
	v43 =	vmul.f32 v2, v12;
	v7 =	vsub.f32 v7, v6  }
0x3c3: {  	v45 =	vadd.s32 $0x181, v4;
	[tilespmem:s15+$0x2A00] =	vst v8  }
0x3c4: {  	v48 =	vor.u32 $0x100, v5;
	v46 =	vadd.f32 v43, v11;
	v47 =	vld.idx.msk [tilespmem:v41+s4+$0x0], $0xffff;
	v7 =	vmul.f32 v3, v7  }
0x3c5: {  	v50 =	vadd.s32 $0x101, v5;
	v49 =	vld.idx.msk [tilespmem:v42+s4+$0x0], $0xffff  }
0x3c6: {  	[tilespmem:s15+$0x110] =	vst v46;
	v6 =	vadd.f32 v7, v6  }
0x3c7: {  	v12 =	vld.idx.msk [tilespmem:v44+s4+$0x0], $0xffff  }
0x3c8: {  	v51 =	vld.idx.msk [tilespmem:v45+s4+$0x0], $0xffff;
	[tilespmem:s15+$0xA0] =	vst v6  }
0x3c9: {  	v6 =	vld.idx.msk [tilespmem:v48+s4+$0x0], $0xffff  }
0x3ca: {  	v52 =	vsub.f32 v49, v47;
	v8 =	vld.idx.msk [tilespmem:v50+s4+$0x0], $0xffff  }
0x3cb: {  	v19 =	vld [tilespmem:s16+$0xFFFFFFF0]  }
0x3cc: {  	v53 =	vor.u32 $0x700, v1;
	v10 =	vmul.f32 v52, v0  }
0x3cd: {  	v54 =	vadd.s32 $0x701, v1;
	v7 =	vsub.f32 v51, v12  }
0x3ce: {  	v20 =	vld [tilespmem:s16+$0x0];
	v9 =	vadd.f32 v10, v47  }
0x3cf: {  	v55 =	vor.u32 $0x200, v4;
	v7 =	vmul.f32 v7, v2;
	v8 =	vsub.f32 v8, v6  }
0x3d0: {  	v59 =	vld [tilespmem:s16+$0xFFFFFFC0];
	v56 =	vadd.s32 $0x201, v4;
	v22 =	vmax.f32 v19, $0.0e+00;
	[tilespmem:s15+$0x2A80] =	vst v9  }
0x3d1: {  	v57 =	vor.u32 $0x180, v5;
	v7 =	vadd.f32 v7, v12;
	v11 =	vld.idx.msk [tilespmem:v53+s4+$0x0], $0xffff;
	v8 =	vmul.f32 v3, v8  }
0x3d2: {  	v22 =	vmin.f32 v22, $5.000000000e+00;
	v58 =	vadd.s32 $0x181, v5;
	v13 =	vld.idx.msk [tilespmem:v54+s4+$0x0], $0xffff  }
0x3d3: {  	v61 =	vld [tilespmem:s16+$0xFFFFFFD0];
	v22 =	vmul.f32 $2.539999960e+01, v22;
	v23 =	vmax.f32 v20, $0.0e+00;
	[tilespmem:s15+$0x190] =	vst v7;
	v6 =	vadd.f32 v8, v6  }
0x3d4: {  	v47 =	vmin.f32 v23, $5.000000000e+00;
	v10 =	vld.idx.msk [tilespmem:v55+s4+$0x0], $0xffff  }
0x3d5: {  	v62 =	vmax.f32 v59, $0.0e+00;
	v46 =	vtrunc.f32 v22;
	v22 =	vmul.f32 $2.539999960e+01, v47;
	v9 =	vld.idx.msk [tilespmem:v56+s4+$0x0], $0xffff;
	[tilespmem:s15+$0x120] =	vst v6  }
0x3d6: {  	v14 =	vmin.f32 v62, $5.000000000e+00;
	v6 =	vld.idx.msk [tilespmem:v57+s4+$0x0], $0xffff  }
0x3d7: {  	v14 =	vmul.f32 $2.539999960e+01, v14;
	v51 =	vtrunc.f32 v22;
	v7 =	vld.idx.msk [tilespmem:v58+s4+$0x0], $0xffff;
	v60 =	vsub.f32 v13, v11  }
0x3d8: {  	v16 =	vld [tilespmem:s16+$0xFFFFFFE0];
	v28 =	vcvt.f32.s32 v51  }
0x3d9: {  	v36 =	vtrunc.f32 v14;
	v37 =	vmax.f32 v61, $0.0e+00;
	v12 =	vmul.f32 v60, v0  }
0x3da: {  	v39 =	vor.u32 $0x200, v5;
	vm15 =	vgt.s32 v28, $0x0;
	v9 =	vsub.f32 v9, v10  }
0x3db: {  	v55 =	vnsel vm15, $0x0, v28;
	v63 =	vadd.f32 v12, v11;
	v11 =	vcvt.f32.s32 v36  }
0x3dc: {  	v12 =	vmin.f32 v37, $5.000000000e+00;
	v7 =	vsub.f32 v7, v6;
	v9 =	vmul.f32 v9, v2  }
0x3dd: {  	v41 =	vmax.f32 v16, $0.0e+00;
	v14 =	vmin.u32 v55, $0x7E;
	v38 =	vmul.f32 $2.539999960e+01, v12  }
0x3de: {  	vm11 =	vgt.s32 v11, $0x0;
	v7 =	vmul.f32 v7, v3;
	v18 =	vadd.f32 v9, v10  }
0x3df: {  	v40 =	vnsel vm11, $0x0, v11;
	v9 =	vtrunc.f32 v38;
	v11 =	vmin.f32 v41, $5.000000000e+00  }
0x3e0: {  	v42 =	vadd.s32 $0x201, v5;
	v10 =	vcvt.f32.s32 v46;
	v11 =	vmul.f32 $2.539999960e+01, v11  }
0x3e1: {  	v9 =	vcvt.f32.s32 v9;
	v6 =	vadd.f32 v7, v6;
	v7 =	vmin.u32 v40, $0x7E  }
0x3e2: {  	vm14 =	vgt.s32 v10, $0x0;
	v21 =	vadd.s32 $0x1, v7;
	v11 =	vtrunc.f32 v11  }
0x3e3: {  	vm12 =	vgt.s32 v9, $0x0;
	v10 =	vnsel vm14, $0x0, v10;
	v11 =	vcvt.f32.s32 v11  }
0x3e4: {  	v34 =	vld.idx.msk [tilespmem:v14+s4+$0x0], $0xffff;
	v9 =	vnsel vm12, $0x0, v9;
	[tilespmem:s15+$0x1A0] =	vst v6;
	v12 =	vmin.u32 v10, $0x7E  }
0x3e5: {  	v17 =	vor.u32 $0x780, v1;
	v9 =	vmin.u32 v9, $0x7E;
	v24 =	vld.idx.msk [tilespmem:v39+s4+$0x0], $0xffff;
	vm13 =	vgt.s32 v11, $0x0  }
0x3e6: {  	v1 =	vadd.s32 $0x781, v1;
	v50 =	vld.idx.msk [tilespmem:v42+s4+$0x0], $0xffff;
	v45 =	vadd.s32 $0x1, v9;
	v11 =	vnsel vm13, $0x0, v11  }
0x3e7: {  	v25 =	vor.u32 $0x280, v4;
	v43 =	vcvt.s32.f32 v7;
	v48 =	vld.idx.msk [tilespmem:v7+s4+$0x0], $0xffff;
	v11 =	vmin.u32 v11, $0x7E  }
0x3e8: {  	v29 =	vadd.s32 $0x281, v4;
	v47 =	vor.u32 $0x280, v5;
	v49 =	vld.idx.msk [tilespmem:v21+s4+$0x0], $0xffff;
	v26 =	vadd.s32 $0x1, v11  }
0x3e9: {  	v58 =	vadd.s32 $0x1, v14;
	v44 =	vmul.f32 $3.937007860e-02, v43;
	v54 =	vadd.s32 $0x1, v12;
	v33 =	vld.idx.msk [tilespmem:v12+s4+$0x0], $0xffff  }
0x3ea: {  	v38 =	vcvt.s32.f32 v14;
	v62 =	vor.u32 $0x80, v7;
	v52 =	vcvt.s32.f32 v9;
	v27 =	vld.idx.msk [tilespmem:v9+s4+$0x0], $0xffff  }
0x3eb: {  	[tilespmem:s15+$0x2B00] =	vst v63;
	v63 =	vadd.s32 $0x81, v7;
	v6 =	vsub.f32 v59, v44;
	v31 =	vcvt.s32.f32 v11;
	v30 =	vld.idx.msk [tilespmem:v45+s4+$0x0], $0xffff  }
0x3ec: {  	v60 =	vcvt.s32.f32 v12;
	v40 =	vor.u32 $0x80, v9;
	v53 =	vmul.f32 $3.937007860e-02, v52;
	v32 =	vld.idx.msk [tilespmem:v11+s4+$0x0], $0xffff  }
0x3ed: {  	v6 =	vmul.f32 $2.539999960e+01, v6;
	v57 =	vmul.f32 $3.937007860e-02, v31;
	v8 =	vsub.f32 v49, v48;
	v26 =	vld.idx.msk [tilespmem:v26+s4+$0x0], $0xffff  }
0x3ee: {  	v42 =	vadd.s32 $0x81, v9;
	v43 =	vor.u32 $0x80, v11;
	v10 =	vsub.f32 v61, v53;
	v22 =	vld.idx.msk [tilespmem:v54+s4+$0x0], $0xffff  }
0x3ef: {  	v13 =	vld.idx.msk [tilespmem:v17+s4+$0x0], $0xffff;
	v21 =	vsub.f32 v50, v24;
	v16 =	vsub.f32 v16, v57;
	v56 =	vmul.f32 v6, v8  }
0x3f0: {  	v41 =	vld.idx.msk [tilespmem:v58+s4+$0x0], $0xffff;
	v8 =	vmul.f32 $2.539999960e+01, v10;
	v59 =	vsub.f32 v30, v27;
	v30 =	vmul.f32 $3.937007860e-02, v60  }
0x3f1: {  	v1 =	vld.idx.msk [tilespmem:v1+s4+$0x0], $0xffff;
	[tilespmem:s15+$0x210] =	vst v18;
	v21 =	vmul.f32 v21, v3;
	v10 =	vmul.f32 $2.539999960e+01, v16;
	v61 =	vadd.f32 v56, v48  }
0x3f2: {  	v25 =	vld.idx.msk [tilespmem:v25+s4+$0x0], $0xffff;
	v36 =	vmul.f32 v8, v59;
	v19 =	vsub.f32 v19, v30;
	v37 =	vsub.f32 v26, v32  }
0x3f3: {  	v46 =	vld.idx.msk [tilespmem:v29+s4+$0x0], $0xffff;
	v21 =	vadd.f32 v21, v24;
	v44 =	vsub.f32 v22, v33;
	[tilespmem:s15+$0x30] =	vst v61;
	v26 =	vmul.f32 $3.937007860e-02, v38  }
0x3f4: {  	v39 =	vadd.f32 v36, v27;
	v23 =	vld.idx.msk [tilespmem:v62+s4+$0x0], $0xffff;
	v15 =	vmul.f32 $2.539999960e+01, v19;
	v16 =	vmul.f32 v10, v37  }
0x3f5: {  	v45 =	vadd.s32 $0x81, v11;
	[tilespmem:s15+$0x220] =	vst v21;
	v17 =	vld.idx.msk [tilespmem:v63+s4+$0x0], $0xffff;
	v20 =	vsub.f32 v20, v26  }
0x3f6: {  	v49 =	vor.u32 $0x80, v12;
	v18 =	vld.idx.msk [tilespmem:v47+s4+$0x0], $0xffff;
	[tilespmem:s15+$0x40] =	vst v39;
	v19 =	vmul.f32 v15, v44;
	v48 =	vadd.f32 v16, v32  }
0x3f7: {  	v52 =	vadd.s32 $0x81, v12;
	v50 =	vsub.f32 v41, v34;
	v27 =	vld.idx.msk [tilespmem:v40+s4+$0x0], $0xffff;
	v16 =	vmul.f32 $2.539999960e+01, v20  }
0x3f8: {  	v56 =	vadd.s32 $0x281, v5;
	v51 =	vld.idx.msk [tilespmem:v42+s4+$0x0], $0xffff;
	v19 =	vadd.f32 v19, v33;
	[tilespmem:s15+$0x50] =	vst v48  }
0x3f9: {  	v58 =	vsub.f32 v46, v25;
	v53 =	vor.u32 $0x80, v14;
	v20 =	vmul.f32 v16, v50;
	v29 =	vld.idx.msk [tilespmem:v43+s4+$0x0], $0xffff  }
0x3fa: {  	v55 =	vadd.s32 $0x81, v14;
	v17 =	vsub.f32 v17, v23;
	v54 =	vld.idx.msk [tilespmem:v45+s4+$0x0], $0xffff;
	[tilespmem:s15+$0x60] =	vst v19  }
0x3fb: {  	v61 =	vmul.f32 v58, v2;
	v62 =	vor.u32 $0x300, v4;
	v57 =	vadd.f32 v20, v34;
	v32 =	vld.idx.msk [tilespmem:v49+s4+$0x0], $0xffff  }
0x3fc: {  	v59 =	vor.u32 $0x100, v7;
	v17 =	vmul.f32 v6, v17;
	v28 =	vld.idx.msk [tilespmem:v52+s4+$0x0], $0xffff  }
0x3fd: {  	v60 =	vadd.s32 $0x101, v7;
	v37 =	vld.idx.msk [tilespmem:v56+s4+$0x0], $0xffff;
	v19 =	vadd.f32 v61, v25;
	v24 =	vsub.f32 v51, v27;
	[tilespmem:s15+$0x70] =	vst v57  }
0x3fe: {  	v42 =	vadd.s32 $0x301, v4;
	v17 =	vadd.f32 v17, v23;
	v63 =	vld.idx.msk [tilespmem:v53+s4+$0x0], $0xffff  }
0x3ff: {  	v36 =	vor.u32 $0x100, v9;
	[tilespmem:s15+$0x290] =	vst v19;
	v24 =	vmul.f32 v8, v24;
	v22 =	vld.idx.msk [tilespmem:v55+s4+$0x0], $0xffff;
	v21 =	vsub.f32 v54, v29  }
0x400: {  	v38 =	vadd.s32 $0x101, v9;
	v39 =	vor.u32 $0x100, v11;
	v20 =	vld.idx.msk [tilespmem:v62+s4+$0x0], $0xffff;
	[tilespmem:s15+$0xB0] =	vst v17  }
0x401: {  	v26 =	vld.idx.msk [tilespmem:v59+s4+$0x0], $0xffff;
	v24 =	vadd.f32 v24, v27;
	v28 =	vsub.f32 v28, v32;
	v21 =	vmul.f32 v10, v21  }
0x402: {  	v41 =	vadd.s32 $0x101, v11;
	v25 =	vsub.f32 v37, v18;
	v40 =	vld.idx.msk [tilespmem:v60+s4+$0x0], $0xffff  }
0x403: {  	v43 =	vor.u32 $0x100, v12;
	v33 =	vld.idx.msk [tilespmem:v42+s4+$0x0], $0xffff;
	[tilespmem:s15+$0xC0] =	vst v24;
	v28 =	vmul.f32 v15, v28;
	v21 =	vadd.f32 v21, v29  }
0x404: {  	v44 =	vadd.s32 $0x101, v12;
	v24 =	vld.idx.msk [tilespmem:v36+s4+$0x0], $0xffff;
	v22 =	vsub.f32 v22, v63  }
0x405: {  	v47 =	vor.u32 $0x300, v5;
	v25 =	vmul.f32 v25, v3;
	v17 =	vld.idx.msk [tilespmem:v38+s4+$0x0], $0xffff;
	v28 =	vadd.f32 v28, v32;
	[tilespmem:s15+$0xD0] =	vst v21  }
0x406: {  	v45 =	vor.u32 $0x100, v14;
	v22 =	vmul.f32 v16, v22;
	v27 =	vld.idx.msk [tilespmem:v39+s4+$0x0], $0xffff  }
0x407: {  	v46 =	vadd.s32 $0x101, v14;
	v18 =	vadd.f32 v25, v18;
	v19 =	vsub.f32 v40, v26;
	v31 =	vld.idx.msk [tilespmem:v41+s4+$0x0], $0xffff;
	[tilespmem:s15+$0xE0] =	vst v28  }
0x408: {  	v50 =	vadd.s32 $0x301, v5;
	v22 =	vadd.f32 v22, v63;
	v29 =	vld.idx.msk [tilespmem:v43+s4+$0x0], $0xffff  }
0x409: {  	v48 =	vor.u32 $0x180, v7;
	[tilespmem:s15+$0x2A0] =	vst v18;
	v55 =	vsub.f32 v33, v20;
	v19 =	vmul.f32 v6, v19;
	v21 =	vld.idx.msk [tilespmem:v44+s4+$0x0], $0xffff  }
0x40a: {  	v49 =	vadd.s32 $0x181, v7;
	v28 =	vld.idx.msk [tilespmem:v47+s4+$0x0], $0xffff;
	v17 =	vsub.f32 v17, v24;
	[tilespmem:s15+$0xF0] =	vst v22  }
0x40b: {  	v32 =	vmul.f32 v55, v2;
	v40 =	vadd.s32 $0x381, v4;
	v19 =	vadd.f32 v19, v26;
	v51 =	vld.idx.msk [tilespmem:v45+s4+$0x0], $0xffff  }
0x40c: {  	v52 =	vor.u32 $0x180, v9;
	v17 =	vmul.f32 v8, v17;
	v54 =	vld.idx.msk [tilespmem:v46+s4+$0x0], $0xffff;
	v53 =	vsub.f32 v31, v27  }
0x40d: {  	v58 =	vor.u32 $0x180, v11;
	v56 =	vadd.s32 $0x181, v9;
	v20 =	vadd.f32 v32, v20;
	v22 =	vld.idx.msk [tilespmem:v50+s4+$0x0], $0xffff;
	[tilespmem:s15+$0x130] =	vst v19  }
0x40e: {  	v23 =	vld.idx.msk [tilespmem:v48+s4+$0x0], $0xffff;
	v17 =	vadd.f32 v17, v24;
	v21 =	vsub.f32 v21, v29;
	v57 =	vmul.f32 v10, v53  }
0x40f: {  	v59 =	vadd.s32 $0x181, v11;
	[tilespmem:s15+$0x310] =	vst v20;
	v25 =	vld.idx.msk [tilespmem:v49+s4+$0x0], $0xffff  }
0x410: {  	v61 =	vor.u32 $0x180, v12;
	v33 =	vld.idx.msk [tilespmem:v40+s4+$0x0], $0xffff;
	[tilespmem:s15+$0x140] =	vst v17;
	v21 =	vmul.f32 v15, v21;
	v24 =	vadd.f32 v57, v27  }
0x411: {  	v62 =	vadd.s32 $0x181, v12;
	v18 =	vld.idx.msk [tilespmem:v52+s4+$0x0], $0xffff;
	v31 =	vsub.f32 v54, v51  }
0x412: {  	v60 =	vor.u32 $0x380, v4;
	v19 =	vld.idx.msk [tilespmem:v56+s4+$0x0], $0xffff;
	v21 =	vadd.f32 v21, v29;
	[tilespmem:s15+$0x150] =	vst v24  }
0x413: {  	v36 =	vor.u32 $0x180, v14;
	v22 =	vsub.f32 v22, v28;
	v63 =	vmul.f32 v16, v31;
	v30 =	vld.idx.msk [tilespmem:v58+s4+$0x0], $0xffff  }
0x414: {  	v39 =	vadd.s32 $0x181, v14;
	v37 =	vsub.f32 v25, v23;
	v38 =	vld.idx.msk [tilespmem:v59+s4+$0x0], $0xffff;
	[tilespmem:s15+$0x160] =	vst v21  }
0x415: {  	v45 =	vor.u32 $0x380, v5;
	v44 =	vmul.f32 v22, v3;
	v41 =	vadd.f32 v63, v51;
	v27 =	vld.idx.msk [tilespmem:v61+s4+$0x0], $0xffff  }
0x416: {  	v42 =	vor.u32 $0x200, v7;
	v20 =	vmul.f32 v37, v6;
	v24 =	vld.idx.msk [tilespmem:v62+s4+$0x0], $0xffff  }
0x417: {  	v43 =	vadd.s32 $0x201, v7;
	v17 =	vld.idx.msk [tilespmem:v60+s4+$0x0], $0xffff;
	v21 =	vadd.f32 v44, v28;
	v19 =	vsub.f32 v19, v18;
	[tilespmem:s15+$0x170] =	vst v41  }
0x418: {  	v53 =	vadd.s32 $0x381, v5;
	v20 =	vadd.f32 v20, v23;
	v46 =	vld.idx.msk [tilespmem:v36+s4+$0x0], $0xffff  }
0x419: {  	v47 =	vor.u32 $0x200, v9;
	[tilespmem:s15+$0x320] =	vst v21;
	v19 =	vmul.f32 v19, v8;
	v32 =	vld.idx.msk [tilespmem:v39+s4+$0x0], $0xffff;
	v25 =	vsub.f32 v38, v30  }
0x41a: {  	v50 =	vor.u32 $0x200, v11;
	v48 =	vadd.s32 $0x201, v9;
	v22 =	vld.idx.msk [tilespmem:v45+s4+$0x0], $0xffff;
	[tilespmem:s15+$0x1B0] =	vst v20  }
0x41b: {  	v26 =	vld.idx.msk [tilespmem:v42+s4+$0x0], $0xffff;
	v18 =	vadd.f32 v19, v18;
	v24 =	vsub.f32 v24, v27;
	v49 =	vmul.f32 v25, v10  }
0x41c: {  	v52 =	vadd.s32 $0x201, v11;
	v58 =	vsub.f32 v33, v17;
	v51 =	vld.idx.msk [tilespmem:v43+s4+$0x0], $0xffff  }
0x41d: {  	v56 =	vor.u32 $0x200, v12;
	v29 =	vld.idx.msk [tilespmem:v53+s4+$0x0], $0xffff;
	[tilespmem:s15+$0x1C0] =	vst v18;
	v24 =	vmul.f32 v24, v15;
	v54 =	vadd.f32 v49, v30  }
0x41e: {  	v59 =	vadd.s32 $0x201, v12;
	v55 =	vld.idx.msk [tilespmem:v47+s4+$0x0], $0xffff;
	v57 =	vsub.f32 v32, v46  }
0x41f: {  	v63 =	vor.u32 $0x400, v4;
	v20 =	vld.idx.msk [tilespmem:v48+s4+$0x0], $0xffff;
	v32 =	vmul.f32 v58, v2;
	v24 =	vadd.f32 v24, v27;
	[tilespmem:s15+$0x1D0] =	vst v54  }
0x420: {  	v38 =	vadd.s32 $0x401, v4;
	v60 =	vmul.f32 v57, v16;
	v25 =	vld.idx.msk [tilespmem:v50+s4+$0x0], $0xffff  }
0x421: {  	v61 =	vor.u32 $0x200, v14;
	v21 =	vsub.f32 v51, v26;
	v17 =	vadd.f32 v32, v17;
	v28 =	vld.idx.msk [tilespmem:v52+s4+$0x0], $0xffff;
	[tilespmem:s15+$0x1E0] =	vst v24  }
0x422: {  	v62 =	vadd.s32 $0x201, v14;
	v29 =	vsub.f32 v29, v22;
	v30 =	vld.idx.msk [tilespmem:v56+s4+$0x0], $0xffff  }
0x423: {  	v36 =	vor.u32 $0x280, v7;
	v23 =	vadd.f32 v60, v46;
	v21 =	vmul.f32 v21, v6;
	v18 =	vld.idx.msk [tilespmem:v59+s4+$0x0], $0xffff;
	[tilespmem:s15+$0x390] =	vst v17  }
0x424: {  	v37 =	vadd.s32 $0x281, v7;
	v20 =	vsub.f32 v20, v55;
	v24 =	vld.idx.msk [tilespmem:v63+s4+$0x0], $0xffff  }
0x425: {  	v47 =	vor.u32 $0x400, v5;
	v29 =	vmul.f32 v29, v3;
	[tilespmem:s15+$0x1F0] =	vst v23;
	v21 =	vadd.f32 v21, v26;
	v23 =	vld.idx.msk [tilespmem:v38+s4+$0x0], $0xffff  }
0x426: {  	v41 =	vor.u32 $0x280, v9;
	v39 =	vld.idx.msk [tilespmem:v61+s4+$0x0], $0xffff;
	v40 =	vmul.f32 v20, v8;
	v28 =	vsub.f32 v28, v25  }
0x427: {  	v43 =	vadd.s32 $0x281, v9;
	v22 =	vadd.f32 v29, v22;
	v42 =	vld.idx.msk [tilespmem:v62+s4+$0x0], $0xffff;
	[tilespmem:s15+$0x230] =	vst v21  }
0x428: {  	v45 =	vor.u32 $0x280, v11;
	v27 =	vld.idx.msk [tilespmem:v36+s4+$0x0], $0xffff;
	v17 =	vadd.f32 v40, v55;
	v44 =	vmul.f32 v28, v10  }
0x429: {  	v46 =	vadd.s32 $0x281, v11;
	[tilespmem:s15+$0x3A0] =	vst v22;
	v32 =	vld.idx.msk [tilespmem:v37+s4+$0x0], $0xffff;
	v18 =	vsub.f32 v18, v30  }
0x42a: {  	v55 =	vadd.s32 $0x401, v5;
	[tilespmem:s15+$0x240] =	vst v17;
	v17 =	vld.idx.msk [tilespmem:v47+s4+$0x0], $0xffff;
	v19 =	vadd.f32 v44, v25  }
0x42b: {  	v48 =	vor.u32 $0x280, v12;
	v18 =	vmul.f32 v18, v15;
	v23 =	vsub.f32 v23, v24;
	v20 =	vld.idx.msk [tilespmem:v41+s4+$0x0], $0xffff  }
0x42c: {  	v49 =	vadd.s32 $0x281, v12;
	v31 =	vsub.f32 v42, v39;
	v21 =	vld.idx.msk [tilespmem:v43+s4+$0x0], $0xffff;
	[tilespmem:s15+$0x250] =	vst v19  }
0x42d: {  	v60 =	vor.u32 $0x480, v4;
	v18 =	vadd.f32 v18, v30;
	v59 =	vmul.f32 v23, v2;
	v28 =	vld.idx.msk [tilespmem:v45+s4+$0x0], $0xffff  }
0x42e: {  	v51 =	vor.u32 $0x280, v14;
	v50 =	vmul.f32 v31, v16;
	v52 =	vsub.f32 v32, v27;
	v53 =	vld.idx.msk [tilespmem:v46+s4+$0x0], $0xffff  }
0x42f: {  	v54 =	vadd.s32 $0x281, v14;
	v63 =	vld.idx.msk [tilespmem:v55+s4+$0x0], $0xffff;
	[tilespmem:s15+$0x260] =	vst v18;
	v18 =	vadd.f32 v59, v24  }
0x430: {  	v57 =	vor.u32 $0x300, v7;
	v56 =	vadd.f32 v50, v39;
	v22 =	vmul.f32 v52, v6;
	v25 =	vld.idx.msk [tilespmem:v48+s4+$0x0], $0xffff  }
0x431: {  	v58 =	vadd.s32 $0x301, v7;
	v19 =	vld.idx.msk [tilespmem:v49+s4+$0x0], $0xffff;
	v21 =	vsub.f32 v21, v20;
	[tilespmem:s15+$0x2810] =	vst v18  }
0x432: {  	v41 =	vadd.s32 $0x481, v4;
	[tilespmem:s15+$0x270] =	vst v56;
	v22 =	vadd.f32 v22, v27;
	v23 =	vld.idx.msk [tilespmem:v60+s4+$0x0], $0xffff  }
0x433: {  	v62 =	vor.u32 $0x300, v9;
	v61 =	vld.idx.msk [tilespmem:v51+s4+$0x0], $0xffff;
	v21 =	vmul.f32 v21, v8;
	v31 =	vsub.f32 v53, v28  }
0x434: {  	v38 =	vor.u32 $0x300, v11;
	v36 =	vadd.s32 $0x301, v9;
	v32 =	vld.idx.msk [tilespmem:v54+s4+$0x0], $0xffff;
	[tilespmem:s15+$0x2B0] =	vst v22  }
0x435: {  	v24 =	vsub.f32 v63, v17;
	v26 =	vld.idx.msk [tilespmem:v57+s4+$0x0], $0xffff;
	v20 =	vadd.f32 v21, v20;
	v37 =	vmul.f32 v31, v10  }
0x436: {  	v40 =	vadd.s32 $0x301, v11;
	v39 =	vld.idx.msk [tilespmem:v58+s4+$0x0], $0xffff;
	v19 =	vsub.f32 v19, v25  }
0x437: {  	v50 =	vor.u32 $0x480, v5;
	v33 =	vld.idx.msk [tilespmem:v41+s4+$0x0], $0xffff;
	v24 =	vmul.f32 v24, v3;
	[tilespmem:s15+$0x2C0] =	vst v20;
	v42 =	vadd.f32 v37, v28  }
0x438: {  	v44 =	vor.u32 $0x300, v12;
	v19 =	vmul.f32 v19, v15;
	v43 =	vld.idx.msk [tilespmem:v62+s4+$0x0], $0xffff  }
0x439: {  	v46 =	vadd.s32 $0x301, v12;
	v17 =	vadd.f32 v24, v17;
	v45 =	vsub.f32 v32, v61;
	v22 =	vld.idx.msk [tilespmem:v36+s4+$0x0], $0xffff;
	[tilespmem:s15+$0x2D0] =	vst v42  }
0x43a: {  	v53 =	vadd.s32 $0x481, v5;
	v19 =	vadd.f32 v19, v25;
	v31 =	vld.idx.msk [tilespmem:v38+s4+$0x0], $0xffff  }
0x43b: {  	v48 =	vor.u32 $0x300, v14;
	[tilespmem:s15+$0x2820] =	vst v17;
	v47 =	vmul.f32 v45, v16;
	v18 =	vsub.f32 v39, v26;
	v29 =	vld.idx.msk [tilespmem:v40+s4+$0x0], $0xffff  }
0x43c: {  	v49 =	vadd.s32 $0x301, v14;
	v51 =	vor.u32 $0x380, v7;
	[tilespmem:s15+$0x2E0] =	vst v19;
	v19 =	vld.idx.msk [tilespmem:v50+s4+$0x0], $0xffff  }
0x43d: {  	v58 =	vsub.f32 v33, v23;
	v25 =	vadd.f32 v47, v61;
	v18 =	vmul.f32 v18, v6;
	v28 =	vld.idx.msk [tilespmem:v44+s4+$0x0], $0xffff  }
0x43e: {  	v52 =	vadd.s32 $0x381, v7;
	v20 =	vld.idx.msk [tilespmem:v46+s4+$0x0], $0xffff;
	v22 =	vsub.f32 v22, v43  }
0x43f: {  	v63 =	vor.u32 $0x500, v4;
	v32 =	vmul.f32 v58, v2;
	[tilespmem:s15+$0x2F0] =	vst v25;
	v18 =	vadd.f32 v18, v26;
	v25 =	vld.idx.msk [tilespmem:v53+s4+$0x0], $0xffff  }
0x440: {  	v56 =	vor.u32 $0x380, v9;
	v54 =	vld.idx.msk [tilespmem:v48+s4+$0x0], $0xffff;
	v55 =	vmul.f32 v22, v8  }
0x441: {  	v59 =	vadd.s32 $0x381, v9;
	v23 =	vadd.f32 v32, v23;
	v57 =	vld.idx.msk [tilespmem:v49+s4+$0x0], $0xffff;
	v29 =	vsub.f32 v29, v31;
	[tilespmem:s15+$0x330] =	vst v18  }
0x442: {  	v27 =	vld.idx.msk [tilespmem:v51+s4+$0x0], $0xffff;
	v17 =	vadd.f32 v55, v43;
	v43 =	vadd.s32 $0x501, v4  }
0x443: {  	v61 =	vor.u32 $0x380, v11;
	[tilespmem:s15+$0x2890] =	vst v23;
	v24 =	vld.idx.msk [tilespmem:v52+s4+$0x0], $0xffff;
	v20 =	vsub.f32 v20, v28;
	v60 =	vmul.f32 v29, v10  }
0x444: {  	v62 =	vadd.s32 $0x381, v11;
	v36 =	vor.u32 $0x380, v12;
	[tilespmem:s15+$0x340] =	vst v17;
	v17 =	vld.idx.msk [tilespmem:v63+s4+$0x0], $0xffff  }
0x445: {  	v20 =	vmul.f32 v20, v15;
	v25 =	vsub.f32 v25, v19;
	v21 =	vadd.f32 v60, v31;
	v22 =	vld.idx.msk [tilespmem:v56+s4+$0x0], $0xffff  }
0x446: {  	v37 =	vadd.s32 $0x381, v12;
	v30 =	vsub.f32 v57, v54;
	v18 =	vld.idx.msk [tilespmem:v59+s4+$0x0], $0xffff  }
0x447: {  	v49 =	vor.u32 $0x500, v5;
	v20 =	vadd.f32 v20, v28;
	v48 =	vmul.f32 v25, v3;
	[tilespmem:s15+$0x350] =	vst v21;
	v33 =	vld.idx.msk [tilespmem:v43+s4+$0x0], $0xffff  }
0x448: {  	v39 =	vor.u32 $0x380, v14;
	v38 =	vmul.f32 v30, v16;
	v29 =	vld.idx.msk [tilespmem:v61+s4+$0x0], $0xffff  }
0x449: {  	v42 =	vadd.s32 $0x381, v14;
	v40 =	vsub.f32 v24, v27;
	v41 =	vld.idx.msk [tilespmem:v62+s4+$0x0], $0xffff;
	[tilespmem:s15+$0x360] =	vst v20;
	v19 =	vadd.f32 v48, v19  }
0x44a: {  	v57 =	vadd.s32 $0x501, v5;
	v44 =	vadd.f32 v38, v54;
	v46 =	vld.idx.msk [tilespmem:v36+s4+$0x0], $0xffff  }
0x44b: {  	v45 =	vor.u32 $0x400, v7;
	v23 =	vmul.f32 v40, v6;
	v21 =	vld.idx.msk [tilespmem:v37+s4+$0x0], $0xffff;
	[tilespmem:s15+$0x28A0] =	vst v19  }
0x44c: {  	v47 =	vadd.s32 $0x401, v7;
	v18 =	vsub.f32 v18, v22;
	[tilespmem:s15+$0x370] =	vst v44;
	v25 =	vld.idx.msk [tilespmem:v49+s4+$0x0], $0xffff  }
0x44d: {  	v23 =	vadd.f32 v23, v27;
	v50 =	vld.idx.msk [tilespmem:v39+s4+$0x0], $0xffff  }
0x44e: {  	v51 =	vor.u32 $0x400, v9;
	v18 =	vmul.f32 v18, v8;
	v32 =	vld.idx.msk [tilespmem:v42+s4+$0x0], $0xffff;
	v24 =	vsub.f32 v41, v29  }
0x44f: {  	v52 =	vadd.s32 $0x401, v9;
	v54 =	vor.u32 $0x400, v11;
	v31 =	vld.idx.msk [tilespmem:v57+s4+$0x0], $0xffff;
	[tilespmem:s15+$0x3B0] =	vst v23  }
0x450: {  	v23 =	vld.idx.msk [tilespmem:v45+s4+$0x0], $0xffff;
	v18 =	vadd.f32 v18, v22;
	v21 =	vsub.f32 v21, v46;
	v53 =	vmul.f32 v24, v10  }
0x451: {  	v56 =	vadd.s32 $0x401, v11;
	v60 =	vor.u32 $0x400, v12;
	v55 =	vld.idx.msk [tilespmem:v47+s4+$0x0], $0xffff  }
0x452: {  	v62 =	vsub.f32 v33, v17;
	[tilespmem:s15+$0x3C0] =	vst v18;
	v21 =	vmul.f32 v21, v15;
	v58 =	vadd.f32 v53, v29  }
0x453: {  	v63 =	vadd.s32 $0x401, v12;
	v59 =	vld.idx.msk [tilespmem:v51+s4+$0x0], $0xffff;
	v61 =	vsub.f32 v32, v50  }
0x454: {  	v39 =	vor.u32 $0x580, v4;
	v20 =	vld.idx.msk [tilespmem:v52+s4+$0x0], $0xffff;
	v32 =	vmul.f32 v62, v2;
	v21 =	vadd.f32 v21, v46;
	[tilespmem:s15+$0x3D0] =	vst v58  }
0x455: {  	v42 =	vadd.s32 $0x581, v4;
	v36 =	vmul.f32 v61, v16;
	v24 =	vld.idx.msk [tilespmem:v54+s4+$0x0], $0xffff  }
0x456: {  	v37 =	vor.u32 $0x400, v14;
	v19 =	vsub.f32 v55, v23;
	v17 =	vadd.f32 v32, v17;
	v26 =	vld.idx.msk [tilespmem:v56+s4+$0x0], $0xffff;
	[tilespmem:s15+$0x3E0] =	vst v21  }
0x457: {  	v38 =	vadd.s32 $0x401, v14;
	v31 =	vsub.f32 v31, v25;
	v29 =	vld.idx.msk [tilespmem:v60+s4+$0x0], $0xffff  }
0x458: {  	v40 =	vor.u32 $0x480, v7;
	v27 =	vadd.f32 v36, v50;
	v19 =	vmul.f32 v19, v6;
	v18 =	vld.idx.msk [tilespmem:v63+s4+$0x0], $0xffff;
	[tilespmem:s15+$0x2910] =	vst v17  }
0x459: {  	v41 =	vadd.s32 $0x481, v7;
	v20 =	vsub.f32 v20, v59;
	v21 =	vld.idx.msk [tilespmem:v39+s4+$0x0], $0xffff  }
0x45a: {  	v51 =	vor.u32 $0x580, v5;
	v31 =	vmul.f32 v31, v3;
	[tilespmem:s15+$0x3F0] =	vst v27;
	v19 =	vadd.f32 v19, v23;
	v27 =	vld.idx.msk [tilespmem:v42+s4+$0x0], $0xffff  }
0x45b: {  	v45 =	vor.u32 $0x480, v9;
	v43 =	vld.idx.msk [tilespmem:v37+s4+$0x0], $0xffff;
	v44 =	vmul.f32 v20, v8  }
0x45c: {  	v47 =	vadd.s32 $0x481, v9;
	v25 =	vadd.f32 v31, v25;
	v46 =	vld.idx.msk [tilespmem:v38+s4+$0x0], $0xffff;
	v26 =	vsub.f32 v26, v24;
	[tilespmem:s15+$0x2830] =	vst v19  }
0x45d: {  	v28 =	vld.idx.msk [tilespmem:v40+s4+$0x0], $0xffff;
	v17 =	vadd.f32 v44, v59;
	v59 =	vadd.s32 $0x581, v5  }
0x45e: {  	v49 =	vor.u32 $0x480, v11;
	[tilespmem:s15+$0x2920] =	vst v25;
	v32 =	vld.idx.msk [tilespmem:v41+s4+$0x0], $0xffff;
	v18 =	vsub.f32 v18, v29;
	v48 =	vmul.f32 v26, v10  }
0x45f: {  	v52 =	vor.u32 $0x480, v12;
	v50 =	vadd.s32 $0x481, v11;
	[tilespmem:s15+$0x2840] =	vst v17;
	v17 =	vld.idx.msk [tilespmem:v51+s4+$0x0], $0xffff  }
0x460: {  	v18 =	vmul.f32 v18, v15;
	v61 =	vsub.f32 v27, v21;
	v22 =	vadd.f32 v48, v24;
	v20 =	vld.idx.msk [tilespmem:v45+s4+$0x0], $0xffff  }
0x461: {  	v53 =	vadd.s32 $0x481, v12;
	v30 =	vsub.f32 v46, v43;
	v19 =	vld.idx.msk [tilespmem:v47+s4+$0x0], $0xffff  }
0x462: {  	v37 =	vor.u32 $0x600, v4;
	v18 =	vadd.f32 v18, v29;
	v36 =	vmul.f32 v61, v2;
	[tilespmem:s15+$0x2850] =	vst v22;
	v40 =	vld.idx.msk [tilespmem:v59+s4+$0x0], $0xffff  }
0x463: {  	v55 =	vor.u32 $0x480, v14;
	v54 =	vmul.f32 v30, v16;
	v26 =	vld.idx.msk [tilespmem:v49+s4+$0x0], $0xffff  }
0x464: {  	v58 =	vadd.s32 $0x481, v14;
	v56 =	vsub.f32 v32, v28;
	v57 =	vld.idx.msk [tilespmem:v50+s4+$0x0], $0xffff;
	[tilespmem:s15+$0x2860] =	vst v18;
	v18 =	vadd.f32 v36, v21  }
0x465: {  	v46 =	vadd.s32 $0x601, v4;
	v60 =	vadd.f32 v54, v43;
	v24 =	vld.idx.msk [tilespmem:v52+s4+$0x0], $0xffff  }
0x466: {  	v62 =	vor.u32 $0x500, v7;
	v25 =	vmul.f32 v56, v6;
	v22 =	vld.idx.msk [tilespmem:v53+s4+$0x0], $0xffff;
	[tilespmem:s15+$0x2990] =	vst v18  }
0x467: {  	v63 =	vadd.s32 $0x501, v7;
	v19 =	vsub.f32 v19, v20;
	[tilespmem:s15+$0x2870] =	vst v60;
	v23 =	vld.idx.msk [tilespmem:v37+s4+$0x0], $0xffff  }
0x468: {  	v25 =	vadd.f32 v25, v28;
	v38 =	vld.idx.msk [tilespmem:v55+s4+$0x0], $0xffff  }
0x469: {  	v39 =	vor.u32 $0x500, v9;
	v19 =	vmul.f32 v19, v8;
	v32 =	vld.idx.msk [tilespmem:v58+s4+$0x0], $0xffff;
	v31 =	vsub.f32 v57, v26  }
0x46a: {  	v41 =	vadd.s32 $0x501, v9;
	v43 =	vor.u32 $0x500, v11;
	v33 =	vld.idx.msk [tilespmem:v46+s4+$0x0], $0xffff;
	[tilespmem:s15+$0x28B0] =	vst v25  }
0x46b: {  	v27 =	vld.idx.msk [tilespmem:v62+s4+$0x0], $0xffff;
	v19 =	vadd.f32 v19, v20;
	v22 =	vsub.f32 v22, v24;
	v42 =	vmul.f32 v31, v10  }
0x46c: {  	v45 =	vadd.s32 $0x501, v11;
	v49 =	vor.u32 $0x500, v12;
	v44 =	vld.idx.msk [tilespmem:v63+s4+$0x0], $0xffff  }
0x46d: {  	v21 =	vsub.f32 v40, v17;
	[tilespmem:s15+$0x28C0] =	vst v19;
	v22 =	vmul.f32 v22, v15;
	v47 =	vadd.f32 v42, v26  }
0x46e: {  	v51 =	vadd.s32 $0x501, v12;
	v48 =	vld.idx.msk [tilespmem:v39+s4+$0x0], $0xffff;
	v50 =	vsub.f32 v32, v38  }
0x46f: {  	v55 =	vor.u32 $0x600, v5;
	v21 =	vmul.f32 v21, v3;
	v25 =	vld.idx.msk [tilespmem:v41+s4+$0x0], $0xffff;
	v22 =	vadd.f32 v22, v24;
	[tilespmem:s15+$0x28D0] =	vst v47  }
0x470: {  	v53 =	vor.u32 $0x500, v14;
	v52 =	vmul.f32 v50, v16;
	v31 =	vld.idx.msk [tilespmem:v43+s4+$0x0], $0xffff  }
0x471: {  	v54 =	vadd.s32 $0x501, v14;
	v17 =	vadd.f32 v21, v17;
	v18 =	vsub.f32 v44, v27;
	v29 =	vld.idx.msk [tilespmem:v45+s4+$0x0], $0xffff;
	[tilespmem:s15+$0x28E0] =	vst v22  }
0x472: {  	v58 =	vadd.s32 $0x601, v5;
	v24 =	vadd.f32 v52, v38;
	v26 =	vld.idx.msk [tilespmem:v49+s4+$0x0], $0xffff  }
0x473: {  	v56 =	vor.u32 $0x580, v7;
	v63 =	vsub.f32 v33, v23;
	[tilespmem:s15+$0x29A0] =	vst v17;
	v18 =	vmul.f32 v18, v6;
	v19 =	vld.idx.msk [tilespmem:v51+s4+$0x0], $0xffff  }
0x474: {  	v57 =	vadd.s32 $0x581, v7;
	v22 =	vld.idx.msk [tilespmem:v55+s4+$0x0], $0xffff;
	v25 =	vsub.f32 v25, v48;
	[tilespmem:s15+$0x28F0] =	vst v24  }
0x475: {  	v32 =	vmul.f32 v63, v2;
	v47 =	vadd.s32 $0x681, v4;
	v18 =	vadd.f32 v18, v27;
	v59 =	vld.idx.msk [tilespmem:v53+s4+$0x0], $0xffff  }
0x476: {  	v61 =	vor.u32 $0x580, v9;
	v60 =	vmul.f32 v25, v8;
	v62 =	vld.idx.msk [tilespmem:v54+s4+$0x0], $0xffff;
	v29 =	vsub.f32 v29, v31  }
0x477: {  	v36 =	vadd.s32 $0x581, v9;
	v23 =	vadd.f32 v32, v23;
	v38 =	vor.u32 $0x580, v11;
	v24 =	vld.idx.msk [tilespmem:v58+s4+$0x0], $0xffff;
	[tilespmem:s15+$0x2930] =	vst v18  }
0x478: {  	v28 =	vld.idx.msk [tilespmem:v56+s4+$0x0], $0xffff;
	v17 =	vadd.f32 v60, v48;
	v19 =	vsub.f32 v19, v26;
	v37 =	vmul.f32 v29, v10  }
0x479: {  	v39 =	vadd.s32 $0x581, v11;
	[tilespmem:s15+$0x2A10] =	vst v23;
	v21 =	vld.idx.msk [tilespmem:v57+s4+$0x0], $0xffff  }
0x47a: {  	v41 =	vor.u32 $0x580, v12;
	v33 =	vld.idx.msk [tilespmem:v47+s4+$0x0], $0xffff;
	[tilespmem:s15+$0x2940] =	vst v17;
	v19 =	vmul.f32 v19, v15;
	v20 =	vadd.f32 v37, v31  }
0x47b: {  	v42 =	vadd.s32 $0x581, v12;
	v25 =	vld.idx.msk [tilespmem:v61+s4+$0x0], $0xffff;
	v30 =	vsub.f32 v62, v59  }
0x47c: {  	v40 =	vor.u32 $0x680, v4;
	v18 =	vld.idx.msk [tilespmem:v36+s4+$0x0], $0xffff;
	v19 =	vadd.f32 v19, v26;
	[tilespmem:s15+$0x2950] =	vst v20  }
0x47d: {  	v44 =	vor.u32 $0x580, v14;
	v24 =	vsub.f32 v24, v22;
	v43 =	vmul.f32 v30, v16;
	v29 =	vld.idx.msk [tilespmem:v38+s4+$0x0], $0xffff  }
0x47e: {  	v46 =	vadd.s32 $0x581, v14;
	v21 =	vsub.f32 v21, v28;
	v45 =	vld.idx.msk [tilespmem:v39+s4+$0x0], $0xffff;
	[tilespmem:s15+$0x2960] =	vst v19  }
0x47f: {  	v53 =	vor.u32 $0x680, v5;
	v52 =	vmul.f32 v24, v3;
	v48 =	vadd.f32 v43, v59;
	v50 =	vld.idx.msk [tilespmem:v41+s4+$0x0], $0xffff  }
0x480: {  	v49 =	vor.u32 $0x600, v7;
	v21 =	vmul.f32 v21, v6;
	v20 =	vld.idx.msk [tilespmem:v42+s4+$0x0], $0xffff  }
0x481: {  	v51 =	vadd.s32 $0x601, v7;
	v17 =	vld.idx.msk [tilespmem:v40+s4+$0x0], $0xffff;
	v19 =	vadd.f32 v52, v22;
	v18 =	vsub.f32 v18, v25;
	[tilespmem:s15+$0x2970] =	vst v48  }
0x482: {  	v61 =	vadd.s32 $0x681, v5;
	v21 =	vadd.f32 v21, v28;
	v54 =	vld.idx.msk [tilespmem:v44+s4+$0x0], $0xffff  }
0x483: {  	v55 =	vor.u32 $0x600, v9;
	[tilespmem:s15+$0x2A20] =	vst v19;
	v18 =	vmul.f32 v18, v8;
	v32 =	vld.idx.msk [tilespmem:v46+s4+$0x0], $0xffff;
	v23 =	vsub.f32 v45, v29  }
0x484: {  	v58 =	vor.u32 $0x600, v11;
	v56 =	vadd.s32 $0x601, v9;
	v24 =	vld.idx.msk [tilespmem:v53+s4+$0x0], $0xffff;
	[tilespmem:s15+$0x29B0] =	vst v21  }
0x485: {  	v57 =	vld.idx.msk [tilespmem:v49+s4+$0x0], $0xffff;
	v18 =	vadd.f32 v18, v25;
	v20 =	vsub.f32 v20, v50;
	v23 =	vmul.f32 v23, v10  }
0x486: {  	v60 =	vadd.s32 $0x601, v11;
	v38 =	vsub.f32 v33, v17;
	v59 =	vld.idx.msk [tilespmem:v51+s4+$0x0], $0xffff  }
0x487: {  	v36 =	vor.u32 $0x600, v12;
	v31 =	vld.idx.msk [tilespmem:v61+s4+$0x0], $0xffff;
	[tilespmem:s15+$0x29C0] =	vst v18;
	v20 =	vmul.f32 v20, v15;
	v62 =	vadd.f32 v23, v29  }
0x488: {  	v39 =	vadd.s32 $0x601, v12;
	v63 =	vld.idx.msk [tilespmem:v55+s4+$0x0], $0xffff;
	v37 =	vsub.f32 v32, v54  }
0x489: {  	v43 =	vor.u32 $0x700, v4;
	v21 =	vld.idx.msk [tilespmem:v56+s4+$0x0], $0xffff;
	v32 =	vmul.f32 v38, v2;
	v20 =	vadd.f32 v20, v50;
	[tilespmem:s15+$0x29D0] =	vst v62  }
0x48a: {  	v41 =	vor.u32 $0x600, v14;
	v40 =	vmul.f32 v37, v16;
	v25 =	vld.idx.msk [tilespmem:v58+s4+$0x0], $0xffff  }
0x48b: {  	v42 =	vadd.s32 $0x601, v14;
	v19 =	vsub.f32 v59, v57;
	v17 =	vadd.f32 v32, v17;
	v26 =	vld.idx.msk [tilespmem:v60+s4+$0x0], $0xffff;
	[tilespmem:s15+$0x29E0] =	vst v20  }
0x48c: {  	v46 =	vadd.s32 $0x701, v4;
	v27 =	vadd.f32 v40, v54;
	v29 =	vld.idx.msk [tilespmem:v36+s4+$0x0], $0xffff  }
0x48d: {  	v44 =	vor.u32 $0x680, v7;
	v31 =	vsub.f32 v31, v24;
	v19 =	vmul.f32 v19, v6;
	v18 =	vld.idx.msk [tilespmem:v39+s4+$0x0], $0xffff;
	[tilespmem:s15+$0x2A90] =	vst v17  }
0x48e: {  	v45 =	vadd.s32 $0x681, v7;
	v21 =	vsub.f32 v21, v63;
	v20 =	vld.idx.msk [tilespmem:v43+s4+$0x0], $0xffff;
	[tilespmem:s15+$0x29F0] =	vst v27  }
0x48f: {  	v55 =	vor.u32 $0x700, v5;
	v31 =	vmul.f32 v31, v3;
	v19 =	vadd.f32 v19, v57;
	v47 =	vld.idx.msk [tilespmem:v41+s4+$0x0], $0xffff  }
0x490: {  	v49 =	vor.u32 $0x680, v9;
	v48 =	vmul.f32 v21, v8;
	v50 =	vld.idx.msk [tilespmem:v42+s4+$0x0], $0xffff  }
0x491: {  	v51 =	vadd.s32 $0x681, v9;
	v24 =	vadd.f32 v31, v24;
	v27 =	vld.idx.msk [tilespmem:v46+s4+$0x0], $0xffff;
	v26 =	vsub.f32 v26, v25;
	[tilespmem:s15+$0x2A30] =	vst v19  }
0x492: {  	v28 =	vld.idx.msk [tilespmem:v44+s4+$0x0], $0xffff;
	v17 =	vadd.f32 v48, v63;
	v63 =	vadd.s32 $0x701, v5  }
0x493: {  	v53 =	vor.u32 $0x680, v11;
	[tilespmem:s15+$0x2AA0] =	vst v24;
	v32 =	vld.idx.msk [tilespmem:v45+s4+$0x0], $0xffff;
	v18 =	vsub.f32 v18, v29;
	v52 =	vmul.f32 v26, v10  }
0x494: {  	v56 =	vor.u32 $0x680, v12;
	v54 =	vadd.s32 $0x681, v11;
	[tilespmem:s15+$0x2A40] =	vst v17;
	v17 =	vld.idx.msk [tilespmem:v55+s4+$0x0], $0xffff  }
0x495: {  	v18 =	vmul.f32 v18, v15;
	v23 =	vadd.f32 v52, v25;
	v21 =	vld.idx.msk [tilespmem:v49+s4+$0x0], $0xffff;
	v30 =	vsub.f32 v50, v47  }
0x496: {  	v57 =	vadd.s32 $0x681, v12;
	v27 =	vsub.f32 v27, v20;
	v19 =	vld.idx.msk [tilespmem:v51+s4+$0x0], $0xffff  }
0x497: {  	v59 =	vor.u32 $0x680, v14;
	v18 =	vadd.f32 v18, v29;
	[tilespmem:s15+$0x2A50] =	vst v23;
	v58 =	vmul.f32 v30, v16;
	v44 =	vld.idx.msk [tilespmem:v63+s4+$0x0], $0xffff  }
0x498: {  	v62 =	vadd.s32 $0x681, v14;
	v27 =	vmul.f32 v27, v2;
	v26 =	vld.idx.msk [tilespmem:v53+s4+$0x0], $0xffff  }
0x499: {  	v50 =	vor.u32 $0x780, v4;
	v60 =	vsub.f32 v32, v28;
	v61 =	vld.idx.msk [tilespmem:v54+s4+$0x0], $0xffff;
	[tilespmem:s15+$0x2A60] =	vst v18;
	v34 =	vadd.f32 v58, v47  }
0x49a: {  	v4 =	vadd.s32 $0x781, v4;
	v36 =	vld.idx.msk [tilespmem:v56+s4+$0x0], $0xffff  }
0x49b: {  	v37 =	vor.u32 $0x700, v7;
	v20 =	vadd.f32 v27, v20;
	v35 =	vmul.f32 v60, v6;
	v23 =	vld.idx.msk [tilespmem:v57+s4+$0x0], $0xffff;
	[tilespmem:s15+$0x2A70] =	vst v34  }
0x49c: {  	v39 =	vadd.s32 $0x701, v7;
	v19 =	vsub.f32 v19, v21;
	v40 =	vld.idx.msk [tilespmem:v59+s4+$0x0], $0xffff  }
0x49d: {  	[tilespmem:s15+$0x2B10] =	vst v20;
	v38 =	vadd.f32 v35, v28;
	v43 =	vld.idx.msk [tilespmem:v62+s4+$0x0], $0xffff  }
0x49e: {  	v41 =	vor.u32 $0x700, v9;
	v18 =	vld.idx.msk [tilespmem:v50+s4+$0x0], $0xffff;
	v19 =	vmul.f32 v19, v8;
	v42 =	vsub.f32 v61, v26  }
0x49f: {  	v45 =	vadd.s32 $0x701, v9;
	v48 =	vor.u32 $0x700, v11;
	v4 =	vld.idx.msk [tilespmem:v4+s4+$0x0], $0xffff;
	[tilespmem:s15+$0x2AB0] =	vst v38  }
0x4a0: {  	v46 =	vadd.f32 v19, v21;
	v25 =	vld.idx.msk [tilespmem:v37+s4+$0x0], $0xffff;
	v23 =	vsub.f32 v23, v36;
	v47 =	vmul.f32 v42, v10  }
0x4a1: {  	v49 =	vadd.s32 $0x701, v11;
	v52 =	vor.u32 $0x700, v12;
	v22 =	vld.idx.msk [tilespmem:v39+s4+$0x0], $0xffff  }
0x4a2: {  	[tilespmem:s15+$0x2AC0] =	vst v46;
	v23 =	vmul.f32 v23, v15;
	v19 =	vadd.f32 v47, v26;
	v31 =	vsub.f32 v43, v40  }
0x4a3: {  	v55 =	vadd.s32 $0x701, v12;
	v53 =	vsub.f32 v44, v17;
	v51 =	vld.idx.msk [tilespmem:v41+s4+$0x0], $0xffff  }
0x4a4: {  	v57 =	vor.u32 $0x700, v14;
	v54 =	vld.idx.msk [tilespmem:v45+s4+$0x0], $0xffff;
	v23 =	vadd.f32 v23, v36;
	[tilespmem:s15+$0x2AD0] =	vst v19;
	v56 =	vmul.f32 v31, v16  }
0x4a5: {  	v59 =	vadd.s32 $0x701, v14;
	v60 =	vmul.f32 v53, v3;
	v21 =	vld.idx.msk [tilespmem:v48+s4+$0x0], $0xffff  }
0x4a6: {  	v61 =	vor.u32 $0x780, v5;
	v22 =	vsub.f32 v22, v25;
	v58 =	vld.idx.msk [tilespmem:v49+s4+$0x0], $0xffff;
	[tilespmem:s15+$0x2AE0] =	vst v23;
	v24 =	vadd.f32 v56, v40  }
0x4a7: {  	v5 =	vadd.s32 $0x781, v5;
	v62 =	vld.idx.msk [tilespmem:v52+s4+$0x0], $0xffff  }
0x4a8: {  	v63 =	vor.u32 $0x780, v7;
	v17 =	vadd.f32 v60, v17;
	v19 =	vld.idx.msk [tilespmem:v55+s4+$0x0], $0xffff;
	v22 =	vmul.f32 v22, v6;
	[tilespmem:s15+$0x2AF0] =	vst v24  }
0x4a9: {  	v7 =	vadd.s32 $0x781, v7;
	v33 =	vsub.f32 v54, v51;
	v34 =	vld.idx.msk [tilespmem:v57+s4+$0x0], $0xffff  }
0x4aa: {  	[tilespmem:s15+$0x2B20] =	vst v17;
	v35 =	vadd.f32 v22, v25;
	v30 =	vld.idx.msk [tilespmem:v59+s4+$0x0], $0xffff  }
0x4ab: {  	v37 =	vor.u32 $0x780, v9;
	v38 =	vld.idx.msk [tilespmem:v61+s4+$0x0], $0xffff;
	v36 =	vmul.f32 v33, v8;
	v20 =	vsub.f32 v58, v21  }
0x4ac: {  	v9 =	vadd.s32 $0x781, v9;
	v5 =	vld.idx.msk [tilespmem:v5+s4+$0x0], $0xffff;
	v40 =	vor.u32 $0x780, v11;
	[tilespmem:s15+$0x2B30] =	vst v35  }
0x4ad: {  	v39 =	vadd.f32 v36, v51;
	v19 =	vsub.f32 v19, v62;
	v41 =	vld.idx.msk [tilespmem:v63+s4+$0x0], $0xffff;
	v20 =	vmul.f32 v20, v10  }
0x4ae: {  	v43 =	vor.u32 $0x780, v12;
	v11 =	vadd.s32 $0x781, v11;
	v7 =	vld.idx.msk [tilespmem:v7+s4+$0x0], $0xffff  }
0x4af: {  	[tilespmem:s15+$0x2B40] =	vst v39;
	v42 =	vmul.f32 v19, v15;
	v20 =	vadd.f32 v20, v21;
	v44 =	vsub.f32 v30, v34  }
0x4b0: {  	v12 =	vadd.s32 $0x781, v12;
	v24 =	vld.idx.msk [tilespmem:v37+s4+$0x0], $0xffff  }
0x4b1: {  	v46 =	vor.u32 $0x780, v14;
	v9 =	vld.idx.msk [tilespmem:v9+s4+$0x0], $0xffff;
	v17 =	vadd.f32 v42, v62;
	[tilespmem:s15+$0x2B50] =	vst v20;
	v45 =	vmul.f32 v44, v16  }
0x4b2: {  	v14 =	vadd.s32 $0x781, v14;
	v22 =	vld.idx.msk [tilespmem:v40+s4+$0x0], $0xffff  }
0x4b3: {  	[tilespmem:s15+$0x2B60] =	vst v17;
	v11 =	vld.idx.msk [tilespmem:v11+s4+$0x0], $0xffff;
	v47 =	vadd.f32 v45, v34  }
0x4b4: {  	v19 =	vld.idx.msk [tilespmem:v43+s4+$0x0], $0xffff  }
0x4b5: {  	v1 =	vsub.f32 v1, v13;
	v12 =	vld.idx.msk [tilespmem:v12+s4+$0x0], $0xffff;
	[tilespmem:s15+$0x2B70] =	vst v47  }
0x4b6: {  	v4 =	vsub.f32 v4, v18;
	v17 =	vld.idx.msk [tilespmem:v46+s4+$0x0], $0xffff  }
0x4b7: {  	v0 =	vmul.f32 v1, v0;
	v48 =	vsub.f32 v5, v38;
	v49 =	vld.idx.msk [tilespmem:v14+s4+$0x0], $0xffff  }
0x4b8: {  	v2 =	vmul.f32 v4, v2;
	v50 =	vsub.f32 v7, v41  }
0x4b9: {  	v0 =	vadd.f32 v0, v13;
	v1 =	vmul.f32 v48, v3;
	v51 =	vsub.f32 v9, v24  }
0x4ba: {  	v2 =	vadd.f32 v2, v18;
	v4 =	vmul.f32 v50, v6;
	v52 =	vsub.f32 v11, v22  }
0x4bb: {  	[tilespmem:s15+$0x2B80] =	vst v0;
	v53 =	vadd.f32 v1, v38;
	v54 =	vmul.f32 v51, v8;
	v55 =	vsub.f32 v12, v19  }
0x4bc: {  	s0 =	sadd.s32 $0x8, s0;
	[tilespmem:s15+$0x2B90] =	vst v2;
	v56 =	vadd.f32 v4, v41;
	v57 =	vmul.f32 v52, v10;
	v5 =	vsub.f32 v49, v17  }
0x4bd: {  	p0 =	slt.u32 s0, $0x48;
	[tilespmem:s15+$0x2BA0] =	vst v53;
	v58 =	vadd.f32 v54, v24;
	v59 =	vmul.f32 v55, v15  }
.Ltmp8:
0x4be: {  	[tilespmem:s15+$0x2BB0] =	vst v56;
	v60 =	vadd.f32 v57, v22;
	v61 =	vmul.f32 v5, v16;
	(pc) =	sbr.rel @p0 .LBB2_10-.Ltmp8, $4  }
0x4bf: {  	[tilespmem:s15+$0x2BC0] =	vst v58;
	v62 =	vadd.f32 v59, v19  }
0x4c0: {  	[tilespmem:s15+$0x2BD0] =	vst v60;
	v63 =	vadd.f32 v61, v17  }
0x4c1: {  	[tilespmem:s15+$0x2BE0] =	vst v62  }
0x4c2: {  	s16 =	sadd.s32 $0x80, s16;
	[tilespmem:s15+$0x2BF0] =	vst v63;
	s15 =	sadd.s32 $0x400, s15  }
.Ltmp9:
0x4c3: {  	(pc) =	sbr.rel .LBB2_12-.Ltmp9, $3  }
0x4c4: {  	s0 =	smul.u32 $0x500, s1;
	_ =	sdelay $0x1  }
0x4c5: {  	s0 =	sadd.s32 s3, s0  }
0x4c6: {  	[hbm4b:s0+s18] =	stream.strided.scatter [tilespmem:s24], [sflag:$0x6], $0x5000, s19, s18, $0x38;
	[tilespmem:$0x10700] =	vst v63  }
.LBB2_14:
0x4c7: {  	_ =	sfence.sel $0x180000  }
0x4c8: {  	[bflag:$0x0] =	sbarrier.arrive $0xFFFF  }
0x4c9: {  	_ =	strace $0x90000047  }
0x4ca: {  	s0 =	stileid.u32;
	[bflag:$0x2] =	sbarrier.arrive $0xFFFF  }
0x4cb: {  	p0 =	sne.s32 s0, $0x0;
	s0 =	rddreg [dreg:$0x3]  }
0x4cc: {  	s0 =	sadd.s32 @!p0 $0x100000, s0  }
0x4cd: {  	[sflag:s0] =	ssyncadd.tile.s32 @!p0 $0x1;
	_ =	shalt  }
.Lfunc_end2:
_tile_overlayer_lowered:
.L_overlay_start_2:
0x4ce: {  	(tag) =	ssettag $0x2  }
0x4cf: {  	s0 =	rddreg [dreg:$0x0];
	s2 =	stileid.u32  }
0x4d0: {  	s1 =	rddreg [dreg:$0x1];
	p0 =	sne.s32 s2, $0x0  }
0x4d1: {  	s3 =	rddreg [dreg:$0x2];
	[bflag:$0x3] =	sbarrier.arrive $0xFFFF;
	s2 =	simm.s32 @!p0 $0x1C07  }
0x4d2: {  	[timem:s3], [sflag:s2] =	dma.local @!p0 [hbm:s0], s1  }
0x4d3: {  	s0 =	simm.s32 @!p0 $0x7  }
0x4d4: {  	_ =	swait.ge @!p0 [sflag:s0], s1  }
0x4d5: {  	s1 =	ssub.s32 @!p0 $0x0, s1;
	[sflag:s0] =	ssyncset.done @!p0 $0x0  }
0x4d6: {  	[sflag:s0] =	ssyncadd.s32 @!p0 s1  }
0x4d7: {  	[bflag:$0x3] =	sbarrier.arrive $0xFFFF  }
0x4d8: {  	_ =	shalt  }

</sc_bundles>
